<compile_context>
chip_gen: v7x
topology: tpu7x:2x2x1
jax: 0.10.2.dev20260603
libtpu: 0.0.44.dev20260713+nightly
codegen_flags: <defaults>
</compile_context>

<pallas_src>
import functools

import jax
import jax.numpy as jnp
from jax import lax
from jax.experimental import pallas as pl
from jax.experimental.pallas import tpu as pltpu
from jax.experimental.pallas import tpu_sc as plsc

B = 1024
SEQ = 77
VOCAB = 49408
DIM = 512
N_CTX1 = 2
N_CTX2 = 4

NUM_CORES = 2
NUM_SUBCORES = 16
NW = NUM_CORES * NUM_SUBCORES
SEQ_PER_W = B // NW
LANES = 16
NCHUNK = DIM // LANES
NBUF = 2

_mesh = plsc.VectorSubcoreMesh(
    core_axis_name="c", subcore_axis_name="s",
    num_cores=NUM_CORES, num_subcores=NUM_SUBCORES)


@functools.partial(
    pl.kernel,
    out_type=jax.ShapeDtypeStruct((B, SEQ, DIM), jnp.float32),
    mesh=_mesh,
    scratch_types=[
        pltpu.VMEM((SEQ_PER_W, SEQ), jnp.int32),
        pltpu.VMEM((SEQ_PER_W,), jnp.int32),
        pltpu.VMEM((N_CTX1, DIM), jnp.float32),
        pltpu.VMEM((N_CTX2, DIM), jnp.float32),
        pltpu.VMEM((SEQ, DIM), jnp.float32),
        pltpu.VMEM((SEQ, DIM), jnp.float32),
        pltpu.SemaphoreType.DMA,
        pltpu.SemaphoreType.DMA,
        pltpu.SemaphoreType.DMA,
        pltpu.SemaphoreType.DMA,
    ],
    compiler_params=pltpu.CompilerParams(
        use_tc_tiling_on_sc=False, needs_layout_passes=False),
)
def _sc_prompt_kernel(tokens_hbm, flags_hbm, table_hbm, ctx1_hbm, ctx2_hbm,
                      out_hbm, tok_v, flag_v, ctx1_v, ctx2_v,
                      rows0_v, rows1_v, gsem0, gsem1, ssem0, ssem1):
    wid = lax.axis_index("s") * NUM_CORES + lax.axis_index("c")
    b0 = wid * SEQ_PER_W
    rows = (rows0_v, rows1_v)
    gsems = (gsem0, gsem1)
    ssems = (ssem0, ssem1)

    pltpu.sync_copy(tokens_hbm.at[pl.ds(b0, SEQ_PER_W)], tok_v)
    pltpu.sync_copy(flags_hbm.at[pl.ds(b0, SEQ_PER_W)], flag_v)
    pltpu.sync_copy(ctx1_hbm, ctx1_v)
    pltpu.sync_copy(ctx2_hbm, ctx2_v)

    def start_gather(j, slot):
        pltpu.async_copy(table_hbm.at[tok_v.at[j]], rows[slot], gsems[slot])

    def wait_gather(j, slot):
        pltpu.make_async_copy(
            table_hbm.at[tok_v.at[j]], rows[slot], gsems[slot]).wait()

    def start_store(j, slot):
        pltpu.async_copy(rows[slot], out_hbm.at[b0 + j], ssems[slot])

    def wait_store(slot):
        pltpu.make_async_copy(rows[slot], out_hbm.at[0], ssems[slot]).wait()

    def patch(j, slot):
        buf = rows[slot]
        fvec = plsc.load_gather(flag_v, [jnp.full((LANES,), j, jnp.int32)])
        use1 = fvec == 0
        for c in range(NCHUNK):
            sl = pl.ds(c * LANES, LANES)
            buf[1, sl] = jnp.where(use1, ctx1_v[0, sl], ctx2_v[0, sl])
            buf[2, sl] = jnp.where(use1, ctx1_v[1, sl], ctx2_v[1, sl])
            buf[3, sl] = jnp.where(use1, buf[3, sl], ctx2_v[2, sl])
            buf[4, sl] = jnp.where(use1, buf[4, sl], ctx2_v[3, sl])

    for slot in range(NBUF):
        start_gather(slot, slot)

    @pl.loop(0, SEQ_PER_W, step=NBUF)
    def _block(j0):
        for slot in range(NBUF):
            j = j0 + slot
            wait_gather(j, slot)
            patch(j, slot)
            start_store(j, slot)
        for slot in range(NBUF):
            jn = j0 + NBUF + slot

            @pl.when(jn < SEQ_PER_W)
            def _():
                wait_store(slot)
                start_gather(jn, slot)

    for slot in range(NBUF):
        wait_store(slot)


@jax.jit
def kernel(tokens, cluster_flag, table, ctx1, ctx2):
    return _sc_prompt_kernel(tokens, cluster_flag, table, ctx1, ctx2)

# --- scband reference (transcript-rebuilt; emitter-appended) ---
"""Pipeline reference for scband-prompt-learner-9655086482208 (READ-ONLY COPY).

The authoritative reference and input builder live on the scoring server;
editing this copy changes nothing except your own understanding.
"""

import jax, jax.numpy as jnp
import numpy as np

B = 1024
SEQ = 77
VOCAB = 49408
DIM = 512
N_CTX1 = 2
N_CTX2 = 4


def setup_inputs(seed: int = 0) -> dict:
    key = jax.random.key(seed)
    k1, k2, k3, k4, k5 = jax.random.split(key, 5)
    tokens = jax.random.randint(k1, (B, SEQ), 0, VOCAB, dtype=jnp.int32)
    cluster_flag = jax.random.randint(k2, (B,), 0, 2, dtype=jnp.int32)
    table = jax.random.normal(k3, (VOCAB, DIM), dtype=jnp.float32)
    ctx1 = jax.random.normal(k4, (N_CTX1, DIM), dtype=jnp.float32) * 0.02
    ctx2 = jax.random.normal(k5, (N_CTX2, DIM), dtype=jnp.float32) * 0.02
    return {"tokens": tokens, "cluster_flag": cluster_flag, "table": table, "ctx1": ctx1, "ctx2": ctx2}


def reference(tokens, cluster_flag, table, ctx1, ctx2):
    # token_embedding lookup (clip_model.token_embedding(tokenized_prompt))
    emb = jnp.take(table, tokens, axis=0)  # [B, SEQ, DIM]
    # branch 1: keep prefix (pos 0), insert ctx1 at positions 1:1+n_ctx1, keep suffix
    p1 = emb.at[:, 1:1 + N_CTX1, :].set(ctx1)
    # branch 2: insert ctx2 at positions 1:1+n_ctx2
    p2 = emb.at[:, 1:1 + N_CTX2, :].set(ctx2)
    # kmeans cluster decision per prompt (function_cluster -> ctx1, else ctx2)
    use1 = (cluster_flag == 0)[:, None, None]
    prompts = jnp.where(use1, p1, p2)
    return prompts

if __name__ == "__main__":
    import jax
    _d = setup_inputs()
    print(jax.jit(kernel)(*tuple(_d.values())))

</pallas_src>

<mosaic_0001>
#map = affine_map<(d0, d1) -> (0, 0)>
#map1 = affine_map<(d0, d1) -> (0)>
#map2 = affine_map<(d0, d1) -> (0, 0, 0)>
module attributes {stable_mosaic.version = 14 : i64} {
  func.func @_sc_prompt_kernel(%arg0: i32, %arg1: i32, %arg2: memref<1024x77xi32, #tpu.memory_space<hbm>>, %arg3: memref<1024xi32, #tpu.memory_space<hbm>>, %arg4: memref<49408x512xf32, #tpu.memory_space<hbm>>, %arg5: memref<2x512xf32, #tpu.memory_space<hbm>>, %arg6: memref<4x512xf32, #tpu.memory_space<hbm>>, %arg7: memref<1024x77x512xf32, #tpu.memory_space<hbm>>, %arg8: memref<32x77xi32, #tpu.memory_space<vmem>>, %arg9: memref<32xi32, #tpu.memory_space<vmem>>, %arg10: memref<2x512xf32, #tpu.memory_space<vmem>>, %arg11: memref<4x512xf32, #tpu.memory_space<vmem>>, %arg12: memref<77x512xf32, #tpu.memory_space<vmem>>, %arg13: memref<77x512xf32, #tpu.memory_space<vmem>>, %arg14: memref<!tpu.dma_semaphore, #tpu.memory_space<semaphore_mem>>, %arg15: memref<!tpu.dma_semaphore, #tpu.memory_space<semaphore_mem>>, %arg16: memref<!tpu.dma_semaphore, #tpu.memory_space<semaphore_mem>>, %arg17: memref<!tpu.dma_semaphore, #tpu.memory_space<semaphore_mem>>) attributes {dimension_semantics = [#tpu.dimension_semantics<core_parallel>, #tpu.dimension_semantics<subcore_parallel>], iteration_bounds = array<i64: 2, 16>, scalar_prefetch = 0 : i64, scratch_operands = 10 : i64, tpu.core_type = #tpu.core_type<sc_vector_subcore>, window_params = [{transform_indices = #map}, {transform_indices = #map1}, {transform_indices = #map}, {transform_indices = #map}, {transform_indices = #map}, {transform_indices = #map2}]} {
    %mul3A = arith.constant 2 : i32
    %mul3A_0 = arith.muli %arg1, %mul3A : i32
    %add3A = arith.addi %mul3A_0, %arg0 : i32
    %mul3A_1 = arith.constant 32 : i32
    %mul3A_2 = arith.muli %add3A, %mul3A_1 : i32
    "tpu.region"() ({
      %run_scoped3A = tpu.sem_alloc : memref<!tpu.dma_semaphore, #tpu.memory_space<semaphore_mem>>
      %dma_start3A_37 = arith.constant 0 : i32
      %dma_start3A_38 = tpu.memref_slice %arg2[%mul3A_2, %dma_start3A_37] : memref<1024x77xi32, #tpu.memory_space<hbm>> -> memref<32x77xi32, #tpu.memory_space<hbm>>
      %dma_start3A_39 = arith.constant 0 : i32
      %dma_start3A_40 = tpu.memref_slice %arg2[%mul3A_2, %dma_start3A_39] : memref<1024x77xi32, #tpu.memory_space<hbm>> -> memref<32x77xi32, #tpu.memory_space<hbm>>
      tpu.enqueue_dma source(%dma_start3A_40 : memref<32x77xi32, #tpu.memory_space<hbm>>) target(%arg8 : memref<32x77xi32, #tpu.memory_space<vmem>>) target_semaphore(%run_scoped3A : memref<!tpu.dma_semaphore, #tpu.memory_space<semaphore_mem>>)
      %dma_wait3A_41 = arith.constant 0 : i32
      %dma_wait3A_42 = tpu.memref_slice %arg2[%mul3A_2, %dma_wait3A_41] : memref<1024x77xi32, #tpu.memory_space<hbm>> -> memref<32x77xi32, #tpu.memory_space<hbm>>
      %dma_wait3A_43 = arith.constant 0 : i32
      %dma_wait3A_44 = tpu.memref_slice %arg2[%mul3A_2, %dma_wait3A_43] : memref<1024x77xi32, #tpu.memory_space<hbm>> -> memref<32x77xi32, #tpu.memory_space<hbm>>
      tpu.wait_dma2 semaphore(%run_scoped3A : memref<!tpu.dma_semaphore, #tpu.memory_space<semaphore_mem>>) src(%dma_wait3A_44 : memref<32x77xi32, #tpu.memory_space<hbm>>) dst(%arg8 : memref<32x77xi32, #tpu.memory_space<vmem>>)
      tpu.yield
    }) : () -> ()
    "tpu.region"() ({
      %run_scoped3A = tpu.sem_alloc : memref<!tpu.dma_semaphore, #tpu.memory_space<semaphore_mem>>
      %dma_start3A_37 = tpu.memref_slice %arg3[%mul3A_2] : memref<1024xi32, #tpu.memory_space<hbm>> -> memref<32xi32, #tpu.memory_space<hbm>>
      %dma_start3A_38 = tpu.memref_slice %arg3[%mul3A_2] : memref<1024xi32, #tpu.memory_space<hbm>> -> memref<32xi32, #tpu.memory_space<hbm>>
      tpu.enqueue_dma source(%dma_start3A_38 : memref<32xi32, #tpu.memory_space<hbm>>) target(%arg9 : memref<32xi32, #tpu.memory_space<vmem>>) target_semaphore(%run_scoped3A : memref<!tpu.dma_semaphore, #tpu.memory_space<semaphore_mem>>)
      %dma_wait3A_39 = tpu.memref_slice %arg3[%mul3A_2] : memref<1024xi32, #tpu.memory_space<hbm>> -> memref<32xi32, #tpu.memory_space<hbm>>
      %dma_wait3A_40 = tpu.memref_slice %arg3[%mul3A_2] : memref<1024xi32, #tpu.memory_space<hbm>> -> memref<32xi32, #tpu.memory_space<hbm>>
      tpu.wait_dma2 semaphore(%run_scoped3A : memref<!tpu.dma_semaphore, #tpu.memory_space<semaphore_mem>>) src(%dma_wait3A_40 : memref<32xi32, #tpu.memory_space<hbm>>) dst(%arg9 : memref<32xi32, #tpu.memory_space<vmem>>)
      tpu.yield
    }) : () -> ()
    "tpu.region"() ({
      %run_scoped3A = tpu.sem_alloc : memref<!tpu.dma_semaphore, #tpu.memory_space<semaphore_mem>>
      tpu.enqueue_dma source(%arg5 : memref<2x512xf32, #tpu.memory_space<hbm>>) target(%arg10 : memref<2x512xf32, #tpu.memory_space<vmem>>) target_semaphore(%run_scoped3A : memref<!tpu.dma_semaphore, #tpu.memory_space<semaphore_mem>>)
      tpu.wait_dma2 semaphore(%run_scoped3A : memref<!tpu.dma_semaphore, #tpu.memory_space<semaphore_mem>>) src(%arg5 : memref<2x512xf32, #tpu.memory_space<hbm>>) dst(%arg10 : memref<2x512xf32, #tpu.memory_space<vmem>>)
      tpu.yield
    }) : () -> ()
    "tpu.region"() ({
      %run_scoped3A = tpu.sem_alloc : memref<!tpu.dma_semaphore, #tpu.memory_space<semaphore_mem>>
      tpu.enqueue_dma source(%arg6 : memref<4x512xf32, #tpu.memory_space<hbm>>) target(%arg11 : memref<4x512xf32, #tpu.memory_space<vmem>>) target_semaphore(%run_scoped3A : memref<!tpu.dma_semaphore, #tpu.memory_space<semaphore_mem>>)
      tpu.wait_dma2 semaphore(%run_scoped3A : memref<!tpu.dma_semaphore, #tpu.memory_space<semaphore_mem>>) src(%arg6 : memref<4x512xf32, #tpu.memory_space<hbm>>) dst(%arg11 : memref<4x512xf32, #tpu.memory_space<vmem>>)
      tpu.yield
    }) : () -> ()
    %dma_start3A = arith.constant 0 : i32
    %dma_start3A_3 = arith.constant 0 : i32
    %dma_start3A_4 = tpu.memref_slice %arg8[%dma_start3A, %dma_start3A_3] : memref<32x77xi32, #tpu.memory_space<vmem>> -> memref<1x77xi32, #tpu.memory_space<vmem>>
    %dma_start3A_5 = tpu.memref_squeeze %dma_start3A_4 : memref<1x77xi32, #tpu.memory_space<vmem>> -> memref<77xi32, #tpu.memory_space<vmem>>
    %dma_start3A_6 = arith.constant 0 : i32
    %dma_start3A_7 = arith.constant 0 : i32
    %dma_start3A_8 = tpu.memref_slice %arg4[%dma_start3A_6, %dma_start3A_7] : memref<49408x512xf32, #tpu.memory_space<hbm>> -> memref<49408x512xf32, #tpu.memory_space<hbm>>
    tpu.enqueue_indirect_dma source(%dma_start3A_8 : memref<49408x512xf32, #tpu.memory_space<hbm>>) target(%arg12 : memref<77x512xf32, #tpu.memory_space<vmem>>) offsets(%dma_start3A_5 : memref<77xi32, #tpu.memory_space<vmem>>) semaphore(%arg14 : memref<!tpu.dma_semaphore, #tpu.memory_space<semaphore_mem>>)
    %dma_start3A_9 = arith.constant 1 : i32
    %dma_start3A_10 = arith.constant 0 : i32
    %dma_start3A_11 = tpu.memref_slice %arg8[%dma_start3A_9, %dma_start3A_10] : memref<32x77xi32, #tpu.memory_space<vmem>> -> memref<1x77xi32, #tpu.memory_space<vmem>>
    %dma_start3A_12 = tpu.memref_squeeze %dma_start3A_11 : memref<1x77xi32, #tpu.memory_space<vmem>> -> memref<77xi32, #tpu.memory_space<vmem>>
    %dma_start3A_13 = arith.constant 0 : i32
    %dma_start3A_14 = arith.constant 0 : i32
    %dma_start3A_15 = tpu.memref_slice %arg4[%dma_start3A_13, %dma_start3A_14] : memref<49408x512xf32, #tpu.memory_space<hbm>> -> memref<49408x512xf32, #tpu.memory_space<hbm>>
    tpu.enqueue_indirect_dma source(%dma_start3A_15 : memref<49408x512xf32, #tpu.memory_space<hbm>>) target(%arg13 : memref<77x512xf32, #tpu.memory_space<vmem>>) offsets(%dma_start3A_12 : memref<77xi32, #tpu.memory_space<vmem>>) semaphore(%arg15 : memref<!tpu.dma_semaphore, #tpu.memory_space<semaphore_mem>>)
    %scan3A = arith.constant 0 : i32
    %scan3A_16 = arith.constant 16 : i32
    %scan3A_17 = arith.addi %scan3A, %scan3A_16 : i32
    %scan3A_18 = arith.constant 1 : i32
    scf.for %scan3A_37 = %scan3A to %scan3A_17 step %scan3A_18  : i32 {
      %mul3A_38 = arith.constant 2 : i32
      %mul3A_39 = arith.muli %scan3A_37, %mul3A_38 : i32
      %add3A_40 = arith.constant 0 : i32
      %add3A_41 = arith.addi %add3A_40, %mul3A_39 : i32
      %add3A_42 = arith.constant 0 : i32
      %add3A_43 = arith.addi %add3A_41, %add3A_42 : i32
      %dma_wait3A_44 = arith.constant 0 : i32
      %dma_wait3A_45 = tpu.memref_slice %arg8[%add3A_43, %dma_wait3A_44] : memref<32x77xi32, #tpu.memory_space<vmem>> -> memref<1x77xi32, #tpu.memory_space<vmem>>
      %dma_wait3A_46 = tpu.memref_squeeze %dma_wait3A_45 : memref<1x77xi32, #tpu.memory_space<vmem>> -> memref<77xi32, #tpu.memory_space<vmem>>
      %dma_wait3A_47 = arith.constant 0 : i32
      %dma_wait3A_48 = arith.constant 0 : i32
      %dma_wait3A_49 = tpu.memref_slice %arg4[%dma_wait3A_47, %dma_wait3A_48] : memref<49408x512xf32, #tpu.memory_space<hbm>> -> memref<49408x512xf32, #tpu.memory_space<hbm>>
      tpu.wait_indirect_dma semaphore(%arg14 : memref<!tpu.dma_semaphore, #tpu.memory_space<semaphore_mem>>) src(%dma_wait3A_49 : memref<49408x512xf32, #tpu.memory_space<hbm>>) dst(%arg12 : memref<77x512xf32, #tpu.memory_space<vmem>>)
      %broadcast_in_dim3A = vector.broadcast %add3A_43 : i32 to vector<16xi32>
      %gather3A = tpu.vector_load_idx %arg9[%broadcast_in_dim3A] : memref<32xi32, #tpu.memory_space<vmem>>[vector<16xi32>], vector<16xi32>,
      %eq3A = arith.constant 0 : i32
      %eq3A_50 = vector.broadcast %eq3A : i32 to vector<16xi32>
      %eq3A_51 = arith.cmpi eq, %gather3A, %eq3A_50 : vector<16xi32>
      %get3A = arith.constant 0 : i32
      %get3A_52 = arith.index_cast %get3A : i32 to index
      %get3A_53 = arith.constant 0 : index
      %get3A_54 = tpu.vector_load %arg10[%get3A_52, %get3A_53] {strides = array<i32>} : memref<2x512xf32, #tpu.memory_space<vmem>>, vector<16xf32>,
      %get3A_55 = arith.constant 0 : i32
      %get3A_56 = arith.index_cast %get3A_55 : i32 to index
      %get3A_57 = arith.constant 0 : index
      %get3A_58 = tpu.vector_load %arg11[%get3A_56, %get3A_57] {strides = array<i32>} : memref<4x512xf32, #tpu.memory_space<vmem>>, vector<16xf32>,
      %select_n3A = arith.select %eq3A_51, %get3A_54, %get3A_58 : vector<16xi1>, vector<16xf32>
      %swap3A = arith.constant 1 : i32
      %swap3A_59 = arith.index_cast %swap3A : i32 to index
      %swap3A_60 = arith.constant 0 : index
      %swap3A_61 = tpu.vector_load %arg12[%swap3A_59, %swap3A_60] {strides = array<i32>} : memref<77x512xf32, #tpu.memory_space<vmem>>, vector<16xf32>,
      tpu.vector_store %arg12[%swap3A_59, %swap3A_60], %select_n3A {strides = array<i32>} : memref<77x512xf32, #tpu.memory_space<vmem>>, vector<16xf32>,
      %get3A_62 = arith.constant 1 : i32
      %get3A_63 = arith.index_cast %get3A_62 : i32 to index
      %get3A_64 = arith.constant 0 : index
      %get3A_65 = tpu.vector_load %arg10[%get3A_63, %get3A_64] {strides = array<i32>} : memref<2x512xf32, #tpu.memory_space<vmem>>, vector<16xf32>,
      %get3A_66 = arith.constant 1 : i32
      %get3A_67 = arith.index_cast %get3A_66 : i32 to index
      %get3A_68 = arith.constant 0 : index
      %get3A_69 = tpu.vector_load %arg11[%get3A_67, %get3A_68] {strides = array<i32>} : memref<4x512xf32, #tpu.memory_space<vmem>>, vector<16xf32>,
      %select_n3A_70 = arith.select %eq3A_51, %get3A_65, %get3A_69 : vector<16xi1>, vector<16xf32>
      %swap3A_71 = arith.constant 2 : i32
      %swap3A_72 = arith.index_cast %swap3A_71 : i32 to index
      %swap3A_73 = arith.constant 0 : index
      %swap3A_74 = tpu.vector_load %arg12[%swap3A_72, %swap3A_73] {strides = array<i32>} : memref<77x512xf32, #tpu.memory_space<vmem>>, vector<16xf32>,
      tpu.vector_store %arg12[%swap3A_72, %swap3A_73], %select_n3A_70 {strides = array<i32>} : memref<77x512xf32, #tpu.memory_space<vmem>>, vector<16xf32>,
      %get3A_75 = arith.constant 3 : i32
      %get3A_76 = arith.index_cast %get3A_75 : i32 to index
      %get3A_77 = arith.constant 0 : index
      %get3A_78 = tpu.vector_load %arg12[%get3A_76, %get3A_77] {strides = array<i32>} : memref<77x512xf32, #tpu.memory_space<vmem>>, vector<16xf32>,
      %get3A_79 = arith.constant 2 : i32
      %get3A_80 = arith.index_cast %get3A_79 : i32 to index
      %get3A_81 = arith.constant 0 : index
      %get3A_82 = tpu.vector_load %arg11[%get3A_80, %get3A_81] {strides = array<i32>} : memref<4x512xf32, #tpu.memory_space<vmem>>, vector<16xf32>,
      %select_n3A_83 = arith.select %eq3A_51, %get3A_78, %get3A_82 : vector<16xi1>, vector<16xf32>
      %swap3A_84 = arith.constant 3 : i32
      %swap3A_85 = arith.index_cast %swap3A_84 : i32 to index
      %swap3A_86 = arith.constant 0 : index
      %swap3A_87 = tpu.vector_load %arg12[%swap3A_85, %swap3A_86] {strides = array<i32>} : memref<77x512xf32, #tpu.memory_space<vmem>>, vector<16xf32>,
      tpu.vector_store %arg12[%swap3A_85, %swap3A_86], %select_n3A_83 {strides = array<i32>} : memref<77x512xf32, #tpu.memory_space<vmem>>, vector<16xf32>,
      %get3A_88 = arith.constant 4 : i32
      %get3A_89 = arith.index_cast %get3A_88 : i32 to index
      %get3A_90 = arith.constant 0 : index
      %get3A_91 = tpu.vector_load %arg12[%get3A_89, %get3A_90] {strides = array<i32>} : memref<77x512xf32, #tpu.memory_space<vmem>>, vector<16xf32>,
      %get3A_92 = arith.constant 3 : i32
      %get3A_93 = arith.index_cast %get3A_92 : i32 to index
      %get3A_94 = arith.constant 0 : index
      %get3A_95 = tpu.vector_load %arg11[%get3A_93, %get3A_94] {strides = array<i32>} : memref<4x512xf32, #tpu.memory_space<vmem>>, vector<16xf32>,
      %select_n3A_96 = arith.select %eq3A_51, %get3A_91, %get3A_95 : vector<16xi1>, vector<16xf32>
      %swap3A_97 = arith.constant 4 : i32
      %swap3A_98 = arith.index_cast %swap3A_97 : i32 to index
      %swap3A_99 = arith.constant 0 : index
      %swap3A_100 = tpu.vector_load %arg12[%swap3A_98, %swap3A_99] {strides = array<i32>} : memref<77x512xf32, #tpu.memory_space<vmem>>, vector<16xf32>,
      tpu.vector_store %arg12[%swap3A_98, %swap3A_99], %select_n3A_96 {strides = array<i32>} : memref<77x512xf32, #tpu.memory_space<vmem>>, vector<16xf32>,
      %get3A_101 = arith.constant 0 : i32
      %get3A_102 = arith.index_cast %get3A_101 : i32 to index
      %get3A_103 = arith.constant 16 : index
      %get3A_104 = tpu.vector_load %arg10[%get3A_102, %get3A_103] {strides = array<i32>} : memref<2x512xf32, #tpu.memory_space<vmem>>, vector<16xf32>,
      %get3A_105 = arith.constant 0 : i32
      %get3A_106 = arith.index_cast %get3A_105 : i32 to index
      %get3A_107 = arith.constant 16 : index
      %get3A_108 = tpu.vector_load %arg11[%get3A_106, %get3A_107] {strides = array<i32>} : memref<4x512xf32, #tpu.memory_space<vmem>>, vector<16xf32>,
      %select_n3A_109 = arith.select %eq3A_51, %get3A_104, %get3A_108 : vector<16xi1>, vector<16xf32>
      %swap3A_110 = arith.constant 1 : i32
      %swap3A_111 = arith.index_cast %swap3A_110 : i32 to index
      %swap3A_112 = arith.constant 16 : index
      %swap3A_113 = tpu.vector_load %arg12[%swap3A_111, %swap3A_112] {strides = array<i32>} : memref<77x512xf32, #tpu.memory_space<vmem>>, vector<16xf32>,
      tpu.vector_store %arg12[%swap3A_111, %swap3A_112], %select_n3A_109 {strides = array<i32>} : memref<77x512xf32, #tpu.memory_space<vmem>>, vector<16xf32>,
      %get3A_114 = arith.constant 1 : i32
      %get3A_115 = arith.index_cast %get3A_114 : i32 to index
      %get3A_116 = arith.constant 16 : index
      %get3A_117 = tpu.vector_load %arg10[%get3A_115, %get3A_116] {strides = array<i32>} : memref<2x512xf32, #tpu.memory_space<vmem>>, vector<16xf32>,
      %get3A_118 = arith.constant 1 : i32
      %get3A_119 = arith.index_cast %get3A_118 : i32 to index
      %get3A_120 = arith.constant 16 : index
      %get3A_121 = tpu.vector_load %arg11[%get3A_119, %get3A_120] {strides = array<i32>} : memref<4x512xf32, #tpu.memory_space<vmem>>, vector<16xf32>,
      %select_n3A_122 = arith.select %eq3A_51, %get3A_117, %get3A_121 : vector<16xi1>, vector<16xf32>
      %swap3A_123 = arith.constant 2 : i32
      %swap3A_124 = arith.index_cast %swap3A_123 : i32 to index
      %swap3A_125 = arith.constant 16 : index
      %swap3A_126 = tpu.vector_load %arg12[%swap3A_124, %swap3A_125] {strides = array<i32>} : memref<77x512xf32, #tpu.memory_space<vmem>>, vector<16xf32>,
      tpu.vector_store %arg12[%swap3A_124, %swap3A_125], %select_n3A_122 {strides = array<i32>} : memref<77x512xf32, #tpu.memory_space<vmem>>, vector<16xf32>,
      %get3A_127 = arith.constant 3 : i32
      %get3A_128 = arith.index_cast %get3A_127 : i32 to index
      %get3A_129 = arith.constant 16 : index
      %get3A_130 = tpu.vector_load %arg12[%get3A_128, %get3A_129] {strides = array<i32>} : memref<77x512xf32, #tpu.memory_space<vmem>>, vector<16xf32>,
      %get3A_131 = arith.constant 2 : i32
      %get3A_132 = arith.index_cast %get3A_131 : i32 to index
      %get3A_133 = arith.constant 16 : index
      %get3A_134 = tpu.vector_load %arg11[%get3A_132, %get3A_133] {strides = array<i32>} : memref<4x512xf32, #tpu.memory_space<vmem>>, vector<16xf32>,
      %select_n3A_135 = arith.select %eq3A_51, %get3A_130, %get3A_134 : vector<16xi1>, vector<16xf32>
      %swap3A_136 = arith.constant 3 : i32
      %swap3A_137 = arith.index_cast %swap3A_136 : i32 to index
      %swap3A_138 = arith.constant 16 : index
      %swap3A_139 = tpu.vector_load %arg12[%swap3A_137, %swap3A_138] {strides = array<i32>} : memref<77x512xf32, #tpu.memory_space<vmem>>, vector<16xf32>,
      tpu.vector_store %arg12[%swap3A_137, %swap3A_138], %select_n3A_135 {strides = array<i32>} : memref<77x512xf32, #tpu.memory_space<vmem>>, vector<16xf32>,
      %get3A_140 = arith.constant 4 : i32
      %get3A_141 = arith.index_cast %get3A_140 : i32 to index
      %get3A_142 = arith.constant 16 : index
      %get3A_143 = tpu.vector_load %arg12[%get3A_141, %get3A_142] {strides = array<i32>} : memref<77x512xf32, #tpu.memory_space<vmem>>, vector<16xf32>,
      %get3A_144 = arith.constant 3 : i32
      %get3A_145 = arith.index_cast %get3A_144 : i32 to index
      %get3A_146 = arith.constant 16 : index
      %get3A_147 = tpu.vector_load %arg11[%get3A_145, %get3A_146] {strides = array<i32>} : memref<4x512xf32, #tpu.memory_space<vmem>>, vector<16xf32>,
      %select_n3A_148 = arith.select %eq3A_51, %get3A_143, %get3A_147 : vector<16xi1>, vector<16xf32>
      %swap3A_149 = arith.constant 4 : i32
      %swap3A_150 = arith.index_cast %swap3A_149 : i32 to index
      %swap3A_151 = arith.constant 16 : index
      %swap3A_152 = tpu.vector_load %arg12[%swap3A_150, %swap3A_151] {strides = array<i32>} : memref<77x512xf32, #tpu.memory_space<vmem>>, vector<16xf32>,
      tpu.vector_store %arg12[%swap3A_150, %swap3A_151], %select_n3A_148 {strides = array<i32>} : memref<77x512xf32, #tpu.memory_space<vmem>>, vector<16xf32>,
      %get3A_153 = arith.constant 0 : i32
      %get3A_154 = arith.index_cast %get3A_153 : i32 to index
      %get3A_155 = arith.constant 32 : index
      %get3A_156 = tpu.vector_load %arg10[%get3A_154, %get3A_155] {strides = array<i32>} : memref<2x512xf32, #tpu.memory_space<vmem>>, vector<16xf32>,
      %get3A_157 = arith.constant 0 : i32
      %get3A_158 = arith.index_cast %get3A_157 : i32 to index
      %get3A_159 = arith.constant 32 : index
      %get3A_160 = tpu.vector_load %arg11[%get3A_158, %get3A_159] {strides = array<i32>} : memref<4x512xf32, #tpu.memory_space<vmem>>, vector<16xf32>,
      %select_n3A_161 = arith.select %eq3A_51, %get3A_156, %get3A_160 : vector<16xi1>, vector<16xf32>
      %swap3A_162 = arith.constant 1 : i32
      %swap3A_163 = arith.index_cast %swap3A_162 : i32 to index
      %swap3A_164 = arith.constant 32 : index
      %swap3A_165 = tpu.vector_load %arg12[%swap3A_163, %swap3A_164] {strides = array<i32>} : memref<77x512xf32, #tpu.memory_space<vmem>>, vector<16xf32>,
      tpu.vector_store %arg12[%swap3A_163, %swap3A_164], %select_n3A_161 {strides = array<i32>} : memref<77x512xf32, #tpu.memory_space<vmem>>, vector<16xf32>,
      %get3A_166 = arith.constant 1 : i32
      %get3A_167 = arith.index_cast %get3A_166 : i32 to index
      %get3A_168 = arith.constant 32 : index
      %get3A_169 = tpu.vector_load %arg10[%get3A_167, %get3A_168] {strides = array<i32>} : memref<2x512xf32, #tpu.memory_space<vmem>>, vector<16xf32>,
      %get3A_170 = arith.constant 1 : i32
      %get3A_171 = arith.index_cast %get3A_170 : i32 to index
      %get3A_172 = arith.constant 32 : index
      %get3A_173 = tpu.vector_load %arg11[%get3A_171, %get3A_172] {strides = array<i32>} : memref<4x512xf32, #tpu.memory_space<vmem>>, vector<16xf32>,
      %select_n3A_174 = arith.select %eq3A_51, %get3A_169, %get3A_173 : vector<16xi1>, vector<16xf32>
      %swap3A_175 = arith.constant 2 : i32
      %swap3A_176 = arith.index_cast %swap3A_175 : i32 to index
      %swap3A_177 = arith.constant 32 : index
      %swap3A_178 = tpu.vector_load %arg12[%swap3A_176, %swap3A_177] {strides = array<i32>} : memref<77x512xf32, #tpu.memory_space<vmem>>, vector<16xf32>,
      tpu.vector_store %arg12[%swap3A_176, %swap3A_177], %select_n3A_174 {strides = array<i32>} : memref<77x512xf32, #tpu.memory_space<vmem>>, vector<16xf32>,
      %get3A_179 = arith.constant 3 : i32
      %get3A_180 = arith.index_cast %get3A_179 : i32 to index
      %get3A_181 = arith.constant 32 : index
      %get3A_182 = tpu.vector_load %arg12[%get3A_180, %get3A_181] {strides = array<i32>} : memref<77x512xf32, #tpu.memory_space<vmem>>, vector<16xf32>,
      %get3A_183 = arith.constant 2 : i32
      %get3A_184 = arith.index_cast %get3A_183 : i32 to index
      %get3A_185 = arith.constant 32 : index
      %get3A_186 = tpu.vector_load %arg11[%get3A_184, %get3A_185] {strides = array<i32>} : memref<4x512xf32, #tpu.memory_space<vmem>>, vector<16xf32>,
      %select_n3A_187 = arith.select %eq3A_51, %get3A_182, %get3A_186 : vector<16xi1>, vector<16xf32>
      %swap3A_188 = arith.constant 3 : i32
      %swap3A_189 = arith.index_cast %swap3A_188 : i32 to index
      %swap3A_190 = arith.constant 32 : index
      %swap3A_191 = tpu.vector_load %arg12[%swap3A_189, %swap3A_190] {strides = array<i32>} : memref<77x512xf32, #tpu.memory_space<vmem>>, vector<16xf32>,
      tpu.vector_store %arg12[%swap3A_189, %swap3A_190], %select_n3A_187 {strides = array<i32>} : memref<77x512xf32, #tpu.memory_space<vmem>>, vector<16xf32>,
      %get3A_192 = arith.constant 4 : i32
      %get3A_193 = arith.index_cast %get3A_192 : i32 to index
      %get3A_194 = arith.constant 32 : index
      %get3A_195 = tpu.vector_load %arg12[%get3A_193, %get3A_194] {strides = array<i32>} : memref<77x512xf32, #tpu.memory_space<vmem>>, vector<16xf32>,
      %get3A_196 = arith.constant 3 : i32
      %get3A_197 = arith.index_cast %get3A_196 : i32 to index
      %get3A_198 = arith.constant 32 : index
      %get3A_199 = tpu.vector_load %arg11[%get3A_197, %get3A_198] {strides = array<i32>} : memref<4x512xf32, #tpu.memory_space<vmem>>, vector<16xf32>,
      %select_n3A_200 = arith.select %eq3A_51, %get3A_195, %get3A_199 : vector<16xi1>, vector<16xf32>
      %swap3A_201 = arith.constant 4 : i32
      %swap3A_202 = arith.index_cast %swap3A_201 : i32 to index
      %swap3A_203 = arith.constant 32 : index
      %swap3A_204 = tpu.vector_load %arg12[%swap3A_202, %swap3A_203] {strides = array<i32>} : memref<77x512xf32, #tpu.memory_space<vmem>>, vector<16xf32>,
      tpu.vector_store %arg12[%swap3A_202, %swap3A_203], %select_n3A_200 {strides = array<i32>} : memref<77x512xf32, #tpu.memory_space<vmem>>, vector<16xf32>,
      %get3A_205 = arith.constant 0 : i32
      %get3A_206 = arith.index_cast %get3A_205 : i32 to index
      %get3A_207 = arith.constant 48 : index
      %get3A_208 = tpu.vector_load %arg10[%get3A_206, %get3A_207] {strides = array<i32>} : memref<2x512xf32, #tpu.memory_space<vmem>>, vector<16xf32>,
      %get3A_209 = arith.constant 0 : i32
      %get3A_210 = arith.index_cast %get3A_209 : i32 to index
      %get3A_211 = arith.constant 48 : index
      %get3A_212 = tpu.vector_load %arg11[%get3A_210, %get3A_211] {strides = array<i32>} : memref<4x512xf32, #tpu.memory_space<vmem>>, vector<16xf32>,
      %select_n3A_213 = arith.select %eq3A_51, %get3A_208, %get3A_212 : vector<16xi1>, vector<16xf32>
      %swap3A_214 = arith.constant 1 : i32
      %swap3A_215 = arith.index_cast %swap3A_214 : i32 to index
      %swap3A_216 = arith.constant 48 : index
      %swap3A_217 = tpu.vector_load %arg12[%swap3A_215, %swap3A_216] {strides = array<i32>} : memref<77x512xf32, #tpu.memory_space<vmem>>, vector<16xf32>,
      tpu.vector_store %arg12[%swap3A_215, %swap3A_216], %select_n3A_213 {strides = array<i32>} : memref<77x512xf32, #tpu.memory_space<vmem>>, vector<16xf32>,
      %get3A_218 = arith.constant 1 : i32
      %get3A_219 = arith.index_cast %get3A_218 : i32 to index
      %get3A_220 = arith.constant 48 : index
      %get3A_221 = tpu.vector_load %arg10[%get3A_219, %get3A_220] {strides = array<i32>} : memref<2x512xf32, #tpu.memory_space<vmem>>, vector<16xf32>,
      %get3A_222 = arith.constant 1 : i32
      %get3A_223 = arith.index_cast %get3A_222 : i32 to index
      %get3A_224 = arith.constant 48 : index
      %get3A_225 = tpu.vector_load %arg11[%get3A_223, %get3A_224] {strides = array<i32>} : memref<4x512xf32, #tpu.memory_space<vmem>>, vector<16xf32>,
      %select_n3A_226 = arith.select %eq3A_51, %get3A_221, %get3A_225 : vector<16xi1>, vector<16xf32>
      %swap3A_227 = arith.constant 2 : i32
      %swap3A_228 = arith.index_cast %swap3A_227 : i32 to index
      %swap3A_229 = arith.constant 48 : index
      %swap3A_230 = tpu.vector_load %arg12[%swap3A_228, %swap3A_229] {strides = array<i32>} : memref<77x512xf32, #tpu.memory_space<vmem>>, vector<16xf32>,
      tpu.vector_store %arg12[%swap3A_228, %swap3A_229], %select_n3A_226 {strides = array<i32>} : memref<77x512xf32, #tpu.memory_space<vmem>>, vector<16xf32>,
      %get3A_231 = arith.constant 3 : i32
      %get3A_232 = arith.index_cast %get3A_231 : i32 to index
      %get3A_233 = arith.constant 48 : index
      %get3A_234 = tpu.vector_load %arg12[%get3A_232, %get3A_233] {strides = array<i32>} : memref<77x512xf32, #tpu.memory_space<vmem>>, vector<16xf32>,
      %get3A_235 = arith.constant 2 : i32
      %get3A_236 = arith.index_cast %get3A_235 : i32 to index
      %get3A_237 = arith.constant 48 : index
      %get3A_238 = tpu.vector_load %arg11[%get3A_236, %get3A_237] {strides = array<i32>} : memref<4x512xf32, #tpu.memory_space<vmem>>, vector<16xf32>,
      %select_n3A_239 = arith.select %eq3A_51, %get3A_234, %get3A_238 : vector<16xi1>, vector<16xf32>
      %swap3A_240 = arith.constant 3 : i32
      %swap3A_241 = arith.index_cast %swap3A_240 : i32 to index
      %swap3A_242 = arith.constant 48 : index
      %swap3A_243 = tpu.vector_load %arg12[%swap3A_241, %swap3A_242] {strides = array<i32>} : memref<77x512xf32, #tpu.memory_space<vmem>>, vector<16xf32>,
      tpu.vector_store %arg12[%swap3A_241, %swap3A_242], %select_n3A_239 {strides = array<i32>} : memref<77x512xf32, #tpu.memory_space<vmem>>, vector<16xf32>,
      %get3A_244 = arith.constant 4 : i32
      %get3A_245 = arith.index_cast %get3A_244 : i32 to index
      %get3A_246 = arith.constant 48 : index
      %get3A_247 = tpu.vector_load %arg12[%get3A_245, %get3A_246] {strides = array<i32>} : memref<77x512xf32, #tpu.memory_space<vmem>>, vector<16xf32>,
      %get3A_248 = arith.constant 3 : i32
      %get3A_249 = arith.index_cast %get3A_248 : i32 to index
      %get3A_250 = arith.constant 48 : index
      %get3A_251 = tpu.vector_load %arg11[%get3A_249, %get3A_250] {strides = array<i32>} : memref<4x512xf32, #tpu.memory_space<vmem>>, vector<16xf32>,
      %select_n3A_252 = arith.select %eq3A_51, %get3A_247, %get3A_251 : vector<16xi1>, vector<16xf32>
      %swap3A_253 = arith.constant 4 : i32
      %swap3A_254 = arith.index_cast %swap3A_253 : i32 to index
      %swap3A_255 = arith.constant 48 : index
      %swap3A_256 = tpu.vector_load %arg12[%swap3A_254, %swap3A_255] {strides = array<i32>} : memref<77x512xf32, #tpu.memory_space<vmem>>, vector<16xf32>,
      tpu.vector_store %arg12[%swap3A_254, %swap3A_255], %select_n3A_252 {strides = array<i32>} : memref<77x512xf32, #tpu.memory_space<vmem>>, vector<16xf32>,
      %get3A_257 = arith.constant 0 : i32
      %get3A_258 = arith.index_cast %get3A_257 : i32 to index
      %get3A_259 = arith.constant 64 : index
      %get3A_260 = tpu.vector_load %arg10[%get3A_258, %get3A_259] {strides = array<i32>} : memref<2x512xf32, #tpu.memory_space<vmem>>, vector<16xf32>,
      %get3A_261 = arith.constant 0 : i32
      %get3A_262 = arith.index_cast %get3A_261 : i32 to index
      %get3A_263 = arith.constant 64 : index
      %get3A_264 = tpu.vector_load %arg11[%get3A_262, %get3A_263] {strides = array<i32>} : memref<4x512xf32, #tpu.memory_space<vmem>>, vector<16xf32>,
      %select_n3A_265 = arith.select %eq3A_51, %get3A_260, %get3A_264 : vector<16xi1>, vector<16xf32>
      %swap3A_266 = arith.constant 1 : i32
      %swap3A_267 = arith.index_cast %swap3A_266 : i32 to index
      %swap3A_268 = arith.constant 64 : index
      %swap3A_269 = tpu.vector_load %arg12[%swap3A_267, %swap3A_268] {strides = array<i32>} : memref<77x512xf32, #tpu.memory_space<vmem>>, vector<16xf32>,
      tpu.vector_store %arg12[%swap3A_267, %swap3A_268], %select_n3A_265 {strides = array<i32>} : memref<77x512xf32, #tpu.memory_space<vmem>>, vector<16xf32>,
      %get3A_270 = arith.constant 1 : i32
      %get3A_271 = arith.index_cast %get3A_270 : i32 to index
      %get3A_272 = arith.constant 64 : index
      %get3A_273 = tpu.vector_load %arg10[%get3A_271, %get3A_272] {strides = array<i32>} : memref<2x512xf32, #tpu.memory_space<vmem>>, vector<16xf32>,
      %get3A_274 = arith.constant 1 : i32
      %get3A_275 = arith.index_cast %get3A_274 : i32 to index
      %get3A_276 = arith.constant 64 : index
      %get3A_277 = tpu.vector_load %arg11[%get3A_275, %get3A_276] {strides = array<i32>} : memref<4x512xf32, #tpu.memory_space<vmem>>, vector<16xf32>,
      %select_n3A_278 = arith.select %eq3A_51, %get3A_273, %get3A_277 : vector<16xi1>, vector<16xf32>
      %swap3A_279 = arith.constant 2 : i32
      %swap3A_280 = arith.index_cast %swap3A_279 : i32 to index
      %swap3A_281 = arith.constant 64 : index
      %swap3A_282 = tpu.vector_load %arg12[%swap3A_280, %swap3A_281] {strides = array<i32>} : memref<77x512xf32, #tpu.memory_space<vmem>>, vector<16xf32>,
      tpu.vector_store %arg12[%swap3A_280, %swap3A_281], %select_n3A_278 {strides = array<i32>} : memref<77x512xf32, #tpu.memory_space<vmem>>, vector<16xf32>,
      %get3A_283 = arith.constant 3 : i32
      %get3A_284 = arith.index_cast %get3A_283 : i32 to index
      %get3A_285 = arith.constant 64 : index
      %get3A_286 = tpu.vector_load %arg12[%get3A_284, %get3A_285] {strides = array<i32>} : memref<77x512xf32, #tpu.memory_space<vmem>>, vector<16xf32>,
      %get3A_287 = arith.constant 2 : i32
      %get3A_288 = arith.index_cast %get3A_287 : i32 to index
      %get3A_289 = arith.constant 64 : index
      %get3A_290 = tpu.vector_load %arg11[%get3A_288, %get3A_289] {strides = array<i32>} : memref<4x512xf32, #tpu.memory_space<vmem>>, vector<16xf32>,
      %select_n3A_291 = arith.select %eq3A_51, %get3A_286, %get3A_290 : vector<16xi1>, vector<16xf32>
      %swap3A_292 = arith.constant 3 : i32
      %swap3A_293 = arith.index_cast %swap3A_292 : i32 to index
      %swap3A_294 = arith.constant 64 : index
      %swap3A_295 = tpu.vector_load %arg12[%swap3A_293, %swap3A_294] {strides = array<i32>} : memref<77x512xf32, #tpu.memory_space<vmem>>, vector<16xf32>,
      tpu.vector_store %arg12[%swap3A_293, %swap3A_294], %select_n3A_291 {strides = array<i32>} : memref<77x512xf32, #tpu.memory_space<vmem>>, vector<16xf32>,
      %get3A_296 = arith.constant 4 : i32
      %get3A_297 = arith.index_cast %get3A_296 : i32 to index
      %get3A_298 = arith.constant 64 : index
      %get3A_299 = tpu.vector_load %arg12[%get3A_297, %get3A_298] {strides = array<i32>} : memref<77x512xf32, #tpu.memory_space<vmem>>, vector<16xf32>,
      %get3A_300 = arith.constant 3 : i32
      %get3A_301 = arith.index_cast %get3A_300 : i32 to index
      %get3A_302 = arith.constant 64 : index
      %get3A_303 = tpu.vector_load %arg11[%get3A_301, %get3A_302] {strides = array<i32>} : memref<4x512xf32, #tpu.memory_space<vmem>>, vector<16xf32>,
      %select_n3A_304 = arith.select %eq3A_51, %get3A_299, %get3A_303 : vector<16xi1>, vector<16xf32>
      %swap3A_305 = arith.constant 4 : i32
      %swap3A_306 = arith.index_cast %swap3A_305 : i32 to index
      %swap3A_307 = arith.constant 64 : index
      %swap3A_308 = tpu.vector_load %arg12[%swap3A_306, %swap3A_307] {strides = array<i32>} : memref<77x512xf32, #tpu.memory_space<vmem>>, vector<16xf32>,
      tpu.vector_store %arg12[%swap3A_306, %swap3A_307], %select_n3A_304 {strides = array<i32>} : memref<77x512xf32, #tpu.memory_space<vmem>>, vector<16xf32>,
      %get3A_309 = arith.constant 0 : i32
      %get3A_310 = arith.index_cast %get3A_309 : i32 to index
      %get3A_311 = arith.constant 80 : index
      %get3A_312 = tpu.vector_load %arg10[%get3A_310, %get3A_311] {strides = array<i32>} : memref<2x512xf32, #tpu.memory_space<vmem>>, vector<16xf32>,
      %get3A_313 = arith.constant 0 : i32
      %get3A_314 = arith.index_cast %get3A_313 : i32 to index
      %get3A_315 = arith.constant 80 : index
      %get3A_316 = tpu.vector_load %arg11[%get3A_314, %get3A_315] {strides = array<i32>} : memref<4x512xf32, #tpu.memory_space<vmem>>, vector<16xf32>,
      %select_n3A_317 = arith.select %eq3A_51, %get3A_312, %get3A_316 : vector<16xi1>, vector<16xf32>
      %swap3A_318 = arith.constant 1 : i32
      %swap3A_319 = arith.index_cast %swap3A_318 : i32 to index
      %swap3A_320 = arith.constant 80 : index
      %swap3A_321 = tpu.vector_load %arg12[%swap3A_319, %swap3A_320] {strides = array<i32>} : memref<77x512xf32, #tpu.memory_space<vmem>>, vector<16xf32>,
      tpu.vector_store %arg12[%swap3A_319, %swap3A_320], %select_n3A_317 {strides = array<i32>} : memref<77x512xf32, #tpu.memory_space<vmem>>, vector<16xf32>,
      %get3A_322 = arith.constant 1 : i32
      %get3A_323 = arith.index_cast %get3A_322 : i32 to index
      %get3A_324 = arith.constant 80 : index
      %get3A_325 = tpu.vector_load %arg10[%get3A_323, %get3A_324] {strides = array<i32>} : memref<2x512xf32, #tpu.memory_space<vmem>>, vector<16xf32>,
      %get3A_326 = arith.constant 1 : i32
      %get3A_327 = arith.index_cast %get3A_326 : i32 to index
      %get3A_328 = arith.constant 80 : index
      %get3A_329 = tpu.vector_load %arg11[%get3A_327, %get3A_328] {strides = array<i32>} : memref<4x512xf32, #tpu.memory_space<vmem>>, vector<16xf32>,
      %select_n3A_330 = arith.select %eq3A_51, %get3A_325, %get3A_329 : vector<16xi1>, vector<16xf32>
      %swap3A_331 = arith.constant 2 : i32
      %swap3A_332 = arith.index_cast %swap3A_331 : i32 to index
      %swap3A_333 = arith.constant 80 : index
      %swap3A_334 = tpu.vector_load %arg12[%swap3A_332, %swap3A_333] {strides = array<i32>} : memref<77x512xf32, #tpu.memory_space<vmem>>, vector<16xf32>,
      tpu.vector_store %arg12[%swap3A_332, %swap3A_333], %select_n3A_330 {strides = array<i32>} : memref<77x512xf32, #tpu.memory_space<vmem>>, vector<16xf32>,
      %get3A_335 = arith.constant 3 : i32
      %get3A_336 = arith.index_cast %get3A_335 : i32 to index
      %get3A_337 = arith.constant 80 : index
      %get3A_338 = tpu.vector_load %arg12[%get3A_336, %get3A_337] {strides = array<i32>} : memref<77x512xf32, #tpu.memory_space<vmem>>, vector<16xf32>,
      %get3A_339 = arith.constant 2 : i32
      %get3A_340 = arith.index_cast %get3A_339 : i32 to index
      %get3A_341 = arith.constant 80 : index
      %get3A_342 = tpu.vector_load %arg11[%get3A_340, %get3A_341] {strides = array<i32>} : memref<4x512xf32, #tpu.memory_space<vmem>>, vector<16xf32>,
      %select_n3A_343 = arith.select %eq3A_51, %get3A_338, %get3A_342 : vector<16xi1>, vector<16xf32>
      %swap3A_344 = arith.constant 3 : i32
      %swap3A_345 = arith.index_cast %swap3A_344 : i32 to index
      %swap3A_346 = arith.constant 80 : index
      %swap3A_347 = tpu.vector_load %arg12[%swap3A_345, %swap3A_346] {strides = array<i32>} : memref<77x512xf32, #tpu.memory_space<vmem>>, vector<16xf32>,
      tpu.vector_store %arg12[%swap3A_345, %swap3A_346], %select_n3A_343 {strides = array<i32>} : memref<77x512xf32, #tpu.memory_space<vmem>>, vector<16xf32>,
      %get3A_348 = arith.constant 4 : i32
      %get3A_349 = arith.index_cast %get3A_348 : i32 to index
      %get3A_350 = arith.constant 80 : index
      %get3A_351 = tpu.vector_load %arg12[%get3A_349, %get3A_350] {strides = array<i32>} : memref<77x512xf32, #tpu.memory_space<vmem>>, vector<16xf32>,
      %get3A_352 = arith.constant 3 : i32
      %get3A_353 = arith.index_cast %get3A_352 : i32 to index
      %get3A_354 = arith.constant 80 : index
      %get3A_355 = tpu.vector_load %arg11[%get3A_353, %get3A_354] {strides = array<i32>} : memref<4x512xf32, #tpu.memory_space<vmem>>, vector<16xf32>,
      %select_n3A_356 = arith.select %eq3A_51, %get3A_351, %get3A_355 : vector<16xi1>, vector<16xf32>
      %swap3A_357 = arith.constant 4 : i32
      %swap3A_358 = arith.index_cast %swap3A_357 : i32 to index
      %swap3A_359 = arith.constant 80 : index
      %swap3A_360 = tpu.vector_load %arg12[%swap3A_358, %swap3A_359] {strides = array<i32>} : memref<77x512xf32, #tpu.memory_space<vmem>>, vector<16xf32>,
      tpu.vector_store %arg12[%swap3A_358, %swap3A_359], %select_n3A_356 {strides = array<i32>} : memref<77x512xf32, #tpu.memory_space<vmem>>, vector<16xf32>,
      %get3A_361 = arith.constant 0 : i32
      %get3A_362 = arith.index_cast %get3A_361 : i32 to index
      %get3A_363 = arith.constant 96 : index
      %get3A_364 = tpu.vector_load %arg10[%get3A_362, %get3A_363] {strides = array<i32>} : memref<2x512xf32, #tpu.memory_space<vmem>>, vector<16xf32>,
      %get3A_365 = arith.constant 0 : i32
      %get3A_366 = arith.index_cast %get3A_365 : i32 to index
      %get3A_367 = arith.constant 96 : index
      %get3A_368 = tpu.vector_load %arg11[%get3A_366, %get3A_367] {strides = array<i32>} : memref<4x512xf32, #tpu.memory_space<vmem>>, vector<16xf32>,
      %select_n3A_369 = arith.select %eq3A_51, %get3A_364, %get3A_368 : vector<16xi1>, vector<16xf32>
      %swap3A_370 = arith.constant 1 : i32
      %swap3A_371 = arith.index_cast %swap3A_370 : i32 to index
      %swap3A_372 = arith.constant 96 : index
      %swap3A_373 = tpu.vector_load %arg12[%swap3A_371, %swap3A_372] {strides = array<i32>} : memref<77x512xf32, #tpu.memory_space<vmem>>, vector<16xf32>,
      tpu.vector_store %arg12[%swap3A_371, %swap3A_372], %select_n3A_369 {strides = array<i32>} : memref<77x512xf32, #tpu.memory_space<vmem>>, vector<16xf32>,
      %get3A_374 = arith.constant 1 : i32
      %get3A_375 = arith.index_cast %get3A_374 : i32 to index
      %get3A_376 = arith.constant 96 : index
      %get3A_377 = tpu.vector_load %arg10[%get3A_375, %get3A_376] {strides = array<i32>} : memref<2x512xf32, #tpu.memory_space<vmem>>, vector<16xf32>,
      %get3A_378 = arith.constant 1 : i32
      %get3A_379 = arith.index_cast %get3A_378 : i32 to index
      %get3A_380 = arith.constant 96 : index
      %get3A_381 = tpu.vector_load %arg11[%get3A_379, %get3A_380] {strides = array<i32>} : memref<4x512xf32, #tpu.memory_space<vmem>>, vector<16xf32>,
      %select_n3A_382 = arith.select %eq3A_51, %get3A_377, %get3A_381 : vector<16xi1>, vector<16xf32>
      %swap3A_383 = arith.constant 2 : i32
      %swap3A_384 = arith.index_cast %swap3A_383 : i32 to index
      %swap3A_385 = arith.constant 96 : index
      %swap3A_386 = tpu.vector_load %arg12[%swap3A_384, %swap3A_385] {strides = array<i32>} : memref<77x512xf32, #tpu.memory_space<vmem>>, vector<16xf32>,
      tpu.vector_store %arg12[%swap3A_384, %swap3A_385], %select_n3A_382 {strides = array<i32>} : memref<77x512xf32, #tpu.memory_space<vmem>>, vector<16xf32>,
      %get3A_387 = arith.constant 3 : i32
      %get3A_388 = arith.index_cast %get3A_387 : i32 to index
      %get3A_389 = arith.constant 96 : index
      %get3A_390 = tpu.vector_load %arg12[%get3A_388, %get3A_389] {strides = array<i32>} : memref<77x512xf32, #tpu.memory_space<vmem>>, vector<16xf32>,
      %get3A_391 = arith.constant 2 : i32
      %get3A_392 = arith.index_cast %get3A_391 : i32 to index
      %get3A_393 = arith.constant 96 : index
      %get3A_394 = tpu.vector_load %arg11[%get3A_392, %get3A_393] {strides = array<i32>} : memref<4x512xf32, #tpu.memory_space<vmem>>, vector<16xf32>,
      %select_n3A_395 = arith.select %eq3A_51, %get3A_390, %get3A_394 : vector<16xi1>, vector<16xf32>
      %swap3A_396 = arith.constant 3 : i32
      %swap3A_397 = arith.index_cast %swap3A_396 : i32 to index
      %swap3A_398 = arith.constant 96 : index
      %swap3A_399 = tpu.vector_load %arg12[%swap3A_397, %swap3A_398] {strides = array<i32>} : memref<77x512xf32, #tpu.memory_space<vmem>>, vector<16xf32>,
      tpu.vector_store %arg12[%swap3A_397, %swap3A_398], %select_n3A_395 {strides = array<i32>} : memref<77x512xf32, #tpu.memory_space<vmem>>, vector<16xf32>,
      %get3A_400 = arith.constant 4 : i32
      %get3A_401 = arith.index_cast %get3A_400 : i32 to index
      %get3A_402 = arith.constant 96 : index
      %get3A_403 = tpu.vector_load %arg12[%get3A_401, %get3A_402] {strides = array<i32>} : memref<77x512xf32, #tpu.memory_space<vmem>>, vector<16xf32>,
      %get3A_404 = arith.constant 3 : i32
      %get3A_405 = arith.index_cast %get3A_404 : i32 to index
      %get3A_406 = arith.constant 96 : index
      %get3A_407 = tpu.vector_load %arg11[%get3A_405, %get3A_406] {strides = array<i32>} : memref<4x512xf32, #tpu.memory_space<vmem>>, vector<16xf32>,
      %select_n3A_408 = arith.select %eq3A_51, %get3A_403, %get3A_407 : vector<16xi1>, vector<16xf32>
      %swap3A_409 = arith.constant 4 : i32
      %swap3A_410 = arith.index_cast %swap3A_409 : i32 to index
      %swap3A_411 = arith.constant 96 : index
      %swap3A_412 = tpu.vector_load %arg12[%swap3A_410, %swap3A_411] {strides = array<i32>} : memref<77x512xf32, #tpu.memory_space<vmem>>, vector<16xf32>,
      tpu.vector_store %arg12[%swap3A_410, %swap3A_411], %select_n3A_408 {strides = array<i32>} : memref<77x512xf32, #tpu.memory_space<vmem>>, vector<16xf32>,
      %get3A_413 = arith.constant 0 : i32
      %get3A_414 = arith.index_cast %get3A_413 : i32 to index
      %get3A_415 = arith.constant 112 : index
      %get3A_416 = tpu.vector_load %arg10[%get3A_414, %get3A_415] {strides = array<i32>} : memref<2x512xf32, #tpu.memory_space<vmem>>, vector<16xf32>,
      %get3A_417 = arith.constant 0 : i32
      %get3A_418 = arith.index_cast %get3A_417 : i32 to index
      %get3A_419 = arith.constant 112 : index
      %get3A_420 = tpu.vector_load %arg11[%get3A_418, %get3A_419] {strides = array<i32>} : memref<4x512xf32, #tpu.memory_space<vmem>>, vector<16xf32>,
      %select_n3A_421 = arith.select %eq3A_51, %get3A_416, %get3A_420 : vector<16xi1>, vector<16xf32>
      %swap3A_422 = arith.constant 1 : i32
      %swap3A_423 = arith.index_cast %swap3A_422 : i32 to index
      %swap3A_424 = arith.constant 112 : index
      %swap3A_425 = tpu.vector_load %arg12[%swap3A_423, %swap3A_424] {strides = array<i32>} : memref<77x512xf32, #tpu.memory_space<vmem>>, vector<16xf32>,
      tpu.vector_store %arg12[%swap3A_423, %swap3A_424], %select_n3A_421 {strides = array<i32>} : memref<77x512xf32, #tpu.memory_space<vmem>>, vector<16xf32>,
      %get3A_426 = arith.constant 1 : i32
      %get3A_427 = arith.index_cast %get3A_426 : i32 to index
      %get3A_428 = arith.constant 112 : index
      %get3A_429 = tpu.vector_load %arg10[%get3A_427, %get3A_428] {strides = array<i32>} : memref<2x512xf32, #tpu.memory_space<vmem>>, vector<16xf32>,
      %get3A_430 = arith.constant 1 : i32
      %get3A_431 = arith.index_cast %get3A_430 : i32 to index
      %get3A_432 = arith.constant 112 : index
      %get3A_433 = tpu.vector_load %arg11[%get3A_431, %get3A_432] {strides = array<i32>} : memref<4x512xf32, #tpu.memory_space<vmem>>, vector<16xf32>,
      %select_n3A_434 = arith.select %eq3A_51, %get3A_429, %get3A_433 : vector<16xi1>, vector<16xf32>
      %swap3A_435 = arith.constant 2 : i32
      %swap3A_436 = arith.index_cast %swap3A_435 : i32 to index
      %swap3A_437 = arith.constant 112 : index
      %swap3A_438 = tpu.vector_load %arg12[%swap3A_436, %swap3A_437] {strides = array<i32>} : memref<77x512xf32, #tpu.memory_space<vmem>>, vector<16xf32>,
      tpu.vector_store %arg12[%swap3A_436, %swap3A_437], %select_n3A_434 {strides = array<i32>} : memref<77x512xf32, #tpu.memory_space<vmem>>, vector<16xf32>,
      %get3A_439 = arith.constant 3 : i32
      %get3A_440 = arith.index_cast %get3A_439 : i32 to index
      %get3A_441 = arith.constant 112 : index
      %get3A_442 = tpu.vector_load %arg12[%get3A_440, %get3A_441] {strides = array<i32>} : memref<77x512xf32, #tpu.memory_space<vmem>>, vector<16xf32>,
      %get3A_443 = arith.constant 2 : i32
      %get3A_444 = arith.index_cast %get3A_443 : i32 to index
      %get3A_445 = arith.constant 112 : index
      %get3A_446 = tpu.vector_load %arg11[%get3A_444, %get3A_445] {strides = array<i32>} : memref<4x512xf32, #tpu.memory_space<vmem>>, vector<16xf32>,
      %select_n3A_447 = arith.select %eq3A_51, %get3A_442, %get3A_446 : vector<16xi1>, vector<16xf32>
      %swap3A_448 = arith.constant 3 : i32
      %swap3A_449 = arith.index_cast %swap3A_448 : i32 to index
      %swap3A_450 = arith.constant 112 : index
      %swap3A_451 = tpu.vector_load %arg12[%swap3A_449, %swap3A_450] {strides = array<i32>} : memref<77x512xf32, #tpu.memory_space<vmem>>, vector<16xf32>,
      tpu.vector_store %arg12[%swap3A_449, %swap3A_450], %select_n3A_447 {strides = array<i32>} : memref<77x512xf32, #tpu.memory_space<vmem>>, vector<16xf32>,
      %get3A_452 = arith.constant 4 : i32
      %get3A_453 = arith.index_cast %get3A_452 : i32 to index
      %get3A_454 = arith.constant 112 : index
      %get3A_455 = tpu.vector_load %arg12[%get3A_453, %get3A_454] {strides = array<i32>} : memref<77x512xf32, #tpu.memory_space<vmem>>, vector<16xf32>,
      %get3A_456 = arith.constant 3 : i32
      %get3A_457 = arith.index_cast %get3A_456 : i32 to index
      %get3A_458 = arith.constant 112 : index
      %get3A_459 = tpu.vector_load %arg11[%get3A_457, %get3A_458] {strides = array<i32>} : memref<4x512xf32, #tpu.memory_space<vmem>>, vector<16xf32>,
      %select_n3A_460 = arith.select %eq3A_51, %get3A_455, %get3A_459 : vector<16xi1>, vector<16xf32>
      %swap3A_461 = arith.constant 4 : i32
      %swap3A_462 = arith.index_cast %swap3A_461 : i32 to index
      %swap3A_463 = arith.constant 112 : index
      %swap3A_464 = tpu.vector_load %arg12[%swap3A_462, %swap3A_463] {strides = array<i32>} : memref<77x512xf32, #tpu.memory_space<vmem>>, vector<16xf32>,
      tpu.vector_store %arg12[%swap3A_462, %swap3A_463], %select_n3A_460 {strides = array<i32>} : memref<77x512xf32, #tpu.memory_space<vmem>>, vector<16xf32>,
      %get3A_465 = arith.constant 0 : i32
      %get3A_466 = arith.index_cast %get3A_465 : i32 to index
      %get3A_467 = arith.constant 128 : index
      %get3A_468 = tpu.vector_load %arg10[%get3A_466, %get3A_467] {strides = array<i32>} : memref<2x512xf32, #tpu.memory_space<vmem>>, vector<16xf32>,
      %get3A_469 = arith.constant 0 : i32
      %get3A_470 = arith.index_cast %get3A_469 : i32 to index
      %get3A_471 = arith.constant 128 : index
      %get3A_472 = tpu.vector_load %arg11[%get3A_470, %get3A_471] {strides = array<i32>} : memref<4x512xf32, #tpu.memory_space<vmem>>, vector<16xf32>,
      %select_n3A_473 = arith.select %eq3A_51, %get3A_468, %get3A_472 : vector<16xi1>, vector<16xf32>
      %swap3A_474 = arith.constant 1 : i32
      %swap3A_475 = arith.index_cast %swap3A_474 : i32 to index
      %swap3A_476 = arith.constant 128 : index
      %swap3A_477 = tpu.vector_load %arg12[%swap3A_475, %swap3A_476] {strides = array<i32>} : memref<77x512xf32, #tpu.memory_space<vmem>>, vector<16xf32>,
      tpu.vector_store %arg12[%swap3A_475, %swap3A_476], %select_n3A_473 {strides = array<i32>} : memref<77x512xf32, #tpu.memory_space<vmem>>, vector<16xf32>,
      %get3A_478 = arith.constant 1 : i32
      %get3A_479 = arith.index_cast %get3A_478 : i32 to index
      %get3A_480 = arith.constant 128 : index
      %get3A_481 = tpu.vector_load %arg10[%get3A_479, %get3A_480] {strides = array<i32>} : memref<2x512xf32, #tpu.memory_space<vmem>>, vector<16xf32>,
      %get3A_482 = arith.constant 1 : i32
      %get3A_483 = arith.index_cast %get3A_482 : i32 to index
      %get3A_484 = arith.constant 128 : index
      %get3A_485 = tpu.vector_load %arg11[%get3A_483, %get3A_484] {strides = array<i32>} : memref<4x512xf32, #tpu.memory_space<vmem>>, vector<16xf32>,
      %select_n3A_486 = arith.select %eq3A_51, %get3A_481, %get3A_485 : vector<16xi1>, vector<16xf32>
      %swap3A_487 = arith.constant 2 : i32
      %swap3A_488 = arith.index_cast %swap3A_487 : i32 to index
      %swap3A_489 = arith.constant 128 : index
      %swap3A_490 = tpu.vector_load %arg12[%swap3A_488, %swap3A_489] {strides = array<i32>} : memref<77x512xf32, #tpu.memory_space<vmem>>, vector<16xf32>,
      tpu.vector_store %arg12[%swap3A_488, %swap3A_489], %select_n3A_486 {strides = array<i32>} : memref<77x512xf32, #tpu.memory_space<vmem>>, vector<16xf32>,
      %get3A_491 = arith.constant 3 : i32
      %get3A_492 = arith.index_cast %get3A_491 : i32 to index
      %get3A_493 = arith.constant 128 : index
      %get3A_494 = tpu.vector_load %arg12[%get3A_492, %get3A_493] {strides = array<i32>} : memref<77x512xf32, #tpu.memory_space<vmem>>, vector<16xf32>,
      %get3A_495 = arith.constant 2 : i32
      %get3A_496 = arith.index_cast %get3A_495 : i32 to index
      %get3A_497 = arith.constant 128 : index
      %get3A_498 = tpu.vector_load %arg11[%get3A_496, %get3A_497] {strides = array<i32>} : memref<4x512xf32, #tpu.memory_space<vmem>>, vector<16xf32>,
      %select_n3A_499 = arith.select %eq3A_51, %get3A_494, %get3A_498 : vector<16xi1>, vector<16xf32>
      %swap3A_500 = arith.constant 3 : i32
      %swap3A_501 = arith.index_cast %swap3A_500 : i32 to index
      %swap3A_502 = arith.constant 128 : index
      %swap3A_503 = tpu.vector_load %arg12[%swap3A_501, %swap3A_502] {strides = array<i32>} : memref<77x512xf32, #tpu.memory_space<vmem>>, vector<16xf32>,
      tpu.vector_store %arg12[%swap3A_501, %swap3A_502], %select_n3A_499 {strides = array<i32>} : memref<77x512xf32, #tpu.memory_space<vmem>>, vector<16xf32>,
      %get3A_504 = arith.constant 4 : i32
      %get3A_505 = arith.index_cast %get3A_504 : i32 to index
      %get3A_506 = arith.constant 128 : index
      %get3A_507 = tpu.vector_load %arg12[%get3A_505, %get3A_506] {strides = array<i32>} : memref<77x512xf32, #tpu.memory_space<vmem>>, vector<16xf32>,
      %get3A_508 = arith.constant 3 : i32
      %get3A_509 = arith.index_cast %get3A_508 : i32 to index
      %get3A_510 = arith.constant 128 : index
      %get3A_511 = tpu.vector_load %arg11[%get3A_509, %get3A_510] {strides = array<i32>} : memref<4x512xf32, #tpu.memory_space<vmem>>, vector<16xf32>,
      %select_n3A_512 = arith.select %eq3A_51, %get3A_507, %get3A_511 : vector<16xi1>, vector<16xf32>
      %swap3A_513 = arith.constant 4 : i32
      %swap3A_514 = arith.index_cast %swap3A_513 : i32 to index
      %swap3A_515 = arith.constant 128 : index
      %swap3A_516 = tpu.vector_load %arg12[%swap3A_514, %swap3A_515] {strides = array<i32>} : memref<77x512xf32, #tpu.memory_space<vmem>>, vector<16xf32>,
      tpu.vector_store %arg12[%swap3A_514, %swap3A_515], %select_n3A_512 {strides = array<i32>} : memref<77x512xf32, #tpu.memory_space<vmem>>, vector<16xf32>,
      %get3A_517 = arith.constant 0 : i32
      %get3A_518 = arith.index_cast %get3A_517 : i32 to index
      %get3A_519 = arith.constant 144 : index
      %get3A_520 = tpu.vector_load %arg10[%get3A_518, %get3A_519] {strides = array<i32>} : memref<2x512xf32, #tpu.memory_space<vmem>>, vector<16xf32>,
      %get3A_521 = arith.constant 0 : i32
      %get3A_522 = arith.index_cast %get3A_521 : i32 to index
      %get3A_523 = arith.constant 144 : index
      %get3A_524 = tpu.vector_load %arg11[%get3A_522, %get3A_523] {strides = array<i32>} : memref<4x512xf32, #tpu.memory_space<vmem>>, vector<16xf32>,
      %select_n3A_525 = arith.select %eq3A_51, %get3A_520, %get3A_524 : vector<16xi1>, vector<16xf32>
      %swap3A_526 = arith.constant 1 : i32
      %swap3A_527 = arith.index_cast %swap3A_526 : i32 to index
      %swap3A_528 = arith.constant 144 : index
      %swap3A_529 = tpu.vector_load %arg12[%swap3A_527, %swap3A_528] {strides = array<i32>} : memref<77x512xf32, #tpu.memory_space<vmem>>, vector<16xf32>,
      tpu.vector_store %arg12[%swap3A_527, %swap3A_528], %select_n3A_525 {strides = array<i32>} : memref<77x512xf32, #tpu.memory_space<vmem>>, vector<16xf32>,
      %get3A_530 = arith.constant 1 : i32
      %get3A_531 = arith.index_cast %get3A_530 : i32 to index
      %get3A_532 = arith.constant 144 : index
      %get3A_533 = tpu.vector_load %arg10[%get3A_531, %get3A_532] {strides = array<i32>} : memref<2x512xf32, #tpu.memory_space<vmem>>, vector<16xf32>,
      %get3A_534 = arith.constant 1 : i32
      %get3A_535 = arith.index_cast %get3A_534 : i32 to index
      %get3A_536 = arith.constant 144 : index
      %get3A_537 = tpu.vector_load %arg11[%get3A_535, %get3A_536] {strides = array<i32>} : memref<4x512xf32, #tpu.memory_space<vmem>>, vector<16xf32>,
      %select_n3A_538 = arith.select %eq3A_51, %get3A_533, %get3A_537 : vector<16xi1>, vector<16xf32>
      %swap3A_539 = arith.constant 2 : i32
      %swap3A_540 = arith.index_cast %swap3A_539 : i32 to index
      %swap3A_541 = arith.constant 144 : index
      %swap3A_542 = tpu.vector_load %arg12[%swap3A_540, %swap3A_541] {strides = array<i32>} : memref<77x512xf32, #tpu.memory_space<vmem>>, vector<16xf32>,
      tpu.vector_store %arg12[%swap3A_540, %swap3A_541], %select_n3A_538 {strides = array<i32>} : memref<77x512xf32, #tpu.memory_space<vmem>>, vector<16xf32>,
      %get3A_543 = arith.constant 3 : i32
      %get3A_544 = arith.index_cast %get3A_543 : i32 to index
      %get3A_545 = arith.constant 144 : index
      %get3A_546 = tpu.vector_load %arg12[%get3A_544, %get3A_545] {strides = array<i32>} : memref<77x512xf32, #tpu.memory_space<vmem>>, vector<16xf32>,
      %get3A_547 = arith.constant 2 : i32
      %get3A_548 = arith.index_cast %get3A_547 : i32 to index
      %get3A_549 = arith.constant 144 : index
      %get3A_550 = tpu.vector_load %arg11[%get3A_548, %get3A_549] {strides = array<i32>} : memref<4x512xf32, #tpu.memory_space<vmem>>, vector<16xf32>,
      %select_n3A_551 = arith.select %eq3A_51, %get3A_546, %get3A_550 : vector<16xi1>, vector<16xf32>
      %swap3A_552 = arith.constant 3 : i32
      %swap3A_553 = arith.index_cast %swap3A_552 : i32 to index
      %swap3A_554 = arith.constant 144 : index
      %swap3A_555 = tpu.vector_load %arg12[%swap3A_553, %swap3A_554] {strides = array<i32>} : memref<77x512xf32, #tpu.memory_space<vmem>>, vector<16xf32>,
      tpu.vector_store %arg12[%swap3A_553, %swap3A_554], %select_n3A_551 {strides = array<i32>} : memref<77x512xf32, #tpu.memory_space<vmem>>, vector<16xf32>,
      %get3A_556 = arith.constant 4 : i32
      %get3A_557 = arith.index_cast %get3A_556 : i32 to index
      %get3A_558 = arith.constant 144 : index
      %get3A_559 = tpu.vector_load %arg12[%get3A_557, %get3A_558] {strides = array<i32>} : memref<77x512xf32, #tpu.memory_space<vmem>>, vector<16xf32>,
      %get3A_560 = arith.constant 3 : i32
      %get3A_561 = arith.index_cast %get3A_560 : i32 to index
      %get3A_562 = arith.constant 144 : index
      %get3A_563 = tpu.vector_load %arg11[%get3A_561, %get3A_562] {strides = array<i32>} : memref<4x512xf32, #tpu.memory_space<vmem>>, vector<16xf32>,
      %select_n3A_564 = arith.select %eq3A_51, %get3A_559, %get3A_563 : vector<16xi1>, vector<16xf32>
      %swap3A_565 = arith.constant 4 : i32
      %swap3A_566 = arith.index_cast %swap3A_565 : i32 to index
      %swap3A_567 = arith.constant 144 : index
      %swap3A_568 = tpu.vector_load %arg12[%swap3A_566, %swap3A_567] {strides = array<i32>} : memref<77x512xf32, #tpu.memory_space<vmem>>, vector<16xf32>,
      tpu.vector_store %arg12[%swap3A_566, %swap3A_567], %select_n3A_564 {strides = array<i32>} : memref<77x512xf32, #tpu.memory_space<vmem>>, vector<16xf32>,
      %get3A_569 = arith.constant 0 : i32
      %get3A_570 = arith.index_cast %get3A_569 : i32 to index
      %get3A_571 = arith.constant 160 : index
      %get3A_572 = tpu.vector_load %arg10[%get3A_570, %get3A_571] {strides = array<i32>} : memref<2x512xf32, #tpu.memory_space<vmem>>, vector<16xf32>,
      %get3A_573 = arith.constant 0 : i32
      %get3A_574 = arith.index_cast %get3A_573 : i32 to index
      %get3A_575 = arith.constant 160 : index
      %get3A_576 = tpu.vector_load %arg11[%get3A_574, %get3A_575] {strides = array<i32>} : memref<4x512xf32, #tpu.memory_space<vmem>>, vector<16xf32>,
      %select_n3A_577 = arith.select %eq3A_51, %get3A_572, %get3A_576 : vector<16xi1>, vector<16xf32>
      %swap3A_578 = arith.constant 1 : i32
      %swap3A_579 = arith.index_cast %swap3A_578 : i32 to index
      %swap3A_580 = arith.constant 160 : index
      %swap3A_581 = tpu.vector_load %arg12[%swap3A_579, %swap3A_580] {strides = array<i32>} : memref<77x512xf32, #tpu.memory_space<vmem>>, vector<16xf32>,
      tpu.vector_store %arg12[%swap3A_579, %swap3A_580], %select_n3A_577 {strides = array<i32>} : memref<77x512xf32, #tpu.memory_space<vmem>>, vector<16xf32>,
      %get3A_582 = arith.constant 1 : i32
      %get3A_583 = arith.index_cast %get3A_582 : i32 to index
      %get3A_584 = arith.constant 160 : index
      %get3A_585 = tpu.vector_load %arg10[%get3A_583, %get3A_584] {strides = array<i32>} : memref<2x512xf32, #tpu.memory_space<vmem>>, vector<16xf32>,
      %get3A_586 = arith.constant 1 : i32
      %get3A_587 = arith.index_cast %get3A_586 : i32 to index
      %get3A_588 = arith.constant 160 : index
      %get3A_589 = tpu.vector_load %arg11[%get3A_587, %get3A_588] {strides = array<i32>} : memref<4x512xf32, #tpu.memory_space<vmem>>, vector<16xf32>,
      %select_n3A_590 = arith.select %eq3A_51, %get3A_585, %get3A_589 : vector<16xi1>, vector<16xf32>
      %swap3A_591 = arith.constant 2 : i32
      %swap3A_592 = arith.index_cast %swap3A_591 : i32 to index
      %swap3A_593 = arith.constant 160 : index
      %swap3A_594 = tpu.vector_load %arg12[%swap3A_592, %swap3A_593] {strides = array<i32>} : memref<77x512xf32, #tpu.memory_space<vmem>>, vector<16xf32>,
      tpu.vector_store %arg12[%swap3A_592, %swap3A_593], %select_n3A_590 {strides = array<i32>} : memref<77x512xf32, #tpu.memory_space<vmem>>, vector<16xf32>,
      %get3A_595 = arith.constant 3 : i32
      %get3A_596 = arith.index_cast %get3A_595 : i32 to index
      %get3A_597 = arith.constant 160 : index
      %get3A_598 = tpu.vector_load %arg12[%get3A_596, %get3A_597] {strides = array<i32>} : memref<77x512xf32, #tpu.memory_space<vmem>>, vector<16xf32>,
      %get3A_599 = arith.constant 2 : i32
      %get3A_600 = arith.index_cast %get3A_599 : i32 to index
      %get3A_601 = arith.constant 160 : index
      %get3A_602 = tpu.vector_load %arg11[%get3A_600, %get3A_601] {strides = array<i32>} : memref<4x512xf32, #tpu.memory_space<vmem>>, vector<16xf32>,
      %select_n3A_603 = arith.select %eq3A_51, %get3A_598, %get3A_602 : vector<16xi1>, vector<16xf32>
      %swap3A_604 = arith.constant 3 : i32
      %swap3A_605 = arith.index_cast %swap3A_604 : i32 to index
      %swap3A_606 = arith.constant 160 : index
      %swap3A_607 = tpu.vector_load %arg12[%swap3A_605, %swap3A_606] {strides = array<i32>} : memref<77x512xf32, #tpu.memory_space<vmem>>, vector<16xf32>,
      tpu.vector_store %arg12[%swap3A_605, %swap3A_606], %select_n3A_603 {strides = array<i32>} : memref<77x512xf32, #tpu.memory_space<vmem>>, vector<16xf32>,
      %get3A_608 = arith.constant 4 : i32
      %get3A_609 = arith.index_cast %get3A_608 : i32 to index
      %get3A_610 = arith.constant 160 : index
      %get3A_611 = tpu.vector_load %arg12[%get3A_609, %get3A_610] {strides = array<i32>} : memref<77x512xf32, #tpu.memory_space<vmem>>, vector<16xf32>,
      %get3A_612 = arith.constant 3 : i32
      %get3A_613 = arith.index_cast %get3A_612 : i32 to index
      %get3A_614 = arith.constant 160 : index
      %get3A_615 = tpu.vector_load %arg11[%get3A_613, %get3A_614] {strides = array<i32>} : memref<4x512xf32, #tpu.memory_space<vmem>>, vector<16xf32>,
      %select_n3A_616 = arith.select %eq3A_51, %get3A_611, %get3A_615 : vector<16xi1>, vector<16xf32>
      %swap3A_617 = arith.constant 4 : i32
      %swap3A_618 = arith.index_cast %swap3A_617 : i32 to index
      %swap3A_619 = arith.constant 160 : index
      %swap3A_620 = tpu.vector_load %arg12[%swap3A_618, %swap3A_619] {strides = array<i32>} : memref<77x512xf32, #tpu.memory_space<vmem>>, vector<16xf32>,
      tpu.vector_store %arg12[%swap3A_618, %swap3A_619], %select_n3A_616 {strides = array<i32>} : memref<77x512xf32, #tpu.memory_space<vmem>>, vector<16xf32>,
      %get3A_621 = arith.constant 0 : i32
      %get3A_622 = arith.index_cast %get3A_621 : i32 to index
      %get3A_623 = arith.constant 176 : index
      %get3A_624 = tpu.vector_load %arg10[%get3A_622, %get3A_623] {strides = array<i32>} : memref<2x512xf32, #tpu.memory_space<vmem>>, vector<16xf32>,
      %get3A_625 = arith.constant 0 : i32
      %get3A_626 = arith.index_cast %get3A_625 : i32 to index
      %get3A_627 = arith.constant 176 : index
      %get3A_628 = tpu.vector_load %arg11[%get3A_626, %get3A_627] {strides = array<i32>} : memref<4x512xf32, #tpu.memory_space<vmem>>, vector<16xf32>,
      %select_n3A_629 = arith.select %eq3A_51, %get3A_624, %get3A_628 : vector<16xi1>, vector<16xf32>
      %swap3A_630 = arith.constant 1 : i32
      %swap3A_631 = arith.index_cast %swap3A_630 : i32 to index
      %swap3A_632 = arith.constant 176 : index
      %swap3A_633 = tpu.vector_load %arg12[%swap3A_631, %swap3A_632] {strides = array<i32>} : memref<77x512xf32, #tpu.memory_space<vmem>>, vector<16xf32>,
      tpu.vector_store %arg12[%swap3A_631, %swap3A_632], %select_n3A_629 {strides = array<i32>} : memref<77x512xf32, #tpu.memory_space<vmem>>, vector<16xf32>,
      %get3A_634 = arith.constant 1 : i32
      %get3A_635 = arith.index_cast %get3A_634 : i32 to index
      %get3A_636 = arith.constant 176 : index
      %get3A_637 = tpu.vector_load %arg10[%get3A_635, %get3A_636] {strides = array<i32>} : memref<2x512xf32, #tpu.memory_space<vmem>>, vector<16xf32>,
      %get3A_638 = arith.constant 1 : i32
      %get3A_639 = arith.index_cast %get3A_638 : i32 to index
      %get3A_640 = arith.constant 176 : index
      %get3A_641 = tpu.vector_load %arg11[%get3A_639, %get3A_640] {strides = array<i32>} : memref<4x512xf32, #tpu.memory_space<vmem>>, vector<16xf32>,
      %select_n3A_642 = arith.select %eq3A_51, %get3A_637, %get3A_641 : vector<16xi1>, vector<16xf32>
      %swap3A_643 = arith.constant 2 : i32
      %swap3A_644 = arith.index_cast %swap3A_643 : i32 to index
      %swap3A_645 = arith.constant 176 : index
      %swap3A_646 = tpu.vector_load %arg12[%swap3A_644, %swap3A_645] {strides = array<i32>} : memref<77x512xf32, #tpu.memory_space<vmem>>, vector<16xf32>,
      tpu.vector_store %arg12[%swap3A_644, %swap3A_645], %select_n3A_642 {strides = array<i32>} : memref<77x512xf32, #tpu.memory_space<vmem>>, vector<16xf32>,
      %get3A_647 = arith.constant 3 : i32
      %get3A_648 = arith.index_cast %get3A_647 : i32 to index
      %get3A_649 = arith.constant 176 : index
      %get3A_650 = tpu.vector_load %arg12[%get3A_648, %get3A_649] {strides = array<i32>} : memref<77x512xf32, #tpu.memory_space<vmem>>, vector<16xf32>,
      %get3A_651 = arith.constant 2 : i32
      %get3A_652 = arith.index_cast %get3A_651 : i32 to index
      %get3A_653 = arith.constant 176 : index
      %get3A_654 = tpu.vector_load %arg11[%get3A_652, %get3A_653] {strides = array<i32>} : memref<4x512xf32, #tpu.memory_space<vmem>>, vector<16xf32>,
      %select_n3A_655 = arith.select %eq3A_51, %get3A_650, %get3A_654 : vector<16xi1>, vector<16xf32>
      %swap3A_656 = arith.constant 3 : i32
      %swap3A_657 = arith.index_cast %swap3A_656 : i32 to index
      %swap3A_658 = arith.constant 176 : index
      %swap3A_659 = tpu.vector_load %arg12[%swap3A_657, %swap3A_658] {strides = array<i32>} : memref<77x512xf32, #tpu.memory_space<vmem>>, vector<16xf32>,
      tpu.vector_store %arg12[%swap3A_657, %swap3A_658], %select_n3A_655 {strides = array<i32>} : memref<77x512xf32, #tpu.memory_space<vmem>>, vector<16xf32>,
      %get3A_660 = arith.constant 4 : i32
      %get3A_661 = arith.index_cast %get3A_660 : i32 to index
      %get3A_662 = arith.constant 176 : index
      %get3A_663 = tpu.vector_load %arg12[%get3A_661, %get3A_662] {strides = array<i32>} : memref<77x512xf32, #tpu.memory_space<vmem>>, vector<16xf32>,
      %get3A_664 = arith.constant 3 : i32
      %get3A_665 = arith.index_cast %get3A_664 : i32 to index
      %get3A_666 = arith.constant 176 : index
      %get3A_667 = tpu.vector_load %arg11[%get3A_665, %get3A_666] {strides = array<i32>} : memref<4x512xf32, #tpu.memory_space<vmem>>, vector<16xf32>,
      %select_n3A_668 = arith.select %eq3A_51, %get3A_663, %get3A_667 : vector<16xi1>, vector<16xf32>
      %swap3A_669 = arith.constant 4 : i32
      %swap3A_670 = arith.index_cast %swap3A_669 : i32 to index
      %swap3A_671 = arith.constant 176 : index
      %swap3A_672 = tpu.vector_load %arg12[%swap3A_670, %swap3A_671] {strides = array<i32>} : memref<77x512xf32, #tpu.memory_space<vmem>>, vector<16xf32>,
      tpu.vector_store %arg12[%swap3A_670, %swap3A_671], %select_n3A_668 {strides = array<i32>} : memref<77x512xf32, #tpu.memory_space<vmem>>, vector<16xf32>,
      %get3A_673 = arith.constant 0 : i32
      %get3A_674 = arith.index_cast %get3A_673 : i32 to index
      %get3A_675 = arith.constant 192 : index
      %get3A_676 = tpu.vector_load %arg10[%get3A_674, %get3A_675] {strides = array<i32>} : memref<2x512xf32, #tpu.memory_space<vmem>>, vector<16xf32>,
      %get3A_677 = arith.constant 0 : i32
      %get3A_678 = arith.index_cast %get3A_677 : i32 to index
      %get3A_679 = arith.constant 192 : index
      %get3A_680 = tpu.vector_load %arg11[%get3A_678, %get3A_679] {strides = array<i32>} : memref<4x512xf32, #tpu.memory_space<vmem>>, vector<16xf32>,
      %select_n3A_681 = arith.select %eq3A_51, %get3A_676, %get3A_680 : vector<16xi1>, vector<16xf32>
      %swap3A_682 = arith.constant 1 : i32
      %swap3A_683 = arith.index_cast %swap3A_682 : i32 to index
      %swap3A_684 = arith.constant 192 : index
      %swap3A_685 = tpu.vector_load %arg12[%swap3A_683, %swap3A_684] {strides = array<i32>} : memref<77x512xf32, #tpu.memory_space<vmem>>, vector<16xf32>,
      tpu.vector_store %arg12[%swap3A_683, %swap3A_684], %select_n3A_681 {strides = array<i32>} : memref<77x512xf32, #tpu.memory_space<vmem>>, vector<16xf32>,
      %get3A_686 = arith.constant 1 : i32
      %get3A_687 = arith.index_cast %get3A_686 : i32 to index
      %get3A_688 = arith.constant 192 : index
      %get3A_689 = tpu.vector_load %arg10[%get3A_687, %get3A_688] {strides = array<i32>} : memref<2x512xf32, #tpu.memory_space<vmem>>, vector<16xf32>,
      %get3A_690 = arith.constant 1 : i32
      %get3A_691 = arith.index_cast %get3A_690 : i32 to index
      %get3A_692 = arith.constant 192 : index
      %get3A_693 = tpu.vector_load %arg11[%get3A_691, %get3A_692] {strides = array<i32>} : memref<4x512xf32, #tpu.memory_space<vmem>>, vector<16xf32>,
      %select_n3A_694 = arith.select %eq3A_51, %get3A_689, %get3A_693 : vector<16xi1>, vector<16xf32>
      %swap3A_695 = arith.constant 2 : i32
      %swap3A_696 = arith.index_cast %swap3A_695 : i32 to index
      %swap3A_697 = arith.constant 192 : index
      %swap3A_698 = tpu.vector_load %arg12[%swap3A_696, %swap3A_697] {strides = array<i32>} : memref<77x512xf32, #tpu.memory_space<vmem>>, vector<16xf32>,
      tpu.vector_store %arg12[%swap3A_696, %swap3A_697], %select_n3A_694 {strides = array<i32>} : memref<77x512xf32, #tpu.memory_space<vmem>>, vector<16xf32>,
      %get3A_699 = arith.constant 3 : i32
      %get3A_700 = arith.index_cast %get3A_699 : i32 to index
      %get3A_701 = arith.constant 192 : index
      %get3A_702 = tpu.vector_load %arg12[%get3A_700, %get3A_701] {strides = array<i32>} : memref<77x512xf32, #tpu.memory_space<vmem>>, vector<16xf32>,
      %get3A_703 = arith.constant 2 : i32
      %get3A_704 = arith.index_cast %get3A_703 : i32 to index
      %get3A_705 = arith.constant 192 : index
      %get3A_706 = tpu.vector_load %arg11[%get3A_704, %get3A_705] {strides = array<i32>} : memref<4x512xf32, #tpu.memory_space<vmem>>, vector<16xf32>,
      %select_n3A_707 = arith.select %eq3A_51, %get3A_702, %get3A_706 : vector<16xi1>, vector<16xf32>
      %swap3A_708 = arith.constant 3 : i32
      %swap3A_709 = arith.index_cast %swap3A_708 : i32 to index
      %swap3A_710 = arith.constant 192 : index
      %swap3A_711 = tpu.vector_load %arg12[%swap3A_709, %swap3A_710] {strides = array<i32>} : memref<77x512xf32, #tpu.memory_space<vmem>>, vector<16xf32>,
      tpu.vector_store %arg12[%swap3A_709, %swap3A_710], %select_n3A_707 {strides = array<i32>} : memref<77x512xf32, #tpu.memory_space<vmem>>, vector<16xf32>,
      %get3A_712 = arith.constant 4 : i32
      %get3A_713 = arith.index_cast %get3A_712 : i32 to index
      %get3A_714 = arith.constant 192 : index
      %get3A_715 = tpu.vector_load %arg12[%get3A_713, %get3A_714] {strides = array<i32>} : memref<77x512xf32, #tpu.memory_space<vmem>>, vector<16xf32>,
      %get3A_716 = arith.constant 3 : i32
      %get3A_717 = arith.index_cast %get3A_716 : i32 to index
      %get3A_718 = arith.constant 192 : index
      %get3A_719 = tpu.vector_load %arg11[%get3A_717, %get3A_718] {strides = array<i32>} : memref<4x512xf32, #tpu.memory_space<vmem>>, vector<16xf32>,
      %select_n3A_720 = arith.select %eq3A_51, %get3A_715, %get3A_719 : vector<16xi1>, vector<16xf32>
      %swap3A_721 = arith.constant 4 : i32
      %swap3A_722 = arith.index_cast %swap3A_721 : i32 to index
      %swap3A_723 = arith.constant 192 : index
      %swap3A_724 = tpu.vector_load %arg12[%swap3A_722, %swap3A_723] {strides = array<i32>} : memref<77x512xf32, #tpu.memory_space<vmem>>, vector<16xf32>,
      tpu.vector_store %arg12[%swap3A_722, %swap3A_723], %select_n3A_720 {strides = array<i32>} : memref<77x512xf32, #tpu.memory_space<vmem>>, vector<16xf32>,
      %get3A_725 = arith.constant 0 : i32
      %get3A_726 = arith.index_cast %get3A_725 : i32 to index
      %get3A_727 = arith.constant 208 : index
      %get3A_728 = tpu.vector_load %arg10[%get3A_726, %get3A_727] {strides = array<i32>} : memref<2x512xf32, #tpu.memory_space<vmem>>, vector<16xf32>,
      %get3A_729 = arith.constant 0 : i32
      %get3A_730 = arith.index_cast %get3A_729 : i32 to index
      %get3A_731 = arith.constant 208 : index
      %get3A_732 = tpu.vector_load %arg11[%get3A_730, %get3A_731] {strides = array<i32>} : memref<4x512xf32, #tpu.memory_space<vmem>>, vector<16xf32>,
      %select_n3A_733 = arith.select %eq3A_51, %get3A_728, %get3A_732 : vector<16xi1>, vector<16xf32>
      %swap3A_734 = arith.constant 1 : i32
      %swap3A_735 = arith.index_cast %swap3A_734 : i32 to index
      %swap3A_736 = arith.constant 208 : index
      %swap3A_737 = tpu.vector_load %arg12[%swap3A_735, %swap3A_736] {strides = array<i32>} : memref<77x512xf32, #tpu.memory_space<vmem>>, vector<16xf32>,
      tpu.vector_store %arg12[%swap3A_735, %swap3A_736], %select_n3A_733 {strides = array<i32>} : memref<77x512xf32, #tpu.memory_space<vmem>>, vector<16xf32>,
      %get3A_738 = arith.constant 1 : i32
      %get3A_739 = arith.index_cast %get3A_738 : i32 to index
      %get3A_740 = arith.constant 208 : index
      %get3A_741 = tpu.vector_load %arg10[%get3A_739, %get3A_740] {strides = array<i32>} : memref<2x512xf32, #tpu.memory_space<vmem>>, vector<16xf32>,
      %get3A_742 = arith.constant 1 : i32
      %get3A_743 = arith.index_cast %get3A_742 : i32 to index
      %get3A_744 = arith.constant 208 : index
      %get3A_745 = tpu.vector_load %arg11[%get3A_743, %get3A_744] {strides = array<i32>} : memref<4x512xf32, #tpu.memory_space<vmem>>, vector<16xf32>,
      %select_n3A_746 = arith.select %eq3A_51, %get3A_741, %get3A_745 : vector<16xi1>, vector<16xf32>
      %swap3A_747 = arith.constant 2 : i32
      %swap3A_748 = arith.index_cast %swap3A_747 : i32 to index
      %swap3A_749 = arith.constant 208 : index
      %swap3A_750 = tpu.vector_load %arg12[%swap3A_748, %swap3A_749] {strides = array<i32>} : memref<77x512xf32, #tpu.memory_space<vmem>>, vector<16xf32>,
      tpu.vector_store %arg12[%swap3A_748, %swap3A_749], %select_n3A_746 {strides = array<i32>} : memref<77x512xf32, #tpu.memory_space<vmem>>, vector<16xf32>,
      %get3A_751 = arith.constant 3 : i32
      %get3A_752 = arith.index_cast %get3A_751 : i32 to index
      %get3A_753 = arith.constant 208 : index
      %get3A_754 = tpu.vector_load %arg12[%get3A_752, %get3A_753] {strides = array<i32>} : memref<77x512xf32, #tpu.memory_space<vmem>>, vector<16xf32>,
      %get3A_755 = arith.constant 2 : i32
      %get3A_756 = arith.index_cast %get3A_755 : i32 to index
      %get3A_757 = arith.constant 208 : index
      %get3A_758 = tpu.vector_load %arg11[%get3A_756, %get3A_757] {strides = array<i32>} : memref<4x512xf32, #tpu.memory_space<vmem>>, vector<16xf32>,
      %select_n3A_759 = arith.select %eq3A_51, %get3A_754, %get3A_758 : vector<16xi1>, vector<16xf32>
      %swap3A_760 = arith.constant 3 : i32
      %swap3A_761 = arith.index_cast %swap3A_760 : i32 to index
      %swap3A_762 = arith.constant 208 : index
      %swap3A_763 = tpu.vector_load %arg12[%swap3A_761, %swap3A_762] {strides = array<i32>} : memref<77x512xf32, #tpu.memory_space<vmem>>, vector<16xf32>,
      tpu.vector_store %arg12[%swap3A_761, %swap3A_762], %select_n3A_759 {strides = array<i32>} : memref<77x512xf32, #tpu.memory_space<vmem>>, vector<16xf32>,
      %get3A_764 = arith.constant 4 : i32
      %get3A_765 = arith.index_cast %get3A_764 : i32 to index
      %get3A_766 = arith.constant 208 : index
      %get3A_767 = tpu.vector_load %arg12[%get3A_765, %get3A_766] {strides = array<i32>} : memref<77x512xf32, #tpu.memory_space<vmem>>, vector<16xf32>,
      %get3A_768 = arith.constant 3 : i32
      %get3A_769 = arith.index_cast %get3A_768 : i32 to index
      %get3A_770 = arith.constant 208 : index
      %get3A_771 = tpu.vector_load %arg11[%get3A_769, %get3A_770] {strides = array<i32>} : memref<4x512xf32, #tpu.memory_space<vmem>>, vector<16xf32>,
      %select_n3A_772 = arith.select %eq3A_51, %get3A_767, %get3A_771 : vector<16xi1>, vector<16xf32>
      %swap3A_773 = arith.constant 4 : i32
      %swap3A_774 = arith.index_cast %swap3A_773 : i32 to index
      %swap3A_775 = arith.constant 208 : index
      %swap3A_776 = tpu.vector_load %arg12[%swap3A_774, %swap3A_775] {strides = array<i32>} : memref<77x512xf32, #tpu.memory_space<vmem>>, vector<16xf32>,
      tpu.vector_store %arg12[%swap3A_774, %swap3A_775], %select_n3A_772 {strides = array<i32>} : memref<77x512xf32, #tpu.memory_space<vmem>>, vector<16xf32>,
      %get3A_777 = arith.constant 0 : i32
      %get3A_778 = arith.index_cast %get3A_777 : i32 to index
      %get3A_779 = arith.constant 224 : index
      %get3A_780 = tpu.vector_load %arg10[%get3A_778, %get3A_779] {strides = array<i32>} : memref<2x512xf32, #tpu.memory_space<vmem>>, vector<16xf32>,
      %get3A_781 = arith.constant 0 : i32
      %get3A_782 = arith.index_cast %get3A_781 : i32 to index
      %get3A_783 = arith.constant 224 : index
      %get3A_784 = tpu.vector_load %arg11[%get3A_782, %get3A_783] {strides = array<i32>} : memref<4x512xf32, #tpu.memory_space<vmem>>, vector<16xf32>,
      %select_n3A_785 = arith.select %eq3A_51, %get3A_780, %get3A_784 : vector<16xi1>, vector<16xf32>
      %swap3A_786 = arith.constant 1 : i32
      %swap3A_787 = arith.index_cast %swap3A_786 : i32 to index
      %swap3A_788 = arith.constant 224 : index
      %swap3A_789 = tpu.vector_load %arg12[%swap3A_787, %swap3A_788] {strides = array<i32>} : memref<77x512xf32, #tpu.memory_space<vmem>>, vector<16xf32>,
      tpu.vector_store %arg12[%swap3A_787, %swap3A_788], %select_n3A_785 {strides = array<i32>} : memref<77x512xf32, #tpu.memory_space<vmem>>, vector<16xf32>,
      %get3A_790 = arith.constant 1 : i32
      %get3A_791 = arith.index_cast %get3A_790 : i32 to index
      %get3A_792 = arith.constant 224 : index
      %get3A_793 = tpu.vector_load %arg10[%get3A_791, %get3A_792] {strides = array<i32>} : memref<2x512xf32, #tpu.memory_space<vmem>>, vector<16xf32>,
      %get3A_794 = arith.constant 1 : i32
      %get3A_795 = arith.index_cast %get3A_794 : i32 to index
      %get3A_796 = arith.constant 224 : index
      %get3A_797 = tpu.vector_load %arg11[%get3A_795, %get3A_796] {strides = array<i32>} : memref<4x512xf32, #tpu.memory_space<vmem>>, vector<16xf32>,
      %select_n3A_798 = arith.select %eq3A_51, %get3A_793, %get3A_797 : vector<16xi1>, vector<16xf32>
      %swap3A_799 = arith.constant 2 : i32
      %swap3A_800 = arith.index_cast %swap3A_799 : i32 to index
      %swap3A_801 = arith.constant 224 : index
      %swap3A_802 = tpu.vector_load %arg12[%swap3A_800, %swap3A_801] {strides = array<i32>} : memref<77x512xf32, #tpu.memory_space<vmem>>, vector<16xf32>,
      tpu.vector_store %arg12[%swap3A_800, %swap3A_801], %select_n3A_798 {strides = array<i32>} : memref<77x512xf32, #tpu.memory_space<vmem>>, vector<16xf32>,
      %get3A_803 = arith.constant 3 : i32
      %get3A_804 = arith.index_cast %get3A_803 : i32 to index
      %get3A_805 = arith.constant 224 : index
      %get3A_806 = tpu.vector_load %arg12[%get3A_804, %get3A_805] {strides = array<i32>} : memref<77x512xf32, #tpu.memory_space<vmem>>, vector<16xf32>,
      %get3A_807 = arith.constant 2 : i32
      %get3A_808 = arith.index_cast %get3A_807 : i32 to index
      %get3A_809 = arith.constant 224 : index
      %get3A_810 = tpu.vector_load %arg11[%get3A_808, %get3A_809] {strides = array<i32>} : memref<4x512xf32, #tpu.memory_space<vmem>>, vector<16xf32>,
      %select_n3A_811 = arith.select %eq3A_51, %get3A_806, %get3A_810 : vector<16xi1>, vector<16xf32>
      %swap3A_812 = arith.constant 3 : i32
      %swap3A_813 = arith.index_cast %swap3A_812 : i32 to index
      %swap3A_814 = arith.constant 224 : index
      %swap3A_815 = tpu.vector_load %arg12[%swap3A_813, %swap3A_814] {strides = array<i32>} : memref<77x512xf32, #tpu.memory_space<vmem>>, vector<16xf32>,
      tpu.vector_store %arg12[%swap3A_813, %swap3A_814], %select_n3A_811 {strides = array<i32>} : memref<77x512xf32, #tpu.memory_space<vmem>>, vector<16xf32>,
      %get3A_816 = arith.constant 4 : i32
      %get3A_817 = arith.index_cast %get3A_816 : i32 to index
      %get3A_818 = arith.constant 224 : index
      %get3A_819 = tpu.vector_load %arg12[%get3A_817, %get3A_818] {strides = array<i32>} : memref<77x512xf32, #tpu.memory_space<vmem>>, vector<16xf32>,
      %get3A_820 = arith.constant 3 : i32
      %get3A_821 = arith.index_cast %get3A_820 : i32 to index
      %get3A_822 = arith.constant 224 : index
      %get3A_823 = tpu.vector_load %arg11[%get3A_821, %get3A_822] {strides = array<i32>} : memref<4x512xf32, #tpu.memory_space<vmem>>, vector<16xf32>,
      %select_n3A_824 = arith.select %eq3A_51, %get3A_819, %get3A_823 : vector<16xi1>, vector<16xf32>
      %swap3A_825 = arith.constant 4 : i32
      %swap3A_826 = arith.index_cast %swap3A_825 : i32 to index
      %swap3A_827 = arith.constant 224 : index
      %swap3A_828 = tpu.vector_load %arg12[%swap3A_826, %swap3A_827] {strides = array<i32>} : memref<77x512xf32, #tpu.memory_space<vmem>>, vector<16xf32>,
      tpu.vector_store %arg12[%swap3A_826, %swap3A_827], %select_n3A_824 {strides = array<i32>} : memref<77x512xf32, #tpu.memory_space<vmem>>, vector<16xf32>,
      %get3A_829 = arith.constant 0 : i32
      %get3A_830 = arith.index_cast %get3A_829 : i32 to index
      %get3A_831 = arith.constant 240 : index
      %get3A_832 = tpu.vector_load %arg10[%get3A_830, %get3A_831] {strides = array<i32>} : memref<2x512xf32, #tpu.memory_space<vmem>>, vector<16xf32>,
      %get3A_833 = arith.constant 0 : i32
      %get3A_834 = arith.index_cast %get3A_833 : i32 to index
      %get3A_835 = arith.constant 240 : index
      %get3A_836 = tpu.vector_load %arg11[%get3A_834, %get3A_835] {strides = array<i32>} : memref<4x512xf32, #tpu.memory_space<vmem>>, vector<16xf32>,
      %select_n3A_837 = arith.select %eq3A_51, %get3A_832, %get3A_836 : vector<16xi1>, vector<16xf32>
      %swap3A_838 = arith.constant 1 : i32
      %swap3A_839 = arith.index_cast %swap3A_838 : i32 to index
      %swap3A_840 = arith.constant 240 : index
      %swap3A_841 = tpu.vector_load %arg12[%swap3A_839, %swap3A_840] {strides = array<i32>} : memref<77x512xf32, #tpu.memory_space<vmem>>, vector<16xf32>,
      tpu.vector_store %arg12[%swap3A_839, %swap3A_840], %select_n3A_837 {strides = array<i32>} : memref<77x512xf32, #tpu.memory_space<vmem>>, vector<16xf32>,
      %get3A_842 = arith.constant 1 : i32
      %get3A_843 = arith.index_cast %get3A_842 : i32 to index
      %get3A_844 = arith.constant 240 : index
      %get3A_845 = tpu.vector_load %arg10[%get3A_843, %get3A_844] {strides = array<i32>} : memref<2x512xf32, #tpu.memory_space<vmem>>, vector<16xf32>,
      %get3A_846 = arith.constant 1 : i32
      %get3A_847 = arith.index_cast %get3A_846 : i32 to index
      %get3A_848 = arith.constant 240 : index
      %get3A_849 = tpu.vector_load %arg11[%get3A_847, %get3A_848] {strides = array<i32>} : memref<4x512xf32, #tpu.memory_space<vmem>>, vector<16xf32>,
      %select_n3A_850 = arith.select %eq3A_51, %get3A_845, %get3A_849 : vector<16xi1>, vector<16xf32>
      %swap3A_851 = arith.constant 2 : i32
      %swap3A_852 = arith.index_cast %swap3A_851 : i32 to index
      %swap3A_853 = arith.constant 240 : index
      %swap3A_854 = tpu.vector_load %arg12[%swap3A_852, %swap3A_853] {strides = array<i32>} : memref<77x512xf32, #tpu.memory_space<vmem>>, vector<16xf32>,
      tpu.vector_store %arg12[%swap3A_852, %swap3A_853], %select_n3A_850 {strides = array<i32>} : memref<77x512xf32, #tpu.memory_space<vmem>>, vector<16xf32>,
      %get3A_855 = arith.constant 3 : i32
      %get3A_856 = arith.index_cast %get3A_855 : i32 to index
      %get3A_857 = arith.constant 240 : index
      %get3A_858 = tpu.vector_load %arg12[%get3A_856, %get3A_857] {strides = array<i32>} : memref<77x512xf32, #tpu.memory_space<vmem>>, vector<16xf32>,
      %get3A_859 = arith.constant 2 : i32
      %get3A_860 = arith.index_cast %get3A_859 : i32 to index
      %get3A_861 = arith.constant 240 : index
      %get3A_862 = tpu.vector_load %arg11[%get3A_860, %get3A_861] {strides = array<i32>} : memref<4x512xf32, #tpu.memory_space<vmem>>, vector<16xf32>,
      %select_n3A_863 = arith.select %eq3A_51, %get3A_858, %get3A_862 : vector<16xi1>, vector<16xf32>
      %swap3A_864 = arith.constant 3 : i32
      %swap3A_865 = arith.index_cast %swap3A_864 : i32 to index
      %swap3A_866 = arith.constant 240 : index
      %swap3A_867 = tpu.vector_load %arg12[%swap3A_865, %swap3A_866] {strides = array<i32>} : memref<77x512xf32, #tpu.memory_space<vmem>>, vector<16xf32>,
      tpu.vector_store %arg12[%swap3A_865, %swap3A_866], %select_n3A_863 {strides = array<i32>} : memref<77x512xf32, #tpu.memory_space<vmem>>, vector<16xf32>,
      %get3A_868 = arith.constant 4 : i32
      %get3A_869 = arith.index_cast %get3A_868 : i32 to index
      %get3A_870 = arith.constant 240 : index
      %get3A_871 = tpu.vector_load %arg12[%get3A_869, %get3A_870] {strides = array<i32>} : memref<77x512xf32, #tpu.memory_space<vmem>>, vector<16xf32>,
      %get3A_872 = arith.constant 3 : i32
      %get3A_873 = arith.index_cast %get3A_872 : i32 to index
      %get3A_874 = arith.constant 240 : index
      %get3A_875 = tpu.vector_load %arg11[%get3A_873, %get3A_874] {strides = array<i32>} : memref<4x512xf32, #tpu.memory_space<vmem>>, vector<16xf32>,
      %select_n3A_876 = arith.select %eq3A_51, %get3A_871, %get3A_875 : vector<16xi1>, vector<16xf32>
      %swap3A_877 = arith.constant 4 : i32
      %swap3A_878 = arith.index_cast %swap3A_877 : i32 to index
      %swap3A_879 = arith.constant 240 : index
      %swap3A_880 = tpu.vector_load %arg12[%swap3A_878, %swap3A_879] {strides = array<i32>} : memref<77x512xf32, #tpu.memory_space<vmem>>, vector<16xf32>,
      tpu.vector_store %arg12[%swap3A_878, %swap3A_879], %select_n3A_876 {strides = array<i32>} : memref<77x512xf32, #tpu.memory_space<vmem>>, vector<16xf32>,
      %get3A_881 = arith.constant 0 : i32
      %get3A_882 = arith.index_cast %get3A_881 : i32 to index
      %get3A_883 = arith.constant 256 : index
      %get3A_884 = tpu.vector_load %arg10[%get3A_882, %get3A_883] {strides = array<i32>} : memref<2x512xf32, #tpu.memory_space<vmem>>, vector<16xf32>,
      %get3A_885 = arith.constant 0 : i32
      %get3A_886 = arith.index_cast %get3A_885 : i32 to index
      %get3A_887 = arith.constant 256 : index
      %get3A_888 = tpu.vector_load %arg11[%get3A_886, %get3A_887] {strides = array<i32>} : memref<4x512xf32, #tpu.memory_space<vmem>>, vector<16xf32>,
      %select_n3A_889 = arith.select %eq3A_51, %get3A_884, %get3A_888 : vector<16xi1>, vector<16xf32>
      %swap3A_890 = arith.constant 1 : i32
      %swap3A_891 = arith.index_cast %swap3A_890 : i32 to index
      %swap3A_892 = arith.constant 256 : index
      %swap3A_893 = tpu.vector_load %arg12[%swap3A_891, %swap3A_892] {strides = array<i32>} : memref<77x512xf32, #tpu.memory_space<vmem>>, vector<16xf32>,
      tpu.vector_store %arg12[%swap3A_891, %swap3A_892], %select_n3A_889 {strides = array<i32>} : memref<77x512xf32, #tpu.memory_space<vmem>>, vector<16xf32>,
      %get3A_894 = arith.constant 1 : i32
      %get3A_895 = arith.index_cast %get3A_894 : i32 to index
      %get3A_896 = arith.constant 256 : index
      %get3A_897 = tpu.vector_load %arg10[%get3A_895, %get3A_896] {strides = array<i32>} : memref<2x512xf32, #tpu.memory_space<vmem>>, vector<16xf32>,
      %get3A_898 = arith.constant 1 : i32
      %get3A_899 = arith.index_cast %get3A_898 : i32 to index
      %get3A_900 = arith.constant 256 : index
      %get3A_901 = tpu.vector_load %arg11[%get3A_899, %get3A_900] {strides = array<i32>} : memref<4x512xf32, #tpu.memory_space<vmem>>, vector<16xf32>,
      %select_n3A_902 = arith.select %eq3A_51, %get3A_897, %get3A_901 : vector<16xi1>, vector<16xf32>
      %swap3A_903 = arith.constant 2 : i32
      %swap3A_904 = arith.index_cast %swap3A_903 : i32 to index
      %swap3A_905 = arith.constant 256 : index
      %swap3A_906 = tpu.vector_load %arg12[%swap3A_904, %swap3A_905] {strides = array<i32>} : memref<77x512xf32, #tpu.memory_space<vmem>>, vector<16xf32>,
      tpu.vector_store %arg12[%swap3A_904, %swap3A_905], %select_n3A_902 {strides = array<i32>} : memref<77x512xf32, #tpu.memory_space<vmem>>, vector<16xf32>,
      %get3A_907 = arith.constant 3 : i32
      %get3A_908 = arith.index_cast %get3A_907 : i32 to index
      %get3A_909 = arith.constant 256 : index
      %get3A_910 = tpu.vector_load %arg12[%get3A_908, %get3A_909] {strides = array<i32>} : memref<77x512xf32, #tpu.memory_space<vmem>>, vector<16xf32>,
      %get3A_911 = arith.constant 2 : i32
      %get3A_912 = arith.index_cast %get3A_911 : i32 to index
      %get3A_913 = arith.constant 256 : index
      %get3A_914 = tpu.vector_load %arg11[%get3A_912, %get3A_913] {strides = array<i32>} : memref<4x512xf32, #tpu.memory_space<vmem>>, vector<16xf32>,
      %select_n3A_915 = arith.select %eq3A_51, %get3A_910, %get3A_914 : vector<16xi1>, vector<16xf32>
      %swap3A_916 = arith.constant 3 : i32
      %swap3A_917 = arith.index_cast %swap3A_916 : i32 to index
      %swap3A_918 = arith.constant 256 : index
      %swap3A_919 = tpu.vector_load %arg12[%swap3A_917, %swap3A_918] {strides = array<i32>} : memref<77x512xf32, #tpu.memory_space<vmem>>, vector<16xf32>,
      tpu.vector_store %arg12[%swap3A_917, %swap3A_918], %select_n3A_915 {strides = array<i32>} : memref<77x512xf32, #tpu.memory_space<vmem>>, vector<16xf32>,
      %get3A_920 = arith.constant 4 : i32
      %get3A_921 = arith.index_cast %get3A_920 : i32 to index
      %get3A_922 = arith.constant 256 : index
      %get3A_923 = tpu.vector_load %arg12[%get3A_921, %get3A_922] {strides = array<i32>} : memref<77x512xf32, #tpu.memory_space<vmem>>, vector<16xf32>,
      %get3A_924 = arith.constant 3 : i32
      %get3A_925 = arith.index_cast %get3A_924 : i32 to index
      %get3A_926 = arith.constant 256 : index
      %get3A_927 = tpu.vector_load %arg11[%get3A_925, %get3A_926] {strides = array<i32>} : memref<4x512xf32, #tpu.memory_space<vmem>>, vector<16xf32>,
      %select_n3A_928 = arith.select %eq3A_51, %get3A_923, %get3A_927 : vector<16xi1>, vector<16xf32>
      %swap3A_929 = arith.constant 4 : i32
      %swap3A_930 = arith.index_cast %swap3A_929 : i32 to index
      %swap3A_931 = arith.constant 256 : index
      %swap3A_932 = tpu.vector_load %arg12[%swap3A_930, %swap3A_931] {strides = array<i32>} : memref<77x512xf32, #tpu.memory_space<vmem>>, vector<16xf32>,
      tpu.vector_store %arg12[%swap3A_930, %swap3A_931], %select_n3A_928 {strides = array<i32>} : memref<77x512xf32, #tpu.memory_space<vmem>>, vector<16xf32>,
      %get3A_933 = arith.constant 0 : i32
      %get3A_934 = arith.index_cast %get3A_933 : i32 to index
      %get3A_935 = arith.constant 272 : index
      %get3A_936 = tpu.vector_load %arg10[%get3A_934, %get3A_935] {strides = array<i32>} : memref<2x512xf32, #tpu.memory_space<vmem>>, vector<16xf32>,
      %get3A_937 = arith.constant 0 : i32
      %get3A_938 = arith.index_cast %get3A_937 : i32 to index
      %get3A_939 = arith.constant 272 : index
      %get3A_940 = tpu.vector_load %arg11[%get3A_938, %get3A_939] {strides = array<i32>} : memref<4x512xf32, #tpu.memory_space<vmem>>, vector<16xf32>,
      %select_n3A_941 = arith.select %eq3A_51, %get3A_936, %get3A_940 : vector<16xi1>, vector<16xf32>
      %swap3A_942 = arith.constant 1 : i32
      %swap3A_943 = arith.index_cast %swap3A_942 : i32 to index
      %swap3A_944 = arith.constant 272 : index
      %swap3A_945 = tpu.vector_load %arg12[%swap3A_943, %swap3A_944] {strides = array<i32>} : memref<77x512xf32, #tpu.memory_space<vmem>>, vector<16xf32>,
      tpu.vector_store %arg12[%swap3A_943, %swap3A_944], %select_n3A_941 {strides = array<i32>} : memref<77x512xf32, #tpu.memory_space<vmem>>, vector<16xf32>,
      %get3A_946 = arith.constant 1 : i32
      %get3A_947 = arith.index_cast %get3A_946 : i32 to index
      %get3A_948 = arith.constant 272 : index
      %get3A_949 = tpu.vector_load %arg10[%get3A_947, %get3A_948] {strides = array<i32>} : memref<2x512xf32, #tpu.memory_space<vmem>>, vector<16xf32>,
      %get3A_950 = arith.constant 1 : i32
      %get3A_951 = arith.index_cast %get3A_950 : i32 to index
      %get3A_952 = arith.constant 272 : index
      %get3A_953 = tpu.vector_load %arg11[%get3A_951, %get3A_952] {strides = array<i32>} : memref<4x512xf32, #tpu.memory_space<vmem>>, vector<16xf32>,
      %select_n3A_954 = arith.select %eq3A_51, %get3A_949, %get3A_953 : vector<16xi1>, vector<16xf32>
      %swap3A_955 = arith.constant 2 : i32
      %swap3A_956 = arith.index_cast %swap3A_955 : i32 to index
      %swap3A_957 = arith.constant 272 : index
      %swap3A_958 = tpu.vector_load %arg12[%swap3A_956, %swap3A_957] {strides = array<i32>} : memref<77x512xf32, #tpu.memory_space<vmem>>, vector<16xf32>,
      tpu.vector_store %arg12[%swap3A_956, %swap3A_957], %select_n3A_954 {strides = array<i32>} : memref<77x512xf32, #tpu.memory_space<vmem>>, vector<16xf32>,
      %get3A_959 = arith.constant 3 : i32
      %get3A_960 = arith.index_cast %get3A_959 : i32 to index
      %get3A_961 = arith.constant 272 : index
      %get3A_962 = tpu.vector_load %arg12[%get3A_960, %get3A_961] {strides = array<i32>} : memref<77x512xf32, #tpu.memory_space<vmem>>, vector<16xf32>,
      %get3A_963 = arith.constant 2 : i32
      %get3A_964 = arith.index_cast %get3A_963 : i32 to index
      %get3A_965 = arith.constant 272 : index
      %get3A_966 = tpu.vector_load %arg11[%get3A_964, %get3A_965] {strides = array<i32>} : memref<4x512xf32, #tpu.memory_space<vmem>>, vector<16xf32>,
      %select_n3A_967 = arith.select %eq3A_51, %get3A_962, %get3A_966 : vector<16xi1>, vector<16xf32>
      %swap3A_968 = arith.constant 3 : i32
      %swap3A_969 = arith.index_cast %swap3A_968 : i32 to index
      %swap3A_970 = arith.constant 272 : index
      %swap3A_971 = tpu.vector_load %arg12[%swap3A_969, %swap3A_970] {strides = array<i32>} : memref<77x512xf32, #tpu.memory_space<vmem>>, vector<16xf32>,
      tpu.vector_store %arg12[%swap3A_969, %swap3A_970], %select_n3A_967 {strides = array<i32>} : memref<77x512xf32, #tpu.memory_space<vmem>>, vector<16xf32>,
      %get3A_972 = arith.constant 4 : i32
      %get3A_973 = arith.index_cast %get3A_972 : i32 to index
      %get3A_974 = arith.constant 272 : index
      %get3A_975 = tpu.vector_load %arg12[%get3A_973, %get3A_974] {strides = array<i32>} : memref<77x512xf32, #tpu.memory_space<vmem>>, vector<16xf32>,
      %get3A_976 = arith.constant 3 : i32
      %get3A_977 = arith.index_cast %get3A_976 : i32 to index
      %get3A_978 = arith.constant 272 : index
      %get3A_979 = tpu.vector_load %arg11[%get3A_977, %get3A_978] {strides = array<i32>} : memref<4x512xf32, #tpu.memory_space<vmem>>, vector<16xf32>,
      %select_n3A_980 = arith.select %eq3A_51, %get3A_975, %get3A_979 : vector<16xi1>, vector<16xf32>
      %swap3A_981 = arith.constant 4 : i32
      %swap3A_982 = arith.index_cast %swap3A_981 : i32 to index
      %swap3A_983 = arith.constant 272 : index
      %swap3A_984 = tpu.vector_load %arg12[%swap3A_982, %swap3A_983] {strides = array<i32>} : memref<77x512xf32, #tpu.memory_space<vmem>>, vector<16xf32>,
      tpu.vector_store %arg12[%swap3A_982, %swap3A_983], %select_n3A_980 {strides = array<i32>} : memref<77x512xf32, #tpu.memory_space<vmem>>, vector<16xf32>,
      %get3A_985 = arith.constant 0 : i32
      %get3A_986 = arith.index_cast %get3A_985 : i32 to index
      %get3A_987 = arith.constant 288 : index
      %get3A_988 = tpu.vector_load %arg10[%get3A_986, %get3A_987] {strides = array<i32>} : memref<2x512xf32, #tpu.memory_space<vmem>>, vector<16xf32>,
      %get3A_989 = arith.constant 0 : i32
      %get3A_990 = arith.index_cast %get3A_989 : i32 to index
      %get3A_991 = arith.constant 288 : index
      %get3A_992 = tpu.vector_load %arg11[%get3A_990, %get3A_991] {strides = array<i32>} : memref<4x512xf32, #tpu.memory_space<vmem>>, vector<16xf32>,
      %select_n3A_993 = arith.select %eq3A_51, %get3A_988, %get3A_992 : vector<16xi1>, vector<16xf32>
      %swap3A_994 = arith.constant 1 : i32
      %swap3A_995 = arith.index_cast %swap3A_994 : i32 to index
      %swap3A_996 = arith.constant 288 : index
      %swap3A_997 = tpu.vector_load %arg12[%swap3A_995, %swap3A_996] {strides = array<i32>} : memref<77x512xf32, #tpu.memory_space<vmem>>, vector<16xf32>,
      tpu.vector_store %arg12[%swap3A_995, %swap3A_996], %select_n3A_993 {strides = array<i32>} : memref<77x512xf32, #tpu.memory_space<vmem>>, vector<16xf32>,
      %get3A_998 = arith.constant 1 : i32
      %get3A_999 = arith.index_cast %get3A_998 : i32 to index
      %get3A_1000 = arith.constant 288 : index
      %get3A_1001 = tpu.vector_load %arg10[%get3A_999, %get3A_1000] {strides = array<i32>} : memref<2x512xf32, #tpu.memory_space<vmem>>, vector<16xf32>,
      %get3A_1002 = arith.constant 1 : i32
      %get3A_1003 = arith.index_cast %get3A_1002 : i32 to index
      %get3A_1004 = arith.constant 288 : index
      %get3A_1005 = tpu.vector_load %arg11[%get3A_1003, %get3A_1004] {strides = array<i32>} : memref<4x512xf32, #tpu.memory_space<vmem>>, vector<16xf32>,
      %select_n3A_1006 = arith.select %eq3A_51, %get3A_1001, %get3A_1005 : vector<16xi1>, vector<16xf32>
      %swap3A_1007 = arith.constant 2 : i32
      %swap3A_1008 = arith.index_cast %swap3A_1007 : i32 to index
      %swap3A_1009 = arith.constant 288 : index
      %swap3A_1010 = tpu.vector_load %arg12[%swap3A_1008, %swap3A_1009] {strides = array<i32>} : memref<77x512xf32, #tpu.memory_space<vmem>>, vector<16xf32>,
      tpu.vector_store %arg12[%swap3A_1008, %swap3A_1009], %select_n3A_1006 {strides = array<i32>} : memref<77x512xf32, #tpu.memory_space<vmem>>, vector<16xf32>,
      %get3A_1011 = arith.constant 3 : i32
      %get3A_1012 = arith.index_cast %get3A_1011 : i32 to index
      %get3A_1013 = arith.constant 288 : index
      %get3A_1014 = tpu.vector_load %arg12[%get3A_1012, %get3A_1013] {strides = array<i32>} : memref<77x512xf32, #tpu.memory_space<vmem>>, vector<16xf32>,
      %get3A_1015 = arith.constant 2 : i32
      %get3A_1016 = arith.index_cast %get3A_1015 : i32 to index
      %get3A_1017 = arith.constant 288 : index
      %get3A_1018 = tpu.vector_load %arg11[%get3A_1016, %get3A_1017] {strides = array<i32>} : memref<4x512xf32, #tpu.memory_space<vmem>>, vector<16xf32>,
      %select_n3A_1019 = arith.select %eq3A_51, %get3A_1014, %get3A_1018 : vector<16xi1>, vector<16xf32>
      %swap3A_1020 = arith.constant 3 : i32
      %swap3A_1021 = arith.index_cast %swap3A_1020 : i32 to index
      %swap3A_1022 = arith.constant 288 : index
      %swap3A_1023 = tpu.vector_load %arg12[%swap3A_1021, %swap3A_1022] {strides = array<i32>} : memref<77x512xf32, #tpu.memory_space<vmem>>, vector<16xf32>,
      tpu.vector_store %arg12[%swap3A_1021, %swap3A_1022], %select_n3A_1019 {strides = array<i32>} : memref<77x512xf32, #tpu.memory_space<vmem>>, vector<16xf32>,
      %get3A_1024 = arith.constant 4 : i32
      %get3A_1025 = arith.index_cast %get3A_1024 : i32 to index
      %get3A_1026 = arith.constant 288 : index
      %get3A_1027 = tpu.vector_load %arg12[%get3A_1025, %get3A_1026] {strides = array<i32>} : memref<77x512xf32, #tpu.memory_space<vmem>>, vector<16xf32>,
      %get3A_1028 = arith.constant 3 : i32
      %get3A_1029 = arith.index_cast %get3A_1028 : i32 to index
      %get3A_1030 = arith.constant 288 : index
      %get3A_1031 = tpu.vector_load %arg11[%get3A_1029, %get3A_1030] {strides = array<i32>} : memref<4x512xf32, #tpu.memory_space<vmem>>, vector<16xf32>,
      %select_n3A_1032 = arith.select %eq3A_51, %get3A_1027, %get3A_1031 : vector<16xi1>, vector<16xf32>
      %swap3A_1033 = arith.constant 4 : i32
      %swap3A_1034 = arith.index_cast %swap3A_1033 : i32 to index
      %swap3A_1035 = arith.constant 288 : index
      %swap3A_1036 = tpu.vector_load %arg12[%swap3A_1034, %swap3A_1035] {strides = array<i32>} : memref<77x512xf32, #tpu.memory_space<vmem>>, vector<16xf32>,
      tpu.vector_store %arg12[%swap3A_1034, %swap3A_1035], %select_n3A_1032 {strides = array<i32>} : memref<77x512xf32, #tpu.memory_space<vmem>>, vector<16xf32>,
      %get3A_1037 = arith.constant 0 : i32
      %get3A_1038 = arith.index_cast %get3A_1037 : i32 to index
      %get3A_1039 = arith.constant 304 : index
      %get3A_1040 = tpu.vector_load %arg10[%get3A_1038, %get3A_1039] {strides = array<i32>} : memref<2x512xf32, #tpu.memory_space<vmem>>, vector<16xf32>,
      %get3A_1041 = arith.constant 0 : i32
      %get3A_1042 = arith.index_cast %get3A_1041 : i32 to index
      %get3A_1043 = arith.constant 304 : index
      %get3A_1044 = tpu.vector_load %arg11[%get3A_1042, %get3A_1043] {strides = array<i32>} : memref<4x512xf32, #tpu.memory_space<vmem>>, vector<16xf32>,
      %select_n3A_1045 = arith.select %eq3A_51, %get3A_1040, %get3A_1044 : vector<16xi1>, vector<16xf32>
      %swap3A_1046 = arith.constant 1 : i32
      %swap3A_1047 = arith.index_cast %swap3A_1046 : i32 to index
      %swap3A_1048 = arith.constant 304 : index
      %swap3A_1049 = tpu.vector_load %arg12[%swap3A_1047, %swap3A_1048] {strides = array<i32>} : memref<77x512xf32, #tpu.memory_space<vmem>>, vector<16xf32>,
      tpu.vector_store %arg12[%swap3A_1047, %swap3A_1048], %select_n3A_1045 {strides = array<i32>} : memref<77x512xf32, #tpu.memory_space<vmem>>, vector<16xf32>,
      %get3A_1050 = arith.constant 1 : i32
      %get3A_1051 = arith.index_cast %get3A_1050 : i32 to index
      %get3A_1052 = arith.constant 304 : index
      %get3A_1053 = tpu.vector_load %arg10[%get3A_1051, %get3A_1052] {strides = array<i32>} : memref<2x512xf32, #tpu.memory_space<vmem>>, vector<16xf32>,
      %get3A_1054 = arith.constant 1 : i32
      %get3A_1055 = arith.index_cast %get3A_1054 : i32 to index
      %get3A_1056 = arith.constant 304 : index
      %get3A_1057 = tpu.vector_load %arg11[%get3A_1055, %get3A_1056] {strides = array<i32>} : memref<4x512xf32, #tpu.memory_space<vmem>>, vector<16xf32>,
      %select_n3A_1058 = arith.select %eq3A_51, %get3A_1053, %get3A_1057 : vector<16xi1>, vector<16xf32>
      %swap3A_1059 = arith.constant 2 : i32
      %swap3A_1060 = arith.index_cast %swap3A_1059 : i32 to index
      %swap3A_1061 = arith.constant 304 : index
      %swap3A_1062 = tpu.vector_load %arg12[%swap3A_1060, %swap3A_1061] {strides = array<i32>} : memref<77x512xf32, #tpu.memory_space<vmem>>, vector<16xf32>,
      tpu.vector_store %arg12[%swap3A_1060, %swap3A_1061], %select_n3A_1058 {strides = array<i32>} : memref<77x512xf32, #tpu.memory_space<vmem>>, vector<16xf32>,
      %get3A_1063 = arith.constant 3 : i32
      %get3A_1064 = arith.index_cast %get3A_1063 : i32 to index
      %get3A_1065 = arith.constant 304 : index
      %get3A_1066 = tpu.vector_load %arg12[%get3A_1064, %get3A_1065] {strides = array<i32>} : memref<77x512xf32, #tpu.memory_space<vmem>>, vector<16xf32>,
      %get3A_1067 = arith.constant 2 : i32
      %get3A_1068 = arith.index_cast %get3A_1067 : i32 to index
      %get3A_1069 = arith.constant 304 : index
      %get3A_1070 = tpu.vector_load %arg11[%get3A_1068, %get3A_1069] {strides = array<i32>} : memref<4x512xf32, #tpu.memory_space<vmem>>, vector<16xf32>,
      %select_n3A_1071 = arith.select %eq3A_51, %get3A_1066, %get3A_1070 : vector<16xi1>, vector<16xf32>
      %swap3A_1072 = arith.constant 3 : i32
      %swap3A_1073 = arith.index_cast %swap3A_1072 : i32 to index
      %swap3A_1074 = arith.constant 304 : index
      %swap3A_1075 = tpu.vector_load %arg12[%swap3A_1073, %swap3A_1074] {strides = array<i32>} : memref<77x512xf32, #tpu.memory_space<vmem>>, vector<16xf32>,
      tpu.vector_store %arg12[%swap3A_1073, %swap3A_1074], %select_n3A_1071 {strides = array<i32>} : memref<77x512xf32, #tpu.memory_space<vmem>>, vector<16xf32>,
      %get3A_1076 = arith.constant 4 : i32
      %get3A_1077 = arith.index_cast %get3A_1076 : i32 to index
      %get3A_1078 = arith.constant 304 : index
      %get3A_1079 = tpu.vector_load %arg12[%get3A_1077, %get3A_1078] {strides = array<i32>} : memref<77x512xf32, #tpu.memory_space<vmem>>, vector<16xf32>,
      %get3A_1080 = arith.constant 3 : i32
      %get3A_1081 = arith.index_cast %get3A_1080 : i32 to index
      %get3A_1082 = arith.constant 304 : index
      %get3A_1083 = tpu.vector_load %arg11[%get3A_1081, %get3A_1082] {strides = array<i32>} : memref<4x512xf32, #tpu.memory_space<vmem>>, vector<16xf32>,
      %select_n3A_1084 = arith.select %eq3A_51, %get3A_1079, %get3A_1083 : vector<16xi1>, vector<16xf32>
      %swap3A_1085 = arith.constant 4 : i32
      %swap3A_1086 = arith.index_cast %swap3A_1085 : i32 to index
      %swap3A_1087 = arith.constant 304 : index
      %swap3A_1088 = tpu.vector_load %arg12[%swap3A_1086, %swap3A_1087] {strides = array<i32>} : memref<77x512xf32, #tpu.memory_space<vmem>>, vector<16xf32>,
      tpu.vector_store %arg12[%swap3A_1086, %swap3A_1087], %select_n3A_1084 {strides = array<i32>} : memref<77x512xf32, #tpu.memory_space<vmem>>, vector<16xf32>,
      %get3A_1089 = arith.constant 0 : i32
      %get3A_1090 = arith.index_cast %get3A_1089 : i32 to index
      %get3A_1091 = arith.constant 320 : index
      %get3A_1092 = tpu.vector_load %arg10[%get3A_1090, %get3A_1091] {strides = array<i32>} : memref<2x512xf32, #tpu.memory_space<vmem>>, vector<16xf32>,
      %get3A_1093 = arith.constant 0 : i32
      %get3A_1094 = arith.index_cast %get3A_1093 : i32 to index
      %get3A_1095 = arith.constant 320 : index
      %get3A_1096 = tpu.vector_load %arg11[%get3A_1094, %get3A_1095] {strides = array<i32>} : memref<4x512xf32, #tpu.memory_space<vmem>>, vector<16xf32>,
      %select_n3A_1097 = arith.select %eq3A_51, %get3A_1092, %get3A_1096 : vector<16xi1>, vector<16xf32>
      %swap3A_1098 = arith.constant 1 : i32
      %swap3A_1099 = arith.index_cast %swap3A_1098 : i32 to index
      %swap3A_1100 = arith.constant 320 : index
      %swap3A_1101 = tpu.vector_load %arg12[%swap3A_1099, %swap3A_1100] {strides = array<i32>} : memref<77x512xf32, #tpu.memory_space<vmem>>, vector<16xf32>,
      tpu.vector_store %arg12[%swap3A_1099, %swap3A_1100], %select_n3A_1097 {strides = array<i32>} : memref<77x512xf32, #tpu.memory_space<vmem>>, vector<16xf32>,
      %get3A_1102 = arith.constant 1 : i32
      %get3A_1103 = arith.index_cast %get3A_1102 : i32 to index
      %get3A_1104 = arith.constant 320 : index
      %get3A_1105 = tpu.vector_load %arg10[%get3A_1103, %get3A_1104] {strides = array<i32>} : memref<2x512xf32, #tpu.memory_space<vmem>>, vector<16xf32>,
      %get3A_1106 = arith.constant 1 : i32
      %get3A_1107 = arith.index_cast %get3A_1106 : i32 to index
      %get3A_1108 = arith.constant 320 : index
      %get3A_1109 = tpu.vector_load %arg11[%get3A_1107, %get3A_1108] {strides = array<i32>} : memref<4x512xf32, #tpu.memory_space<vmem>>, vector<16xf32>,
      %select_n3A_1110 = arith.select %eq3A_51, %get3A_1105, %get3A_1109 : vector<16xi1>, vector<16xf32>
      %swap3A_1111 = arith.constant 2 : i32
      %swap3A_1112 = arith.index_cast %swap3A_1111 : i32 to index
      %swap3A_1113 = arith.constant 320 : index
      %swap3A_1114 = tpu.vector_load %arg12[%swap3A_1112, %swap3A_1113] {strides = array<i32>} : memref<77x512xf32, #tpu.memory_space<vmem>>, vector<16xf32>,
      tpu.vector_store %arg12[%swap3A_1112, %swap3A_1113], %select_n3A_1110 {strides = array<i32>} : memref<77x512xf32, #tpu.memory_space<vmem>>, vector<16xf32>,
      %get3A_1115 = arith.constant 3 : i32
      %get3A_1116 = arith.index_cast %get3A_1115 : i32 to index
      %get3A_1117 = arith.constant 320 : index
      %get3A_1118 = tpu.vector_load %arg12[%get3A_1116, %get3A_1117] {strides = array<i32>} : memref<77x512xf32, #tpu.memory_space<vmem>>, vector<16xf32>,
      %get3A_1119 = arith.constant 2 : i32
      %get3A_1120 = arith.index_cast %get3A_1119 : i32 to index
      %get3A_1121 = arith.constant 320 : index
      %get3A_1122 = tpu.vector_load %arg11[%get3A_1120, %get3A_1121] {strides = array<i32>} : memref<4x512xf32, #tpu.memory_space<vmem>>, vector<16xf32>,
      %select_n3A_1123 = arith.select %eq3A_51, %get3A_1118, %get3A_1122 : vector<16xi1>, vector<16xf32>
      %swap3A_1124 = arith.constant 3 : i32
      %swap3A_1125 = arith.index_cast %swap3A_1124 : i32 to index
      %swap3A_1126 = arith.constant 320 : index
      %swap3A_1127 = tpu.vector_load %arg12[%swap3A_1125, %swap3A_1126] {strides = array<i32>} : memref<77x512xf32, #tpu.memory_space<vmem>>, vector<16xf32>,
      tpu.vector_store %arg12[%swap3A_1125, %swap3A_1126], %select_n3A_1123 {strides = array<i32>} : memref<77x512xf32, #tpu.memory_space<vmem>>, vector<16xf32>,
      %get3A_1128 = arith.constant 4 : i32
      %get3A_1129 = arith.index_cast %get3A_1128 : i32 to index
      %get3A_1130 = arith.constant 320 : index
      %get3A_1131 = tpu.vector_load %arg12[%get3A_1129, %get3A_1130] {strides = array<i32>} : memref<77x512xf32, #tpu.memory_space<vmem>>, vector<16xf32>,
      %get3A_1132 = arith.constant 3 : i32
      %get3A_1133 = arith.index_cast %get3A_1132 : i32 to index
      %get3A_1134 = arith.constant 320 : index
      %get3A_1135 = tpu.vector_load %arg11[%get3A_1133, %get3A_1134] {strides = array<i32>} : memref<4x512xf32, #tpu.memory_space<vmem>>, vector<16xf32>,
      %select_n3A_1136 = arith.select %eq3A_51, %get3A_1131, %get3A_1135 : vector<16xi1>, vector<16xf32>
      %swap3A_1137 = arith.constant 4 : i32
      %swap3A_1138 = arith.index_cast %swap3A_1137 : i32 to index
      %swap3A_1139 = arith.constant 320 : index
      %swap3A_1140 = tpu.vector_load %arg12[%swap3A_1138, %swap3A_1139] {strides = array<i32>} : memref<77x512xf32, #tpu.memory_space<vmem>>, vector<16xf32>,
      tpu.vector_store %arg12[%swap3A_1138, %swap3A_1139], %select_n3A_1136 {strides = array<i32>} : memref<77x512xf32, #tpu.memory_space<vmem>>, vector<16xf32>,
      %get3A_1141 = arith.constant 0 : i32
      %get3A_1142 = arith.index_cast %get3A_1141 : i32 to index
      %get3A_1143 = arith.constant 336 : index
      %get3A_1144 = tpu.vector_load %arg10[%get3A_1142, %get3A_1143] {strides = array<i32>} : memref<2x512xf32, #tpu.memory_space<vmem>>, vector<16xf32>,
      %get3A_1145 = arith.constant 0 : i32
      %get3A_1146 = arith.index_cast %get3A_1145 : i32 to index
      %get3A_1147 = arith.constant 336 : index
      %get3A_1148 = tpu.vector_load %arg11[%get3A_1146, %get3A_1147] {strides = array<i32>} : memref<4x512xf32, #tpu.memory_space<vmem>>, vector<16xf32>,
      %select_n3A_1149 = arith.select %eq3A_51, %get3A_1144, %get3A_1148 : vector<16xi1>, vector<16xf32>
      %swap3A_1150 = arith.constant 1 : i32
      %swap3A_1151 = arith.index_cast %swap3A_1150 : i32 to index
      %swap3A_1152 = arith.constant 336 : index
      %swap3A_1153 = tpu.vector_load %arg12[%swap3A_1151, %swap3A_1152] {strides = array<i32>} : memref<77x512xf32, #tpu.memory_space<vmem>>, vector<16xf32>,
      tpu.vector_store %arg12[%swap3A_1151, %swap3A_1152], %select_n3A_1149 {strides = array<i32>} : memref<77x512xf32, #tpu.memory_space<vmem>>, vector<16xf32>,
      %get3A_1154 = arith.constant 1 : i32
      %get3A_1155 = arith.index_cast %get3A_1154 : i32 to index
      %get3A_1156 = arith.constant 336 : index
      %get3A_1157 = tpu.vector_load %arg10[%get3A_1155, %get3A_1156] {strides = array<i32>} : memref<2x512xf32, #tpu.memory_space<vmem>>, vector<16xf32>,
      %get3A_1158 = arith.constant 1 : i32
      %get3A_1159 = arith.index_cast %get3A_1158 : i32 to index
      %get3A_1160 = arith.constant 336 : index
      %get3A_1161 = tpu.vector_load %arg11[%get3A_1159, %get3A_1160] {strides = array<i32>} : memref<4x512xf32, #tpu.memory_space<vmem>>, vector<16xf32>,
      %select_n3A_1162 = arith.select %eq3A_51, %get3A_1157, %get3A_1161 : vector<16xi1>, vector<16xf32>
      %swap3A_1163 = arith.constant 2 : i32
      %swap3A_1164 = arith.index_cast %swap3A_1163 : i32 to index
      %swap3A_1165 = arith.constant 336 : index
      %swap3A_1166 = tpu.vector_load %arg12[%swap3A_1164, %swap3A_1165] {strides = array<i32>} : memref<77x512xf32, #tpu.memory_space<vmem>>, vector<16xf32>,
      tpu.vector_store %arg12[%swap3A_1164, %swap3A_1165], %select_n3A_1162 {strides = array<i32>} : memref<77x512xf32, #tpu.memory_space<vmem>>, vector<16xf32>,
      %get3A_1167 = arith.constant 3 : i32
      %get3A_1168 = arith.index_cast %get3A_1167 : i32 to index
      %get3A_1169 = arith.constant 336 : index
      %get3A_1170 = tpu.vector_load %arg12[%get3A_1168, %get3A_1169] {strides = array<i32>} : memref<77x512xf32, #tpu.memory_space<vmem>>, vector<16xf32>,
      %get3A_1171 = arith.constant 2 : i32
      %get3A_1172 = arith.index_cast %get3A_1171 : i32 to index
      %get3A_1173 = arith.constant 336 : index
      %get3A_1174 = tpu.vector_load %arg11[%get3A_1172, %get3A_1173] {strides = array<i32>} : memref<4x512xf32, #tpu.memory_space<vmem>>, vector<16xf32>,
      %select_n3A_1175 = arith.select %eq3A_51, %get3A_1170, %get3A_1174 : vector<16xi1>, vector<16xf32>
      %swap3A_1176 = arith.constant 3 : i32
      %swap3A_1177 = arith.index_cast %swap3A_1176 : i32 to index
      %swap3A_1178 = arith.constant 336 : index
      %swap3A_1179 = tpu.vector_load %arg12[%swap3A_1177, %swap3A_1178] {strides = array<i32>} : memref<77x512xf32, #tpu.memory_space<vmem>>, vector<16xf32>,
      tpu.vector_store %arg12[%swap3A_1177, %swap3A_1178], %select_n3A_1175 {strides = array<i32>} : memref<77x512xf32, #tpu.memory_space<vmem>>, vector<16xf32>,
      %get3A_1180 = arith.constant 4 : i32
      %get3A_1181 = arith.index_cast %get3A_1180 : i32 to index
      %get3A_1182 = arith.constant 336 : index
      %get3A_1183 = tpu.vector_load %arg12[%get3A_1181, %get3A_1182] {strides = array<i32>} : memref<77x512xf32, #tpu.memory_space<vmem>>, vector<16xf32>,
      %get3A_1184 = arith.constant 3 : i32
      %get3A_1185 = arith.index_cast %get3A_1184 : i32 to index
      %get3A_1186 = arith.constant 336 : index
      %get3A_1187 = tpu.vector_load %arg11[%get3A_1185, %get3A_1186] {strides = array<i32>} : memref<4x512xf32, #tpu.memory_space<vmem>>, vector<16xf32>,
      %select_n3A_1188 = arith.select %eq3A_51, %get3A_1183, %get3A_1187 : vector<16xi1>, vector<16xf32>
      %swap3A_1189 = arith.constant 4 : i32
      %swap3A_1190 = arith.index_cast %swap3A_1189 : i32 to index
      %swap3A_1191 = arith.constant 336 : index
      %swap3A_1192 = tpu.vector_load %arg12[%swap3A_1190, %swap3A_1191] {strides = array<i32>} : memref<77x512xf32, #tpu.memory_space<vmem>>, vector<16xf32>,
      tpu.vector_store %arg12[%swap3A_1190, %swap3A_1191], %select_n3A_1188 {strides = array<i32>} : memref<77x512xf32, #tpu.memory_space<vmem>>, vector<16xf32>,
      %get3A_1193 = arith.constant 0 : i32
      %get3A_1194 = arith.index_cast %get3A_1193 : i32 to index
      %get3A_1195 = arith.constant 352 : index
      %get3A_1196 = tpu.vector_load %arg10[%get3A_1194, %get3A_1195] {strides = array<i32>} : memref<2x512xf32, #tpu.memory_space<vmem>>, vector<16xf32>,
      %get3A_1197 = arith.constant 0 : i32
      %get3A_1198 = arith.index_cast %get3A_1197 : i32 to index
      %get3A_1199 = arith.constant 352 : index
      %get3A_1200 = tpu.vector_load %arg11[%get3A_1198, %get3A_1199] {strides = array<i32>} : memref<4x512xf32, #tpu.memory_space<vmem>>, vector<16xf32>,
      %select_n3A_1201 = arith.select %eq3A_51, %get3A_1196, %get3A_1200 : vector<16xi1>, vector<16xf32>
      %swap3A_1202 = arith.constant 1 : i32
      %swap3A_1203 = arith.index_cast %swap3A_1202 : i32 to index
      %swap3A_1204 = arith.constant 352 : index
      %swap3A_1205 = tpu.vector_load %arg12[%swap3A_1203, %swap3A_1204] {strides = array<i32>} : memref<77x512xf32, #tpu.memory_space<vmem>>, vector<16xf32>,
      tpu.vector_store %arg12[%swap3A_1203, %swap3A_1204], %select_n3A_1201 {strides = array<i32>} : memref<77x512xf32, #tpu.memory_space<vmem>>, vector<16xf32>,
      %get3A_1206 = arith.constant 1 : i32
      %get3A_1207 = arith.index_cast %get3A_1206 : i32 to index
      %get3A_1208 = arith.constant 352 : index
      %get3A_1209 = tpu.vector_load %arg10[%get3A_1207, %get3A_1208] {strides = array<i32>} : memref<2x512xf32, #tpu.memory_space<vmem>>, vector<16xf32>,
      %get3A_1210 = arith.constant 1 : i32
      %get3A_1211 = arith.index_cast %get3A_1210 : i32 to index
      %get3A_1212 = arith.constant 352 : index
      %get3A_1213 = tpu.vector_load %arg11[%get3A_1211, %get3A_1212] {strides = array<i32>} : memref<4x512xf32, #tpu.memory_space<vmem>>, vector<16xf32>,
      %select_n3A_1214 = arith.select %eq3A_51, %get3A_1209, %get3A_1213 : vector<16xi1>, vector<16xf32>
      %swap3A_1215 = arith.constant 2 : i32
      %swap3A_1216 = arith.index_cast %swap3A_1215 : i32 to index
      %swap3A_1217 = arith.constant 352 : index
      %swap3A_1218 = tpu.vector_load %arg12[%swap3A_1216, %swap3A_1217] {strides = array<i32>} : memref<77x512xf32, #tpu.memory_space<vmem>>, vector<16xf32>,
      tpu.vector_store %arg12[%swap3A_1216, %swap3A_1217], %select_n3A_1214 {strides = array<i32>} : memref<77x512xf32, #tpu.memory_space<vmem>>, vector<16xf32>,
      %get3A_1219 = arith.constant 3 : i32
      %get3A_1220 = arith.index_cast %get3A_1219 : i32 to index
      %get3A_1221 = arith.constant 352 : index
      %get3A_1222 = tpu.vector_load %arg12[%get3A_1220, %get3A_1221] {strides = array<i32>} : memref<77x512xf32, #tpu.memory_space<vmem>>, vector<16xf32>,
      %get3A_1223 = arith.constant 2 : i32
      %get3A_1224 = arith.index_cast %get3A_1223 : i32 to index
      %get3A_1225 = arith.constant 352 : index
      %get3A_1226 = tpu.vector_load %arg11[%get3A_1224, %get3A_1225] {strides = array<i32>} : memref<4x512xf32, #tpu.memory_space<vmem>>, vector<16xf32>,
      %select_n3A_1227 = arith.select %eq3A_51, %get3A_1222, %get3A_1226 : vector<16xi1>, vector<16xf32>
      %swap3A_1228 = arith.constant 3 : i32
      %swap3A_1229 = arith.index_cast %swap3A_1228 : i32 to index
      %swap3A_1230 = arith.constant 352 : index
      %swap3A_1231 = tpu.vector_load %arg12[%swap3A_1229, %swap3A_1230] {strides = array<i32>} : memref<77x512xf32, #tpu.memory_space<vmem>>, vector<16xf32>,
      tpu.vector_store %arg12[%swap3A_1229, %swap3A_1230], %select_n3A_1227 {strides = array<i32>} : memref<77x512xf32, #tpu.memory_space<vmem>>, vector<16xf32>,
      %get3A_1232 = arith.constant 4 : i32
      %get3A_1233 = arith.index_cast %get3A_1232 : i32 to index
      %get3A_1234 = arith.constant 352 : index
      %get3A_1235 = tpu.vector_load %arg12[%get3A_1233, %get3A_1234] {strides = array<i32>} : memref<77x512xf32, #tpu.memory_space<vmem>>, vector<16xf32>,
      %get3A_1236 = arith.constant 3 : i32
      %get3A_1237 = arith.index_cast %get3A_1236 : i32 to index
      %get3A_1238 = arith.constant 352 : index
      %get3A_1239 = tpu.vector_load %arg11[%get3A_1237, %get3A_1238] {strides = array<i32>} : memref<4x512xf32, #tpu.memory_space<vmem>>, vector<16xf32>,
      %select_n3A_1240 = arith.select %eq3A_51, %get3A_1235, %get3A_1239 : vector<16xi1>, vector<16xf32>
      %swap3A_1241 = arith.constant 4 : i32
      %swap3A_1242 = arith.index_cast %swap3A_1241 : i32 to index
      %swap3A_1243 = arith.constant 352 : index
      %swap3A_1244 = tpu.vector_load %arg12[%swap3A_1242, %swap3A_1243] {strides = array<i32>} : memref<77x512xf32, #tpu.memory_space<vmem>>, vector<16xf32>,
      tpu.vector_store %arg12[%swap3A_1242, %swap3A_1243], %select_n3A_1240 {strides = array<i32>} : memref<77x512xf32, #tpu.memory_space<vmem>>, vector<16xf32>,
      %get3A_1245 = arith.constant 0 : i32
      %get3A_1246 = arith.index_cast %get3A_1245 : i32 to index
      %get3A_1247 = arith.constant 368 : index
      %get3A_1248 = tpu.vector_load %arg10[%get3A_1246, %get3A_1247] {strides = array<i32>} : memref<2x512xf32, #tpu.memory_space<vmem>>, vector<16xf32>,
      %get3A_1249 = arith.constant 0 : i32
      %get3A_1250 = arith.index_cast %get3A_1249 : i32 to index
      %get3A_1251 = arith.constant 368 : index
      %get3A_1252 = tpu.vector_load %arg11[%get3A_1250, %get3A_1251] {strides = array<i32>} : memref<4x512xf32, #tpu.memory_space<vmem>>, vector<16xf32>,
      %select_n3A_1253 = arith.select %eq3A_51, %get3A_1248, %get3A_1252 : vector<16xi1>, vector<16xf32>
      %swap3A_1254 = arith.constant 1 : i32
      %swap3A_1255 = arith.index_cast %swap3A_1254 : i32 to index
      %swap3A_1256 = arith.constant 368 : index
      %swap3A_1257 = tpu.vector_load %arg12[%swap3A_1255, %swap3A_1256] {strides = array<i32>} : memref<77x512xf32, #tpu.memory_space<vmem>>, vector<16xf32>,
      tpu.vector_store %arg12[%swap3A_1255, %swap3A_1256], %select_n3A_1253 {strides = array<i32>} : memref<77x512xf32, #tpu.memory_space<vmem>>, vector<16xf32>,
      %get3A_1258 = arith.constant 1 : i32
      %get3A_1259 = arith.index_cast %get3A_1258 : i32 to index
      %get3A_1260 = arith.constant 368 : index
      %get3A_1261 = tpu.vector_load %arg10[%get3A_1259, %get3A_1260] {strides = array<i32>} : memref<2x512xf32, #tpu.memory_space<vmem>>, vector<16xf32>,
      %get3A_1262 = arith.constant 1 : i32
      %get3A_1263 = arith.index_cast %get3A_1262 : i32 to index
      %get3A_1264 = arith.constant 368 : index
      %get3A_1265 = tpu.vector_load %arg11[%get3A_1263, %get3A_1264] {strides = array<i32>} : memref<4x512xf32, #tpu.memory_space<vmem>>, vector<16xf32>,
      %select_n3A_1266 = arith.select %eq3A_51, %get3A_1261, %get3A_1265 : vector<16xi1>, vector<16xf32>
      %swap3A_1267 = arith.constant 2 : i32
      %swap3A_1268 = arith.index_cast %swap3A_1267 : i32 to index
      %swap3A_1269 = arith.constant 368 : index
      %swap3A_1270 = tpu.vector_load %arg12[%swap3A_1268, %swap3A_1269] {strides = array<i32>} : memref<77x512xf32, #tpu.memory_space<vmem>>, vector<16xf32>,
      tpu.vector_store %arg12[%swap3A_1268, %swap3A_1269], %select_n3A_1266 {strides = array<i32>} : memref<77x512xf32, #tpu.memory_space<vmem>>, vector<16xf32>,
      %get3A_1271 = arith.constant 3 : i32
      %get3A_1272 = arith.index_cast %get3A_1271 : i32 to index
      %get3A_1273 = arith.constant 368 : index
      %get3A_1274 = tpu.vector_load %arg12[%get3A_1272, %get3A_1273] {strides = array<i32>} : memref<77x512xf32, #tpu.memory_space<vmem>>, vector<16xf32>,
      %get3A_1275 = arith.constant 2 : i32
      %get3A_1276 = arith.index_cast %get3A_1275 : i32 to index
      %get3A_1277 = arith.constant 368 : index
      %get3A_1278 = tpu.vector_load %arg11[%get3A_1276, %get3A_1277] {strides = array<i32>} : memref<4x512xf32, #tpu.memory_space<vmem>>, vector<16xf32>,
      %select_n3A_1279 = arith.select %eq3A_51, %get3A_1274, %get3A_1278 : vector<16xi1>, vector<16xf32>
      %swap3A_1280 = arith.constant 3 : i32
      %swap3A_1281 = arith.index_cast %swap3A_1280 : i32 to index
      %swap3A_1282 = arith.constant 368 : index
      %swap3A_1283 = tpu.vector_load %arg12[%swap3A_1281, %swap3A_1282] {strides = array<i32>} : memref<77x512xf32, #tpu.memory_space<vmem>>, vector<16xf32>,
      tpu.vector_store %arg12[%swap3A_1281, %swap3A_1282], %select_n3A_1279 {strides = array<i32>} : memref<77x512xf32, #tpu.memory_space<vmem>>, vector<16xf32>,
      %get3A_1284 = arith.constant 4 : i32
      %get3A_1285 = arith.index_cast %get3A_1284 : i32 to index
      %get3A_1286 = arith.constant 368 : index
      %get3A_1287 = tpu.vector_load %arg12[%get3A_1285, %get3A_1286] {strides = array<i32>} : memref<77x512xf32, #tpu.memory_space<vmem>>, vector<16xf32>,
      %get3A_1288 = arith.constant 3 : i32
      %get3A_1289 = arith.index_cast %get3A_1288 : i32 to index
      %get3A_1290 = arith.constant 368 : index
      %get3A_1291 = tpu.vector_load %arg11[%get3A_1289, %get3A_1290] {strides = array<i32>} : memref<4x512xf32, #tpu.memory_space<vmem>>, vector<16xf32>,
      %select_n3A_1292 = arith.select %eq3A_51, %get3A_1287, %get3A_1291 : vector<16xi1>, vector<16xf32>
      %swap3A_1293 = arith.constant 4 : i32
      %swap3A_1294 = arith.index_cast %swap3A_1293 : i32 to index
      %swap3A_1295 = arith.constant 368 : index
      %swap3A_1296 = tpu.vector_load %arg12[%swap3A_1294, %swap3A_1295] {strides = array<i32>} : memref<77x512xf32, #tpu.memory_space<vmem>>, vector<16xf32>,
      tpu.vector_store %arg12[%swap3A_1294, %swap3A_1295], %select_n3A_1292 {strides = array<i32>} : memref<77x512xf32, #tpu.memory_space<vmem>>, vector<16xf32>,
      %get3A_1297 = arith.constant 0 : i32
      %get3A_1298 = arith.index_cast %get3A_1297 : i32 to index
      %get3A_1299 = arith.constant 384 : index
      %get3A_1300 = tpu.vector_load %arg10[%get3A_1298, %get3A_1299] {strides = array<i32>} : memref<2x512xf32, #tpu.memory_space<vmem>>, vector<16xf32>,
      %get3A_1301 = arith.constant 0 : i32
      %get3A_1302 = arith.index_cast %get3A_1301 : i32 to index
      %get3A_1303 = arith.constant 384 : index
      %get3A_1304 = tpu.vector_load %arg11[%get3A_1302, %get3A_1303] {strides = array<i32>} : memref<4x512xf32, #tpu.memory_space<vmem>>, vector<16xf32>,
      %select_n3A_1305 = arith.select %eq3A_51, %get3A_1300, %get3A_1304 : vector<16xi1>, vector<16xf32>
      %swap3A_1306 = arith.constant 1 : i32
      %swap3A_1307 = arith.index_cast %swap3A_1306 : i32 to index
      %swap3A_1308 = arith.constant 384 : index
      %swap3A_1309 = tpu.vector_load %arg12[%swap3A_1307, %swap3A_1308] {strides = array<i32>} : memref<77x512xf32, #tpu.memory_space<vmem>>, vector<16xf32>,
      tpu.vector_store %arg12[%swap3A_1307, %swap3A_1308], %select_n3A_1305 {strides = array<i32>} : memref<77x512xf32, #tpu.memory_space<vmem>>, vector<16xf32>,
      %get3A_1310 = arith.constant 1 : i32
      %get3A_1311 = arith.index_cast %get3A_1310 : i32 to index
      %get3A_1312 = arith.constant 384 : index
      %get3A_1313 = tpu.vector_load %arg10[%get3A_1311, %get3A_1312] {strides = array<i32>} : memref<2x512xf32, #tpu.memory_space<vmem>>, vector<16xf32>,
      %get3A_1314 = arith.constant 1 : i32
      %get3A_1315 = arith.index_cast %get3A_1314 : i32 to index
      %get3A_1316 = arith.constant 384 : index
      %get3A_1317 = tpu.vector_load %arg11[%get3A_1315, %get3A_1316] {strides = array<i32>} : memref<4x512xf32, #tpu.memory_space<vmem>>, vector<16xf32>,
      %select_n3A_1318 = arith.select %eq3A_51, %get3A_1313, %get3A_1317 : vector<16xi1>, vector<16xf32>
      %swap3A_1319 = arith.constant 2 : i32
      %swap3A_1320 = arith.index_cast %swap3A_1319 : i32 to index
      %swap3A_1321 = arith.constant 384 : index
      %swap3A_1322 = tpu.vector_load %arg12[%swap3A_1320, %swap3A_1321] {strides = array<i32>} : memref<77x512xf32, #tpu.memory_space<vmem>>, vector<16xf32>,
      tpu.vector_store %arg12[%swap3A_1320, %swap3A_1321], %select_n3A_1318 {strides = array<i32>} : memref<77x512xf32, #tpu.memory_space<vmem>>, vector<16xf32>,
      %get3A_1323 = arith.constant 3 : i32
      %get3A_1324 = arith.index_cast %get3A_1323 : i32 to index
      %get3A_1325 = arith.constant 384 : index
      %get3A_1326 = tpu.vector_load %arg12[%get3A_1324, %get3A_1325] {strides = array<i32>} : memref<77x512xf32, #tpu.memory_space<vmem>>, vector<16xf32>,
      %get3A_1327 = arith.constant 2 : i32
      %get3A_1328 = arith.index_cast %get3A_1327 : i32 to index
      %get3A_1329 = arith.constant 384 : index
      %get3A_1330 = tpu.vector_load %arg11[%get3A_1328, %get3A_1329] {strides = array<i32>} : memref<4x512xf32, #tpu.memory_space<vmem>>, vector<16xf32>,
      %select_n3A_1331 = arith.select %eq3A_51, %get3A_1326, %get3A_1330 : vector<16xi1>, vector<16xf32>
      %swap3A_1332 = arith.constant 3 : i32
      %swap3A_1333 = arith.index_cast %swap3A_1332 : i32 to index
      %swap3A_1334 = arith.constant 384 : index
      %swap3A_1335 = tpu.vector_load %arg12[%swap3A_1333, %swap3A_1334] {strides = array<i32>} : memref<77x512xf32, #tpu.memory_space<vmem>>, vector<16xf32>,
      tpu.vector_store %arg12[%swap3A_1333, %swap3A_1334], %select_n3A_1331 {strides = array<i32>} : memref<77x512xf32, #tpu.memory_space<vmem>>, vector<16xf32>,
      %get3A_1336 = arith.constant 4 : i32
      %get3A_1337 = arith.index_cast %get3A_1336 : i32 to index
      %get3A_1338 = arith.constant 384 : index
      %get3A_1339 = tpu.vector_load %arg12[%get3A_1337, %get3A_1338] {strides = array<i32>} : memref<77x512xf32, #tpu.memory_space<vmem>>, vector<16xf32>,
      %get3A_1340 = arith.constant 3 : i32
      %get3A_1341 = arith.index_cast %get3A_1340 : i32 to index
      %get3A_1342 = arith.constant 384 : index
      %get3A_1343 = tpu.vector_load %arg11[%get3A_1341, %get3A_1342] {strides = array<i32>} : memref<4x512xf32, #tpu.memory_space<vmem>>, vector<16xf32>,
      %select_n3A_1344 = arith.select %eq3A_51, %get3A_1339, %get3A_1343 : vector<16xi1>, vector<16xf32>
      %swap3A_1345 = arith.constant 4 : i32
      %swap3A_1346 = arith.index_cast %swap3A_1345 : i32 to index
      %swap3A_1347 = arith.constant 384 : index
      %swap3A_1348 = tpu.vector_load %arg12[%swap3A_1346, %swap3A_1347] {strides = array<i32>} : memref<77x512xf32, #tpu.memory_space<vmem>>, vector<16xf32>,
      tpu.vector_store %arg12[%swap3A_1346, %swap3A_1347], %select_n3A_1344 {strides = array<i32>} : memref<77x512xf32, #tpu.memory_space<vmem>>, vector<16xf32>,
      %get3A_1349 = arith.constant 0 : i32
      %get3A_1350 = arith.index_cast %get3A_1349 : i32 to index
      %get3A_1351 = arith.constant 400 : index
      %get3A_1352 = tpu.vector_load %arg10[%get3A_1350, %get3A_1351] {strides = array<i32>} : memref<2x512xf32, #tpu.memory_space<vmem>>, vector<16xf32>,
      %get3A_1353 = arith.constant 0 : i32
      %get3A_1354 = arith.index_cast %get3A_1353 : i32 to index
      %get3A_1355 = arith.constant 400 : index
      %get3A_1356 = tpu.vector_load %arg11[%get3A_1354, %get3A_1355] {strides = array<i32>} : memref<4x512xf32, #tpu.memory_space<vmem>>, vector<16xf32>,
      %select_n3A_1357 = arith.select %eq3A_51, %get3A_1352, %get3A_1356 : vector<16xi1>, vector<16xf32>
      %swap3A_1358 = arith.constant 1 : i32
      %swap3A_1359 = arith.index_cast %swap3A_1358 : i32 to index
      %swap3A_1360 = arith.constant 400 : index
      %swap3A_1361 = tpu.vector_load %arg12[%swap3A_1359, %swap3A_1360] {strides = array<i32>} : memref<77x512xf32, #tpu.memory_space<vmem>>, vector<16xf32>,
      tpu.vector_store %arg12[%swap3A_1359, %swap3A_1360], %select_n3A_1357 {strides = array<i32>} : memref<77x512xf32, #tpu.memory_space<vmem>>, vector<16xf32>,
      %get3A_1362 = arith.constant 1 : i32
      %get3A_1363 = arith.index_cast %get3A_1362 : i32 to index
      %get3A_1364 = arith.constant 400 : index
      %get3A_1365 = tpu.vector_load %arg10[%get3A_1363, %get3A_1364] {strides = array<i32>} : memref<2x512xf32, #tpu.memory_space<vmem>>, vector<16xf32>,
      %get3A_1366 = arith.constant 1 : i32
      %get3A_1367 = arith.index_cast %get3A_1366 : i32 to index
      %get3A_1368 = arith.constant 400 : index
      %get3A_1369 = tpu.vector_load %arg11[%get3A_1367, %get3A_1368] {strides = array<i32>} : memref<4x512xf32, #tpu.memory_space<vmem>>, vector<16xf32>,
      %select_n3A_1370 = arith.select %eq3A_51, %get3A_1365, %get3A_1369 : vector<16xi1>, vector<16xf32>
      %swap3A_1371 = arith.constant 2 : i32
      %swap3A_1372 = arith.index_cast %swap3A_1371 : i32 to index
      %swap3A_1373 = arith.constant 400 : index
      %swap3A_1374 = tpu.vector_load %arg12[%swap3A_1372, %swap3A_1373] {strides = array<i32>} : memref<77x512xf32, #tpu.memory_space<vmem>>, vector<16xf32>,
      tpu.vector_store %arg12[%swap3A_1372, %swap3A_1373], %select_n3A_1370 {strides = array<i32>} : memref<77x512xf32, #tpu.memory_space<vmem>>, vector<16xf32>,
      %get3A_1375 = arith.constant 3 : i32
      %get3A_1376 = arith.index_cast %get3A_1375 : i32 to index
      %get3A_1377 = arith.constant 400 : index
      %get3A_1378 = tpu.vector_load %arg12[%get3A_1376, %get3A_1377] {strides = array<i32>} : memref<77x512xf32, #tpu.memory_space<vmem>>, vector<16xf32>,
      %get3A_1379 = arith.constant 2 : i32
      %get3A_1380 = arith.index_cast %get3A_1379 : i32 to index
      %get3A_1381 = arith.constant 400 : index
      %get3A_1382 = tpu.vector_load %arg11[%get3A_1380, %get3A_1381] {strides = array<i32>} : memref<4x512xf32, #tpu.memory_space<vmem>>, vector<16xf32>,
      %select_n3A_1383 = arith.select %eq3A_51, %get3A_1378, %get3A_1382 : vector<16xi1>, vector<16xf32>
      %swap3A_1384 = arith.constant 3 : i32
      %swap3A_1385 = arith.index_cast %swap3A_1384 : i32 to index
      %swap3A_1386 = arith.constant 400 : index
      %swap3A_1387 = tpu.vector_load %arg12[%swap3A_1385, %swap3A_1386] {strides = array<i32>} : memref<77x512xf32, #tpu.memory_space<vmem>>, vector<16xf32>,
      tpu.vector_store %arg12[%swap3A_1385, %swap3A_1386], %select_n3A_1383 {strides = array<i32>} : memref<77x512xf32, #tpu.memory_space<vmem>>, vector<16xf32>,
      %get3A_1388 = arith.constant 4 : i32
      %get3A_1389 = arith.index_cast %get3A_1388 : i32 to index
      %get3A_1390 = arith.constant 400 : index
      %get3A_1391 = tpu.vector_load %arg12[%get3A_1389, %get3A_1390] {strides = array<i32>} : memref<77x512xf32, #tpu.memory_space<vmem>>, vector<16xf32>,
      %get3A_1392 = arith.constant 3 : i32
      %get3A_1393 = arith.index_cast %get3A_1392 : i32 to index
      %get3A_1394 = arith.constant 400 : index
      %get3A_1395 = tpu.vector_load %arg11[%get3A_1393, %get3A_1394] {strides = array<i32>} : memref<4x512xf32, #tpu.memory_space<vmem>>, vector<16xf32>,
      %select_n3A_1396 = arith.select %eq3A_51, %get3A_1391, %get3A_1395 : vector<16xi1>, vector<16xf32>
      %swap3A_1397 = arith.constant 4 : i32
      %swap3A_1398 = arith.index_cast %swap3A_1397 : i32 to index
      %swap3A_1399 = arith.constant 400 : index
      %swap3A_1400 = tpu.vector_load %arg12[%swap3A_1398, %swap3A_1399] {strides = array<i32>} : memref<77x512xf32, #tpu.memory_space<vmem>>, vector<16xf32>,
      tpu.vector_store %arg12[%swap3A_1398, %swap3A_1399], %select_n3A_1396 {strides = array<i32>} : memref<77x512xf32, #tpu.memory_space<vmem>>, vector<16xf32>,
      %get3A_1401 = arith.constant 0 : i32
      %get3A_1402 = arith.index_cast %get3A_1401 : i32 to index
      %get3A_1403 = arith.constant 416 : index
      %get3A_1404 = tpu.vector_load %arg10[%get3A_1402, %get3A_1403] {strides = array<i32>} : memref<2x512xf32, #tpu.memory_space<vmem>>, vector<16xf32>,
      %get3A_1405 = arith.constant 0 : i32
      %get3A_1406 = arith.index_cast %get3A_1405 : i32 to index
      %get3A_1407 = arith.constant 416 : index
      %get3A_1408 = tpu.vector_load %arg11[%get3A_1406, %get3A_1407] {strides = array<i32>} : memref<4x512xf32, #tpu.memory_space<vmem>>, vector<16xf32>,
      %select_n3A_1409 = arith.select %eq3A_51, %get3A_1404, %get3A_1408 : vector<16xi1>, vector<16xf32>
      %swap3A_1410 = arith.constant 1 : i32
      %swap3A_1411 = arith.index_cast %swap3A_1410 : i32 to index
      %swap3A_1412 = arith.constant 416 : index
      %swap3A_1413 = tpu.vector_load %arg12[%swap3A_1411, %swap3A_1412] {strides = array<i32>} : memref<77x512xf32, #tpu.memory_space<vmem>>, vector<16xf32>,
      tpu.vector_store %arg12[%swap3A_1411, %swap3A_1412], %select_n3A_1409 {strides = array<i32>} : memref<77x512xf32, #tpu.memory_space<vmem>>, vector<16xf32>,
      %get3A_1414 = arith.constant 1 : i32
      %get3A_1415 = arith.index_cast %get3A_1414 : i32 to index
      %get3A_1416 = arith.constant 416 : index
      %get3A_1417 = tpu.vector_load %arg10[%get3A_1415, %get3A_1416] {strides = array<i32>} : memref<2x512xf32, #tpu.memory_space<vmem>>, vector<16xf32>,
      %get3A_1418 = arith.constant 1 : i32
      %get3A_1419 = arith.index_cast %get3A_1418 : i32 to index
      %get3A_1420 = arith.constant 416 : index
      %get3A_1421 = tpu.vector_load %arg11[%get3A_1419, %get3A_1420] {strides = array<i32>} : memref<4x512xf32, #tpu.memory_space<vmem>>, vector<16xf32>,
      %select_n3A_1422 = arith.select %eq3A_51, %get3A_1417, %get3A_1421 : vector<16xi1>, vector<16xf32>
      %swap3A_1423 = arith.constant 2 : i32
      %swap3A_1424 = arith.index_cast %swap3A_1423 : i32 to index
      %swap3A_1425 = arith.constant 416 : index
      %swap3A_1426 = tpu.vector_load %arg12[%swap3A_1424, %swap3A_1425] {strides = array<i32>} : memref<77x512xf32, #tpu.memory_space<vmem>>, vector<16xf32>,
      tpu.vector_store %arg12[%swap3A_1424, %swap3A_1425], %select_n3A_1422 {strides = array<i32>} : memref<77x512xf32, #tpu.memory_space<vmem>>, vector<16xf32>,
      %get3A_1427 = arith.constant 3 : i32
      %get3A_1428 = arith.index_cast %get3A_1427 : i32 to index
      %get3A_1429 = arith.constant 416 : index
      %get3A_1430 = tpu.vector_load %arg12[%get3A_1428, %get3A_1429] {strides = array<i32>} : memref<77x512xf32, #tpu.memory_space<vmem>>, vector<16xf32>,
      %get3A_1431 = arith.constant 2 : i32
      %get3A_1432 = arith.index_cast %get3A_1431 : i32 to index
      %get3A_1433 = arith.constant 416 : index
      %get3A_1434 = tpu.vector_load %arg11[%get3A_1432, %get3A_1433] {strides = array<i32>} : memref<4x512xf32, #tpu.memory_space<vmem>>, vector<16xf32>,
      %select_n3A_1435 = arith.select %eq3A_51, %get3A_1430, %get3A_1434 : vector<16xi1>, vector<16xf32>
      %swap3A_1436 = arith.constant 3 : i32
      %swap3A_1437 = arith.index_cast %swap3A_1436 : i32 to index
      %swap3A_1438 = arith.constant 416 : index
      %swap3A_1439 = tpu.vector_load %arg12[%swap3A_1437, %swap3A_1438] {strides = array<i32>} : memref<77x512xf32, #tpu.memory_space<vmem>>, vector<16xf32>,
      tpu.vector_store %arg12[%swap3A_1437, %swap3A_1438], %select_n3A_1435 {strides = array<i32>} : memref<77x512xf32, #tpu.memory_space<vmem>>, vector<16xf32>,
      %get3A_1440 = arith.constant 4 : i32
      %get3A_1441 = arith.index_cast %get3A_1440 : i32 to index
      %get3A_1442 = arith.constant 416 : index
      %get3A_1443 = tpu.vector_load %arg12[%get3A_1441, %get3A_1442] {strides = array<i32>} : memref<77x512xf32, #tpu.memory_space<vmem>>, vector<16xf32>,
      %get3A_1444 = arith.constant 3 : i32
      %get3A_1445 = arith.index_cast %get3A_1444 : i32 to index
      %get3A_1446 = arith.constant 416 : index
      %get3A_1447 = tpu.vector_load %arg11[%get3A_1445, %get3A_1446] {strides = array<i32>} : memref<4x512xf32, #tpu.memory_space<vmem>>, vector<16xf32>,
      %select_n3A_1448 = arith.select %eq3A_51, %get3A_1443, %get3A_1447 : vector<16xi1>, vector<16xf32>
      %swap3A_1449 = arith.constant 4 : i32
      %swap3A_1450 = arith.index_cast %swap3A_1449 : i32 to index
      %swap3A_1451 = arith.constant 416 : index
      %swap3A_1452 = tpu.vector_load %arg12[%swap3A_1450, %swap3A_1451] {strides = array<i32>} : memref<77x512xf32, #tpu.memory_space<vmem>>, vector<16xf32>,
      tpu.vector_store %arg12[%swap3A_1450, %swap3A_1451], %select_n3A_1448 {strides = array<i32>} : memref<77x512xf32, #tpu.memory_space<vmem>>, vector<16xf32>,
      %get3A_1453 = arith.constant 0 : i32
      %get3A_1454 = arith.index_cast %get3A_1453 : i32 to index
      %get3A_1455 = arith.constant 432 : index
      %get3A_1456 = tpu.vector_load %arg10[%get3A_1454, %get3A_1455] {strides = array<i32>} : memref<2x512xf32, #tpu.memory_space<vmem>>, vector<16xf32>,
      %get3A_1457 = arith.constant 0 : i32
      %get3A_1458 = arith.index_cast %get3A_1457 : i32 to index
      %get3A_1459 = arith.constant 432 : index
      %get3A_1460 = tpu.vector_load %arg11[%get3A_1458, %get3A_1459] {strides = array<i32>} : memref<4x512xf32, #tpu.memory_space<vmem>>, vector<16xf32>,
      %select_n3A_1461 = arith.select %eq3A_51, %get3A_1456, %get3A_1460 : vector<16xi1>, vector<16xf32>
      %swap3A_1462 = arith.constant 1 : i32
      %swap3A_1463 = arith.index_cast %swap3A_1462 : i32 to index
      %swap3A_1464 = arith.constant 432 : index
      %swap3A_1465 = tpu.vector_load %arg12[%swap3A_1463, %swap3A_1464] {strides = array<i32>} : memref<77x512xf32, #tpu.memory_space<vmem>>, vector<16xf32>,
      tpu.vector_store %arg12[%swap3A_1463, %swap3A_1464], %select_n3A_1461 {strides = array<i32>} : memref<77x512xf32, #tpu.memory_space<vmem>>, vector<16xf32>,
      %get3A_1466 = arith.constant 1 : i32
      %get3A_1467 = arith.index_cast %get3A_1466 : i32 to index
      %get3A_1468 = arith.constant 432 : index
      %get3A_1469 = tpu.vector_load %arg10[%get3A_1467, %get3A_1468] {strides = array<i32>} : memref<2x512xf32, #tpu.memory_space<vmem>>, vector<16xf32>,
      %get3A_1470 = arith.constant 1 : i32
      %get3A_1471 = arith.index_cast %get3A_1470 : i32 to index
      %get3A_1472 = arith.constant 432 : index
      %get3A_1473 = tpu.vector_load %arg11[%get3A_1471, %get3A_1472] {strides = array<i32>} : memref<4x512xf32, #tpu.memory_space<vmem>>, vector<16xf32>,
      %select_n3A_1474 = arith.select %eq3A_51, %get3A_1469, %get3A_1473 : vector<16xi1>, vector<16xf32>
      %swap3A_1475 = arith.constant 2 : i32
      %swap3A_1476 = arith.index_cast %swap3A_1475 : i32 to index
      %swap3A_1477 = arith.constant 432 : index
      %swap3A_1478 = tpu.vector_load %arg12[%swap3A_1476, %swap3A_1477] {strides = array<i32>} : memref<77x512xf32, #tpu.memory_space<vmem>>, vector<16xf32>,
      tpu.vector_store %arg12[%swap3A_1476, %swap3A_1477], %select_n3A_1474 {strides = array<i32>} : memref<77x512xf32, #tpu.memory_space<vmem>>, vector<16xf32>,
      %get3A_1479 = arith.constant 3 : i32
      %get3A_1480 = arith.index_cast %get3A_1479 : i32 to index
      %get3A_1481 = arith.constant 432 : index
      %get3A_1482 = tpu.vector_load %arg12[%get3A_1480, %get3A_1481] {strides = array<i32>} : memref<77x512xf32, #tpu.memory_space<vmem>>, vector<16xf32>,
      %get3A_1483 = arith.constant 2 : i32
      %get3A_1484 = arith.index_cast %get3A_1483 : i32 to index
      %get3A_1485 = arith.constant 432 : index
      %get3A_1486 = tpu.vector_load %arg11[%get3A_1484, %get3A_1485] {strides = array<i32>} : memref<4x512xf32, #tpu.memory_space<vmem>>, vector<16xf32>,
      %select_n3A_1487 = arith.select %eq3A_51, %get3A_1482, %get3A_1486 : vector<16xi1>, vector<16xf32>
      %swap3A_1488 = arith.constant 3 : i32
      %swap3A_1489 = arith.index_cast %swap3A_1488 : i32 to index
      %swap3A_1490 = arith.constant 432 : index
      %swap3A_1491 = tpu.vector_load %arg12[%swap3A_1489, %swap3A_1490] {strides = array<i32>} : memref<77x512xf32, #tpu.memory_space<vmem>>, vector<16xf32>,
      tpu.vector_store %arg12[%swap3A_1489, %swap3A_1490], %select_n3A_1487 {strides = array<i32>} : memref<77x512xf32, #tpu.memory_space<vmem>>, vector<16xf32>,
      %get3A_1492 = arith.constant 4 : i32
      %get3A_1493 = arith.index_cast %get3A_1492 : i32 to index
      %get3A_1494 = arith.constant 432 : index
      %get3A_1495 = tpu.vector_load %arg12[%get3A_1493, %get3A_1494] {strides = array<i32>} : memref<77x512xf32, #tpu.memory_space<vmem>>, vector<16xf32>,
      %get3A_1496 = arith.constant 3 : i32
      %get3A_1497 = arith.index_cast %get3A_1496 : i32 to index
      %get3A_1498 = arith.constant 432 : index
      %get3A_1499 = tpu.vector_load %arg11[%get3A_1497, %get3A_1498] {strides = array<i32>} : memref<4x512xf32, #tpu.memory_space<vmem>>, vector<16xf32>,
      %select_n3A_1500 = arith.select %eq3A_51, %get3A_1495, %get3A_1499 : vector<16xi1>, vector<16xf32>
      %swap3A_1501 = arith.constant 4 : i32
      %swap3A_1502 = arith.index_cast %swap3A_1501 : i32 to index
      %swap3A_1503 = arith.constant 432 : index
      %swap3A_1504 = tpu.vector_load %arg12[%swap3A_1502, %swap3A_1503] {strides = array<i32>} : memref<77x512xf32, #tpu.memory_space<vmem>>, vector<16xf32>,
      tpu.vector_store %arg12[%swap3A_1502, %swap3A_1503], %select_n3A_1500 {strides = array<i32>} : memref<77x512xf32, #tpu.memory_space<vmem>>, vector<16xf32>,
      %get3A_1505 = arith.constant 0 : i32
      %get3A_1506 = arith.index_cast %get3A_1505 : i32 to index
      %get3A_1507 = arith.constant 448 : index
      %get3A_1508 = tpu.vector_load %arg10[%get3A_1506, %get3A_1507] {strides = array<i32>} : memref<2x512xf32, #tpu.memory_space<vmem>>, vector<16xf32>,
      %get3A_1509 = arith.constant 0 : i32
      %get3A_1510 = arith.index_cast %get3A_1509 : i32 to index
      %get3A_1511 = arith.constant 448 : index
      %get3A_1512 = tpu.vector_load %arg11[%get3A_1510, %get3A_1511] {strides = array<i32>} : memref<4x512xf32, #tpu.memory_space<vmem>>, vector<16xf32>,
      %select_n3A_1513 = arith.select %eq3A_51, %get3A_1508, %get3A_1512 : vector<16xi1>, vector<16xf32>
      %swap3A_1514 = arith.constant 1 : i32
      %swap3A_1515 = arith.index_cast %swap3A_1514 : i32 to index
      %swap3A_1516 = arith.constant 448 : index
      %swap3A_1517 = tpu.vector_load %arg12[%swap3A_1515, %swap3A_1516] {strides = array<i32>} : memref<77x512xf32, #tpu.memory_space<vmem>>, vector<16xf32>,
      tpu.vector_store %arg12[%swap3A_1515, %swap3A_1516], %select_n3A_1513 {strides = array<i32>} : memref<77x512xf32, #tpu.memory_space<vmem>>, vector<16xf32>,
      %get3A_1518 = arith.constant 1 : i32
      %get3A_1519 = arith.index_cast %get3A_1518 : i32 to index
      %get3A_1520 = arith.constant 448 : index
      %get3A_1521 = tpu.vector_load %arg10[%get3A_1519, %get3A_1520] {strides = array<i32>} : memref<2x512xf32, #tpu.memory_space<vmem>>, vector<16xf32>,
      %get3A_1522 = arith.constant 1 : i32
      %get3A_1523 = arith.index_cast %get3A_1522 : i32 to index
      %get3A_1524 = arith.constant 448 : index
      %get3A_1525 = tpu.vector_load %arg11[%get3A_1523, %get3A_1524] {strides = array<i32>} : memref<4x512xf32, #tpu.memory_space<vmem>>, vector<16xf32>,
      %select_n3A_1526 = arith.select %eq3A_51, %get3A_1521, %get3A_1525 : vector<16xi1>, vector<16xf32>
      %swap3A_1527 = arith.constant 2 : i32
      %swap3A_1528 = arith.index_cast %swap3A_1527 : i32 to index
      %swap3A_1529 = arith.constant 448 : index
      %swap3A_1530 = tpu.vector_load %arg12[%swap3A_1528, %swap3A_1529] {strides = array<i32>} : memref<77x512xf32, #tpu.memory_space<vmem>>, vector<16xf32>,
      tpu.vector_store %arg12[%swap3A_1528, %swap3A_1529], %select_n3A_1526 {strides = array<i32>} : memref<77x512xf32, #tpu.memory_space<vmem>>, vector<16xf32>,
      %get3A_1531 = arith.constant 3 : i32
      %get3A_1532 = arith.index_cast %get3A_1531 : i32 to index
      %get3A_1533 = arith.constant 448 : index
      %get3A_1534 = tpu.vector_load %arg12[%get3A_1532, %get3A_1533] {strides = array<i32>} : memref<77x512xf32, #tpu.memory_space<vmem>>, vector<16xf32>,
      %get3A_1535 = arith.constant 2 : i32
      %get3A_1536 = arith.index_cast %get3A_1535 : i32 to index
      %get3A_1537 = arith.constant 448 : index
      %get3A_1538 = tpu.vector_load %arg11[%get3A_1536, %get3A_1537] {strides = array<i32>} : memref<4x512xf32, #tpu.memory_space<vmem>>, vector<16xf32>,
      %select_n3A_1539 = arith.select %eq3A_51, %get3A_1534, %get3A_1538 : vector<16xi1>, vector<16xf32>
      %swap3A_1540 = arith.constant 3 : i32
      %swap3A_1541 = arith.index_cast %swap3A_1540 : i32 to index
      %swap3A_1542 = arith.constant 448 : index
      %swap3A_1543 = tpu.vector_load %arg12[%swap3A_1541, %swap3A_1542] {strides = array<i32>} : memref<77x512xf32, #tpu.memory_space<vmem>>, vector<16xf32>,
      tpu.vector_store %arg12[%swap3A_1541, %swap3A_1542], %select_n3A_1539 {strides = array<i32>} : memref<77x512xf32, #tpu.memory_space<vmem>>, vector<16xf32>,
      %get3A_1544 = arith.constant 4 : i32
      %get3A_1545 = arith.index_cast %get3A_1544 : i32 to index
      %get3A_1546 = arith.constant 448 : index
      %get3A_1547 = tpu.vector_load %arg12[%get3A_1545, %get3A_1546] {strides = array<i32>} : memref<77x512xf32, #tpu.memory_space<vmem>>, vector<16xf32>,
      %get3A_1548 = arith.constant 3 : i32
      %get3A_1549 = arith.index_cast %get3A_1548 : i32 to index
      %get3A_1550 = arith.constant 448 : index
      %get3A_1551 = tpu.vector_load %arg11[%get3A_1549, %get3A_1550] {strides = array<i32>} : memref<4x512xf32, #tpu.memory_space<vmem>>, vector<16xf32>,
      %select_n3A_1552 = arith.select %eq3A_51, %get3A_1547, %get3A_1551 : vector<16xi1>, vector<16xf32>
      %swap3A_1553 = arith.constant 4 : i32
      %swap3A_1554 = arith.index_cast %swap3A_1553 : i32 to index
      %swap3A_1555 = arith.constant 448 : index
      %swap3A_1556 = tpu.vector_load %arg12[%swap3A_1554, %swap3A_1555] {strides = array<i32>} : memref<77x512xf32, #tpu.memory_space<vmem>>, vector<16xf32>,
      tpu.vector_store %arg12[%swap3A_1554, %swap3A_1555], %select_n3A_1552 {strides = array<i32>} : memref<77x512xf32, #tpu.memory_space<vmem>>, vector<16xf32>,
      %get3A_1557 = arith.constant 0 : i32
      %get3A_1558 = arith.index_cast %get3A_1557 : i32 to index
      %get3A_1559 = arith.constant 464 : index
      %get3A_1560 = tpu.vector_load %arg10[%get3A_1558, %get3A_1559] {strides = array<i32>} : memref<2x512xf32, #tpu.memory_space<vmem>>, vector<16xf32>,
      %get3A_1561 = arith.constant 0 : i32
      %get3A_1562 = arith.index_cast %get3A_1561 : i32 to index
      %get3A_1563 = arith.constant 464 : index
      %get3A_1564 = tpu.vector_load %arg11[%get3A_1562, %get3A_1563] {strides = array<i32>} : memref<4x512xf32, #tpu.memory_space<vmem>>, vector<16xf32>,
      %select_n3A_1565 = arith.select %eq3A_51, %get3A_1560, %get3A_1564 : vector<16xi1>, vector<16xf32>
      %swap3A_1566 = arith.constant 1 : i32
      %swap3A_1567 = arith.index_cast %swap3A_1566 : i32 to index
      %swap3A_1568 = arith.constant 464 : index
      %swap3A_1569 = tpu.vector_load %arg12[%swap3A_1567, %swap3A_1568] {strides = array<i32>} : memref<77x512xf32, #tpu.memory_space<vmem>>, vector<16xf32>,
      tpu.vector_store %arg12[%swap3A_1567, %swap3A_1568], %select_n3A_1565 {strides = array<i32>} : memref<77x512xf32, #tpu.memory_space<vmem>>, vector<16xf32>,
      %get3A_1570 = arith.constant 1 : i32
      %get3A_1571 = arith.index_cast %get3A_1570 : i32 to index
      %get3A_1572 = arith.constant 464 : index
      %get3A_1573 = tpu.vector_load %arg10[%get3A_1571, %get3A_1572] {strides = array<i32>} : memref<2x512xf32, #tpu.memory_space<vmem>>, vector<16xf32>,
      %get3A_1574 = arith.constant 1 : i32
      %get3A_1575 = arith.index_cast %get3A_1574 : i32 to index
      %get3A_1576 = arith.constant 464 : index
      %get3A_1577 = tpu.vector_load %arg11[%get3A_1575, %get3A_1576] {strides = array<i32>} : memref<4x512xf32, #tpu.memory_space<vmem>>, vector<16xf32>,
      %select_n3A_1578 = arith.select %eq3A_51, %get3A_1573, %get3A_1577 : vector<16xi1>, vector<16xf32>
      %swap3A_1579 = arith.constant 2 : i32
      %swap3A_1580 = arith.index_cast %swap3A_1579 : i32 to index
      %swap3A_1581 = arith.constant 464 : index
      %swap3A_1582 = tpu.vector_load %arg12[%swap3A_1580, %swap3A_1581] {strides = array<i32>} : memref<77x512xf32, #tpu.memory_space<vmem>>, vector<16xf32>,
      tpu.vector_store %arg12[%swap3A_1580, %swap3A_1581], %select_n3A_1578 {strides = array<i32>} : memref<77x512xf32, #tpu.memory_space<vmem>>, vector<16xf32>,
      %get3A_1583 = arith.constant 3 : i32
      %get3A_1584 = arith.index_cast %get3A_1583 : i32 to index
      %get3A_1585 = arith.constant 464 : index
      %get3A_1586 = tpu.vector_load %arg12[%get3A_1584, %get3A_1585] {strides = array<i32>} : memref<77x512xf32, #tpu.memory_space<vmem>>, vector<16xf32>,
      %get3A_1587 = arith.constant 2 : i32
      %get3A_1588 = arith.index_cast %get3A_1587 : i32 to index
      %get3A_1589 = arith.constant 464 : index
      %get3A_1590 = tpu.vector_load %arg11[%get3A_1588, %get3A_1589] {strides = array<i32>} : memref<4x512xf32, #tpu.memory_space<vmem>>, vector<16xf32>,
      %select_n3A_1591 = arith.select %eq3A_51, %get3A_1586, %get3A_1590 : vector<16xi1>, vector<16xf32>
      %swap3A_1592 = arith.constant 3 : i32
      %swap3A_1593 = arith.index_cast %swap3A_1592 : i32 to index
      %swap3A_1594 = arith.constant 464 : index
      %swap3A_1595 = tpu.vector_load %arg12[%swap3A_1593, %swap3A_1594] {strides = array<i32>} : memref<77x512xf32, #tpu.memory_space<vmem>>, vector<16xf32>,
      tpu.vector_store %arg12[%swap3A_1593, %swap3A_1594], %select_n3A_1591 {strides = array<i32>} : memref<77x512xf32, #tpu.memory_space<vmem>>, vector<16xf32>,
      %get3A_1596 = arith.constant 4 : i32
      %get3A_1597 = arith.index_cast %get3A_1596 : i32 to index
      %get3A_1598 = arith.constant 464 : index
      %get3A_1599 = tpu.vector_load %arg12[%get3A_1597, %get3A_1598] {strides = array<i32>} : memref<77x512xf32, #tpu.memory_space<vmem>>, vector<16xf32>,
      %get3A_1600 = arith.constant 3 : i32
      %get3A_1601 = arith.index_cast %get3A_1600 : i32 to index
      %get3A_1602 = arith.constant 464 : index
      %get3A_1603 = tpu.vector_load %arg11[%get3A_1601, %get3A_1602] {strides = array<i32>} : memref<4x512xf32, #tpu.memory_space<vmem>>, vector<16xf32>,
      %select_n3A_1604 = arith.select %eq3A_51, %get3A_1599, %get3A_1603 : vector<16xi1>, vector<16xf32>
      %swap3A_1605 = arith.constant 4 : i32
      %swap3A_1606 = arith.index_cast %swap3A_1605 : i32 to index
      %swap3A_1607 = arith.constant 464 : index
      %swap3A_1608 = tpu.vector_load %arg12[%swap3A_1606, %swap3A_1607] {strides = array<i32>} : memref<77x512xf32, #tpu.memory_space<vmem>>, vector<16xf32>,
      tpu.vector_store %arg12[%swap3A_1606, %swap3A_1607], %select_n3A_1604 {strides = array<i32>} : memref<77x512xf32, #tpu.memory_space<vmem>>, vector<16xf32>,
      %get3A_1609 = arith.constant 0 : i32
      %get3A_1610 = arith.index_cast %get3A_1609 : i32 to index
      %get3A_1611 = arith.constant 480 : index
      %get3A_1612 = tpu.vector_load %arg10[%get3A_1610, %get3A_1611] {strides = array<i32>} : memref<2x512xf32, #tpu.memory_space<vmem>>, vector<16xf32>,
      %get3A_1613 = arith.constant 0 : i32
      %get3A_1614 = arith.index_cast %get3A_1613 : i32 to index
      %get3A_1615 = arith.constant 480 : index
      %get3A_1616 = tpu.vector_load %arg11[%get3A_1614, %get3A_1615] {strides = array<i32>} : memref<4x512xf32, #tpu.memory_space<vmem>>, vector<16xf32>,
      %select_n3A_1617 = arith.select %eq3A_51, %get3A_1612, %get3A_1616 : vector<16xi1>, vector<16xf32>
      %swap3A_1618 = arith.constant 1 : i32
      %swap3A_1619 = arith.index_cast %swap3A_1618 : i32 to index
      %swap3A_1620 = arith.constant 480 : index
      %swap3A_1621 = tpu.vector_load %arg12[%swap3A_1619, %swap3A_1620] {strides = array<i32>} : memref<77x512xf32, #tpu.memory_space<vmem>>, vector<16xf32>,
      tpu.vector_store %arg12[%swap3A_1619, %swap3A_1620], %select_n3A_1617 {strides = array<i32>} : memref<77x512xf32, #tpu.memory_space<vmem>>, vector<16xf32>,
      %get3A_1622 = arith.constant 1 : i32
      %get3A_1623 = arith.index_cast %get3A_1622 : i32 to index
      %get3A_1624 = arith.constant 480 : index
      %get3A_1625 = tpu.vector_load %arg10[%get3A_1623, %get3A_1624] {strides = array<i32>} : memref<2x512xf32, #tpu.memory_space<vmem>>, vector<16xf32>,
      %get3A_1626 = arith.constant 1 : i32
      %get3A_1627 = arith.index_cast %get3A_1626 : i32 to index
      %get3A_1628 = arith.constant 480 : index
      %get3A_1629 = tpu.vector_load %arg11[%get3A_1627, %get3A_1628] {strides = array<i32>} : memref<4x512xf32, #tpu.memory_space<vmem>>, vector<16xf32>,
      %select_n3A_1630 = arith.select %eq3A_51, %get3A_1625, %get3A_1629 : vector<16xi1>, vector<16xf32>
      %swap3A_1631 = arith.constant 2 : i32
      %swap3A_1632 = arith.index_cast %swap3A_1631 : i32 to index
      %swap3A_1633 = arith.constant 480 : index
      %swap3A_1634 = tpu.vector_load %arg12[%swap3A_1632, %swap3A_1633] {strides = array<i32>} : memref<77x512xf32, #tpu.memory_space<vmem>>, vector<16xf32>,
      tpu.vector_store %arg12[%swap3A_1632, %swap3A_1633], %select_n3A_1630 {strides = array<i32>} : memref<77x512xf32, #tpu.memory_space<vmem>>, vector<16xf32>,
      %get3A_1635 = arith.constant 3 : i32
      %get3A_1636 = arith.index_cast %get3A_1635 : i32 to index
      %get3A_1637 = arith.constant 480 : index
      %get3A_1638 = tpu.vector_load %arg12[%get3A_1636, %get3A_1637] {strides = array<i32>} : memref<77x512xf32, #tpu.memory_space<vmem>>, vector<16xf32>,
      %get3A_1639 = arith.constant 2 : i32
      %get3A_1640 = arith.index_cast %get3A_1639 : i32 to index
      %get3A_1641 = arith.constant 480 : index
      %get3A_1642 = tpu.vector_load %arg11[%get3A_1640, %get3A_1641] {strides = array<i32>} : memref<4x512xf32, #tpu.memory_space<vmem>>, vector<16xf32>,
      %select_n3A_1643 = arith.select %eq3A_51, %get3A_1638, %get3A_1642 : vector<16xi1>, vector<16xf32>
      %swap3A_1644 = arith.constant 3 : i32
      %swap3A_1645 = arith.index_cast %swap3A_1644 : i32 to index
      %swap3A_1646 = arith.constant 480 : index
      %swap3A_1647 = tpu.vector_load %arg12[%swap3A_1645, %swap3A_1646] {strides = array<i32>} : memref<77x512xf32, #tpu.memory_space<vmem>>, vector<16xf32>,
      tpu.vector_store %arg12[%swap3A_1645, %swap3A_1646], %select_n3A_1643 {strides = array<i32>} : memref<77x512xf32, #tpu.memory_space<vmem>>, vector<16xf32>,
      %get3A_1648 = arith.constant 4 : i32
      %get3A_1649 = arith.index_cast %get3A_1648 : i32 to index
      %get3A_1650 = arith.constant 480 : index
      %get3A_1651 = tpu.vector_load %arg12[%get3A_1649, %get3A_1650] {strides = array<i32>} : memref<77x512xf32, #tpu.memory_space<vmem>>, vector<16xf32>,
      %get3A_1652 = arith.constant 3 : i32
      %get3A_1653 = arith.index_cast %get3A_1652 : i32 to index
      %get3A_1654 = arith.constant 480 : index
      %get3A_1655 = tpu.vector_load %arg11[%get3A_1653, %get3A_1654] {strides = array<i32>} : memref<4x512xf32, #tpu.memory_space<vmem>>, vector<16xf32>,
      %select_n3A_1656 = arith.select %eq3A_51, %get3A_1651, %get3A_1655 : vector<16xi1>, vector<16xf32>
      %swap3A_1657 = arith.constant 4 : i32
      %swap3A_1658 = arith.index_cast %swap3A_1657 : i32 to index
      %swap3A_1659 = arith.constant 480 : index
      %swap3A_1660 = tpu.vector_load %arg12[%swap3A_1658, %swap3A_1659] {strides = array<i32>} : memref<77x512xf32, #tpu.memory_space<vmem>>, vector<16xf32>,
      tpu.vector_store %arg12[%swap3A_1658, %swap3A_1659], %select_n3A_1656 {strides = array<i32>} : memref<77x512xf32, #tpu.memory_space<vmem>>, vector<16xf32>,
      %get3A_1661 = arith.constant 0 : i32
      %get3A_1662 = arith.index_cast %get3A_1661 : i32 to index
      %get3A_1663 = arith.constant 496 : index
      %get3A_1664 = tpu.vector_load %arg10[%get3A_1662, %get3A_1663] {strides = array<i32>} : memref<2x512xf32, #tpu.memory_space<vmem>>, vector<16xf32>,
      %get3A_1665 = arith.constant 0 : i32
      %get3A_1666 = arith.index_cast %get3A_1665 : i32 to index
      %get3A_1667 = arith.constant 496 : index
      %get3A_1668 = tpu.vector_load %arg11[%get3A_1666, %get3A_1667] {strides = array<i32>} : memref<4x512xf32, #tpu.memory_space<vmem>>, vector<16xf32>,
      %select_n3A_1669 = arith.select %eq3A_51, %get3A_1664, %get3A_1668 : vector<16xi1>, vector<16xf32>
      %swap3A_1670 = arith.constant 1 : i32
      %swap3A_1671 = arith.index_cast %swap3A_1670 : i32 to index
      %swap3A_1672 = arith.constant 496 : index
      %swap3A_1673 = tpu.vector_load %arg12[%swap3A_1671, %swap3A_1672] {strides = array<i32>} : memref<77x512xf32, #tpu.memory_space<vmem>>, vector<16xf32>,
      tpu.vector_store %arg12[%swap3A_1671, %swap3A_1672], %select_n3A_1669 {strides = array<i32>} : memref<77x512xf32, #tpu.memory_space<vmem>>, vector<16xf32>,
      %get3A_1674 = arith.constant 1 : i32
      %get3A_1675 = arith.index_cast %get3A_1674 : i32 to index
      %get3A_1676 = arith.constant 496 : index
      %get3A_1677 = tpu.vector_load %arg10[%get3A_1675, %get3A_1676] {strides = array<i32>} : memref<2x512xf32, #tpu.memory_space<vmem>>, vector<16xf32>,
      %get3A_1678 = arith.constant 1 : i32
      %get3A_1679 = arith.index_cast %get3A_1678 : i32 to index
      %get3A_1680 = arith.constant 496 : index
      %get3A_1681 = tpu.vector_load %arg11[%get3A_1679, %get3A_1680] {strides = array<i32>} : memref<4x512xf32, #tpu.memory_space<vmem>>, vector<16xf32>,
      %select_n3A_1682 = arith.select %eq3A_51, %get3A_1677, %get3A_1681 : vector<16xi1>, vector<16xf32>
      %swap3A_1683 = arith.constant 2 : i32
      %swap3A_1684 = arith.index_cast %swap3A_1683 : i32 to index
      %swap3A_1685 = arith.constant 496 : index
      %swap3A_1686 = tpu.vector_load %arg12[%swap3A_1684, %swap3A_1685] {strides = array<i32>} : memref<77x512xf32, #tpu.memory_space<vmem>>, vector<16xf32>,
      tpu.vector_store %arg12[%swap3A_1684, %swap3A_1685], %select_n3A_1682 {strides = array<i32>} : memref<77x512xf32, #tpu.memory_space<vmem>>, vector<16xf32>,
      %get3A_1687 = arith.constant 3 : i32
      %get3A_1688 = arith.index_cast %get3A_1687 : i32 to index
      %get3A_1689 = arith.constant 496 : index
      %get3A_1690 = tpu.vector_load %arg12[%get3A_1688, %get3A_1689] {strides = array<i32>} : memref<77x512xf32, #tpu.memory_space<vmem>>, vector<16xf32>,
      %get3A_1691 = arith.constant 2 : i32
      %get3A_1692 = arith.index_cast %get3A_1691 : i32 to index
      %get3A_1693 = arith.constant 496 : index
      %get3A_1694 = tpu.vector_load %arg11[%get3A_1692, %get3A_1693] {strides = array<i32>} : memref<4x512xf32, #tpu.memory_space<vmem>>, vector<16xf32>,
      %select_n3A_1695 = arith.select %eq3A_51, %get3A_1690, %get3A_1694 : vector<16xi1>, vector<16xf32>
      %swap3A_1696 = arith.constant 3 : i32
      %swap3A_1697 = arith.index_cast %swap3A_1696 : i32 to index
      %swap3A_1698 = arith.constant 496 : index
      %swap3A_1699 = tpu.vector_load %arg12[%swap3A_1697, %swap3A_1698] {strides = array<i32>} : memref<77x512xf32, #tpu.memory_space<vmem>>, vector<16xf32>,
      tpu.vector_store %arg12[%swap3A_1697, %swap3A_1698], %select_n3A_1695 {strides = array<i32>} : memref<77x512xf32, #tpu.memory_space<vmem>>, vector<16xf32>,
      %get3A_1700 = arith.constant 4 : i32
      %get3A_1701 = arith.index_cast %get3A_1700 : i32 to index
      %get3A_1702 = arith.constant 496 : index
      %get3A_1703 = tpu.vector_load %arg12[%get3A_1701, %get3A_1702] {strides = array<i32>} : memref<77x512xf32, #tpu.memory_space<vmem>>, vector<16xf32>,
      %get3A_1704 = arith.constant 3 : i32
      %get3A_1705 = arith.index_cast %get3A_1704 : i32 to index
      %get3A_1706 = arith.constant 496 : index
      %get3A_1707 = tpu.vector_load %arg11[%get3A_1705, %get3A_1706] {strides = array<i32>} : memref<4x512xf32, #tpu.memory_space<vmem>>, vector<16xf32>,
      %select_n3A_1708 = arith.select %eq3A_51, %get3A_1703, %get3A_1707 : vector<16xi1>, vector<16xf32>
      %swap3A_1709 = arith.constant 4 : i32
      %swap3A_1710 = arith.index_cast %swap3A_1709 : i32 to index
      %swap3A_1711 = arith.constant 496 : index
      %swap3A_1712 = tpu.vector_load %arg12[%swap3A_1710, %swap3A_1711] {strides = array<i32>} : memref<77x512xf32, #tpu.memory_space<vmem>>, vector<16xf32>,
      tpu.vector_store %arg12[%swap3A_1710, %swap3A_1711], %select_n3A_1708 {strides = array<i32>} : memref<77x512xf32, #tpu.memory_space<vmem>>, vector<16xf32>,
      %add3A_1713 = arith.addi %mul3A_2, %add3A_43 : i32
      %dma_start3A_1714 = arith.constant 0 : i32
      %dma_start3A_1715 = arith.constant 0 : i32
      %dma_start3A_1716 = tpu.memref_slice %arg7[%add3A_1713, %dma_start3A_1714, %dma_start3A_1715] : memref<1024x77x512xf32, #tpu.memory_space<hbm>> -> memref<1x77x512xf32, #tpu.memory_space<hbm>>
      %dma_start3A_1717 = tpu.memref_squeeze %dma_start3A_1716 : memref<1x77x512xf32, #tpu.memory_space<hbm>> -> memref<77x512xf32, #tpu.memory_space<hbm>>
      %dma_start3A_1718 = arith.constant 0 : i32
      %dma_start3A_1719 = arith.constant 0 : i32
      %dma_start3A_1720 = tpu.memref_slice %arg7[%add3A_1713, %dma_start3A_1718, %dma_start3A_1719] : memref<1024x77x512xf32, #tpu.memory_space<hbm>> -> memref<1x77x512xf32, #tpu.memory_space<hbm>>
      %dma_start3A_1721 = tpu.memref_squeeze %dma_start3A_1720 : memref<1x77x512xf32, #tpu.memory_space<hbm>> -> memref<77x512xf32, #tpu.memory_space<hbm>>
      tpu.enqueue_dma source(%arg12 : memref<77x512xf32, #tpu.memory_space<vmem>>) target(%dma_start3A_1721 : memref<77x512xf32, #tpu.memory_space<hbm>>) target_semaphore(%arg16 : memref<!tpu.dma_semaphore, #tpu.memory_space<semaphore_mem>>)
      %add3A_1722 = arith.constant 1 : i32
      %add3A_1723 = arith.addi %add3A_41, %add3A_1722 : i32
      %dma_wait3A_1724 = arith.constant 0 : i32
      %dma_wait3A_1725 = tpu.memref_slice %arg8[%add3A_1723, %dma_wait3A_1724] : memref<32x77xi32, #tpu.memory_space<vmem>> -> memref<1x77xi32, #tpu.memory_space<vmem>>
      %dma_wait3A_1726 = tpu.memref_squeeze %dma_wait3A_1725 : memref<1x77xi32, #tpu.memory_space<vmem>> -> memref<77xi32, #tpu.memory_space<vmem>>
      %dma_wait3A_1727 = arith.constant 0 : i32
      %dma_wait3A_1728 = arith.constant 0 : i32
      %dma_wait3A_1729 = tpu.memref_slice %arg4[%dma_wait3A_1727, %dma_wait3A_1728] : memref<49408x512xf32, #tpu.memory_space<hbm>> -> memref<49408x512xf32, #tpu.memory_space<hbm>>
      tpu.wait_indirect_dma semaphore(%arg15 : memref<!tpu.dma_semaphore, #tpu.memory_space<semaphore_mem>>) src(%dma_wait3A_1729 : memref<49408x512xf32, #tpu.memory_space<hbm>>) dst(%arg13 : memref<77x512xf32, #tpu.memory_space<vmem>>)
      %broadcast_in_dim3A_1730 = vector.broadcast %add3A_1723 : i32 to vector<16xi32>
      %gather3A_1731 = tpu.vector_load_idx %arg9[%broadcast_in_dim3A_1730] : memref<32xi32, #tpu.memory_space<vmem>>[vector<16xi32>], vector<16xi32>,
      %eq3A_1732 = arith.constant 0 : i32
      %eq3A_1733 = vector.broadcast %eq3A_1732 : i32 to vector<16xi32>
      %eq3A_1734 = arith.cmpi eq, %gather3A_1731, %eq3A_1733 : vector<16xi32>
      %get3A_1735 = arith.constant 0 : i32
      %get3A_1736 = arith.index_cast %get3A_1735 : i32 to index
      %get3A_1737 = arith.constant 0 : index
      %get3A_1738 = tpu.vector_load %arg10[%get3A_1736, %get3A_1737] {strides = array<i32>} : memref<2x512xf32, #tpu.memory_space<vmem>>, vector<16xf32>,
      %get3A_1739 = arith.constant 0 : i32
      %get3A_1740 = arith.index_cast %get3A_1739 : i32 to index
      %get3A_1741 = arith.constant 0 : index
      %get3A_1742 = tpu.vector_load %arg11[%get3A_1740, %get3A_1741] {strides = array<i32>} : memref<4x512xf32, #tpu.memory_space<vmem>>, vector<16xf32>,
      %select_n3A_1743 = arith.select %eq3A_1734, %get3A_1738, %get3A_1742 : vector<16xi1>, vector<16xf32>
      %swap3A_1744 = arith.constant 1 : i32
      %swap3A_1745 = arith.index_cast %swap3A_1744 : i32 to index
      %swap3A_1746 = arith.constant 0 : index
      %swap3A_1747 = tpu.vector_load %arg13[%swap3A_1745, %swap3A_1746] {strides = array<i32>} : memref<77x512xf32, #tpu.memory_space<vmem>>, vector<16xf32>,
      tpu.vector_store %arg13[%swap3A_1745, %swap3A_1746], %select_n3A_1743 {strides = array<i32>} : memref<77x512xf32, #tpu.memory_space<vmem>>, vector<16xf32>,
      %get3A_1748 = arith.constant 1 : i32
      %get3A_1749 = arith.index_cast %get3A_1748 : i32 to index
      %get3A_1750 = arith.constant 0 : index
      %get3A_1751 = tpu.vector_load %arg10[%get3A_1749, %get3A_1750] {strides = array<i32>} : memref<2x512xf32, #tpu.memory_space<vmem>>, vector<16xf32>,
      %get3A_1752 = arith.constant 1 : i32
      %get3A_1753 = arith.index_cast %get3A_1752 : i32 to index
      %get3A_1754 = arith.constant 0 : index
      %get3A_1755 = tpu.vector_load %arg11[%get3A_1753, %get3A_1754] {strides = array<i32>} : memref<4x512xf32, #tpu.memory_space<vmem>>, vector<16xf32>,
      %select_n3A_1756 = arith.select %eq3A_1734, %get3A_1751, %get3A_1755 : vector<16xi1>, vector<16xf32>
      %swap3A_1757 = arith.constant 2 : i32
      %swap3A_1758 = arith.index_cast %swap3A_1757 : i32 to index
      %swap3A_1759 = arith.constant 0 : index
      %swap3A_1760 = tpu.vector_load %arg13[%swap3A_1758, %swap3A_1759] {strides = array<i32>} : memref<77x512xf32, #tpu.memory_space<vmem>>, vector<16xf32>,
      tpu.vector_store %arg13[%swap3A_1758, %swap3A_1759], %select_n3A_1756 {strides = array<i32>} : memref<77x512xf32, #tpu.memory_space<vmem>>, vector<16xf32>,
      %get3A_1761 = arith.constant 3 : i32
      %get3A_1762 = arith.index_cast %get3A_1761 : i32 to index
      %get3A_1763 = arith.constant 0 : index
      %get3A_1764 = tpu.vector_load %arg13[%get3A_1762, %get3A_1763] {strides = array<i32>} : memref<77x512xf32, #tpu.memory_space<vmem>>, vector<16xf32>,
      %get3A_1765 = arith.constant 2 : i32
      %get3A_1766 = arith.index_cast %get3A_1765 : i32 to index
      %get3A_1767 = arith.constant 0 : index
      %get3A_1768 = tpu.vector_load %arg11[%get3A_1766, %get3A_1767] {strides = array<i32>} : memref<4x512xf32, #tpu.memory_space<vmem>>, vector<16xf32>,
      %select_n3A_1769 = arith.select %eq3A_1734, %get3A_1764, %get3A_1768 : vector<16xi1>, vector<16xf32>
      %swap3A_1770 = arith.constant 3 : i32
      %swap3A_1771 = arith.index_cast %swap3A_1770 : i32 to index
      %swap3A_1772 = arith.constant 0 : index
      %swap3A_1773 = tpu.vector_load %arg13[%swap3A_1771, %swap3A_1772] {strides = array<i32>} : memref<77x512xf32, #tpu.memory_space<vmem>>, vector<16xf32>,
      tpu.vector_store %arg13[%swap3A_1771, %swap3A_1772], %select_n3A_1769 {strides = array<i32>} : memref<77x512xf32, #tpu.memory_space<vmem>>, vector<16xf32>,
      %get3A_1774 = arith.constant 4 : i32
      %get3A_1775 = arith.index_cast %get3A_1774 : i32 to index
      %get3A_1776 = arith.constant 0 : index
      %get3A_1777 = tpu.vector_load %arg13[%get3A_1775, %get3A_1776] {strides = array<i32>} : memref<77x512xf32, #tpu.memory_space<vmem>>, vector<16xf32>,
      %get3A_1778 = arith.constant 3 : i32
      %get3A_1779 = arith.index_cast %get3A_1778 : i32 to index
      %get3A_1780 = arith.constant 0 : index
      %get3A_1781 = tpu.vector_load %arg11[%get3A_1779, %get3A_1780] {strides = array<i32>} : memref<4x512xf32, #tpu.memory_space<vmem>>, vector<16xf32>,
      %select_n3A_1782 = arith.select %eq3A_1734, %get3A_1777, %get3A_1781 : vector<16xi1>, vector<16xf32>
      %swap3A_1783 = arith.constant 4 : i32
      %swap3A_1784 = arith.index_cast %swap3A_1783 : i32 to index
      %swap3A_1785 = arith.constant 0 : index
      %swap3A_1786 = tpu.vector_load %arg13[%swap3A_1784, %swap3A_1785] {strides = array<i32>} : memref<77x512xf32, #tpu.memory_space<vmem>>, vector<16xf32>,
      tpu.vector_store %arg13[%swap3A_1784, %swap3A_1785], %select_n3A_1782 {strides = array<i32>} : memref<77x512xf32, #tpu.memory_space<vmem>>, vector<16xf32>,
      %get3A_1787 = arith.constant 0 : i32
      %get3A_1788 = arith.index_cast %get3A_1787 : i32 to index
      %get3A_1789 = arith.constant 16 : index
      %get3A_1790 = tpu.vector_load %arg10[%get3A_1788, %get3A_1789] {strides = array<i32>} : memref<2x512xf32, #tpu.memory_space<vmem>>, vector<16xf32>,
      %get3A_1791 = arith.constant 0 : i32
      %get3A_1792 = arith.index_cast %get3A_1791 : i32 to index
      %get3A_1793 = arith.constant 16 : index
      %get3A_1794 = tpu.vector_load %arg11[%get3A_1792, %get3A_1793] {strides = array<i32>} : memref<4x512xf32, #tpu.memory_space<vmem>>, vector<16xf32>,
      %select_n3A_1795 = arith.select %eq3A_1734, %get3A_1790, %get3A_1794 : vector<16xi1>, vector<16xf32>
      %swap3A_1796 = arith.constant 1 : i32
      %swap3A_1797 = arith.index_cast %swap3A_1796 : i32 to index
      %swap3A_1798 = arith.constant 16 : index
      %swap3A_1799 = tpu.vector_load %arg13[%swap3A_1797, %swap3A_1798] {strides = array<i32>} : memref<77x512xf32, #tpu.memory_space<vmem>>, vector<16xf32>,
      tpu.vector_store %arg13[%swap3A_1797, %swap3A_1798], %select_n3A_1795 {strides = array<i32>} : memref<77x512xf32, #tpu.memory_space<vmem>>, vector<16xf32>,
      %get3A_1800 = arith.constant 1 : i32
      %get3A_1801 = arith.index_cast %get3A_1800 : i32 to index
      %get3A_1802 = arith.constant 16 : index
      %get3A_1803 = tpu.vector_load %arg10[%get3A_1801, %get3A_1802] {strides = array<i32>} : memref<2x512xf32, #tpu.memory_space<vmem>>, vector<16xf32>,
      %get3A_1804 = arith.constant 1 : i32
      %get3A_1805 = arith.index_cast %get3A_1804 : i32 to index
      %get3A_1806 = arith.constant 16 : index
      %get3A_1807 = tpu.vector_load %arg11[%get3A_1805, %get3A_1806] {strides = array<i32>} : memref<4x512xf32, #tpu.memory_space<vmem>>, vector<16xf32>,
      %select_n3A_1808 = arith.select %eq3A_1734, %get3A_1803, %get3A_1807 : vector<16xi1>, vector<16xf32>
      %swap3A_1809 = arith.constant 2 : i32
      %swap3A_1810 = arith.index_cast %swap3A_1809 : i32 to index
      %swap3A_1811 = arith.constant 16 : index
      %swap3A_1812 = tpu.vector_load %arg13[%swap3A_1810, %swap3A_1811] {strides = array<i32>} : memref<77x512xf32, #tpu.memory_space<vmem>>, vector<16xf32>,
      tpu.vector_store %arg13[%swap3A_1810, %swap3A_1811], %select_n3A_1808 {strides = array<i32>} : memref<77x512xf32, #tpu.memory_space<vmem>>, vector<16xf32>,
      %get3A_1813 = arith.constant 3 : i32
      %get3A_1814 = arith.index_cast %get3A_1813 : i32 to index
      %get3A_1815 = arith.constant 16 : index
      %get3A_1816 = tpu.vector_load %arg13[%get3A_1814, %get3A_1815] {strides = array<i32>} : memref<77x512xf32, #tpu.memory_space<vmem>>, vector<16xf32>,
      %get3A_1817 = arith.constant 2 : i32
      %get3A_1818 = arith.index_cast %get3A_1817 : i32 to index
      %get3A_1819 = arith.constant 16 : index
      %get3A_1820 = tpu.vector_load %arg11[%get3A_1818, %get3A_1819] {strides = array<i32>} : memref<4x512xf32, #tpu.memory_space<vmem>>, vector<16xf32>,
      %select_n3A_1821 = arith.select %eq3A_1734, %get3A_1816, %get3A_1820 : vector<16xi1>, vector<16xf32>
      %swap3A_1822 = arith.constant 3 : i32
      %swap3A_1823 = arith.index_cast %swap3A_1822 : i32 to index
      %swap3A_1824 = arith.constant 16 : index
      %swap3A_1825 = tpu.vector_load %arg13[%swap3A_1823, %swap3A_1824] {strides = array<i32>} : memref<77x512xf32, #tpu.memory_space<vmem>>, vector<16xf32>,
      tpu.vector_store %arg13[%swap3A_1823, %swap3A_1824], %select_n3A_1821 {strides = array<i32>} : memref<77x512xf32, #tpu.memory_space<vmem>>, vector<16xf32>,
      %get3A_1826 = arith.constant 4 : i32
      %get3A_1827 = arith.index_cast %get3A_1826 : i32 to index
      %get3A_1828 = arith.constant 16 : index
      %get3A_1829 = tpu.vector_load %arg13[%get3A_1827, %get3A_1828] {strides = array<i32>} : memref<77x512xf32, #tpu.memory_space<vmem>>, vector<16xf32>,
      %get3A_1830 = arith.constant 3 : i32
      %get3A_1831 = arith.index_cast %get3A_1830 : i32 to index
      %get3A_1832 = arith.constant 16 : index
      %get3A_1833 = tpu.vector_load %arg11[%get3A_1831, %get3A_1832] {strides = array<i32>} : memref<4x512xf32, #tpu.memory_space<vmem>>, vector<16xf32>,
      %select_n3A_1834 = arith.select %eq3A_1734, %get3A_1829, %get3A_1833 : vector<16xi1>, vector<16xf32>
      %swap3A_1835 = arith.constant 4 : i32
      %swap3A_1836 = arith.index_cast %swap3A_1835 : i32 to index
      %swap3A_1837 = arith.constant 16 : index
      %swap3A_1838 = tpu.vector_load %arg13[%swap3A_1836, %swap3A_1837] {strides = array<i32>} : memref<77x512xf32, #tpu.memory_space<vmem>>, vector<16xf32>,
      tpu.vector_store %arg13[%swap3A_1836, %swap3A_1837], %select_n3A_1834 {strides = array<i32>} : memref<77x512xf32, #tpu.memory_space<vmem>>, vector<16xf32>,
      %get3A_1839 = arith.constant 0 : i32
      %get3A_1840 = arith.index_cast %get3A_1839 : i32 to index
      %get3A_1841 = arith.constant 32 : index
      %get3A_1842 = tpu.vector_load %arg10[%get3A_1840, %get3A_1841] {strides = array<i32>} : memref<2x512xf32, #tpu.memory_space<vmem>>, vector<16xf32>,
      %get3A_1843 = arith.constant 0 : i32
      %get3A_1844 = arith.index_cast %get3A_1843 : i32 to index
      %get3A_1845 = arith.constant 32 : index
      %get3A_1846 = tpu.vector_load %arg11[%get3A_1844, %get3A_1845] {strides = array<i32>} : memref<4x512xf32, #tpu.memory_space<vmem>>, vector<16xf32>,
      %select_n3A_1847 = arith.select %eq3A_1734, %get3A_1842, %get3A_1846 : vector<16xi1>, vector<16xf32>
      %swap3A_1848 = arith.constant 1 : i32
      %swap3A_1849 = arith.index_cast %swap3A_1848 : i32 to index
      %swap3A_1850 = arith.constant 32 : index
      %swap3A_1851 = tpu.vector_load %arg13[%swap3A_1849, %swap3A_1850] {strides = array<i32>} : memref<77x512xf32, #tpu.memory_space<vmem>>, vector<16xf32>,
      tpu.vector_store %arg13[%swap3A_1849, %swap3A_1850], %select_n3A_1847 {strides = array<i32>} : memref<77x512xf32, #tpu.memory_space<vmem>>, vector<16xf32>,
      %get3A_1852 = arith.constant 1 : i32
      %get3A_1853 = arith.index_cast %get3A_1852 : i32 to index
      %get3A_1854 = arith.constant 32 : index
      %get3A_1855 = tpu.vector_load %arg10[%get3A_1853, %get3A_1854] {strides = array<i32>} : memref<2x512xf32, #tpu.memory_space<vmem>>, vector<16xf32>,
      %get3A_1856 = arith.constant 1 : i32
      %get3A_1857 = arith.index_cast %get3A_1856 : i32 to index
      %get3A_1858 = arith.constant 32 : index
      %get3A_1859 = tpu.vector_load %arg11[%get3A_1857, %get3A_1858] {strides = array<i32>} : memref<4x512xf32, #tpu.memory_space<vmem>>, vector<16xf32>,
      %select_n3A_1860 = arith.select %eq3A_1734, %get3A_1855, %get3A_1859 : vector<16xi1>, vector<16xf32>
      %swap3A_1861 = arith.constant 2 : i32
      %swap3A_1862 = arith.index_cast %swap3A_1861 : i32 to index
      %swap3A_1863 = arith.constant 32 : index
      %swap3A_1864 = tpu.vector_load %arg13[%swap3A_1862, %swap3A_1863] {strides = array<i32>} : memref<77x512xf32, #tpu.memory_space<vmem>>, vector<16xf32>,
      tpu.vector_store %arg13[%swap3A_1862, %swap3A_1863], %select_n3A_1860 {strides = array<i32>} : memref<77x512xf32, #tpu.memory_space<vmem>>, vector<16xf32>,
      %get3A_1865 = arith.constant 3 : i32
      %get3A_1866 = arith.index_cast %get3A_1865 : i32 to index
      %get3A_1867 = arith.constant 32 : index
      %get3A_1868 = tpu.vector_load %arg13[%get3A_1866, %get3A_1867] {strides = array<i32>} : memref<77x512xf32, #tpu.memory_space<vmem>>, vector<16xf32>,
      %get3A_1869 = arith.constant 2 : i32
      %get3A_1870 = arith.index_cast %get3A_1869 : i32 to index
      %get3A_1871 = arith.constant 32 : index
      %get3A_1872 = tpu.vector_load %arg11[%get3A_1870, %get3A_1871] {strides = array<i32>} : memref<4x512xf32, #tpu.memory_space<vmem>>, vector<16xf32>,
      %select_n3A_1873 = arith.select %eq3A_1734, %get3A_1868, %get3A_1872 : vector<16xi1>, vector<16xf32>
      %swap3A_1874 = arith.constant 3 : i32
      %swap3A_1875 = arith.index_cast %swap3A_1874 : i32 to index
      %swap3A_1876 = arith.constant 32 : index
      %swap3A_1877 = tpu.vector_load %arg13[%swap3A_1875, %swap3A_1876] {strides = array<i32>} : memref<77x512xf32, #tpu.memory_space<vmem>>, vector<16xf32>,
      tpu.vector_store %arg13[%swap3A_1875, %swap3A_1876], %select_n3A_1873 {strides = array<i32>} : memref<77x512xf32, #tpu.memory_space<vmem>>, vector<16xf32>,
      %get3A_1878 = arith.constant 4 : i32
      %get3A_1879 = arith.index_cast %get3A_1878 : i32 to index
      %get3A_1880 = arith.constant 32 : index
      %get3A_1881 = tpu.vector_load %arg13[%get3A_1879, %get3A_1880] {strides = array<i32>} : memref<77x512xf32, #tpu.memory_space<vmem>>, vector<16xf32>,
      %get3A_1882 = arith.constant 3 : i32
      %get3A_1883 = arith.index_cast %get3A_1882 : i32 to index
      %get3A_1884 = arith.constant 32 : index
      %get3A_1885 = tpu.vector_load %arg11[%get3A_1883, %get3A_1884] {strides = array<i32>} : memref<4x512xf32, #tpu.memory_space<vmem>>, vector<16xf32>,
      %select_n3A_1886 = arith.select %eq3A_1734, %get3A_1881, %get3A_1885 : vector<16xi1>, vector<16xf32>
      %swap3A_1887 = arith.constant 4 : i32
      %swap3A_1888 = arith.index_cast %swap3A_1887 : i32 to index
      %swap3A_1889 = arith.constant 32 : index
      %swap3A_1890 = tpu.vector_load %arg13[%swap3A_1888, %swap3A_1889] {strides = array<i32>} : memref<77x512xf32, #tpu.memory_space<vmem>>, vector<16xf32>,
      tpu.vector_store %arg13[%swap3A_1888, %swap3A_1889], %select_n3A_1886 {strides = array<i32>} : memref<77x512xf32, #tpu.memory_space<vmem>>, vector<16xf32>,
      %get3A_1891 = arith.constant 0 : i32
      %get3A_1892 = arith.index_cast %get3A_1891 : i32 to index
      %get3A_1893 = arith.constant 48 : index
      %get3A_1894 = tpu.vector_load %arg10[%get3A_1892, %get3A_1893] {strides = array<i32>} : memref<2x512xf32, #tpu.memory_space<vmem>>, vector<16xf32>,
      %get3A_1895 = arith.constant 0 : i32
      %get3A_1896 = arith.index_cast %get3A_1895 : i32 to index
      %get3A_1897 = arith.constant 48 : index
      %get3A_1898 = tpu.vector_load %arg11[%get3A_1896, %get3A_1897] {strides = array<i32>} : memref<4x512xf32, #tpu.memory_space<vmem>>, vector<16xf32>,
      %select_n3A_1899 = arith.select %eq3A_1734, %get3A_1894, %get3A_1898 : vector<16xi1>, vector<16xf32>
      %swap3A_1900 = arith.constant 1 : i32
      %swap3A_1901 = arith.index_cast %swap3A_1900 : i32 to index
      %swap3A_1902 = arith.constant 48 : index
      %swap3A_1903 = tpu.vector_load %arg13[%swap3A_1901, %swap3A_1902] {strides = array<i32>} : memref<77x512xf32, #tpu.memory_space<vmem>>, vector<16xf32>,
      tpu.vector_store %arg13[%swap3A_1901, %swap3A_1902], %select_n3A_1899 {strides = array<i32>} : memref<77x512xf32, #tpu.memory_space<vmem>>, vector<16xf32>,
      %get3A_1904 = arith.constant 1 : i32
      %get3A_1905 = arith.index_cast %get3A_1904 : i32 to index
      %get3A_1906 = arith.constant 48 : index
      %get3A_1907 = tpu.vector_load %arg10[%get3A_1905, %get3A_1906] {strides = array<i32>} : memref<2x512xf32, #tpu.memory_space<vmem>>, vector<16xf32>,
      %get3A_1908 = arith.constant 1 : i32
      %get3A_1909 = arith.index_cast %get3A_1908 : i32 to index
      %get3A_1910 = arith.constant 48 : index
      %get3A_1911 = tpu.vector_load %arg11[%get3A_1909, %get3A_1910] {strides = array<i32>} : memref<4x512xf32, #tpu.memory_space<vmem>>, vector<16xf32>,
      %select_n3A_1912 = arith.select %eq3A_1734, %get3A_1907, %get3A_1911 : vector<16xi1>, vector<16xf32>
      %swap3A_1913 = arith.constant 2 : i32
      %swap3A_1914 = arith.index_cast %swap3A_1913 : i32 to index
      %swap3A_1915 = arith.constant 48 : index
      %swap3A_1916 = tpu.vector_load %arg13[%swap3A_1914, %swap3A_1915] {strides = array<i32>} : memref<77x512xf32, #tpu.memory_space<vmem>>, vector<16xf32>,
      tpu.vector_store %arg13[%swap3A_1914, %swap3A_1915], %select_n3A_1912 {strides = array<i32>} : memref<77x512xf32, #tpu.memory_space<vmem>>, vector<16xf32>,
      %get3A_1917 = arith.constant 3 : i32
      %get3A_1918 = arith.index_cast %get3A_1917 : i32 to index
      %get3A_1919 = arith.constant 48 : index
      %get3A_1920 = tpu.vector_load %arg13[%get3A_1918, %get3A_1919] {strides = array<i32>} : memref<77x512xf32, #tpu.memory_space<vmem>>, vector<16xf32>,
      %get3A_1921 = arith.constant 2 : i32
      %get3A_1922 = arith.index_cast %get3A_1921 : i32 to index
      %get3A_1923 = arith.constant 48 : index
      %get3A_1924 = tpu.vector_load %arg11[%get3A_1922, %get3A_1923] {strides = array<i32>} : memref<4x512xf32, #tpu.memory_space<vmem>>, vector<16xf32>,
      %select_n3A_1925 = arith.select %eq3A_1734, %get3A_1920, %get3A_1924 : vector<16xi1>, vector<16xf32>
      %swap3A_1926 = arith.constant 3 : i32
      %swap3A_1927 = arith.index_cast %swap3A_1926 : i32 to index
      %swap3A_1928 = arith.constant 48 : index
      %swap3A_1929 = tpu.vector_load %arg13[%swap3A_1927, %swap3A_1928] {strides = array<i32>} : memref<77x512xf32, #tpu.memory_space<vmem>>, vector<16xf32>,
      tpu.vector_store %arg13[%swap3A_1927, %swap3A_1928], %select_n3A_1925 {strides = array<i32>} : memref<77x512xf32, #tpu.memory_space<vmem>>, vector<16xf32>,
      %get3A_1930 = arith.constant 4 : i32
      %get3A_1931 = arith.index_cast %get3A_1930 : i32 to index
      %get3A_1932 = arith.constant 48 : index
      %get3A_1933 = tpu.vector_load %arg13[%get3A_1931, %get3A_1932] {strides = array<i32>} : memref<77x512xf32, #tpu.memory_space<vmem>>, vector<16xf32>,
      %get3A_1934 = arith.constant 3 : i32
      %get3A_1935 = arith.index_cast %get3A_1934 : i32 to index
      %get3A_1936 = arith.constant 48 : index
      %get3A_1937 = tpu.vector_load %arg11[%get3A_1935, %get3A_1936] {strides = array<i32>} : memref<4x512xf32, #tpu.memory_space<vmem>>, vector<16xf32>,
      %select_n3A_1938 = arith.select %eq3A_1734, %get3A_1933, %get3A_1937 : vector<16xi1>, vector<16xf32>
      %swap3A_1939 = arith.constant 4 : i32
      %swap3A_1940 = arith.index_cast %swap3A_1939 : i32 to index
      %swap3A_1941 = arith.constant 48 : index
      %swap3A_1942 = tpu.vector_load %arg13[%swap3A_1940, %swap3A_1941] {strides = array<i32>} : memref<77x512xf32, #tpu.memory_space<vmem>>, vector<16xf32>,
      tpu.vector_store %arg13[%swap3A_1940, %swap3A_1941], %select_n3A_1938 {strides = array<i32>} : memref<77x512xf32, #tpu.memory_space<vmem>>, vector<16xf32>,
      %get3A_1943 = arith.constant 0 : i32
      %get3A_1944 = arith.index_cast %get3A_1943 : i32 to index
      %get3A_1945 = arith.constant 64 : index
      %get3A_1946 = tpu.vector_load %arg10[%get3A_1944, %get3A_1945] {strides = array<i32>} : memref<2x512xf32, #tpu.memory_space<vmem>>, vector<16xf32>,
      %get3A_1947 = arith.constant 0 : i32
      %get3A_1948 = arith.index_cast %get3A_1947 : i32 to index
      %get3A_1949 = arith.constant 64 : index
      %get3A_1950 = tpu.vector_load %arg11[%get3A_1948, %get3A_1949] {strides = array<i32>} : memref<4x512xf32, #tpu.memory_space<vmem>>, vector<16xf32>,
      %select_n3A_1951 = arith.select %eq3A_1734, %get3A_1946, %get3A_1950 : vector<16xi1>, vector<16xf32>
      %swap3A_1952 = arith.constant 1 : i32
      %swap3A_1953 = arith.index_cast %swap3A_1952 : i32 to index
      %swap3A_1954 = arith.constant 64 : index
      %swap3A_1955 = tpu.vector_load %arg13[%swap3A_1953, %swap3A_1954] {strides = array<i32>} : memref<77x512xf32, #tpu.memory_space<vmem>>, vector<16xf32>,
      tpu.vector_store %arg13[%swap3A_1953, %swap3A_1954], %select_n3A_1951 {strides = array<i32>} : memref<77x512xf32, #tpu.memory_space<vmem>>, vector<16xf32>,
      %get3A_1956 = arith.constant 1 : i32
      %get3A_1957 = arith.index_cast %get3A_1956 : i32 to index
      %get3A_1958 = arith.constant 64 : index
      %get3A_1959 = tpu.vector_load %arg10[%get3A_1957, %get3A_1958] {strides = array<i32>} : memref<2x512xf32, #tpu.memory_space<vmem>>, vector<16xf32>,
      %get3A_1960 = arith.constant 1 : i32
      %get3A_1961 = arith.index_cast %get3A_1960 : i32 to index
      %get3A_1962 = arith.constant 64 : index
      %get3A_1963 = tpu.vector_load %arg11[%get3A_1961, %get3A_1962] {strides = array<i32>} : memref<4x512xf32, #tpu.memory_space<vmem>>, vector<16xf32>,
      %select_n3A_1964 = arith.select %eq3A_1734, %get3A_1959, %get3A_1963 : vector<16xi1>, vector<16xf32>
      %swap3A_1965 = arith.constant 2 : i32
      %swap3A_1966 = arith.index_cast %swap3A_1965 : i32 to index
      %swap3A_1967 = arith.constant 64 : index
      %swap3A_1968 = tpu.vector_load %arg13[%swap3A_1966, %swap3A_1967] {strides = array<i32>} : memref<77x512xf32, #tpu.memory_space<vmem>>, vector<16xf32>,
      tpu.vector_store %arg13[%swap3A_1966, %swap3A_1967], %select_n3A_1964 {strides = array<i32>} : memref<77x512xf32, #tpu.memory_space<vmem>>, vector<16xf32>,
      %get3A_1969 = arith.constant 3 : i32
      %get3A_1970 = arith.index_cast %get3A_1969 : i32 to index
      %get3A_1971 = arith.constant 64 : index
      %get3A_1972 = tpu.vector_load %arg13[%get3A_1970, %get3A_1971] {strides = array<i32>} : memref<77x512xf32, #tpu.memory_space<vmem>>, vector<16xf32>,
      %get3A_1973 = arith.constant 2 : i32
      %get3A_1974 = arith.index_cast %get3A_1973 : i32 to index
      %get3A_1975 = arith.constant 64 : index
      %get3A_1976 = tpu.vector_load %arg11[%get3A_1974, %get3A_1975] {strides = array<i32>} : memref<4x512xf32, #tpu.memory_space<vmem>>, vector<16xf32>,
      %select_n3A_1977 = arith.select %eq3A_1734, %get3A_1972, %get3A_1976 : vector<16xi1>, vector<16xf32>
      %swap3A_1978 = arith.constant 3 : i32
      %swap3A_1979 = arith.index_cast %swap3A_1978 : i32 to index
      %swap3A_1980 = arith.constant 64 : index
      %swap3A_1981 = tpu.vector_load %arg13[%swap3A_1979, %swap3A_1980] {strides = array<i32>} : memref<77x512xf32, #tpu.memory_space<vmem>>, vector<16xf32>,
      tpu.vector_store %arg13[%swap3A_1979, %swap3A_1980], %select_n3A_1977 {strides = array<i32>} : memref<77x512xf32, #tpu.memory_space<vmem>>, vector<16xf32>,
      %get3A_1982 = arith.constant 4 : i32
      %get3A_1983 = arith.index_cast %get3A_1982 : i32 to index
      %get3A_1984 = arith.constant 64 : index
      %get3A_1985 = tpu.vector_load %arg13[%get3A_1983, %get3A_1984] {strides = array<i32>} : memref<77x512xf32, #tpu.memory_space<vmem>>, vector<16xf32>,
      %get3A_1986 = arith.constant 3 : i32
      %get3A_1987 = arith.index_cast %get3A_1986 : i32 to index
      %get3A_1988 = arith.constant 64 : index
      %get3A_1989 = tpu.vector_load %arg11[%get3A_1987, %get3A_1988] {strides = array<i32>} : memref<4x512xf32, #tpu.memory_space<vmem>>, vector<16xf32>,
      %select_n3A_1990 = arith.select %eq3A_1734, %get3A_1985, %get3A_1989 : vector<16xi1>, vector<16xf32>
      %swap3A_1991 = arith.constant 4 : i32
      %swap3A_1992 = arith.index_cast %swap3A_1991 : i32 to index
      %swap3A_1993 = arith.constant 64 : index
      %swap3A_1994 = tpu.vector_load %arg13[%swap3A_1992, %swap3A_1993] {strides = array<i32>} : memref<77x512xf32, #tpu.memory_space<vmem>>, vector<16xf32>,
      tpu.vector_store %arg13[%swap3A_1992, %swap3A_1993], %select_n3A_1990 {strides = array<i32>} : memref<77x512xf32, #tpu.memory_space<vmem>>, vector<16xf32>,
      %get3A_1995 = arith.constant 0 : i32
      %get3A_1996 = arith.index_cast %get3A_1995 : i32 to index
      %get3A_1997 = arith.constant 80 : index
      %get3A_1998 = tpu.vector_load %arg10[%get3A_1996, %get3A_1997] {strides = array<i32>} : memref<2x512xf32, #tpu.memory_space<vmem>>, vector<16xf32>,
      %get3A_1999 = arith.constant 0 : i32
      %get3A_2000 = arith.index_cast %get3A_1999 : i32 to index
      %get3A_2001 = arith.constant 80 : index
      %get3A_2002 = tpu.vector_load %arg11[%get3A_2000, %get3A_2001] {strides = array<i32>} : memref<4x512xf32, #tpu.memory_space<vmem>>, vector<16xf32>,
      %select_n3A_2003 = arith.select %eq3A_1734, %get3A_1998, %get3A_2002 : vector<16xi1>, vector<16xf32>
      %swap3A_2004 = arith.constant 1 : i32
      %swap3A_2005 = arith.index_cast %swap3A_2004 : i32 to index
      %swap3A_2006 = arith.constant 80 : index
      %swap3A_2007 = tpu.vector_load %arg13[%swap3A_2005, %swap3A_2006] {strides = array<i32>} : memref<77x512xf32, #tpu.memory_space<vmem>>, vector<16xf32>,
      tpu.vector_store %arg13[%swap3A_2005, %swap3A_2006], %select_n3A_2003 {strides = array<i32>} : memref<77x512xf32, #tpu.memory_space<vmem>>, vector<16xf32>,
      %get3A_2008 = arith.constant 1 : i32
      %get3A_2009 = arith.index_cast %get3A_2008 : i32 to index
      %get3A_2010 = arith.constant 80 : index
      %get3A_2011 = tpu.vector_load %arg10[%get3A_2009, %get3A_2010] {strides = array<i32>} : memref<2x512xf32, #tpu.memory_space<vmem>>, vector<16xf32>,
      %get3A_2012 = arith.constant 1 : i32
      %get3A_2013 = arith.index_cast %get3A_2012 : i32 to index
      %get3A_2014 = arith.constant 80 : index
      %get3A_2015 = tpu.vector_load %arg11[%get3A_2013, %get3A_2014] {strides = array<i32>} : memref<4x512xf32, #tpu.memory_space<vmem>>, vector<16xf32>,
      %select_n3A_2016 = arith.select %eq3A_1734, %get3A_2011, %get3A_2015 : vector<16xi1>, vector<16xf32>
      %swap3A_2017 = arith.constant 2 : i32
      %swap3A_2018 = arith.index_cast %swap3A_2017 : i32 to index
      %swap3A_2019 = arith.constant 80 : index
      %swap3A_2020 = tpu.vector_load %arg13[%swap3A_2018, %swap3A_2019] {strides = array<i32>} : memref<77x512xf32, #tpu.memory_space<vmem>>, vector<16xf32>,
      tpu.vector_store %arg13[%swap3A_2018, %swap3A_2019], %select_n3A_2016 {strides = array<i32>} : memref<77x512xf32, #tpu.memory_space<vmem>>, vector<16xf32>,
      %get3A_2021 = arith.constant 3 : i32
      %get3A_2022 = arith.index_cast %get3A_2021 : i32 to index
      %get3A_2023 = arith.constant 80 : index
      %get3A_2024 = tpu.vector_load %arg13[%get3A_2022, %get3A_2023] {strides = array<i32>} : memref<77x512xf32, #tpu.memory_space<vmem>>, vector<16xf32>,
      %get3A_2025 = arith.constant 2 : i32
      %get3A_2026 = arith.index_cast %get3A_2025 : i32 to index
      %get3A_2027 = arith.constant 80 : index
      %get3A_2028 = tpu.vector_load %arg11[%get3A_2026, %get3A_2027] {strides = array<i32>} : memref<4x512xf32, #tpu.memory_space<vmem>>, vector<16xf32>,
      %select_n3A_2029 = arith.select %eq3A_1734, %get3A_2024, %get3A_2028 : vector<16xi1>, vector<16xf32>
      %swap3A_2030 = arith.constant 3 : i32
      %swap3A_2031 = arith.index_cast %swap3A_2030 : i32 to index
      %swap3A_2032 = arith.constant 80 : index
      %swap3A_2033 = tpu.vector_load %arg13[%swap3A_2031, %swap3A_2032] {strides = array<i32>} : memref<77x512xf32, #tpu.memory_space<vmem>>, vector<16xf32>,
      tpu.vector_store %arg13[%swap3A_2031, %swap3A_2032], %select_n3A_2029 {strides = array<i32>} : memref<77x512xf32, #tpu.memory_space<vmem>>, vector<16xf32>,
      %get3A_2034 = arith.constant 4 : i32
      %get3A_2035 = arith.index_cast %get3A_2034 : i32 to index
      %get3A_2036 = arith.constant 80 : index
      %get3A_2037 = tpu.vector_load %arg13[%get3A_2035, %get3A_2036] {strides = array<i32>} : memref<77x512xf32, #tpu.memory_space<vmem>>, vector<16xf32>,
      %get3A_2038 = arith.constant 3 : i32
      %get3A_2039 = arith.index_cast %get3A_2038 : i32 to index
      %get3A_2040 = arith.constant 80 : index
      %get3A_2041 = tpu.vector_load %arg11[%get3A_2039, %get3A_2040] {strides = array<i32>} : memref<4x512xf32, #tpu.memory_space<vmem>>, vector<16xf32>,
      %select_n3A_2042 = arith.select %eq3A_1734, %get3A_2037, %get3A_2041 : vector<16xi1>, vector<16xf32>
      %swap3A_2043 = arith.constant 4 : i32
      %swap3A_2044 = arith.index_cast %swap3A_2043 : i32 to index
      %swap3A_2045 = arith.constant 80 : index
      %swap3A_2046 = tpu.vector_load %arg13[%swap3A_2044, %swap3A_2045] {strides = array<i32>} : memref<77x512xf32, #tpu.memory_space<vmem>>, vector<16xf32>,
      tpu.vector_store %arg13[%swap3A_2044, %swap3A_2045], %select_n3A_2042 {strides = array<i32>} : memref<77x512xf32, #tpu.memory_space<vmem>>, vector<16xf32>,
      %get3A_2047 = arith.constant 0 : i32
      %get3A_2048 = arith.index_cast %get3A_2047 : i32 to index
      %get3A_2049 = arith.constant 96 : index
      %get3A_2050 = tpu.vector_load %arg10[%get3A_2048, %get3A_2049] {strides = array<i32>} : memref<2x512xf32, #tpu.memory_space<vmem>>, vector<16xf32>,
      %get3A_2051 = arith.constant 0 : i32
      %get3A_2052 = arith.index_cast %get3A_2051 : i32 to index
      %get3A_2053 = arith.constant 96 : index
      %get3A_2054 = tpu.vector_load %arg11[%get3A_2052, %get3A_2053] {strides = array<i32>} : memref<4x512xf32, #tpu.memory_space<vmem>>, vector<16xf32>,
      %select_n3A_2055 = arith.select %eq3A_1734, %get3A_2050, %get3A_2054 : vector<16xi1>, vector<16xf32>
      %swap3A_2056 = arith.constant 1 : i32
      %swap3A_2057 = arith.index_cast %swap3A_2056 : i32 to index
      %swap3A_2058 = arith.constant 96 : index
      %swap3A_2059 = tpu.vector_load %arg13[%swap3A_2057, %swap3A_2058] {strides = array<i32>} : memref<77x512xf32, #tpu.memory_space<vmem>>, vector<16xf32>,
      tpu.vector_store %arg13[%swap3A_2057, %swap3A_2058], %select_n3A_2055 {strides = array<i32>} : memref<77x512xf32, #tpu.memory_space<vmem>>, vector<16xf32>,
      %get3A_2060 = arith.constant 1 : i32
      %get3A_2061 = arith.index_cast %get3A_2060 : i32 to index
      %get3A_2062 = arith.constant 96 : index
      %get3A_2063 = tpu.vector_load %arg10[%get3A_2061, %get3A_2062] {strides = array<i32>} : memref<2x512xf32, #tpu.memory_space<vmem>>, vector<16xf32>,
      %get3A_2064 = arith.constant 1 : i32
      %get3A_2065 = arith.index_cast %get3A_2064 : i32 to index
      %get3A_2066 = arith.constant 96 : index
      %get3A_2067 = tpu.vector_load %arg11[%get3A_2065, %get3A_2066] {strides = array<i32>} : memref<4x512xf32, #tpu.memory_space<vmem>>, vector<16xf32>,
      %select_n3A_2068 = arith.select %eq3A_1734, %get3A_2063, %get3A_2067 : vector<16xi1>, vector<16xf32>
      %swap3A_2069 = arith.constant 2 : i32
      %swap3A_2070 = arith.index_cast %swap3A_2069 : i32 to index
      %swap3A_2071 = arith.constant 96 : index
      %swap3A_2072 = tpu.vector_load %arg13[%swap3A_2070, %swap3A_2071] {strides = array<i32>} : memref<77x512xf32, #tpu.memory_space<vmem>>, vector<16xf32>,
      tpu.vector_store %arg13[%swap3A_2070, %swap3A_2071], %select_n3A_2068 {strides = array<i32>} : memref<77x512xf32, #tpu.memory_space<vmem>>, vector<16xf32>,
      %get3A_2073 = arith.constant 3 : i32
      %get3A_2074 = arith.index_cast %get3A_2073 : i32 to index
      %get3A_2075 = arith.constant 96 : index
      %get3A_2076 = tpu.vector_load %arg13[%get3A_2074, %get3A_2075] {strides = array<i32>} : memref<77x512xf32, #tpu.memory_space<vmem>>, vector<16xf32>,
      %get3A_2077 = arith.constant 2 : i32
      %get3A_2078 = arith.index_cast %get3A_2077 : i32 to index
      %get3A_2079 = arith.constant 96 : index
      %get3A_2080 = tpu.vector_load %arg11[%get3A_2078, %get3A_2079] {strides = array<i32>} : memref<4x512xf32, #tpu.memory_space<vmem>>, vector<16xf32>,
      %select_n3A_2081 = arith.select %eq3A_1734, %get3A_2076, %get3A_2080 : vector<16xi1>, vector<16xf32>
      %swap3A_2082 = arith.constant 3 : i32
      %swap3A_2083 = arith.index_cast %swap3A_2082 : i32 to index
      %swap3A_2084 = arith.constant 96 : index
      %swap3A_2085 = tpu.vector_load %arg13[%swap3A_2083, %swap3A_2084] {strides = array<i32>} : memref<77x512xf32, #tpu.memory_space<vmem>>, vector<16xf32>,
      tpu.vector_store %arg13[%swap3A_2083, %swap3A_2084], %select_n3A_2081 {strides = array<i32>} : memref<77x512xf32, #tpu.memory_space<vmem>>, vector<16xf32>,
      %get3A_2086 = arith.constant 4 : i32
      %get3A_2087 = arith.index_cast %get3A_2086 : i32 to index
      %get3A_2088 = arith.constant 96 : index
      %get3A_2089 = tpu.vector_load %arg13[%get3A_2087, %get3A_2088] {strides = array<i32>} : memref<77x512xf32, #tpu.memory_space<vmem>>, vector<16xf32>,
      %get3A_2090 = arith.constant 3 : i32
      %get3A_2091 = arith.index_cast %get3A_2090 : i32 to index
      %get3A_2092 = arith.constant 96 : index
      %get3A_2093 = tpu.vector_load %arg11[%get3A_2091, %get3A_2092] {strides = array<i32>} : memref<4x512xf32, #tpu.memory_space<vmem>>, vector<16xf32>,
      %select_n3A_2094 = arith.select %eq3A_1734, %get3A_2089, %get3A_2093 : vector<16xi1>, vector<16xf32>
      %swap3A_2095 = arith.constant 4 : i32
      %swap3A_2096 = arith.index_cast %swap3A_2095 : i32 to index
      %swap3A_2097 = arith.constant 96 : index
      %swap3A_2098 = tpu.vector_load %arg13[%swap3A_2096, %swap3A_2097] {strides = array<i32>} : memref<77x512xf32, #tpu.memory_space<vmem>>, vector<16xf32>,
      tpu.vector_store %arg13[%swap3A_2096, %swap3A_2097], %select_n3A_2094 {strides = array<i32>} : memref<77x512xf32, #tpu.memory_space<vmem>>, vector<16xf32>,
      %get3A_2099 = arith.constant 0 : i32
      %get3A_2100 = arith.index_cast %get3A_2099 : i32 to index
      %get3A_2101 = arith.constant 112 : index
      %get3A_2102 = tpu.vector_load %arg10[%get3A_2100, %get3A_2101] {strides = array<i32>} : memref<2x512xf32, #tpu.memory_space<vmem>>, vector<16xf32>,
      %get3A_2103 = arith.constant 0 : i32
      %get3A_2104 = arith.index_cast %get3A_2103 : i32 to index
      %get3A_2105 = arith.constant 112 : index
      %get3A_2106 = tpu.vector_load %arg11[%get3A_2104, %get3A_2105] {strides = array<i32>} : memref<4x512xf32, #tpu.memory_space<vmem>>, vector<16xf32>,
      %select_n3A_2107 = arith.select %eq3A_1734, %get3A_2102, %get3A_2106 : vector<16xi1>, vector<16xf32>
      %swap3A_2108 = arith.constant 1 : i32
      %swap3A_2109 = arith.index_cast %swap3A_2108 : i32 to index
      %swap3A_2110 = arith.constant 112 : index
      %swap3A_2111 = tpu.vector_load %arg13[%swap3A_2109, %swap3A_2110] {strides = array<i32>} : memref<77x512xf32, #tpu.memory_space<vmem>>, vector<16xf32>,
      tpu.vector_store %arg13[%swap3A_2109, %swap3A_2110], %select_n3A_2107 {strides = array<i32>} : memref<77x512xf32, #tpu.memory_space<vmem>>, vector<16xf32>,
      %get3A_2112 = arith.constant 1 : i32
      %get3A_2113 = arith.index_cast %get3A_2112 : i32 to index
      %get3A_2114 = arith.constant 112 : index
      %get3A_2115 = tpu.vector_load %arg10[%get3A_2113, %get3A_2114] {strides = array<i32>} : memref<2x512xf32, #tpu.memory_space<vmem>>, vector<16xf32>,
      %get3A_2116 = arith.constant 1 : i32
      %get3A_2117 = arith.index_cast %get3A_2116 : i32 to index
      %get3A_2118 = arith.constant 112 : index
      %get3A_2119 = tpu.vector_load %arg11[%get3A_2117, %get3A_2118] {strides = array<i32>} : memref<4x512xf32, #tpu.memory_space<vmem>>, vector<16xf32>,
      %select_n3A_2120 = arith.select %eq3A_1734, %get3A_2115, %get3A_2119 : vector<16xi1>, vector<16xf32>
      %swap3A_2121 = arith.constant 2 : i32
      %swap3A_2122 = arith.index_cast %swap3A_2121 : i32 to index
      %swap3A_2123 = arith.constant 112 : index
      %swap3A_2124 = tpu.vector_load %arg13[%swap3A_2122, %swap3A_2123] {strides = array<i32>} : memref<77x512xf32, #tpu.memory_space<vmem>>, vector<16xf32>,
      tpu.vector_store %arg13[%swap3A_2122, %swap3A_2123], %select_n3A_2120 {strides = array<i32>} : memref<77x512xf32, #tpu.memory_space<vmem>>, vector<16xf32>,
      %get3A_2125 = arith.constant 3 : i32
      %get3A_2126 = arith.index_cast %get3A_2125 : i32 to index
      %get3A_2127 = arith.constant 112 : index
      %get3A_2128 = tpu.vector_load %arg13[%get3A_2126, %get3A_2127] {strides = array<i32>} : memref<77x512xf32, #tpu.memory_space<vmem>>, vector<16xf32>,
      %get3A_2129 = arith.constant 2 : i32
      %get3A_2130 = arith.index_cast %get3A_2129 : i32 to index
      %get3A_2131 = arith.constant 112 : index
      %get3A_2132 = tpu.vector_load %arg11[%get3A_2130, %get3A_2131] {strides = array<i32>} : memref<4x512xf32, #tpu.memory_space<vmem>>, vector<16xf32>,
      %select_n3A_2133 = arith.select %eq3A_1734, %get3A_2128, %get3A_2132 : vector<16xi1>, vector<16xf32>
      %swap3A_2134 = arith.constant 3 : i32
      %swap3A_2135 = arith.index_cast %swap3A_2134 : i32 to index
      %swap3A_2136 = arith.constant 112 : index
      %swap3A_2137 = tpu.vector_load %arg13[%swap3A_2135, %swap3A_2136] {strides = array<i32>} : memref<77x512xf32, #tpu.memory_space<vmem>>, vector<16xf32>,
      tpu.vector_store %arg13[%swap3A_2135, %swap3A_2136], %select_n3A_2133 {strides = array<i32>} : memref<77x512xf32, #tpu.memory_space<vmem>>, vector<16xf32>,
      %get3A_2138 = arith.constant 4 : i32
      %get3A_2139 = arith.index_cast %get3A_2138 : i32 to index
      %get3A_2140 = arith.constant 112 : index
      %get3A_2141 = tpu.vector_load %arg13[%get3A_2139, %get3A_2140] {strides = array<i32>} : memref<77x512xf32, #tpu.memory_space<vmem>>, vector<16xf32>,
      %get3A_2142 = arith.constant 3 : i32
      %get3A_2143 = arith.index_cast %get3A_2142 : i32 to index
      %get3A_2144 = arith.constant 112 : index
      %get3A_2145 = tpu.vector_load %arg11[%get3A_2143, %get3A_2144] {strides = array<i32>} : memref<4x512xf32, #tpu.memory_space<vmem>>, vector<16xf32>,
      %select_n3A_2146 = arith.select %eq3A_1734, %get3A_2141, %get3A_2145 : vector<16xi1>, vector<16xf32>
      %swap3A_2147 = arith.constant 4 : i32
      %swap3A_2148 = arith.index_cast %swap3A_2147 : i32 to index
      %swap3A_2149 = arith.constant 112 : index
      %swap3A_2150 = tpu.vector_load %arg13[%swap3A_2148, %swap3A_2149] {strides = array<i32>} : memref<77x512xf32, #tpu.memory_space<vmem>>, vector<16xf32>,
      tpu.vector_store %arg13[%swap3A_2148, %swap3A_2149], %select_n3A_2146 {strides = array<i32>} : memref<77x512xf32, #tpu.memory_space<vmem>>, vector<16xf32>,
      %get3A_2151 = arith.constant 0 : i32
      %get3A_2152 = arith.index_cast %get3A_2151 : i32 to index
      %get3A_2153 = arith.constant 128 : index
      %get3A_2154 = tpu.vector_load %arg10[%get3A_2152, %get3A_2153] {strides = array<i32>} : memref<2x512xf32, #tpu.memory_space<vmem>>, vector<16xf32>,
      %get3A_2155 = arith.constant 0 : i32
      %get3A_2156 = arith.index_cast %get3A_2155 : i32 to index
      %get3A_2157 = arith.constant 128 : index
      %get3A_2158 = tpu.vector_load %arg11[%get3A_2156, %get3A_2157] {strides = array<i32>} : memref<4x512xf32, #tpu.memory_space<vmem>>, vector<16xf32>,
      %select_n3A_2159 = arith.select %eq3A_1734, %get3A_2154, %get3A_2158 : vector<16xi1>, vector<16xf32>
      %swap3A_2160 = arith.constant 1 : i32
      %swap3A_2161 = arith.index_cast %swap3A_2160 : i32 to index
      %swap3A_2162 = arith.constant 128 : index
      %swap3A_2163 = tpu.vector_load %arg13[%swap3A_2161, %swap3A_2162] {strides = array<i32>} : memref<77x512xf32, #tpu.memory_space<vmem>>, vector<16xf32>,
      tpu.vector_store %arg13[%swap3A_2161, %swap3A_2162], %select_n3A_2159 {strides = array<i32>} : memref<77x512xf32, #tpu.memory_space<vmem>>, vector<16xf32>,
      %get3A_2164 = arith.constant 1 : i32
      %get3A_2165 = arith.index_cast %get3A_2164 : i32 to index
      %get3A_2166 = arith.constant 128 : index
      %get3A_2167 = tpu.vector_load %arg10[%get3A_2165, %get3A_2166] {strides = array<i32>} : memref<2x512xf32, #tpu.memory_space<vmem>>, vector<16xf32>,
      %get3A_2168 = arith.constant 1 : i32
      %get3A_2169 = arith.index_cast %get3A_2168 : i32 to index
      %get3A_2170 = arith.constant 128 : index
      %get3A_2171 = tpu.vector_load %arg11[%get3A_2169, %get3A_2170] {strides = array<i32>} : memref<4x512xf32, #tpu.memory_space<vmem>>, vector<16xf32>,
      %select_n3A_2172 = arith.select %eq3A_1734, %get3A_2167, %get3A_2171 : vector<16xi1>, vector<16xf32>
      %swap3A_2173 = arith.constant 2 : i32
      %swap3A_2174 = arith.index_cast %swap3A_2173 : i32 to index
      %swap3A_2175 = arith.constant 128 : index
      %swap3A_2176 = tpu.vector_load %arg13[%swap3A_2174, %swap3A_2175] {strides = array<i32>} : memref<77x512xf32, #tpu.memory_space<vmem>>, vector<16xf32>,
      tpu.vector_store %arg13[%swap3A_2174, %swap3A_2175], %select_n3A_2172 {strides = array<i32>} : memref<77x512xf32, #tpu.memory_space<vmem>>, vector<16xf32>,
      %get3A_2177 = arith.constant 3 : i32
      %get3A_2178 = arith.index_cast %get3A_2177 : i32 to index
      %get3A_2179 = arith.constant 128 : index
      %get3A_2180 = tpu.vector_load %arg13[%get3A_2178, %get3A_2179] {strides = array<i32>} : memref<77x512xf32, #tpu.memory_space<vmem>>, vector<16xf32>,
      %get3A_2181 = arith.constant 2 : i32
      %get3A_2182 = arith.index_cast %get3A_2181 : i32 to index
      %get3A_2183 = arith.constant 128 : index
      %get3A_2184 = tpu.vector_load %arg11[%get3A_2182, %get3A_2183] {strides = array<i32>} : memref<4x512xf32, #tpu.memory_space<vmem>>, vector<16xf32>,
      %select_n3A_2185 = arith.select %eq3A_1734, %get3A_2180, %get3A_2184 : vector<16xi1>, vector<16xf32>
      %swap3A_2186 = arith.constant 3 : i32
      %swap3A_2187 = arith.index_cast %swap3A_2186 : i32 to index
      %swap3A_2188 = arith.constant 128 : index
      %swap3A_2189 = tpu.vector_load %arg13[%swap3A_2187, %swap3A_2188] {strides = array<i32>} : memref<77x512xf32, #tpu.memory_space<vmem>>, vector<16xf32>,
      tpu.vector_store %arg13[%swap3A_2187, %swap3A_2188], %select_n3A_2185 {strides = array<i32>} : memref<77x512xf32, #tpu.memory_space<vmem>>, vector<16xf32>,
      %get3A_2190 = arith.constant 4 : i32
      %get3A_2191 = arith.index_cast %get3A_2190 : i32 to index
      %get3A_2192 = arith.constant 128 : index
      %get3A_2193 = tpu.vector_load %arg13[%get3A_2191, %get3A_2192] {strides = array<i32>} : memref<77x512xf32, #tpu.memory_space<vmem>>, vector<16xf32>,
      %get3A_2194 = arith.constant 3 : i32
      %get3A_2195 = arith.index_cast %get3A_2194 : i32 to index
      %get3A_2196 = arith.constant 128 : index
      %get3A_2197 = tpu.vector_load %arg11[%get3A_2195, %get3A_2196] {strides = array<i32>} : memref<4x512xf32, #tpu.memory_space<vmem>>, vector<16xf32>,
      %select_n3A_2198 = arith.select %eq3A_1734, %get3A_2193, %get3A_2197 : vector<16xi1>, vector<16xf32>
      %swap3A_2199 = arith.constant 4 : i32
      %swap3A_2200 = arith.index_cast %swap3A_2199 : i32 to index
      %swap3A_2201 = arith.constant 128 : index
      %swap3A_2202 = tpu.vector_load %arg13[%swap3A_2200, %swap3A_2201] {strides = array<i32>} : memref<77x512xf32, #tpu.memory_space<vmem>>, vector<16xf32>,
      tpu.vector_store %arg13[%swap3A_2200, %swap3A_2201], %select_n3A_2198 {strides = array<i32>} : memref<77x512xf32, #tpu.memory_space<vmem>>, vector<16xf32>,
      %get3A_2203 = arith.constant 0 : i32
      %get3A_2204 = arith.index_cast %get3A_2203 : i32 to index
      %get3A_2205 = arith.constant 144 : index
      %get3A_2206 = tpu.vector_load %arg10[%get3A_2204, %get3A_2205] {strides = array<i32>} : memref<2x512xf32, #tpu.memory_space<vmem>>, vector<16xf32>,
      %get3A_2207 = arith.constant 0 : i32
      %get3A_2208 = arith.index_cast %get3A_2207 : i32 to index
      %get3A_2209 = arith.constant 144 : index
      %get3A_2210 = tpu.vector_load %arg11[%get3A_2208, %get3A_2209] {strides = array<i32>} : memref<4x512xf32, #tpu.memory_space<vmem>>, vector<16xf32>,
      %select_n3A_2211 = arith.select %eq3A_1734, %get3A_2206, %get3A_2210 : vector<16xi1>, vector<16xf32>
      %swap3A_2212 = arith.constant 1 : i32
      %swap3A_2213 = arith.index_cast %swap3A_2212 : i32 to index
      %swap3A_2214 = arith.constant 144 : index
      %swap3A_2215 = tpu.vector_load %arg13[%swap3A_2213, %swap3A_2214] {strides = array<i32>} : memref<77x512xf32, #tpu.memory_space<vmem>>, vector<16xf32>,
      tpu.vector_store %arg13[%swap3A_2213, %swap3A_2214], %select_n3A_2211 {strides = array<i32>} : memref<77x512xf32, #tpu.memory_space<vmem>>, vector<16xf32>,
      %get3A_2216 = arith.constant 1 : i32
      %get3A_2217 = arith.index_cast %get3A_2216 : i32 to index
      %get3A_2218 = arith.constant 144 : index
      %get3A_2219 = tpu.vector_load %arg10[%get3A_2217, %get3A_2218] {strides = array<i32>} : memref<2x512xf32, #tpu.memory_space<vmem>>, vector<16xf32>,
      %get3A_2220 = arith.constant 1 : i32
      %get3A_2221 = arith.index_cast %get3A_2220 : i32 to index
      %get3A_2222 = arith.constant 144 : index
      %get3A_2223 = tpu.vector_load %arg11[%get3A_2221, %get3A_2222] {strides = array<i32>} : memref<4x512xf32, #tpu.memory_space<vmem>>, vector<16xf32>,
      %select_n3A_2224 = arith.select %eq3A_1734, %get3A_2219, %get3A_2223 : vector<16xi1>, vector<16xf32>
      %swap3A_2225 = arith.constant 2 : i32
      %swap3A_2226 = arith.index_cast %swap3A_2225 : i32 to index
      %swap3A_2227 = arith.constant 144 : index
      %swap3A_2228 = tpu.vector_load %arg13[%swap3A_2226, %swap3A_2227] {strides = array<i32>} : memref<77x512xf32, #tpu.memory_space<vmem>>, vector<16xf32>,
      tpu.vector_store %arg13[%swap3A_2226, %swap3A_2227], %select_n3A_2224 {strides = array<i32>} : memref<77x512xf32, #tpu.memory_space<vmem>>, vector<16xf32>,
      %get3A_2229 = arith.constant 3 : i32
      %get3A_2230 = arith.index_cast %get3A_2229 : i32 to index
      %get3A_2231 = arith.constant 144 : index
      %get3A_2232 = tpu.vector_load %arg13[%get3A_2230, %get3A_2231] {strides = array<i32>} : memref<77x512xf32, #tpu.memory_space<vmem>>, vector<16xf32>,
      %get3A_2233 = arith.constant 2 : i32
      %get3A_2234 = arith.index_cast %get3A_2233 : i32 to index
      %get3A_2235 = arith.constant 144 : index
      %get3A_2236 = tpu.vector_load %arg11[%get3A_2234, %get3A_2235] {strides = array<i32>} : memref<4x512xf32, #tpu.memory_space<vmem>>, vector<16xf32>,
      %select_n3A_2237 = arith.select %eq3A_1734, %get3A_2232, %get3A_2236 : vector<16xi1>, vector<16xf32>
      %swap3A_2238 = arith.constant 3 : i32
      %swap3A_2239 = arith.index_cast %swap3A_2238 : i32 to index
      %swap3A_2240 = arith.constant 144 : index
      %swap3A_2241 = tpu.vector_load %arg13[%swap3A_2239, %swap3A_2240] {strides = array<i32>} : memref<77x512xf32, #tpu.memory_space<vmem>>, vector<16xf32>,
      tpu.vector_store %arg13[%swap3A_2239, %swap3A_2240], %select_n3A_2237 {strides = array<i32>} : memref<77x512xf32, #tpu.memory_space<vmem>>, vector<16xf32>,
      %get3A_2242 = arith.constant 4 : i32
      %get3A_2243 = arith.index_cast %get3A_2242 : i32 to index
      %get3A_2244 = arith.constant 144 : index
      %get3A_2245 = tpu.vector_load %arg13[%get3A_2243, %get3A_2244] {strides = array<i32>} : memref<77x512xf32, #tpu.memory_space<vmem>>, vector<16xf32>,
      %get3A_2246 = arith.constant 3 : i32
      %get3A_2247 = arith.index_cast %get3A_2246 : i32 to index
      %get3A_2248 = arith.constant 144 : index
      %get3A_2249 = tpu.vector_load %arg11[%get3A_2247, %get3A_2248] {strides = array<i32>} : memref<4x512xf32, #tpu.memory_space<vmem>>, vector<16xf32>,
      %select_n3A_2250 = arith.select %eq3A_1734, %get3A_2245, %get3A_2249 : vector<16xi1>, vector<16xf32>
      %swap3A_2251 = arith.constant 4 : i32
      %swap3A_2252 = arith.index_cast %swap3A_2251 : i32 to index
      %swap3A_2253 = arith.constant 144 : index
      %swap3A_2254 = tpu.vector_load %arg13[%swap3A_2252, %swap3A_2253] {strides = array<i32>} : memref<77x512xf32, #tpu.memory_space<vmem>>, vector<16xf32>,
      tpu.vector_store %arg13[%swap3A_2252, %swap3A_2253], %select_n3A_2250 {strides = array<i32>} : memref<77x512xf32, #tpu.memory_space<vmem>>, vector<16xf32>,
      %get3A_2255 = arith.constant 0 : i32
      %get3A_2256 = arith.index_cast %get3A_2255 : i32 to index
      %get3A_2257 = arith.constant 160 : index
      %get3A_2258 = tpu.vector_load %arg10[%get3A_2256, %get3A_2257] {strides = array<i32>} : memref<2x512xf32, #tpu.memory_space<vmem>>, vector<16xf32>,
      %get3A_2259 = arith.constant 0 : i32
      %get3A_2260 = arith.index_cast %get3A_2259 : i32 to index
      %get3A_2261 = arith.constant 160 : index
      %get3A_2262 = tpu.vector_load %arg11[%get3A_2260, %get3A_2261] {strides = array<i32>} : memref<4x512xf32, #tpu.memory_space<vmem>>, vector<16xf32>,
      %select_n3A_2263 = arith.select %eq3A_1734, %get3A_2258, %get3A_2262 : vector<16xi1>, vector<16xf32>
      %swap3A_2264 = arith.constant 1 : i32
      %swap3A_2265 = arith.index_cast %swap3A_2264 : i32 to index
      %swap3A_2266 = arith.constant 160 : index
      %swap3A_2267 = tpu.vector_load %arg13[%swap3A_2265, %swap3A_2266] {strides = array<i32>} : memref<77x512xf32, #tpu.memory_space<vmem>>, vector<16xf32>,
      tpu.vector_store %arg13[%swap3A_2265, %swap3A_2266], %select_n3A_2263 {strides = array<i32>} : memref<77x512xf32, #tpu.memory_space<vmem>>, vector<16xf32>,
      %get3A_2268 = arith.constant 1 : i32
      %get3A_2269 = arith.index_cast %get3A_2268 : i32 to index
      %get3A_2270 = arith.constant 160 : index
      %get3A_2271 = tpu.vector_load %arg10[%get3A_2269, %get3A_2270] {strides = array<i32>} : memref<2x512xf32, #tpu.memory_space<vmem>>, vector<16xf32>,
      %get3A_2272 = arith.constant 1 : i32
      %get3A_2273 = arith.index_cast %get3A_2272 : i32 to index
      %get3A_2274 = arith.constant 160 : index
      %get3A_2275 = tpu.vector_load %arg11[%get3A_2273, %get3A_2274] {strides = array<i32>} : memref<4x512xf32, #tpu.memory_space<vmem>>, vector<16xf32>,
      %select_n3A_2276 = arith.select %eq3A_1734, %get3A_2271, %get3A_2275 : vector<16xi1>, vector<16xf32>
      %swap3A_2277 = arith.constant 2 : i32
      %swap3A_2278 = arith.index_cast %swap3A_2277 : i32 to index
      %swap3A_2279 = arith.constant 160 : index
      %swap3A_2280 = tpu.vector_load %arg13[%swap3A_2278, %swap3A_2279] {strides = array<i32>} : memref<77x512xf32, #tpu.memory_space<vmem>>, vector<16xf32>,
      tpu.vector_store %arg13[%swap3A_2278, %swap3A_2279], %select_n3A_2276 {strides = array<i32>} : memref<77x512xf32, #tpu.memory_space<vmem>>, vector<16xf32>,
      %get3A_2281 = arith.constant 3 : i32
      %get3A_2282 = arith.index_cast %get3A_2281 : i32 to index
      %get3A_2283 = arith.constant 160 : index
      %get3A_2284 = tpu.vector_load %arg13[%get3A_2282, %get3A_2283] {strides = array<i32>} : memref<77x512xf32, #tpu.memory_space<vmem>>, vector<16xf32>,
      %get3A_2285 = arith.constant 2 : i32
      %get3A_2286 = arith.index_cast %get3A_2285 : i32 to index
      %get3A_2287 = arith.constant 160 : index
      %get3A_2288 = tpu.vector_load %arg11[%get3A_2286, %get3A_2287] {strides = array<i32>} : memref<4x512xf32, #tpu.memory_space<vmem>>, vector<16xf32>,
      %select_n3A_2289 = arith.select %eq3A_1734, %get3A_2284, %get3A_2288 : vector<16xi1>, vector<16xf32>
      %swap3A_2290 = arith.constant 3 : i32
      %swap3A_2291 = arith.index_cast %swap3A_2290 : i32 to index
      %swap3A_2292 = arith.constant 160 : index
      %swap3A_2293 = tpu.vector_load %arg13[%swap3A_2291, %swap3A_2292] {strides = array<i32>} : memref<77x512xf32, #tpu.memory_space<vmem>>, vector<16xf32>,
      tpu.vector_store %arg13[%swap3A_2291, %swap3A_2292], %select_n3A_2289 {strides = array<i32>} : memref<77x512xf32, #tpu.memory_space<vmem>>, vector<16xf32>,
      %get3A_2294 = arith.constant 4 : i32
      %get3A_2295 = arith.index_cast %get3A_2294 : i32 to index
      %get3A_2296 = arith.constant 160 : index
      %get3A_2297 = tpu.vector_load %arg13[%get3A_2295, %get3A_2296] {strides = array<i32>} : memref<77x512xf32, #tpu.memory_space<vmem>>, vector<16xf32>,
      %get3A_2298 = arith.constant 3 : i32
      %get3A_2299 = arith.index_cast %get3A_2298 : i32 to index
      %get3A_2300 = arith.constant 160 : index
      %get3A_2301 = tpu.vector_load %arg11[%get3A_2299, %get3A_2300] {strides = array<i32>} : memref<4x512xf32, #tpu.memory_space<vmem>>, vector<16xf32>,
      %select_n3A_2302 = arith.select %eq3A_1734, %get3A_2297, %get3A_2301 : vector<16xi1>, vector<16xf32>
      %swap3A_2303 = arith.constant 4 : i32
      %swap3A_2304 = arith.index_cast %swap3A_2303 : i32 to index
      %swap3A_2305 = arith.constant 160 : index
      %swap3A_2306 = tpu.vector_load %arg13[%swap3A_2304, %swap3A_2305] {strides = array<i32>} : memref<77x512xf32, #tpu.memory_space<vmem>>, vector<16xf32>,
      tpu.vector_store %arg13[%swap3A_2304, %swap3A_2305], %select_n3A_2302 {strides = array<i32>} : memref<77x512xf32, #tpu.memory_space<vmem>>, vector<16xf32>,
      %get3A_2307 = arith.constant 0 : i32
      %get3A_2308 = arith.index_cast %get3A_2307 : i32 to index
      %get3A_2309 = arith.constant 176 : index
      %get3A_2310 = tpu.vector_load %arg10[%get3A_2308, %get3A_2309] {strides = array<i32>} : memref<2x512xf32, #tpu.memory_space<vmem>>, vector<16xf32>,
      %get3A_2311 = arith.constant 0 : i32
      %get3A_2312 = arith.index_cast %get3A_2311 : i32 to index
      %get3A_2313 = arith.constant 176 : index
      %get3A_2314 = tpu.vector_load %arg11[%get3A_2312, %get3A_2313] {strides = array<i32>} : memref<4x512xf32, #tpu.memory_space<vmem>>, vector<16xf32>,
      %select_n3A_2315 = arith.select %eq3A_1734, %get3A_2310, %get3A_2314 : vector<16xi1>, vector<16xf32>
      %swap3A_2316 = arith.constant 1 : i32
      %swap3A_2317 = arith.index_cast %swap3A_2316 : i32 to index
      %swap3A_2318 = arith.constant 176 : index
      %swap3A_2319 = tpu.vector_load %arg13[%swap3A_2317, %swap3A_2318] {strides = array<i32>} : memref<77x512xf32, #tpu.memory_space<vmem>>, vector<16xf32>,
      tpu.vector_store %arg13[%swap3A_2317, %swap3A_2318], %select_n3A_2315 {strides = array<i32>} : memref<77x512xf32, #tpu.memory_space<vmem>>, vector<16xf32>,
      %get3A_2320 = arith.constant 1 : i32
      %get3A_2321 = arith.index_cast %get3A_2320 : i32 to index
      %get3A_2322 = arith.constant 176 : index
      %get3A_2323 = tpu.vector_load %arg10[%get3A_2321, %get3A_2322] {strides = array<i32>} : memref<2x512xf32, #tpu.memory_space<vmem>>, vector<16xf32>,
      %get3A_2324 = arith.constant 1 : i32
      %get3A_2325 = arith.index_cast %get3A_2324 : i32 to index
      %get3A_2326 = arith.constant 176 : index
      %get3A_2327 = tpu.vector_load %arg11[%get3A_2325, %get3A_2326] {strides = array<i32>} : memref<4x512xf32, #tpu.memory_space<vmem>>, vector<16xf32>,
      %select_n3A_2328 = arith.select %eq3A_1734, %get3A_2323, %get3A_2327 : vector<16xi1>, vector<16xf32>
      %swap3A_2329 = arith.constant 2 : i32
      %swap3A_2330 = arith.index_cast %swap3A_2329 : i32 to index
      %swap3A_2331 = arith.constant 176 : index
      %swap3A_2332 = tpu.vector_load %arg13[%swap3A_2330, %swap3A_2331] {strides = array<i32>} : memref<77x512xf32, #tpu.memory_space<vmem>>, vector<16xf32>,
      tpu.vector_store %arg13[%swap3A_2330, %swap3A_2331], %select_n3A_2328 {strides = array<i32>} : memref<77x512xf32, #tpu.memory_space<vmem>>, vector<16xf32>,
      %get3A_2333 = arith.constant 3 : i32
      %get3A_2334 = arith.index_cast %get3A_2333 : i32 to index
      %get3A_2335 = arith.constant 176 : index
      %get3A_2336 = tpu.vector_load %arg13[%get3A_2334, %get3A_2335] {strides = array<i32>} : memref<77x512xf32, #tpu.memory_space<vmem>>, vector<16xf32>,
      %get3A_2337 = arith.constant 2 : i32
      %get3A_2338 = arith.index_cast %get3A_2337 : i32 to index
      %get3A_2339 = arith.constant 176 : index
      %get3A_2340 = tpu.vector_load %arg11[%get3A_2338, %get3A_2339] {strides = array<i32>} : memref<4x512xf32, #tpu.memory_space<vmem>>, vector<16xf32>,
      %select_n3A_2341 = arith.select %eq3A_1734, %get3A_2336, %get3A_2340 : vector<16xi1>, vector<16xf32>
      %swap3A_2342 = arith.constant 3 : i32
      %swap3A_2343 = arith.index_cast %swap3A_2342 : i32 to index
      %swap3A_2344 = arith.constant 176 : index
      %swap3A_2345 = tpu.vector_load %arg13[%swap3A_2343, %swap3A_2344] {strides = array<i32>} : memref<77x512xf32, #tpu.memory_space<vmem>>, vector<16xf32>,
      tpu.vector_store %arg13[%swap3A_2343, %swap3A_2344], %select_n3A_2341 {strides = array<i32>} : memref<77x512xf32, #tpu.memory_space<vmem>>, vector<16xf32>,
      %get3A_2346 = arith.constant 4 : i32
      %get3A_2347 = arith.index_cast %get3A_2346 : i32 to index
      %get3A_2348 = arith.constant 176 : index
      %get3A_2349 = tpu.vector_load %arg13[%get3A_2347, %get3A_2348] {strides = array<i32>} : memref<77x512xf32, #tpu.memory_space<vmem>>, vector<16xf32>,
      %get3A_2350 = arith.constant 3 : i32
      %get3A_2351 = arith.index_cast %get3A_2350 : i32 to index
      %get3A_2352 = arith.constant 176 : index
      %get3A_2353 = tpu.vector_load %arg11[%get3A_2351, %get3A_2352] {strides = array<i32>} : memref<4x512xf32, #tpu.memory_space<vmem>>, vector<16xf32>,
      %select_n3A_2354 = arith.select %eq3A_1734, %get3A_2349, %get3A_2353 : vector<16xi1>, vector<16xf32>
      %swap3A_2355 = arith.constant 4 : i32
      %swap3A_2356 = arith.index_cast %swap3A_2355 : i32 to index
      %swap3A_2357 = arith.constant 176 : index
      %swap3A_2358 = tpu.vector_load %arg13[%swap3A_2356, %swap3A_2357] {strides = array<i32>} : memref<77x512xf32, #tpu.memory_space<vmem>>, vector<16xf32>,
      tpu.vector_store %arg13[%swap3A_2356, %swap3A_2357], %select_n3A_2354 {strides = array<i32>} : memref<77x512xf32, #tpu.memory_space<vmem>>, vector<16xf32>,
      %get3A_2359 = arith.constant 0 : i32
      %get3A_2360 = arith.index_cast %get3A_2359 : i32 to index
      %get3A_2361 = arith.constant 192 : index
      %get3A_2362 = tpu.vector_load %arg10[%get3A_2360, %get3A_2361] {strides = array<i32>} : memref<2x512xf32, #tpu.memory_space<vmem>>, vector<16xf32>,
      %get3A_2363 = arith.constant 0 : i32
      %get3A_2364 = arith.index_cast %get3A_2363 : i32 to index
      %get3A_2365 = arith.constant 192 : index
      %get3A_2366 = tpu.vector_load %arg11[%get3A_2364, %get3A_2365] {strides = array<i32>} : memref<4x512xf32, #tpu.memory_space<vmem>>, vector<16xf32>,
      %select_n3A_2367 = arith.select %eq3A_1734, %get3A_2362, %get3A_2366 : vector<16xi1>, vector<16xf32>
      %swap3A_2368 = arith.constant 1 : i32
      %swap3A_2369 = arith.index_cast %swap3A_2368 : i32 to index
      %swap3A_2370 = arith.constant 192 : index
      %swap3A_2371 = tpu.vector_load %arg13[%swap3A_2369, %swap3A_2370] {strides = array<i32>} : memref<77x512xf32, #tpu.memory_space<vmem>>, vector<16xf32>,
      tpu.vector_store %arg13[%swap3A_2369, %swap3A_2370], %select_n3A_2367 {strides = array<i32>} : memref<77x512xf32, #tpu.memory_space<vmem>>, vector<16xf32>,
      %get3A_2372 = arith.constant 1 : i32
      %get3A_2373 = arith.index_cast %get3A_2372 : i32 to index
      %get3A_2374 = arith.constant 192 : index
      %get3A_2375 = tpu.vector_load %arg10[%get3A_2373, %get3A_2374] {strides = array<i32>} : memref<2x512xf32, #tpu.memory_space<vmem>>, vector<16xf32>,
      %get3A_2376 = arith.constant 1 : i32
      %get3A_2377 = arith.index_cast %get3A_2376 : i32 to index
      %get3A_2378 = arith.constant 192 : index
      %get3A_2379 = tpu.vector_load %arg11[%get3A_2377, %get3A_2378] {strides = array<i32>} : memref<4x512xf32, #tpu.memory_space<vmem>>, vector<16xf32>,
      %select_n3A_2380 = arith.select %eq3A_1734, %get3A_2375, %get3A_2379 : vector<16xi1>, vector<16xf32>
      %swap3A_2381 = arith.constant 2 : i32
      %swap3A_2382 = arith.index_cast %swap3A_2381 : i32 to index
      %swap3A_2383 = arith.constant 192 : index
      %swap3A_2384 = tpu.vector_load %arg13[%swap3A_2382, %swap3A_2383] {strides = array<i32>} : memref<77x512xf32, #tpu.memory_space<vmem>>, vector<16xf32>,
      tpu.vector_store %arg13[%swap3A_2382, %swap3A_2383], %select_n3A_2380 {strides = array<i32>} : memref<77x512xf32, #tpu.memory_space<vmem>>, vector<16xf32>,
      %get3A_2385 = arith.constant 3 : i32
      %get3A_2386 = arith.index_cast %get3A_2385 : i32 to index
      %get3A_2387 = arith.constant 192 : index
      %get3A_2388 = tpu.vector_load %arg13[%get3A_2386, %get3A_2387] {strides = array<i32>} : memref<77x512xf32, #tpu.memory_space<vmem>>, vector<16xf32>,
      %get3A_2389 = arith.constant 2 : i32
      %get3A_2390 = arith.index_cast %get3A_2389 : i32 to index
      %get3A_2391 = arith.constant 192 : index
      %get3A_2392 = tpu.vector_load %arg11[%get3A_2390, %get3A_2391] {strides = array<i32>} : memref<4x512xf32, #tpu.memory_space<vmem>>, vector<16xf32>,
      %select_n3A_2393 = arith.select %eq3A_1734, %get3A_2388, %get3A_2392 : vector<16xi1>, vector<16xf32>
      %swap3A_2394 = arith.constant 3 : i32
      %swap3A_2395 = arith.index_cast %swap3A_2394 : i32 to index
      %swap3A_2396 = arith.constant 192 : index
      %swap3A_2397 = tpu.vector_load %arg13[%swap3A_2395, %swap3A_2396] {strides = array<i32>} : memref<77x512xf32, #tpu.memory_space<vmem>>, vector<16xf32>,
      tpu.vector_store %arg13[%swap3A_2395, %swap3A_2396], %select_n3A_2393 {strides = array<i32>} : memref<77x512xf32, #tpu.memory_space<vmem>>, vector<16xf32>,
      %get3A_2398 = arith.constant 4 : i32
      %get3A_2399 = arith.index_cast %get3A_2398 : i32 to index
      %get3A_2400 = arith.constant 192 : index
      %get3A_2401 = tpu.vector_load %arg13[%get3A_2399, %get3A_2400] {strides = array<i32>} : memref<77x512xf32, #tpu.memory_space<vmem>>, vector<16xf32>,
      %get3A_2402 = arith.constant 3 : i32
      %get3A_2403 = arith.index_cast %get3A_2402 : i32 to index
      %get3A_2404 = arith.constant 192 : index
      %get3A_2405 = tpu.vector_load %arg11[%get3A_2403, %get3A_2404] {strides = array<i32>} : memref<4x512xf32, #tpu.memory_space<vmem>>, vector<16xf32>,
      %select_n3A_2406 = arith.select %eq3A_1734, %get3A_2401, %get3A_2405 : vector<16xi1>, vector<16xf32>
      %swap3A_2407 = arith.constant 4 : i32
      %swap3A_2408 = arith.index_cast %swap3A_2407 : i32 to index
      %swap3A_2409 = arith.constant 192 : index
      %swap3A_2410 = tpu.vector_load %arg13[%swap3A_2408, %swap3A_2409] {strides = array<i32>} : memref<77x512xf32, #tpu.memory_space<vmem>>, vector<16xf32>,
      tpu.vector_store %arg13[%swap3A_2408, %swap3A_2409], %select_n3A_2406 {strides = array<i32>} : memref<77x512xf32, #tpu.memory_space<vmem>>, vector<16xf32>,
      %get3A_2411 = arith.constant 0 : i32
      %get3A_2412 = arith.index_cast %get3A_2411 : i32 to index
      %get3A_2413 = arith.constant 208 : index
      %get3A_2414 = tpu.vector_load %arg10[%get3A_2412, %get3A_2413] {strides = array<i32>} : memref<2x512xf32, #tpu.memory_space<vmem>>, vector<16xf32>,
      %get3A_2415 = arith.constant 0 : i32
      %get3A_2416 = arith.index_cast %get3A_2415 : i32 to index
      %get3A_2417 = arith.constant 208 : index
      %get3A_2418 = tpu.vector_load %arg11[%get3A_2416, %get3A_2417] {strides = array<i32>} : memref<4x512xf32, #tpu.memory_space<vmem>>, vector<16xf32>,
      %select_n3A_2419 = arith.select %eq3A_1734, %get3A_2414, %get3A_2418 : vector<16xi1>, vector<16xf32>
      %swap3A_2420 = arith.constant 1 : i32
      %swap3A_2421 = arith.index_cast %swap3A_2420 : i32 to index
      %swap3A_2422 = arith.constant 208 : index
      %swap3A_2423 = tpu.vector_load %arg13[%swap3A_2421, %swap3A_2422] {strides = array<i32>} : memref<77x512xf32, #tpu.memory_space<vmem>>, vector<16xf32>,
      tpu.vector_store %arg13[%swap3A_2421, %swap3A_2422], %select_n3A_2419 {strides = array<i32>} : memref<77x512xf32, #tpu.memory_space<vmem>>, vector<16xf32>,
      %get3A_2424 = arith.constant 1 : i32
      %get3A_2425 = arith.index_cast %get3A_2424 : i32 to index
      %get3A_2426 = arith.constant 208 : index
      %get3A_2427 = tpu.vector_load %arg10[%get3A_2425, %get3A_2426] {strides = array<i32>} : memref<2x512xf32, #tpu.memory_space<vmem>>, vector<16xf32>,
      %get3A_2428 = arith.constant 1 : i32
      %get3A_2429 = arith.index_cast %get3A_2428 : i32 to index
      %get3A_2430 = arith.constant 208 : index
      %get3A_2431 = tpu.vector_load %arg11[%get3A_2429, %get3A_2430] {strides = array<i32>} : memref<4x512xf32, #tpu.memory_space<vmem>>, vector<16xf32>,
      %select_n3A_2432 = arith.select %eq3A_1734, %get3A_2427, %get3A_2431 : vector<16xi1>, vector<16xf32>
      %swap3A_2433 = arith.constant 2 : i32
      %swap3A_2434 = arith.index_cast %swap3A_2433 : i32 to index
      %swap3A_2435 = arith.constant 208 : index
      %swap3A_2436 = tpu.vector_load %arg13[%swap3A_2434, %swap3A_2435] {strides = array<i32>} : memref<77x512xf32, #tpu.memory_space<vmem>>, vector<16xf32>,
      tpu.vector_store %arg13[%swap3A_2434, %swap3A_2435], %select_n3A_2432 {strides = array<i32>} : memref<77x512xf32, #tpu.memory_space<vmem>>, vector<16xf32>,
      %get3A_2437 = arith.constant 3 : i32
      %get3A_2438 = arith.index_cast %get3A_2437 : i32 to index
      %get3A_2439 = arith.constant 208 : index
      %get3A_2440 = tpu.vector_load %arg13[%get3A_2438, %get3A_2439] {strides = array<i32>} : memref<77x512xf32, #tpu.memory_space<vmem>>, vector<16xf32>,
      %get3A_2441 = arith.constant 2 : i32
      %get3A_2442 = arith.index_cast %get3A_2441 : i32 to index
      %get3A_2443 = arith.constant 208 : index
      %get3A_2444 = tpu.vector_load %arg11[%get3A_2442, %get3A_2443] {strides = array<i32>} : memref<4x512xf32, #tpu.memory_space<vmem>>, vector<16xf32>,
      %select_n3A_2445 = arith.select %eq3A_1734, %get3A_2440, %get3A_2444 : vector<16xi1>, vector<16xf32>
      %swap3A_2446 = arith.constant 3 : i32
      %swap3A_2447 = arith.index_cast %swap3A_2446 : i32 to index
      %swap3A_2448 = arith.constant 208 : index
      %swap3A_2449 = tpu.vector_load %arg13[%swap3A_2447, %swap3A_2448] {strides = array<i32>} : memref<77x512xf32, #tpu.memory_space<vmem>>, vector<16xf32>,
      tpu.vector_store %arg13[%swap3A_2447, %swap3A_2448], %select_n3A_2445 {strides = array<i32>} : memref<77x512xf32, #tpu.memory_space<vmem>>, vector<16xf32>,
      %get3A_2450 = arith.constant 4 : i32
      %get3A_2451 = arith.index_cast %get3A_2450 : i32 to index
      %get3A_2452 = arith.constant 208 : index
      %get3A_2453 = tpu.vector_load %arg13[%get3A_2451, %get3A_2452] {strides = array<i32>} : memref<77x512xf32, #tpu.memory_space<vmem>>, vector<16xf32>,
      %get3A_2454 = arith.constant 3 : i32
      %get3A_2455 = arith.index_cast %get3A_2454 : i32 to index
      %get3A_2456 = arith.constant 208 : index
      %get3A_2457 = tpu.vector_load %arg11[%get3A_2455, %get3A_2456] {strides = array<i32>} : memref<4x512xf32, #tpu.memory_space<vmem>>, vector<16xf32>,
      %select_n3A_2458 = arith.select %eq3A_1734, %get3A_2453, %get3A_2457 : vector<16xi1>, vector<16xf32>
      %swap3A_2459 = arith.constant 4 : i32
      %swap3A_2460 = arith.index_cast %swap3A_2459 : i32 to index
      %swap3A_2461 = arith.constant 208 : index
      %swap3A_2462 = tpu.vector_load %arg13[%swap3A_2460, %swap3A_2461] {strides = array<i32>} : memref<77x512xf32, #tpu.memory_space<vmem>>, vector<16xf32>,
      tpu.vector_store %arg13[%swap3A_2460, %swap3A_2461], %select_n3A_2458 {strides = array<i32>} : memref<77x512xf32, #tpu.memory_space<vmem>>, vector<16xf32>,
      %get3A_2463 = arith.constant 0 : i32
      %get3A_2464 = arith.index_cast %get3A_2463 : i32 to index
      %get3A_2465 = arith.constant 224 : index
      %get3A_2466 = tpu.vector_load %arg10[%get3A_2464, %get3A_2465] {strides = array<i32>} : memref<2x512xf32, #tpu.memory_space<vmem>>, vector<16xf32>,
      %get3A_2467 = arith.constant 0 : i32
      %get3A_2468 = arith.index_cast %get3A_2467 : i32 to index
      %get3A_2469 = arith.constant 224 : index
      %get3A_2470 = tpu.vector_load %arg11[%get3A_2468, %get3A_2469] {strides = array<i32>} : memref<4x512xf32, #tpu.memory_space<vmem>>, vector<16xf32>,
      %select_n3A_2471 = arith.select %eq3A_1734, %get3A_2466, %get3A_2470 : vector<16xi1>, vector<16xf32>
      %swap3A_2472 = arith.constant 1 : i32
      %swap3A_2473 = arith.index_cast %swap3A_2472 : i32 to index
      %swap3A_2474 = arith.constant 224 : index
      %swap3A_2475 = tpu.vector_load %arg13[%swap3A_2473, %swap3A_2474] {strides = array<i32>} : memref<77x512xf32, #tpu.memory_space<vmem>>, vector<16xf32>,
      tpu.vector_store %arg13[%swap3A_2473, %swap3A_2474], %select_n3A_2471 {strides = array<i32>} : memref<77x512xf32, #tpu.memory_space<vmem>>, vector<16xf32>,
      %get3A_2476 = arith.constant 1 : i32
      %get3A_2477 = arith.index_cast %get3A_2476 : i32 to index
      %get3A_2478 = arith.constant 224 : index
      %get3A_2479 = tpu.vector_load %arg10[%get3A_2477, %get3A_2478] {strides = array<i32>} : memref<2x512xf32, #tpu.memory_space<vmem>>, vector<16xf32>,
      %get3A_2480 = arith.constant 1 : i32
      %get3A_2481 = arith.index_cast %get3A_2480 : i32 to index
      %get3A_2482 = arith.constant 224 : index
      %get3A_2483 = tpu.vector_load %arg11[%get3A_2481, %get3A_2482] {strides = array<i32>} : memref<4x512xf32, #tpu.memory_space<vmem>>, vector<16xf32>,
      %select_n3A_2484 = arith.select %eq3A_1734, %get3A_2479, %get3A_2483 : vector<16xi1>, vector<16xf32>
      %swap3A_2485 = arith.constant 2 : i32
      %swap3A_2486 = arith.index_cast %swap3A_2485 : i32 to index
      %swap3A_2487 = arith.constant 224 : index
      %swap3A_2488 = tpu.vector_load %arg13[%swap3A_2486, %swap3A_2487] {strides = array<i32>} : memref<77x512xf32, #tpu.memory_space<vmem>>, vector<16xf32>,
      tpu.vector_store %arg13[%swap3A_2486, %swap3A_2487], %select_n3A_2484 {strides = array<i32>} : memref<77x512xf32, #tpu.memory_space<vmem>>, vector<16xf32>,
      %get3A_2489 = arith.constant 3 : i32
      %get3A_2490 = arith.index_cast %get3A_2489 : i32 to index
      %get3A_2491 = arith.constant 224 : index
      %get3A_2492 = tpu.vector_load %arg13[%get3A_2490, %get3A_2491] {strides = array<i32>} : memref<77x512xf32, #tpu.memory_space<vmem>>, vector<16xf32>,
      %get3A_2493 = arith.constant 2 : i32
      %get3A_2494 = arith.index_cast %get3A_2493 : i32 to index
      %get3A_2495 = arith.constant 224 : index
      %get3A_2496 = tpu.vector_load %arg11[%get3A_2494, %get3A_2495] {strides = array<i32>} : memref<4x512xf32, #tpu.memory_space<vmem>>, vector<16xf32>,
      %select_n3A_2497 = arith.select %eq3A_1734, %get3A_2492, %get3A_2496 : vector<16xi1>, vector<16xf32>
      %swap3A_2498 = arith.constant 3 : i32
      %swap3A_2499 = arith.index_cast %swap3A_2498 : i32 to index
      %swap3A_2500 = arith.constant 224 : index
      %swap3A_2501 = tpu.vector_load %arg13[%swap3A_2499, %swap3A_2500] {strides = array<i32>} : memref<77x512xf32, #tpu.memory_space<vmem>>, vector<16xf32>,
      tpu.vector_store %arg13[%swap3A_2499, %swap3A_2500], %select_n3A_2497 {strides = array<i32>} : memref<77x512xf32, #tpu.memory_space<vmem>>, vector<16xf32>,
      %get3A_2502 = arith.constant 4 : i32
      %get3A_2503 = arith.index_cast %get3A_2502 : i32 to index
      %get3A_2504 = arith.constant 224 : index
      %get3A_2505 = tpu.vector_load %arg13[%get3A_2503, %get3A_2504] {strides = array<i32>} : memref<77x512xf32, #tpu.memory_space<vmem>>, vector<16xf32>,
      %get3A_2506 = arith.constant 3 : i32
      %get3A_2507 = arith.index_cast %get3A_2506 : i32 to index
      %get3A_2508 = arith.constant 224 : index
      %get3A_2509 = tpu.vector_load %arg11[%get3A_2507, %get3A_2508] {strides = array<i32>} : memref<4x512xf32, #tpu.memory_space<vmem>>, vector<16xf32>,
      %select_n3A_2510 = arith.select %eq3A_1734, %get3A_2505, %get3A_2509 : vector<16xi1>, vector<16xf32>
      %swap3A_2511 = arith.constant 4 : i32
      %swap3A_2512 = arith.index_cast %swap3A_2511 : i32 to index
      %swap3A_2513 = arith.constant 224 : index
      %swap3A_2514 = tpu.vector_load %arg13[%swap3A_2512, %swap3A_2513] {strides = array<i32>} : memref<77x512xf32, #tpu.memory_space<vmem>>, vector<16xf32>,
      tpu.vector_store %arg13[%swap3A_2512, %swap3A_2513], %select_n3A_2510 {strides = array<i32>} : memref<77x512xf32, #tpu.memory_space<vmem>>, vector<16xf32>,
      %get3A_2515 = arith.constant 0 : i32
      %get3A_2516 = arith.index_cast %get3A_2515 : i32 to index
      %get3A_2517 = arith.constant 240 : index
      %get3A_2518 = tpu.vector_load %arg10[%get3A_2516, %get3A_2517] {strides = array<i32>} : memref<2x512xf32, #tpu.memory_space<vmem>>, vector<16xf32>,
      %get3A_2519 = arith.constant 0 : i32
      %get3A_2520 = arith.index_cast %get3A_2519 : i32 to index
      %get3A_2521 = arith.constant 240 : index
      %get3A_2522 = tpu.vector_load %arg11[%get3A_2520, %get3A_2521] {strides = array<i32>} : memref<4x512xf32, #tpu.memory_space<vmem>>, vector<16xf32>,
      %select_n3A_2523 = arith.select %eq3A_1734, %get3A_2518, %get3A_2522 : vector<16xi1>, vector<16xf32>
      %swap3A_2524 = arith.constant 1 : i32
      %swap3A_2525 = arith.index_cast %swap3A_2524 : i32 to index
      %swap3A_2526 = arith.constant 240 : index
      %swap3A_2527 = tpu.vector_load %arg13[%swap3A_2525, %swap3A_2526] {strides = array<i32>} : memref<77x512xf32, #tpu.memory_space<vmem>>, vector<16xf32>,
      tpu.vector_store %arg13[%swap3A_2525, %swap3A_2526], %select_n3A_2523 {strides = array<i32>} : memref<77x512xf32, #tpu.memory_space<vmem>>, vector<16xf32>,
      %get3A_2528 = arith.constant 1 : i32
      %get3A_2529 = arith.index_cast %get3A_2528 : i32 to index
      %get3A_2530 = arith.constant 240 : index
      %get3A_2531 = tpu.vector_load %arg10[%get3A_2529, %get3A_2530] {strides = array<i32>} : memref<2x512xf32, #tpu.memory_space<vmem>>, vector<16xf32>,
      %get3A_2532 = arith.constant 1 : i32
      %get3A_2533 = arith.index_cast %get3A_2532 : i32 to index
      %get3A_2534 = arith.constant 240 : index
      %get3A_2535 = tpu.vector_load %arg11[%get3A_2533, %get3A_2534] {strides = array<i32>} : memref<4x512xf32, #tpu.memory_space<vmem>>, vector<16xf32>,
      %select_n3A_2536 = arith.select %eq3A_1734, %get3A_2531, %get3A_2535 : vector<16xi1>, vector<16xf32>
      %swap3A_2537 = arith.constant 2 : i32
      %swap3A_2538 = arith.index_cast %swap3A_2537 : i32 to index
      %swap3A_2539 = arith.constant 240 : index
      %swap3A_2540 = tpu.vector_load %arg13[%swap3A_2538, %swap3A_2539] {strides = array<i32>} : memref<77x512xf32, #tpu.memory_space<vmem>>, vector<16xf32>,
      tpu.vector_store %arg13[%swap3A_2538, %swap3A_2539], %select_n3A_2536 {strides = array<i32>} : memref<77x512xf32, #tpu.memory_space<vmem>>, vector<16xf32>,
      %get3A_2541 = arith.constant 3 : i32
      %get3A_2542 = arith.index_cast %get3A_2541 : i32 to index
      %get3A_2543 = arith.constant 240 : index
      %get3A_2544 = tpu.vector_load %arg13[%get3A_2542, %get3A_2543] {strides = array<i32>} : memref<77x512xf32, #tpu.memory_space<vmem>>, vector<16xf32>,
      %get3A_2545 = arith.constant 2 : i32
      %get3A_2546 = arith.index_cast %get3A_2545 : i32 to index
      %get3A_2547 = arith.constant 240 : index
      %get3A_2548 = tpu.vector_load %arg11[%get3A_2546, %get3A_2547] {strides = array<i32>} : memref<4x512xf32, #tpu.memory_space<vmem>>, vector<16xf32>,
      %select_n3A_2549 = arith.select %eq3A_1734, %get3A_2544, %get3A_2548 : vector<16xi1>, vector<16xf32>
      %swap3A_2550 = arith.constant 3 : i32
      %swap3A_2551 = arith.index_cast %swap3A_2550 : i32 to index
      %swap3A_2552 = arith.constant 240 : index
      %swap3A_2553 = tpu.vector_load %arg13[%swap3A_2551, %swap3A_2552] {strides = array<i32>} : memref<77x512xf32, #tpu.memory_space<vmem>>, vector<16xf32>,
      tpu.vector_store %arg13[%swap3A_2551, %swap3A_2552], %select_n3A_2549 {strides = array<i32>} : memref<77x512xf32, #tpu.memory_space<vmem>>, vector<16xf32>,
      %get3A_2554 = arith.constant 4 : i32
      %get3A_2555 = arith.index_cast %get3A_2554 : i32 to index
      %get3A_2556 = arith.constant 240 : index
      %get3A_2557 = tpu.vector_load %arg13[%get3A_2555, %get3A_2556] {strides = array<i32>} : memref<77x512xf32, #tpu.memory_space<vmem>>, vector<16xf32>,
      %get3A_2558 = arith.constant 3 : i32
      %get3A_2559 = arith.index_cast %get3A_2558 : i32 to index
      %get3A_2560 = arith.constant 240 : index
      %get3A_2561 = tpu.vector_load %arg11[%get3A_2559, %get3A_2560] {strides = array<i32>} : memref<4x512xf32, #tpu.memory_space<vmem>>, vector<16xf32>,
      %select_n3A_2562 = arith.select %eq3A_1734, %get3A_2557, %get3A_2561 : vector<16xi1>, vector<16xf32>
      %swap3A_2563 = arith.constant 4 : i32
      %swap3A_2564 = arith.index_cast %swap3A_2563 : i32 to index
      %swap3A_2565 = arith.constant 240 : index
      %swap3A_2566 = tpu.vector_load %arg13[%swap3A_2564, %swap3A_2565] {strides = array<i32>} : memref<77x512xf32, #tpu.memory_space<vmem>>, vector<16xf32>,
      tpu.vector_store %arg13[%swap3A_2564, %swap3A_2565], %select_n3A_2562 {strides = array<i32>} : memref<77x512xf32, #tpu.memory_space<vmem>>, vector<16xf32>,
      %get3A_2567 = arith.constant 0 : i32
      %get3A_2568 = arith.index_cast %get3A_2567 : i32 to index
      %get3A_2569 = arith.constant 256 : index
      %get3A_2570 = tpu.vector_load %arg10[%get3A_2568, %get3A_2569] {strides = array<i32>} : memref<2x512xf32, #tpu.memory_space<vmem>>, vector<16xf32>,
      %get3A_2571 = arith.constant 0 : i32
      %get3A_2572 = arith.index_cast %get3A_2571 : i32 to index
      %get3A_2573 = arith.constant 256 : index
      %get3A_2574 = tpu.vector_load %arg11[%get3A_2572, %get3A_2573] {strides = array<i32>} : memref<4x512xf32, #tpu.memory_space<vmem>>, vector<16xf32>,
      %select_n3A_2575 = arith.select %eq3A_1734, %get3A_2570, %get3A_2574 : vector<16xi1>, vector<16xf32>
      %swap3A_2576 = arith.constant 1 : i32
      %swap3A_2577 = arith.index_cast %swap3A_2576 : i32 to index
      %swap3A_2578 = arith.constant 256 : index
      %swap3A_2579 = tpu.vector_load %arg13[%swap3A_2577, %swap3A_2578] {strides = array<i32>} : memref<77x512xf32, #tpu.memory_space<vmem>>, vector<16xf32>,
      tpu.vector_store %arg13[%swap3A_2577, %swap3A_2578], %select_n3A_2575 {strides = array<i32>} : memref<77x512xf32, #tpu.memory_space<vmem>>, vector<16xf32>,
      %get3A_2580 = arith.constant 1 : i32
      %get3A_2581 = arith.index_cast %get3A_2580 : i32 to index
      %get3A_2582 = arith.constant 256 : index
      %get3A_2583 = tpu.vector_load %arg10[%get3A_2581, %get3A_2582] {strides = array<i32>} : memref<2x512xf32, #tpu.memory_space<vmem>>, vector<16xf32>,
      %get3A_2584 = arith.constant 1 : i32
      %get3A_2585 = arith.index_cast %get3A_2584 : i32 to index
      %get3A_2586 = arith.constant 256 : index
      %get3A_2587 = tpu.vector_load %arg11[%get3A_2585, %get3A_2586] {strides = array<i32>} : memref<4x512xf32, #tpu.memory_space<vmem>>, vector<16xf32>,
      %select_n3A_2588 = arith.select %eq3A_1734, %get3A_2583, %get3A_2587 : vector<16xi1>, vector<16xf32>
      %swap3A_2589 = arith.constant 2 : i32
      %swap3A_2590 = arith.index_cast %swap3A_2589 : i32 to index
      %swap3A_2591 = arith.constant 256 : index
      %swap3A_2592 = tpu.vector_load %arg13[%swap3A_2590, %swap3A_2591] {strides = array<i32>} : memref<77x512xf32, #tpu.memory_space<vmem>>, vector<16xf32>,
      tpu.vector_store %arg13[%swap3A_2590, %swap3A_2591], %select_n3A_2588 {strides = array<i32>} : memref<77x512xf32, #tpu.memory_space<vmem>>, vector<16xf32>,
      %get3A_2593 = arith.constant 3 : i32
      %get3A_2594 = arith.index_cast %get3A_2593 : i32 to index
      %get3A_2595 = arith.constant 256 : index
      %get3A_2596 = tpu.vector_load %arg13[%get3A_2594, %get3A_2595] {strides = array<i32>} : memref<77x512xf32, #tpu.memory_space<vmem>>, vector<16xf32>,
      %get3A_2597 = arith.constant 2 : i32
      %get3A_2598 = arith.index_cast %get3A_2597 : i32 to index
      %get3A_2599 = arith.constant 256 : index
      %get3A_2600 = tpu.vector_load %arg11[%get3A_2598, %get3A_2599] {strides = array<i32>} : memref<4x512xf32, #tpu.memory_space<vmem>>, vector<16xf32>,
      %select_n3A_2601 = arith.select %eq3A_1734, %get3A_2596, %get3A_2600 : vector<16xi1>, vector<16xf32>
      %swap3A_2602 = arith.constant 3 : i32
      %swap3A_2603 = arith.index_cast %swap3A_2602 : i32 to index
      %swap3A_2604 = arith.constant 256 : index
      %swap3A_2605 = tpu.vector_load %arg13[%swap3A_2603, %swap3A_2604] {strides = array<i32>} : memref<77x512xf32, #tpu.memory_space<vmem>>, vector<16xf32>,
      tpu.vector_store %arg13[%swap3A_2603, %swap3A_2604], %select_n3A_2601 {strides = array<i32>} : memref<77x512xf32, #tpu.memory_space<vmem>>, vector<16xf32>,
      %get3A_2606 = arith.constant 4 : i32
      %get3A_2607 = arith.index_cast %get3A_2606 : i32 to index
      %get3A_2608 = arith.constant 256 : index
      %get3A_2609 = tpu.vector_load %arg13[%get3A_2607, %get3A_2608] {strides = array<i32>} : memref<77x512xf32, #tpu.memory_space<vmem>>, vector<16xf32>,
      %get3A_2610 = arith.constant 3 : i32
      %get3A_2611 = arith.index_cast %get3A_2610 : i32 to index
      %get3A_2612 = arith.constant 256 : index
      %get3A_2613 = tpu.vector_load %arg11[%get3A_2611, %get3A_2612] {strides = array<i32>} : memref<4x512xf32, #tpu.memory_space<vmem>>, vector<16xf32>,
      %select_n3A_2614 = arith.select %eq3A_1734, %get3A_2609, %get3A_2613 : vector<16xi1>, vector<16xf32>
      %swap3A_2615 = arith.constant 4 : i32
      %swap3A_2616 = arith.index_cast %swap3A_2615 : i32 to index
      %swap3A_2617 = arith.constant 256 : index
      %swap3A_2618 = tpu.vector_load %arg13[%swap3A_2616, %swap3A_2617] {strides = array<i32>} : memref<77x512xf32, #tpu.memory_space<vmem>>, vector<16xf32>,
      tpu.vector_store %arg13[%swap3A_2616, %swap3A_2617], %select_n3A_2614 {strides = array<i32>} : memref<77x512xf32, #tpu.memory_space<vmem>>, vector<16xf32>,
      %get3A_2619 = arith.constant 0 : i32
      %get3A_2620 = arith.index_cast %get3A_2619 : i32 to index
      %get3A_2621 = arith.constant 272 : index
      %get3A_2622 = tpu.vector_load %arg10[%get3A_2620, %get3A_2621] {strides = array<i32>} : memref<2x512xf32, #tpu.memory_space<vmem>>, vector<16xf32>,
      %get3A_2623 = arith.constant 0 : i32
      %get3A_2624 = arith.index_cast %get3A_2623 : i32 to index
      %get3A_2625 = arith.constant 272 : index
      %get3A_2626 = tpu.vector_load %arg11[%get3A_2624, %get3A_2625] {strides = array<i32>} : memref<4x512xf32, #tpu.memory_space<vmem>>, vector<16xf32>,
      %select_n3A_2627 = arith.select %eq3A_1734, %get3A_2622, %get3A_2626 : vector<16xi1>, vector<16xf32>
      %swap3A_2628 = arith.constant 1 : i32
      %swap3A_2629 = arith.index_cast %swap3A_2628 : i32 to index
      %swap3A_2630 = arith.constant 272 : index
      %swap3A_2631 = tpu.vector_load %arg13[%swap3A_2629, %swap3A_2630] {strides = array<i32>} : memref<77x512xf32, #tpu.memory_space<vmem>>, vector<16xf32>,
      tpu.vector_store %arg13[%swap3A_2629, %swap3A_2630], %select_n3A_2627 {strides = array<i32>} : memref<77x512xf32, #tpu.memory_space<vmem>>, vector<16xf32>,
      %get3A_2632 = arith.constant 1 : i32
      %get3A_2633 = arith.index_cast %get3A_2632 : i32 to index
      %get3A_2634 = arith.constant 272 : index
      %get3A_2635 = tpu.vector_load %arg10[%get3A_2633, %get3A_2634] {strides = array<i32>} : memref<2x512xf32, #tpu.memory_space<vmem>>, vector<16xf32>,
      %get3A_2636 = arith.constant 1 : i32
      %get3A_2637 = arith.index_cast %get3A_2636 : i32 to index
      %get3A_2638 = arith.constant 272 : index
      %get3A_2639 = tpu.vector_load %arg11[%get3A_2637, %get3A_2638] {strides = array<i32>} : memref<4x512xf32, #tpu.memory_space<vmem>>, vector<16xf32>,
      %select_n3A_2640 = arith.select %eq3A_1734, %get3A_2635, %get3A_2639 : vector<16xi1>, vector<16xf32>
      %swap3A_2641 = arith.constant 2 : i32
      %swap3A_2642 = arith.index_cast %swap3A_2641 : i32 to index
      %swap3A_2643 = arith.constant 272 : index
      %swap3A_2644 = tpu.vector_load %arg13[%swap3A_2642, %swap3A_2643] {strides = array<i32>} : memref<77x512xf32, #tpu.memory_space<vmem>>, vector<16xf32>,
      tpu.vector_store %arg13[%swap3A_2642, %swap3A_2643], %select_n3A_2640 {strides = array<i32>} : memref<77x512xf32, #tpu.memory_space<vmem>>, vector<16xf32>,
      %get3A_2645 = arith.constant 3 : i32
      %get3A_2646 = arith.index_cast %get3A_2645 : i32 to index
      %get3A_2647 = arith.constant 272 : index
      %get3A_2648 = tpu.vector_load %arg13[%get3A_2646, %get3A_2647] {strides = array<i32>} : memref<77x512xf32, #tpu.memory_space<vmem>>, vector<16xf32>,
      %get3A_2649 = arith.constant 2 : i32
      %get3A_2650 = arith.index_cast %get3A_2649 : i32 to index
      %get3A_2651 = arith.constant 272 : index
      %get3A_2652 = tpu.vector_load %arg11[%get3A_2650, %get3A_2651] {strides = array<i32>} : memref<4x512xf32, #tpu.memory_space<vmem>>, vector<16xf32>,
      %select_n3A_2653 = arith.select %eq3A_1734, %get3A_2648, %get3A_2652 : vector<16xi1>, vector<16xf32>
      %swap3A_2654 = arith.constant 3 : i32
      %swap3A_2655 = arith.index_cast %swap3A_2654 : i32 to index
      %swap3A_2656 = arith.constant 272 : index
      %swap3A_2657 = tpu.vector_load %arg13[%swap3A_2655, %swap3A_2656] {strides = array<i32>} : memref<77x512xf32, #tpu.memory_space<vmem>>, vector<16xf32>,
      tpu.vector_store %arg13[%swap3A_2655, %swap3A_2656], %select_n3A_2653 {strides = array<i32>} : memref<77x512xf32, #tpu.memory_space<vmem>>, vector<16xf32>,
      %get3A_2658 = arith.constant 4 : i32
      %get3A_2659 = arith.index_cast %get3A_2658 : i32 to index
      %get3A_2660 = arith.constant 272 : index
      %get3A_2661 = tpu.vector_load %arg13[%get3A_2659, %get3A_2660] {strides = array<i32>} : memref<77x512xf32, #tpu.memory_space<vmem>>, vector<16xf32>,
      %get3A_2662 = arith.constant 3 : i32
      %get3A_2663 = arith.index_cast %get3A_2662 : i32 to index
      %get3A_2664 = arith.constant 272 : index
      %get3A_2665 = tpu.vector_load %arg11[%get3A_2663, %get3A_2664] {strides = array<i32>} : memref<4x512xf32, #tpu.memory_space<vmem>>, vector<16xf32>,
      %select_n3A_2666 = arith.select %eq3A_1734, %get3A_2661, %get3A_2665 : vector<16xi1>, vector<16xf32>
      %swap3A_2667 = arith.constant 4 : i32
      %swap3A_2668 = arith.index_cast %swap3A_2667 : i32 to index
      %swap3A_2669 = arith.constant 272 : index
      %swap3A_2670 = tpu.vector_load %arg13[%swap3A_2668, %swap3A_2669] {strides = array<i32>} : memref<77x512xf32, #tpu.memory_space<vmem>>, vector<16xf32>,
      tpu.vector_store %arg13[%swap3A_2668, %swap3A_2669], %select_n3A_2666 {strides = array<i32>} : memref<77x512xf32, #tpu.memory_space<vmem>>, vector<16xf32>,
      %get3A_2671 = arith.constant 0 : i32
      %get3A_2672 = arith.index_cast %get3A_2671 : i32 to index
      %get3A_2673 = arith.constant 288 : index
      %get3A_2674 = tpu.vector_load %arg10[%get3A_2672, %get3A_2673] {strides = array<i32>} : memref<2x512xf32, #tpu.memory_space<vmem>>, vector<16xf32>,
      %get3A_2675 = arith.constant 0 : i32
      %get3A_2676 = arith.index_cast %get3A_2675 : i32 to index
      %get3A_2677 = arith.constant 288 : index
      %get3A_2678 = tpu.vector_load %arg11[%get3A_2676, %get3A_2677] {strides = array<i32>} : memref<4x512xf32, #tpu.memory_space<vmem>>, vector<16xf32>,
      %select_n3A_2679 = arith.select %eq3A_1734, %get3A_2674, %get3A_2678 : vector<16xi1>, vector<16xf32>
      %swap3A_2680 = arith.constant 1 : i32
      %swap3A_2681 = arith.index_cast %swap3A_2680 : i32 to index
      %swap3A_2682 = arith.constant 288 : index
      %swap3A_2683 = tpu.vector_load %arg13[%swap3A_2681, %swap3A_2682] {strides = array<i32>} : memref<77x512xf32, #tpu.memory_space<vmem>>, vector<16xf32>,
      tpu.vector_store %arg13[%swap3A_2681, %swap3A_2682], %select_n3A_2679 {strides = array<i32>} : memref<77x512xf32, #tpu.memory_space<vmem>>, vector<16xf32>,
      %get3A_2684 = arith.constant 1 : i32
      %get3A_2685 = arith.index_cast %get3A_2684 : i32 to index
      %get3A_2686 = arith.constant 288 : index
      %get3A_2687 = tpu.vector_load %arg10[%get3A_2685, %get3A_2686] {strides = array<i32>} : memref<2x512xf32, #tpu.memory_space<vmem>>, vector<16xf32>,
      %get3A_2688 = arith.constant 1 : i32
      %get3A_2689 = arith.index_cast %get3A_2688 : i32 to index
      %get3A_2690 = arith.constant 288 : index
      %get3A_2691 = tpu.vector_load %arg11[%get3A_2689, %get3A_2690] {strides = array<i32>} : memref<4x512xf32, #tpu.memory_space<vmem>>, vector<16xf32>,
      %select_n3A_2692 = arith.select %eq3A_1734, %get3A_2687, %get3A_2691 : vector<16xi1>, vector<16xf32>
      %swap3A_2693 = arith.constant 2 : i32
      %swap3A_2694 = arith.index_cast %swap3A_2693 : i32 to index
      %swap3A_2695 = arith.constant 288 : index
      %swap3A_2696 = tpu.vector_load %arg13[%swap3A_2694, %swap3A_2695] {strides = array<i32>} : memref<77x512xf32, #tpu.memory_space<vmem>>, vector<16xf32>,
      tpu.vector_store %arg13[%swap3A_2694, %swap3A_2695], %select_n3A_2692 {strides = array<i32>} : memref<77x512xf32, #tpu.memory_space<vmem>>, vector<16xf32>,
      %get3A_2697 = arith.constant 3 : i32
      %get3A_2698 = arith.index_cast %get3A_2697 : i32 to index
      %get3A_2699 = arith.constant 288 : index
      %get3A_2700 = tpu.vector_load %arg13[%get3A_2698, %get3A_2699] {strides = array<i32>} : memref<77x512xf32, #tpu.memory_space<vmem>>, vector<16xf32>,
      %get3A_2701 = arith.constant 2 : i32
      %get3A_2702 = arith.index_cast %get3A_2701 : i32 to index
      %get3A_2703 = arith.constant 288 : index
      %get3A_2704 = tpu.vector_load %arg11[%get3A_2702, %get3A_2703] {strides = array<i32>} : memref<4x512xf32, #tpu.memory_space<vmem>>, vector<16xf32>,
      %select_n3A_2705 = arith.select %eq3A_1734, %get3A_2700, %get3A_2704 : vector<16xi1>, vector<16xf32>
      %swap3A_2706 = arith.constant 3 : i32
      %swap3A_2707 = arith.index_cast %swap3A_2706 : i32 to index
      %swap3A_2708 = arith.constant 288 : index
      %swap3A_2709 = tpu.vector_load %arg13[%swap3A_2707, %swap3A_2708] {strides = array<i32>} : memref<77x512xf32, #tpu.memory_space<vmem>>, vector<16xf32>,
      tpu.vector_store %arg13[%swap3A_2707, %swap3A_2708], %select_n3A_2705 {strides = array<i32>} : memref<77x512xf32, #tpu.memory_space<vmem>>, vector<16xf32>,
      %get3A_2710 = arith.constant 4 : i32
      %get3A_2711 = arith.index_cast %get3A_2710 : i32 to index
      %get3A_2712 = arith.constant 288 : index
      %get3A_2713 = tpu.vector_load %arg13[%get3A_2711, %get3A_2712] {strides = array<i32>} : memref<77x512xf32, #tpu.memory_space<vmem>>, vector<16xf32>,
      %get3A_2714 = arith.constant 3 : i32
      %get3A_2715 = arith.index_cast %get3A_2714 : i32 to index
      %get3A_2716 = arith.constant 288 : index
      %get3A_2717 = tpu.vector_load %arg11[%get3A_2715, %get3A_2716] {strides = array<i32>} : memref<4x512xf32, #tpu.memory_space<vmem>>, vector<16xf32>,
      %select_n3A_2718 = arith.select %eq3A_1734, %get3A_2713, %get3A_2717 : vector<16xi1>, vector<16xf32>
      %swap3A_2719 = arith.constant 4 : i32
      %swap3A_2720 = arith.index_cast %swap3A_2719 : i32 to index
      %swap3A_2721 = arith.constant 288 : index
      %swap3A_2722 = tpu.vector_load %arg13[%swap3A_2720, %swap3A_2721] {strides = array<i32>} : memref<77x512xf32, #tpu.memory_space<vmem>>, vector<16xf32>,
      tpu.vector_store %arg13[%swap3A_2720, %swap3A_2721], %select_n3A_2718 {strides = array<i32>} : memref<77x512xf32, #tpu.memory_space<vmem>>, vector<16xf32>,
      %get3A_2723 = arith.constant 0 : i32
      %get3A_2724 = arith.index_cast %get3A_2723 : i32 to index
      %get3A_2725 = arith.constant 304 : index
      %get3A_2726 = tpu.vector_load %arg10[%get3A_2724, %get3A_2725] {strides = array<i32>} : memref<2x512xf32, #tpu.memory_space<vmem>>, vector<16xf32>,
      %get3A_2727 = arith.constant 0 : i32
      %get3A_2728 = arith.index_cast %get3A_2727 : i32 to index
      %get3A_2729 = arith.constant 304 : index
      %get3A_2730 = tpu.vector_load %arg11[%get3A_2728, %get3A_2729] {strides = array<i32>} : memref<4x512xf32, #tpu.memory_space<vmem>>, vector<16xf32>,
      %select_n3A_2731 = arith.select %eq3A_1734, %get3A_2726, %get3A_2730 : vector<16xi1>, vector<16xf32>
      %swap3A_2732 = arith.constant 1 : i32
      %swap3A_2733 = arith.index_cast %swap3A_2732 : i32 to index
      %swap3A_2734 = arith.constant 304 : index
      %swap3A_2735 = tpu.vector_load %arg13[%swap3A_2733, %swap3A_2734] {strides = array<i32>} : memref<77x512xf32, #tpu.memory_space<vmem>>, vector<16xf32>,
      tpu.vector_store %arg13[%swap3A_2733, %swap3A_2734], %select_n3A_2731 {strides = array<i32>} : memref<77x512xf32, #tpu.memory_space<vmem>>, vector<16xf32>,
      %get3A_2736 = arith.constant 1 : i32
      %get3A_2737 = arith.index_cast %get3A_2736 : i32 to index
      %get3A_2738 = arith.constant 304 : index
      %get3A_2739 = tpu.vector_load %arg10[%get3A_2737, %get3A_2738] {strides = array<i32>} : memref<2x512xf32, #tpu.memory_space<vmem>>, vector<16xf32>,
      %get3A_2740 = arith.constant 1 : i32
      %get3A_2741 = arith.index_cast %get3A_2740 : i32 to index
      %get3A_2742 = arith.constant 304 : index
      %get3A_2743 = tpu.vector_load %arg11[%get3A_2741, %get3A_2742] {strides = array<i32>} : memref<4x512xf32, #tpu.memory_space<vmem>>, vector<16xf32>,
      %select_n3A_2744 = arith.select %eq3A_1734, %get3A_2739, %get3A_2743 : vector<16xi1>, vector<16xf32>
      %swap3A_2745 = arith.constant 2 : i32
      %swap3A_2746 = arith.index_cast %swap3A_2745 : i32 to index
      %swap3A_2747 = arith.constant 304 : index
      %swap3A_2748 = tpu.vector_load %arg13[%swap3A_2746, %swap3A_2747] {strides = array<i32>} : memref<77x512xf32, #tpu.memory_space<vmem>>, vector<16xf32>,
      tpu.vector_store %arg13[%swap3A_2746, %swap3A_2747], %select_n3A_2744 {strides = array<i32>} : memref<77x512xf32, #tpu.memory_space<vmem>>, vector<16xf32>,
      %get3A_2749 = arith.constant 3 : i32
      %get3A_2750 = arith.index_cast %get3A_2749 : i32 to index
      %get3A_2751 = arith.constant 304 : index
      %get3A_2752 = tpu.vector_load %arg13[%get3A_2750, %get3A_2751] {strides = array<i32>} : memref<77x512xf32, #tpu.memory_space<vmem>>, vector<16xf32>,
      %get3A_2753 = arith.constant 2 : i32
      %get3A_2754 = arith.index_cast %get3A_2753 : i32 to index
      %get3A_2755 = arith.constant 304 : index
      %get3A_2756 = tpu.vector_load %arg11[%get3A_2754, %get3A_2755] {strides = array<i32>} : memref<4x512xf32, #tpu.memory_space<vmem>>, vector<16xf32>,
      %select_n3A_2757 = arith.select %eq3A_1734, %get3A_2752, %get3A_2756 : vector<16xi1>, vector<16xf32>
      %swap3A_2758 = arith.constant 3 : i32
      %swap3A_2759 = arith.index_cast %swap3A_2758 : i32 to index
      %swap3A_2760 = arith.constant 304 : index
      %swap3A_2761 = tpu.vector_load %arg13[%swap3A_2759, %swap3A_2760] {strides = array<i32>} : memref<77x512xf32, #tpu.memory_space<vmem>>, vector<16xf32>,
      tpu.vector_store %arg13[%swap3A_2759, %swap3A_2760], %select_n3A_2757 {strides = array<i32>} : memref<77x512xf32, #tpu.memory_space<vmem>>, vector<16xf32>,
      %get3A_2762 = arith.constant 4 : i32
      %get3A_2763 = arith.index_cast %get3A_2762 : i32 to index
      %get3A_2764 = arith.constant 304 : index
      %get3A_2765 = tpu.vector_load %arg13[%get3A_2763, %get3A_2764] {strides = array<i32>} : memref<77x512xf32, #tpu.memory_space<vmem>>, vector<16xf32>,
      %get3A_2766 = arith.constant 3 : i32
      %get3A_2767 = arith.index_cast %get3A_2766 : i32 to index
      %get3A_2768 = arith.constant 304 : index
      %get3A_2769 = tpu.vector_load %arg11[%get3A_2767, %get3A_2768] {strides = array<i32>} : memref<4x512xf32, #tpu.memory_space<vmem>>, vector<16xf32>,
      %select_n3A_2770 = arith.select %eq3A_1734, %get3A_2765, %get3A_2769 : vector<16xi1>, vector<16xf32>
      %swap3A_2771 = arith.constant 4 : i32
      %swap3A_2772 = arith.index_cast %swap3A_2771 : i32 to index
      %swap3A_2773 = arith.constant 304 : index
      %swap3A_2774 = tpu.vector_load %arg13[%swap3A_2772, %swap3A_2773] {strides = array<i32>} : memref<77x512xf32, #tpu.memory_space<vmem>>, vector<16xf32>,
      tpu.vector_store %arg13[%swap3A_2772, %swap3A_2773], %select_n3A_2770 {strides = array<i32>} : memref<77x512xf32, #tpu.memory_space<vmem>>, vector<16xf32>,
      %get3A_2775 = arith.constant 0 : i32
      %get3A_2776 = arith.index_cast %get3A_2775 : i32 to index
      %get3A_2777 = arith.constant 320 : index
      %get3A_2778 = tpu.vector_load %arg10[%get3A_2776, %get3A_2777] {strides = array<i32>} : memref<2x512xf32, #tpu.memory_space<vmem>>, vector<16xf32>,
      %get3A_2779 = arith.constant 0 : i32
      %get3A_2780 = arith.index_cast %get3A_2779 : i32 to index
      %get3A_2781 = arith.constant 320 : index
      %get3A_2782 = tpu.vector_load %arg11[%get3A_2780, %get3A_2781] {strides = array<i32>} : memref<4x512xf32, #tpu.memory_space<vmem>>, vector<16xf32>,
      %select_n3A_2783 = arith.select %eq3A_1734, %get3A_2778, %get3A_2782 : vector<16xi1>, vector<16xf32>
      %swap3A_2784 = arith.constant 1 : i32
      %swap3A_2785 = arith.index_cast %swap3A_2784 : i32 to index
      %swap3A_2786 = arith.constant 320 : index
      %swap3A_2787 = tpu.vector_load %arg13[%swap3A_2785, %swap3A_2786] {strides = array<i32>} : memref<77x512xf32, #tpu.memory_space<vmem>>, vector<16xf32>,
      tpu.vector_store %arg13[%swap3A_2785, %swap3A_2786], %select_n3A_2783 {strides = array<i32>} : memref<77x512xf32, #tpu.memory_space<vmem>>, vector<16xf32>,
      %get3A_2788 = arith.constant 1 : i32
      %get3A_2789 = arith.index_cast %get3A_2788 : i32 to index
      %get3A_2790 = arith.constant 320 : index
      %get3A_2791 = tpu.vector_load %arg10[%get3A_2789, %get3A_2790] {strides = array<i32>} : memref<2x512xf32, #tpu.memory_space<vmem>>, vector<16xf32>,
      %get3A_2792 = arith.constant 1 : i32
      %get3A_2793 = arith.index_cast %get3A_2792 : i32 to index
      %get3A_2794 = arith.constant 320 : index
      %get3A_2795 = tpu.vector_load %arg11[%get3A_2793, %get3A_2794] {strides = array<i32>} : memref<4x512xf32, #tpu.memory_space<vmem>>, vector<16xf32>,
      %select_n3A_2796 = arith.select %eq3A_1734, %get3A_2791, %get3A_2795 : vector<16xi1>, vector<16xf32>
      %swap3A_2797 = arith.constant 2 : i32
      %swap3A_2798 = arith.index_cast %swap3A_2797 : i32 to index
      %swap3A_2799 = arith.constant 320 : index
      %swap3A_2800 = tpu.vector_load %arg13[%swap3A_2798, %swap3A_2799] {strides = array<i32>} : memref<77x512xf32, #tpu.memory_space<vmem>>, vector<16xf32>,
      tpu.vector_store %arg13[%swap3A_2798, %swap3A_2799], %select_n3A_2796 {strides = array<i32>} : memref<77x512xf32, #tpu.memory_space<vmem>>, vector<16xf32>,
      %get3A_2801 = arith.constant 3 : i32
      %get3A_2802 = arith.index_cast %get3A_2801 : i32 to index
      %get3A_2803 = arith.constant 320 : index
      %get3A_2804 = tpu.vector_load %arg13[%get3A_2802, %get3A_2803] {strides = array<i32>} : memref<77x512xf32, #tpu.memory_space<vmem>>, vector<16xf32>,
      %get3A_2805 = arith.constant 2 : i32
      %get3A_2806 = arith.index_cast %get3A_2805 : i32 to index
      %get3A_2807 = arith.constant 320 : index
      %get3A_2808 = tpu.vector_load %arg11[%get3A_2806, %get3A_2807] {strides = array<i32>} : memref<4x512xf32, #tpu.memory_space<vmem>>, vector<16xf32>,
      %select_n3A_2809 = arith.select %eq3A_1734, %get3A_2804, %get3A_2808 : vector<16xi1>, vector<16xf32>
      %swap3A_2810 = arith.constant 3 : i32
      %swap3A_2811 = arith.index_cast %swap3A_2810 : i32 to index
      %swap3A_2812 = arith.constant 320 : index
      %swap3A_2813 = tpu.vector_load %arg13[%swap3A_2811, %swap3A_2812] {strides = array<i32>} : memref<77x512xf32, #tpu.memory_space<vmem>>, vector<16xf32>,
      tpu.vector_store %arg13[%swap3A_2811, %swap3A_2812], %select_n3A_2809 {strides = array<i32>} : memref<77x512xf32, #tpu.memory_space<vmem>>, vector<16xf32>,
      %get3A_2814 = arith.constant 4 : i32
      %get3A_2815 = arith.index_cast %get3A_2814 : i32 to index
      %get3A_2816 = arith.constant 320 : index
      %get3A_2817 = tpu.vector_load %arg13[%get3A_2815, %get3A_2816] {strides = array<i32>} : memref<77x512xf32, #tpu.memory_space<vmem>>, vector<16xf32>,
      %get3A_2818 = arith.constant 3 : i32
      %get3A_2819 = arith.index_cast %get3A_2818 : i32 to index
      %get3A_2820 = arith.constant 320 : index
      %get3A_2821 = tpu.vector_load %arg11[%get3A_2819, %get3A_2820] {strides = array<i32>} : memref<4x512xf32, #tpu.memory_space<vmem>>, vector<16xf32>,
      %select_n3A_2822 = arith.select %eq3A_1734, %get3A_2817, %get3A_2821 : vector<16xi1>, vector<16xf32>
      %swap3A_2823 = arith.constant 4 : i32
      %swap3A_2824 = arith.index_cast %swap3A_2823 : i32 to index
      %swap3A_2825 = arith.constant 320 : index
      %swap3A_2826 = tpu.vector_load %arg13[%swap3A_2824, %swap3A_2825] {strides = array<i32>} : memref<77x512xf32, #tpu.memory_space<vmem>>, vector<16xf32>,
      tpu.vector_store %arg13[%swap3A_2824, %swap3A_2825], %select_n3A_2822 {strides = array<i32>} : memref<77x512xf32, #tpu.memory_space<vmem>>, vector<16xf32>,
      %get3A_2827 = arith.constant 0 : i32
      %get3A_2828 = arith.index_cast %get3A_2827 : i32 to index
      %get3A_2829 = arith.constant 336 : index
      %get3A_2830 = tpu.vector_load %arg10[%get3A_2828, %get3A_2829] {strides = array<i32>} : memref<2x512xf32, #tpu.memory_space<vmem>>, vector<16xf32>,
      %get3A_2831 = arith.constant 0 : i32
      %get3A_2832 = arith.index_cast %get3A_2831 : i32 to index
      %get3A_2833 = arith.constant 336 : index
      %get3A_2834 = tpu.vector_load %arg11[%get3A_2832, %get3A_2833] {strides = array<i32>} : memref<4x512xf32, #tpu.memory_space<vmem>>, vector<16xf32>,
      %select_n3A_2835 = arith.select %eq3A_1734, %get3A_2830, %get3A_2834 : vector<16xi1>, vector<16xf32>
      %swap3A_2836 = arith.constant 1 : i32
      %swap3A_2837 = arith.index_cast %swap3A_2836 : i32 to index
      %swap3A_2838 = arith.constant 336 : index
      %swap3A_2839 = tpu.vector_load %arg13[%swap3A_2837, %swap3A_2838] {strides = array<i32>} : memref<77x512xf32, #tpu.memory_space<vmem>>, vector<16xf32>,
      tpu.vector_store %arg13[%swap3A_2837, %swap3A_2838], %select_n3A_2835 {strides = array<i32>} : memref<77x512xf32, #tpu.memory_space<vmem>>, vector<16xf32>,
      %get3A_2840 = arith.constant 1 : i32
      %get3A_2841 = arith.index_cast %get3A_2840 : i32 to index
      %get3A_2842 = arith.constant 336 : index
      %get3A_2843 = tpu.vector_load %arg10[%get3A_2841, %get3A_2842] {strides = array<i32>} : memref<2x512xf32, #tpu.memory_space<vmem>>, vector<16xf32>,
      %get3A_2844 = arith.constant 1 : i32
      %get3A_2845 = arith.index_cast %get3A_2844 : i32 to index
      %get3A_2846 = arith.constant 336 : index
      %get3A_2847 = tpu.vector_load %arg11[%get3A_2845, %get3A_2846] {strides = array<i32>} : memref<4x512xf32, #tpu.memory_space<vmem>>, vector<16xf32>,
      %select_n3A_2848 = arith.select %eq3A_1734, %get3A_2843, %get3A_2847 : vector<16xi1>, vector<16xf32>
      %swap3A_2849 = arith.constant 2 : i32
      %swap3A_2850 = arith.index_cast %swap3A_2849 : i32 to index
      %swap3A_2851 = arith.constant 336 : index
      %swap3A_2852 = tpu.vector_load %arg13[%swap3A_2850, %swap3A_2851] {strides = array<i32>} : memref<77x512xf32, #tpu.memory_space<vmem>>, vector<16xf32>,
      tpu.vector_store %arg13[%swap3A_2850, %swap3A_2851], %select_n3A_2848 {strides = array<i32>} : memref<77x512xf32, #tpu.memory_space<vmem>>, vector<16xf32>,
      %get3A_2853 = arith.constant 3 : i32
      %get3A_2854 = arith.index_cast %get3A_2853 : i32 to index
      %get3A_2855 = arith.constant 336 : index
      %get3A_2856 = tpu.vector_load %arg13[%get3A_2854, %get3A_2855] {strides = array<i32>} : memref<77x512xf32, #tpu.memory_space<vmem>>, vector<16xf32>,
      %get3A_2857 = arith.constant 2 : i32
      %get3A_2858 = arith.index_cast %get3A_2857 : i32 to index
      %get3A_2859 = arith.constant 336 : index
      %get3A_2860 = tpu.vector_load %arg11[%get3A_2858, %get3A_2859] {strides = array<i32>} : memref<4x512xf32, #tpu.memory_space<vmem>>, vector<16xf32>,
      %select_n3A_2861 = arith.select %eq3A_1734, %get3A_2856, %get3A_2860 : vector<16xi1>, vector<16xf32>
      %swap3A_2862 = arith.constant 3 : i32
      %swap3A_2863 = arith.index_cast %swap3A_2862 : i32 to index
      %swap3A_2864 = arith.constant 336 : index
      %swap3A_2865 = tpu.vector_load %arg13[%swap3A_2863, %swap3A_2864] {strides = array<i32>} : memref<77x512xf32, #tpu.memory_space<vmem>>, vector<16xf32>,
      tpu.vector_store %arg13[%swap3A_2863, %swap3A_2864], %select_n3A_2861 {strides = array<i32>} : memref<77x512xf32, #tpu.memory_space<vmem>>, vector<16xf32>,
      %get3A_2866 = arith.constant 4 : i32
      %get3A_2867 = arith.index_cast %get3A_2866 : i32 to index
      %get3A_2868 = arith.constant 336 : index
      %get3A_2869 = tpu.vector_load %arg13[%get3A_2867, %get3A_2868] {strides = array<i32>} : memref<77x512xf32, #tpu.memory_space<vmem>>, vector<16xf32>,
      %get3A_2870 = arith.constant 3 : i32
      %get3A_2871 = arith.index_cast %get3A_2870 : i32 to index
      %get3A_2872 = arith.constant 336 : index
      %get3A_2873 = tpu.vector_load %arg11[%get3A_2871, %get3A_2872] {strides = array<i32>} : memref<4x512xf32, #tpu.memory_space<vmem>>, vector<16xf32>,
      %select_n3A_2874 = arith.select %eq3A_1734, %get3A_2869, %get3A_2873 : vector<16xi1>, vector<16xf32>
      %swap3A_2875 = arith.constant 4 : i32
      %swap3A_2876 = arith.index_cast %swap3A_2875 : i32 to index
      %swap3A_2877 = arith.constant 336 : index
      %swap3A_2878 = tpu.vector_load %arg13[%swap3A_2876, %swap3A_2877] {strides = array<i32>} : memref<77x512xf32, #tpu.memory_space<vmem>>, vector<16xf32>,
      tpu.vector_store %arg13[%swap3A_2876, %swap3A_2877], %select_n3A_2874 {strides = array<i32>} : memref<77x512xf32, #tpu.memory_space<vmem>>, vector<16xf32>,
      %get3A_2879 = arith.constant 0 : i32
      %get3A_2880 = arith.index_cast %get3A_2879 : i32 to index
      %get3A_2881 = arith.constant 352 : index
      %get3A_2882 = tpu.vector_load %arg10[%get3A_2880, %get3A_2881] {strides = array<i32>} : memref<2x512xf32, #tpu.memory_space<vmem>>, vector<16xf32>,
      %get3A_2883 = arith.constant 0 : i32
      %get3A_2884 = arith.index_cast %get3A_2883 : i32 to index
      %get3A_2885 = arith.constant 352 : index
      %get3A_2886 = tpu.vector_load %arg11[%get3A_2884, %get3A_2885] {strides = array<i32>} : memref<4x512xf32, #tpu.memory_space<vmem>>, vector<16xf32>,
      %select_n3A_2887 = arith.select %eq3A_1734, %get3A_2882, %get3A_2886 : vector<16xi1>, vector<16xf32>
      %swap3A_2888 = arith.constant 1 : i32
      %swap3A_2889 = arith.index_cast %swap3A_2888 : i32 to index
      %swap3A_2890 = arith.constant 352 : index
      %swap3A_2891 = tpu.vector_load %arg13[%swap3A_2889, %swap3A_2890] {strides = array<i32>} : memref<77x512xf32, #tpu.memory_space<vmem>>, vector<16xf32>,
      tpu.vector_store %arg13[%swap3A_2889, %swap3A_2890], %select_n3A_2887 {strides = array<i32>} : memref<77x512xf32, #tpu.memory_space<vmem>>, vector<16xf32>,
      %get3A_2892 = arith.constant 1 : i32
      %get3A_2893 = arith.index_cast %get3A_2892 : i32 to index
      %get3A_2894 = arith.constant 352 : index
      %get3A_2895 = tpu.vector_load %arg10[%get3A_2893, %get3A_2894] {strides = array<i32>} : memref<2x512xf32, #tpu.memory_space<vmem>>, vector<16xf32>,
      %get3A_2896 = arith.constant 1 : i32
      %get3A_2897 = arith.index_cast %get3A_2896 : i32 to index
      %get3A_2898 = arith.constant 352 : index
      %get3A_2899 = tpu.vector_load %arg11[%get3A_2897, %get3A_2898] {strides = array<i32>} : memref<4x512xf32, #tpu.memory_space<vmem>>, vector<16xf32>,
      %select_n3A_2900 = arith.select %eq3A_1734, %get3A_2895, %get3A_2899 : vector<16xi1>, vector<16xf32>
      %swap3A_2901 = arith.constant 2 : i32
      %swap3A_2902 = arith.index_cast %swap3A_2901 : i32 to index
      %swap3A_2903 = arith.constant 352 : index
      %swap3A_2904 = tpu.vector_load %arg13[%swap3A_2902, %swap3A_2903] {strides = array<i32>} : memref<77x512xf32, #tpu.memory_space<vmem>>, vector<16xf32>,
      tpu.vector_store %arg13[%swap3A_2902, %swap3A_2903], %select_n3A_2900 {strides = array<i32>} : memref<77x512xf32, #tpu.memory_space<vmem>>, vector<16xf32>,
      %get3A_2905 = arith.constant 3 : i32
      %get3A_2906 = arith.index_cast %get3A_2905 : i32 to index
      %get3A_2907 = arith.constant 352 : index
      %get3A_2908 = tpu.vector_load %arg13[%get3A_2906, %get3A_2907] {strides = array<i32>} : memref<77x512xf32, #tpu.memory_space<vmem>>, vector<16xf32>,
      %get3A_2909 = arith.constant 2 : i32
      %get3A_2910 = arith.index_cast %get3A_2909 : i32 to index
      %get3A_2911 = arith.constant 352 : index
      %get3A_2912 = tpu.vector_load %arg11[%get3A_2910, %get3A_2911] {strides = array<i32>} : memref<4x512xf32, #tpu.memory_space<vmem>>, vector<16xf32>,
      %select_n3A_2913 = arith.select %eq3A_1734, %get3A_2908, %get3A_2912 : vector<16xi1>, vector<16xf32>
      %swap3A_2914 = arith.constant 3 : i32
      %swap3A_2915 = arith.index_cast %swap3A_2914 : i32 to index
      %swap3A_2916 = arith.constant 352 : index
      %swap3A_2917 = tpu.vector_load %arg13[%swap3A_2915, %swap3A_2916] {strides = array<i32>} : memref<77x512xf32, #tpu.memory_space<vmem>>, vector<16xf32>,
      tpu.vector_store %arg13[%swap3A_2915, %swap3A_2916], %select_n3A_2913 {strides = array<i32>} : memref<77x512xf32, #tpu.memory_space<vmem>>, vector<16xf32>,
      %get3A_2918 = arith.constant 4 : i32
      %get3A_2919 = arith.index_cast %get3A_2918 : i32 to index
      %get3A_2920 = arith.constant 352 : index
      %get3A_2921 = tpu.vector_load %arg13[%get3A_2919, %get3A_2920] {strides = array<i32>} : memref<77x512xf32, #tpu.memory_space<vmem>>, vector<16xf32>,
      %get3A_2922 = arith.constant 3 : i32
      %get3A_2923 = arith.index_cast %get3A_2922 : i32 to index
      %get3A_2924 = arith.constant 352 : index
      %get3A_2925 = tpu.vector_load %arg11[%get3A_2923, %get3A_2924] {strides = array<i32>} : memref<4x512xf32, #tpu.memory_space<vmem>>, vector<16xf32>,
      %select_n3A_2926 = arith.select %eq3A_1734, %get3A_2921, %get3A_2925 : vector<16xi1>, vector<16xf32>
      %swap3A_2927 = arith.constant 4 : i32
      %swap3A_2928 = arith.index_cast %swap3A_2927 : i32 to index
      %swap3A_2929 = arith.constant 352 : index
      %swap3A_2930 = tpu.vector_load %arg13[%swap3A_2928, %swap3A_2929] {strides = array<i32>} : memref<77x512xf32, #tpu.memory_space<vmem>>, vector<16xf32>,
      tpu.vector_store %arg13[%swap3A_2928, %swap3A_2929], %select_n3A_2926 {strides = array<i32>} : memref<77x512xf32, #tpu.memory_space<vmem>>, vector<16xf32>,
      %get3A_2931 = arith.constant 0 : i32
      %get3A_2932 = arith.index_cast %get3A_2931 : i32 to index
      %get3A_2933 = arith.constant 368 : index
      %get3A_2934 = tpu.vector_load %arg10[%get3A_2932, %get3A_2933] {strides = array<i32>} : memref<2x512xf32, #tpu.memory_space<vmem>>, vector<16xf32>,
      %get3A_2935 = arith.constant 0 : i32
      %get3A_2936 = arith.index_cast %get3A_2935 : i32 to index
      %get3A_2937 = arith.constant 368 : index
      %get3A_2938 = tpu.vector_load %arg11[%get3A_2936, %get3A_2937] {strides = array<i32>} : memref<4x512xf32, #tpu.memory_space<vmem>>, vector<16xf32>,
      %select_n3A_2939 = arith.select %eq3A_1734, %get3A_2934, %get3A_2938 : vector<16xi1>, vector<16xf32>
      %swap3A_2940 = arith.constant 1 : i32
      %swap3A_2941 = arith.index_cast %swap3A_2940 : i32 to index
      %swap3A_2942 = arith.constant 368 : index
      %swap3A_2943 = tpu.vector_load %arg13[%swap3A_2941, %swap3A_2942] {strides = array<i32>} : memref<77x512xf32, #tpu.memory_space<vmem>>, vector<16xf32>,
      tpu.vector_store %arg13[%swap3A_2941, %swap3A_2942], %select_n3A_2939 {strides = array<i32>} : memref<77x512xf32, #tpu.memory_space<vmem>>, vector<16xf32>,
      %get3A_2944 = arith.constant 1 : i32
      %get3A_2945 = arith.index_cast %get3A_2944 : i32 to index
      %get3A_2946 = arith.constant 368 : index
      %get3A_2947 = tpu.vector_load %arg10[%get3A_2945, %get3A_2946] {strides = array<i32>} : memref<2x512xf32, #tpu.memory_space<vmem>>, vector<16xf32>,
      %get3A_2948 = arith.constant 1 : i32
      %get3A_2949 = arith.index_cast %get3A_2948 : i32 to index
      %get3A_2950 = arith.constant 368 : index
      %get3A_2951 = tpu.vector_load %arg11[%get3A_2949, %get3A_2950] {strides = array<i32>} : memref<4x512xf32, #tpu.memory_space<vmem>>, vector<16xf32>,
      %select_n3A_2952 = arith.select %eq3A_1734, %get3A_2947, %get3A_2951 : vector<16xi1>, vector<16xf32>
      %swap3A_2953 = arith.constant 2 : i32
      %swap3A_2954 = arith.index_cast %swap3A_2953 : i32 to index
      %swap3A_2955 = arith.constant 368 : index
      %swap3A_2956 = tpu.vector_load %arg13[%swap3A_2954, %swap3A_2955] {strides = array<i32>} : memref<77x512xf32, #tpu.memory_space<vmem>>, vector<16xf32>,
      tpu.vector_store %arg13[%swap3A_2954, %swap3A_2955], %select_n3A_2952 {strides = array<i32>} : memref<77x512xf32, #tpu.memory_space<vmem>>, vector<16xf32>,
      %get3A_2957 = arith.constant 3 : i32
      %get3A_2958 = arith.index_cast %get3A_2957 : i32 to index
      %get3A_2959 = arith.constant 368 : index
      %get3A_2960 = tpu.vector_load %arg13[%get3A_2958, %get3A_2959] {strides = array<i32>} : memref<77x512xf32, #tpu.memory_space<vmem>>, vector<16xf32>,
      %get3A_2961 = arith.constant 2 : i32
      %get3A_2962 = arith.index_cast %get3A_2961 : i32 to index
      %get3A_2963 = arith.constant 368 : index
      %get3A_2964 = tpu.vector_load %arg11[%get3A_2962, %get3A_2963] {strides = array<i32>} : memref<4x512xf32, #tpu.memory_space<vmem>>, vector<16xf32>,
      %select_n3A_2965 = arith.select %eq3A_1734, %get3A_2960, %get3A_2964 : vector<16xi1>, vector<16xf32>
      %swap3A_2966 = arith.constant 3 : i32
      %swap3A_2967 = arith.index_cast %swap3A_2966 : i32 to index
      %swap3A_2968 = arith.constant 368 : index
      %swap3A_2969 = tpu.vector_load %arg13[%swap3A_2967, %swap3A_2968] {strides = array<i32>} : memref<77x512xf32, #tpu.memory_space<vmem>>, vector<16xf32>,
      tpu.vector_store %arg13[%swap3A_2967, %swap3A_2968], %select_n3A_2965 {strides = array<i32>} : memref<77x512xf32, #tpu.memory_space<vmem>>, vector<16xf32>,
      %get3A_2970 = arith.constant 4 : i32
      %get3A_2971 = arith.index_cast %get3A_2970 : i32 to index
      %get3A_2972 = arith.constant 368 : index
      %get3A_2973 = tpu.vector_load %arg13[%get3A_2971, %get3A_2972] {strides = array<i32>} : memref<77x512xf32, #tpu.memory_space<vmem>>, vector<16xf32>,
      %get3A_2974 = arith.constant 3 : i32
      %get3A_2975 = arith.index_cast %get3A_2974 : i32 to index
      %get3A_2976 = arith.constant 368 : index
      %get3A_2977 = tpu.vector_load %arg11[%get3A_2975, %get3A_2976] {strides = array<i32>} : memref<4x512xf32, #tpu.memory_space<vmem>>, vector<16xf32>,
      %select_n3A_2978 = arith.select %eq3A_1734, %get3A_2973, %get3A_2977 : vector<16xi1>, vector<16xf32>
      %swap3A_2979 = arith.constant 4 : i32
      %swap3A_2980 = arith.index_cast %swap3A_2979 : i32 to index
      %swap3A_2981 = arith.constant 368 : index
      %swap3A_2982 = tpu.vector_load %arg13[%swap3A_2980, %swap3A_2981] {strides = array<i32>} : memref<77x512xf32, #tpu.memory_space<vmem>>, vector<16xf32>,
      tpu.vector_store %arg13[%swap3A_2980, %swap3A_2981], %select_n3A_2978 {strides = array<i32>} : memref<77x512xf32, #tpu.memory_space<vmem>>, vector<16xf32>,
      %get3A_2983 = arith.constant 0 : i32
      %get3A_2984 = arith.index_cast %get3A_2983 : i32 to index
      %get3A_2985 = arith.constant 384 : index
      %get3A_2986 = tpu.vector_load %arg10[%get3A_2984, %get3A_2985] {strides = array<i32>} : memref<2x512xf32, #tpu.memory_space<vmem>>, vector<16xf32>,
      %get3A_2987 = arith.constant 0 : i32
      %get3A_2988 = arith.index_cast %get3A_2987 : i32 to index
      %get3A_2989 = arith.constant 384 : index
      %get3A_2990 = tpu.vector_load %arg11[%get3A_2988, %get3A_2989] {strides = array<i32>} : memref<4x512xf32, #tpu.memory_space<vmem>>, vector<16xf32>,
      %select_n3A_2991 = arith.select %eq3A_1734, %get3A_2986, %get3A_2990 : vector<16xi1>, vector<16xf32>
      %swap3A_2992 = arith.constant 1 : i32
      %swap3A_2993 = arith.index_cast %swap3A_2992 : i32 to index
      %swap3A_2994 = arith.constant 384 : index
      %swap3A_2995 = tpu.vector_load %arg13[%swap3A_2993, %swap3A_2994] {strides = array<i32>} : memref<77x512xf32, #tpu.memory_space<vmem>>, vector<16xf32>,
      tpu.vector_store %arg13[%swap3A_2993, %swap3A_2994], %select_n3A_2991 {strides = array<i32>} : memref<77x512xf32, #tpu.memory_space<vmem>>, vector<16xf32>,
      %get3A_2996 = arith.constant 1 : i32
      %get3A_2997 = arith.index_cast %get3A_2996 : i32 to index
      %get3A_2998 = arith.constant 384 : index
      %get3A_2999 = tpu.vector_load %arg10[%get3A_2997, %get3A_2998] {strides = array<i32>} : memref<2x512xf32, #tpu.memory_space<vmem>>, vector<16xf32>,
      %get3A_3000 = arith.constant 1 : i32
      %get3A_3001 = arith.index_cast %get3A_3000 : i32 to index
      %get3A_3002 = arith.constant 384 : index
      %get3A_3003 = tpu.vector_load %arg11[%get3A_3001, %get3A_3002] {strides = array<i32>} : memref<4x512xf32, #tpu.memory_space<vmem>>, vector<16xf32>,
      %select_n3A_3004 = arith.select %eq3A_1734, %get3A_2999, %get3A_3003 : vector<16xi1>, vector<16xf32>
      %swap3A_3005 = arith.constant 2 : i32
      %swap3A_3006 = arith.index_cast %swap3A_3005 : i32 to index
      %swap3A_3007 = arith.constant 384 : index
      %swap3A_3008 = tpu.vector_load %arg13[%swap3A_3006, %swap3A_3007] {strides = array<i32>} : memref<77x512xf32, #tpu.memory_space<vmem>>, vector<16xf32>,
      tpu.vector_store %arg13[%swap3A_3006, %swap3A_3007], %select_n3A_3004 {strides = array<i32>} : memref<77x512xf32, #tpu.memory_space<vmem>>, vector<16xf32>,
      %get3A_3009 = arith.constant 3 : i32
      %get3A_3010 = arith.index_cast %get3A_3009 : i32 to index
      %get3A_3011 = arith.constant 384 : index
      %get3A_3012 = tpu.vector_load %arg13[%get3A_3010, %get3A_3011] {strides = array<i32>} : memref<77x512xf32, #tpu.memory_space<vmem>>, vector<16xf32>,
      %get3A_3013 = arith.constant 2 : i32
      %get3A_3014 = arith.index_cast %get3A_3013 : i32 to index
      %get3A_3015 = arith.constant 384 : index
      %get3A_3016 = tpu.vector_load %arg11[%get3A_3014, %get3A_3015] {strides = array<i32>} : memref<4x512xf32, #tpu.memory_space<vmem>>, vector<16xf32>,
      %select_n3A_3017 = arith.select %eq3A_1734, %get3A_3012, %get3A_3016 : vector<16xi1>, vector<16xf32>
      %swap3A_3018 = arith.constant 3 : i32
      %swap3A_3019 = arith.index_cast %swap3A_3018 : i32 to index
      %swap3A_3020 = arith.constant 384 : index
      %swap3A_3021 = tpu.vector_load %arg13[%swap3A_3019, %swap3A_3020] {strides = array<i32>} : memref<77x512xf32, #tpu.memory_space<vmem>>, vector<16xf32>,
      tpu.vector_store %arg13[%swap3A_3019, %swap3A_3020], %select_n3A_3017 {strides = array<i32>} : memref<77x512xf32, #tpu.memory_space<vmem>>, vector<16xf32>,
      %get3A_3022 = arith.constant 4 : i32
      %get3A_3023 = arith.index_cast %get3A_3022 : i32 to index
      %get3A_3024 = arith.constant 384 : index
      %get3A_3025 = tpu.vector_load %arg13[%get3A_3023, %get3A_3024] {strides = array<i32>} : memref<77x512xf32, #tpu.memory_space<vmem>>, vector<16xf32>,
      %get3A_3026 = arith.constant 3 : i32
      %get3A_3027 = arith.index_cast %get3A_3026 : i32 to index
      %get3A_3028 = arith.constant 384 : index
      %get3A_3029 = tpu.vector_load %arg11[%get3A_3027, %get3A_3028] {strides = array<i32>} : memref<4x512xf32, #tpu.memory_space<vmem>>, vector<16xf32>,
      %select_n3A_3030 = arith.select %eq3A_1734, %get3A_3025, %get3A_3029 : vector<16xi1>, vector<16xf32>
      %swap3A_3031 = arith.constant 4 : i32
      %swap3A_3032 = arith.index_cast %swap3A_3031 : i32 to index
      %swap3A_3033 = arith.constant 384 : index
      %swap3A_3034 = tpu.vector_load %arg13[%swap3A_3032, %swap3A_3033] {strides = array<i32>} : memref<77x512xf32, #tpu.memory_space<vmem>>, vector<16xf32>,
      tpu.vector_store %arg13[%swap3A_3032, %swap3A_3033], %select_n3A_3030 {strides = array<i32>} : memref<77x512xf32, #tpu.memory_space<vmem>>, vector<16xf32>,
      %get3A_3035 = arith.constant 0 : i32
      %get3A_3036 = arith.index_cast %get3A_3035 : i32 to index
      %get3A_3037 = arith.constant 400 : index
      %get3A_3038 = tpu.vector_load %arg10[%get3A_3036, %get3A_3037] {strides = array<i32>} : memref<2x512xf32, #tpu.memory_space<vmem>>, vector<16xf32>,
      %get3A_3039 = arith.constant 0 : i32
      %get3A_3040 = arith.index_cast %get3A_3039 : i32 to index
      %get3A_3041 = arith.constant 400 : index
      %get3A_3042 = tpu.vector_load %arg11[%get3A_3040, %get3A_3041] {strides = array<i32>} : memref<4x512xf32, #tpu.memory_space<vmem>>, vector<16xf32>,
      %select_n3A_3043 = arith.select %eq3A_1734, %get3A_3038, %get3A_3042 : vector<16xi1>, vector<16xf32>
      %swap3A_3044 = arith.constant 1 : i32
      %swap3A_3045 = arith.index_cast %swap3A_3044 : i32 to index
      %swap3A_3046 = arith.constant 400 : index
      %swap3A_3047 = tpu.vector_load %arg13[%swap3A_3045, %swap3A_3046] {strides = array<i32>} : memref<77x512xf32, #tpu.memory_space<vmem>>, vector<16xf32>,
      tpu.vector_store %arg13[%swap3A_3045, %swap3A_3046], %select_n3A_3043 {strides = array<i32>} : memref<77x512xf32, #tpu.memory_space<vmem>>, vector<16xf32>,
      %get3A_3048 = arith.constant 1 : i32
      %get3A_3049 = arith.index_cast %get3A_3048 : i32 to index
      %get3A_3050 = arith.constant 400 : index
      %get3A_3051 = tpu.vector_load %arg10[%get3A_3049, %get3A_3050] {strides = array<i32>} : memref<2x512xf32, #tpu.memory_space<vmem>>, vector<16xf32>,
      %get3A_3052 = arith.constant 1 : i32
      %get3A_3053 = arith.index_cast %get3A_3052 : i32 to index
      %get3A_3054 = arith.constant 400 : index
      %get3A_3055 = tpu.vector_load %arg11[%get3A_3053, %get3A_3054] {strides = array<i32>} : memref<4x512xf32, #tpu.memory_space<vmem>>, vector<16xf32>,
      %select_n3A_3056 = arith.select %eq3A_1734, %get3A_3051, %get3A_3055 : vector<16xi1>, vector<16xf32>
      %swap3A_3057 = arith.constant 2 : i32
      %swap3A_3058 = arith.index_cast %swap3A_3057 : i32 to index
      %swap3A_3059 = arith.constant 400 : index
      %swap3A_3060 = tpu.vector_load %arg13[%swap3A_3058, %swap3A_3059] {strides = array<i32>} : memref<77x512xf32, #tpu.memory_space<vmem>>, vector<16xf32>,
      tpu.vector_store %arg13[%swap3A_3058, %swap3A_3059], %select_n3A_3056 {strides = array<i32>} : memref<77x512xf32, #tpu.memory_space<vmem>>, vector<16xf32>,
      %get3A_3061 = arith.constant 3 : i32
      %get3A_3062 = arith.index_cast %get3A_3061 : i32 to index
      %get3A_3063 = arith.constant 400 : index
      %get3A_3064 = tpu.vector_load %arg13[%get3A_3062, %get3A_3063] {strides = array<i32>} : memref<77x512xf32, #tpu.memory_space<vmem>>, vector<16xf32>,
      %get3A_3065 = arith.constant 2 : i32
      %get3A_3066 = arith.index_cast %get3A_3065 : i32 to index
      %get3A_3067 = arith.constant 400 : index
      %get3A_3068 = tpu.vector_load %arg11[%get3A_3066, %get3A_3067] {strides = array<i32>} : memref<4x512xf32, #tpu.memory_space<vmem>>, vector<16xf32>,
      %select_n3A_3069 = arith.select %eq3A_1734, %get3A_3064, %get3A_3068 : vector<16xi1>, vector<16xf32>
      %swap3A_3070 = arith.constant 3 : i32
      %swap3A_3071 = arith.index_cast %swap3A_3070 : i32 to index
      %swap3A_3072 = arith.constant 400 : index
      %swap3A_3073 = tpu.vector_load %arg13[%swap3A_3071, %swap3A_3072] {strides = array<i32>} : memref<77x512xf32, #tpu.memory_space<vmem>>, vector<16xf32>,
      tpu.vector_store %arg13[%swap3A_3071, %swap3A_3072], %select_n3A_3069 {strides = array<i32>} : memref<77x512xf32, #tpu.memory_space<vmem>>, vector<16xf32>,
      %get3A_3074 = arith.constant 4 : i32
      %get3A_3075 = arith.index_cast %get3A_3074 : i32 to index
      %get3A_3076 = arith.constant 400 : index
      %get3A_3077 = tpu.vector_load %arg13[%get3A_3075, %get3A_3076] {strides = array<i32>} : memref<77x512xf32, #tpu.memory_space<vmem>>, vector<16xf32>,
      %get3A_3078 = arith.constant 3 : i32
      %get3A_3079 = arith.index_cast %get3A_3078 : i32 to index
      %get3A_3080 = arith.constant 400 : index
      %get3A_3081 = tpu.vector_load %arg11[%get3A_3079, %get3A_3080] {strides = array<i32>} : memref<4x512xf32, #tpu.memory_space<vmem>>, vector<16xf32>,
      %select_n3A_3082 = arith.select %eq3A_1734, %get3A_3077, %get3A_3081 : vector<16xi1>, vector<16xf32>
      %swap3A_3083 = arith.constant 4 : i32
      %swap3A_3084 = arith.index_cast %swap3A_3083 : i32 to index
      %swap3A_3085 = arith.constant 400 : index
      %swap3A_3086 = tpu.vector_load %arg13[%swap3A_3084, %swap3A_3085] {strides = array<i32>} : memref<77x512xf32, #tpu.memory_space<vmem>>, vector<16xf32>,
      tpu.vector_store %arg13[%swap3A_3084, %swap3A_3085], %select_n3A_3082 {strides = array<i32>} : memref<77x512xf32, #tpu.memory_space<vmem>>, vector<16xf32>,
      %get3A_3087 = arith.constant 0 : i32
      %get3A_3088 = arith.index_cast %get3A_3087 : i32 to index
      %get3A_3089 = arith.constant 416 : index
      %get3A_3090 = tpu.vector_load %arg10[%get3A_3088, %get3A_3089] {strides = array<i32>} : memref<2x512xf32, #tpu.memory_space<vmem>>, vector<16xf32>,
      %get3A_3091 = arith.constant 0 : i32
      %get3A_3092 = arith.index_cast %get3A_3091 : i32 to index
      %get3A_3093 = arith.constant 416 : index
      %get3A_3094 = tpu.vector_load %arg11[%get3A_3092, %get3A_3093] {strides = array<i32>} : memref<4x512xf32, #tpu.memory_space<vmem>>, vector<16xf32>,
      %select_n3A_3095 = arith.select %eq3A_1734, %get3A_3090, %get3A_3094 : vector<16xi1>, vector<16xf32>
      %swap3A_3096 = arith.constant 1 : i32
      %swap3A_3097 = arith.index_cast %swap3A_3096 : i32 to index
      %swap3A_3098 = arith.constant 416 : index
      %swap3A_3099 = tpu.vector_load %arg13[%swap3A_3097, %swap3A_3098] {strides = array<i32>} : memref<77x512xf32, #tpu.memory_space<vmem>>, vector<16xf32>,
      tpu.vector_store %arg13[%swap3A_3097, %swap3A_3098], %select_n3A_3095 {strides = array<i32>} : memref<77x512xf32, #tpu.memory_space<vmem>>, vector<16xf32>,
      %get3A_3100 = arith.constant 1 : i32
      %get3A_3101 = arith.index_cast %get3A_3100 : i32 to index
      %get3A_3102 = arith.constant 416 : index
      %get3A_3103 = tpu.vector_load %arg10[%get3A_3101, %get3A_3102] {strides = array<i32>} : memref<2x512xf32, #tpu.memory_space<vmem>>, vector<16xf32>,
      %get3A_3104 = arith.constant 1 : i32
      %get3A_3105 = arith.index_cast %get3A_3104 : i32 to index
      %get3A_3106 = arith.constant 416 : index
      %get3A_3107 = tpu.vector_load %arg11[%get3A_3105, %get3A_3106] {strides = array<i32>} : memref<4x512xf32, #tpu.memory_space<vmem>>, vector<16xf32>,
      %select_n3A_3108 = arith.select %eq3A_1734, %get3A_3103, %get3A_3107 : vector<16xi1>, vector<16xf32>
      %swap3A_3109 = arith.constant 2 : i32
      %swap3A_3110 = arith.index_cast %swap3A_3109 : i32 to index
      %swap3A_3111 = arith.constant 416 : index
      %swap3A_3112 = tpu.vector_load %arg13[%swap3A_3110, %swap3A_3111] {strides = array<i32>} : memref<77x512xf32, #tpu.memory_space<vmem>>, vector<16xf32>,
      tpu.vector_store %arg13[%swap3A_3110, %swap3A_3111], %select_n3A_3108 {strides = array<i32>} : memref<77x512xf32, #tpu.memory_space<vmem>>, vector<16xf32>,
      %get3A_3113 = arith.constant 3 : i32
      %get3A_3114 = arith.index_cast %get3A_3113 : i32 to index
      %get3A_3115 = arith.constant 416 : index
      %get3A_3116 = tpu.vector_load %arg13[%get3A_3114, %get3A_3115] {strides = array<i32>} : memref<77x512xf32, #tpu.memory_space<vmem>>, vector<16xf32>,
      %get3A_3117 = arith.constant 2 : i32
      %get3A_3118 = arith.index_cast %get3A_3117 : i32 to index
      %get3A_3119 = arith.constant 416 : index
      %get3A_3120 = tpu.vector_load %arg11[%get3A_3118, %get3A_3119] {strides = array<i32>} : memref<4x512xf32, #tpu.memory_space<vmem>>, vector<16xf32>,
      %select_n3A_3121 = arith.select %eq3A_1734, %get3A_3116, %get3A_3120 : vector<16xi1>, vector<16xf32>
      %swap3A_3122 = arith.constant 3 : i32
      %swap3A_3123 = arith.index_cast %swap3A_3122 : i32 to index
      %swap3A_3124 = arith.constant 416 : index
      %swap3A_3125 = tpu.vector_load %arg13[%swap3A_3123, %swap3A_3124] {strides = array<i32>} : memref<77x512xf32, #tpu.memory_space<vmem>>, vector<16xf32>,
      tpu.vector_store %arg13[%swap3A_3123, %swap3A_3124], %select_n3A_3121 {strides = array<i32>} : memref<77x512xf32, #tpu.memory_space<vmem>>, vector<16xf32>,
      %get3A_3126 = arith.constant 4 : i32
      %get3A_3127 = arith.index_cast %get3A_3126 : i32 to index
      %get3A_3128 = arith.constant 416 : index
      %get3A_3129 = tpu.vector_load %arg13[%get3A_3127, %get3A_3128] {strides = array<i32>} : memref<77x512xf32, #tpu.memory_space<vmem>>, vector<16xf32>,
      %get3A_3130 = arith.constant 3 : i32
      %get3A_3131 = arith.index_cast %get3A_3130 : i32 to index
      %get3A_3132 = arith.constant 416 : index
      %get3A_3133 = tpu.vector_load %arg11[%get3A_3131, %get3A_3132] {strides = array<i32>} : memref<4x512xf32, #tpu.memory_space<vmem>>, vector<16xf32>,
      %select_n3A_3134 = arith.select %eq3A_1734, %get3A_3129, %get3A_3133 : vector<16xi1>, vector<16xf32>
      %swap3A_3135 = arith.constant 4 : i32
      %swap3A_3136 = arith.index_cast %swap3A_3135 : i32 to index
      %swap3A_3137 = arith.constant 416 : index
      %swap3A_3138 = tpu.vector_load %arg13[%swap3A_3136, %swap3A_3137] {strides = array<i32>} : memref<77x512xf32, #tpu.memory_space<vmem>>, vector<16xf32>,
      tpu.vector_store %arg13[%swap3A_3136, %swap3A_3137], %select_n3A_3134 {strides = array<i32>} : memref<77x512xf32, #tpu.memory_space<vmem>>, vector<16xf32>,
      %get3A_3139 = arith.constant 0 : i32
      %get3A_3140 = arith.index_cast %get3A_3139 : i32 to index
      %get3A_3141 = arith.constant 432 : index
      %get3A_3142 = tpu.vector_load %arg10[%get3A_3140, %get3A_3141] {strides = array<i32>} : memref<2x512xf32, #tpu.memory_space<vmem>>, vector<16xf32>,
      %get3A_3143 = arith.constant 0 : i32
      %get3A_3144 = arith.index_cast %get3A_3143 : i32 to index
      %get3A_3145 = arith.constant 432 : index
      %get3A_3146 = tpu.vector_load %arg11[%get3A_3144, %get3A_3145] {strides = array<i32>} : memref<4x512xf32, #tpu.memory_space<vmem>>, vector<16xf32>,
      %select_n3A_3147 = arith.select %eq3A_1734, %get3A_3142, %get3A_3146 : vector<16xi1>, vector<16xf32>
      %swap3A_3148 = arith.constant 1 : i32
      %swap3A_3149 = arith.index_cast %swap3A_3148 : i32 to index
      %swap3A_3150 = arith.constant 432 : index
      %swap3A_3151 = tpu.vector_load %arg13[%swap3A_3149, %swap3A_3150] {strides = array<i32>} : memref<77x512xf32, #tpu.memory_space<vmem>>, vector<16xf32>,
      tpu.vector_store %arg13[%swap3A_3149, %swap3A_3150], %select_n3A_3147 {strides = array<i32>} : memref<77x512xf32, #tpu.memory_space<vmem>>, vector<16xf32>,
      %get3A_3152 = arith.constant 1 : i32
      %get3A_3153 = arith.index_cast %get3A_3152 : i32 to index
      %get3A_3154 = arith.constant 432 : index
      %get3A_3155 = tpu.vector_load %arg10[%get3A_3153, %get3A_3154] {strides = array<i32>} : memref<2x512xf32, #tpu.memory_space<vmem>>, vector<16xf32>,
      %get3A_3156 = arith.constant 1 : i32
      %get3A_3157 = arith.index_cast %get3A_3156 : i32 to index
      %get3A_3158 = arith.constant 432 : index
      %get3A_3159 = tpu.vector_load %arg11[%get3A_3157, %get3A_3158] {strides = array<i32>} : memref<4x512xf32, #tpu.memory_space<vmem>>, vector<16xf32>,
      %select_n3A_3160 = arith.select %eq3A_1734, %get3A_3155, %get3A_3159 : vector<16xi1>, vector<16xf32>
      %swap3A_3161 = arith.constant 2 : i32
      %swap3A_3162 = arith.index_cast %swap3A_3161 : i32 to index
      %swap3A_3163 = arith.constant 432 : index
      %swap3A_3164 = tpu.vector_load %arg13[%swap3A_3162, %swap3A_3163] {strides = array<i32>} : memref<77x512xf32, #tpu.memory_space<vmem>>, vector<16xf32>,
      tpu.vector_store %arg13[%swap3A_3162, %swap3A_3163], %select_n3A_3160 {strides = array<i32>} : memref<77x512xf32, #tpu.memory_space<vmem>>, vector<16xf32>,
      %get3A_3165 = arith.constant 3 : i32
      %get3A_3166 = arith.index_cast %get3A_3165 : i32 to index
      %get3A_3167 = arith.constant 432 : index
      %get3A_3168 = tpu.vector_load %arg13[%get3A_3166, %get3A_3167] {strides = array<i32>} : memref<77x512xf32, #tpu.memory_space<vmem>>, vector<16xf32>,
      %get3A_3169 = arith.constant 2 : i32
      %get3A_3170 = arith.index_cast %get3A_3169 : i32 to index
      %get3A_3171 = arith.constant 432 : index
      %get3A_3172 = tpu.vector_load %arg11[%get3A_3170, %get3A_3171] {strides = array<i32>} : memref<4x512xf32, #tpu.memory_space<vmem>>, vector<16xf32>,
      %select_n3A_3173 = arith.select %eq3A_1734, %get3A_3168, %get3A_3172 : vector<16xi1>, vector<16xf32>
      %swap3A_3174 = arith.constant 3 : i32
      %swap3A_3175 = arith.index_cast %swap3A_3174 : i32 to index
      %swap3A_3176 = arith.constant 432 : index
      %swap3A_3177 = tpu.vector_load %arg13[%swap3A_3175, %swap3A_3176] {strides = array<i32>} : memref<77x512xf32, #tpu.memory_space<vmem>>, vector<16xf32>,
      tpu.vector_store %arg13[%swap3A_3175, %swap3A_3176], %select_n3A_3173 {strides = array<i32>} : memref<77x512xf32, #tpu.memory_space<vmem>>, vector<16xf32>,
      %get3A_3178 = arith.constant 4 : i32
      %get3A_3179 = arith.index_cast %get3A_3178 : i32 to index
      %get3A_3180 = arith.constant 432 : index
      %get3A_3181 = tpu.vector_load %arg13[%get3A_3179, %get3A_3180] {strides = array<i32>} : memref<77x512xf32, #tpu.memory_space<vmem>>, vector<16xf32>,
      %get3A_3182 = arith.constant 3 : i32
      %get3A_3183 = arith.index_cast %get3A_3182 : i32 to index
      %get3A_3184 = arith.constant 432 : index
      %get3A_3185 = tpu.vector_load %arg11[%get3A_3183, %get3A_3184] {strides = array<i32>} : memref<4x512xf32, #tpu.memory_space<vmem>>, vector<16xf32>,
      %select_n3A_3186 = arith.select %eq3A_1734, %get3A_3181, %get3A_3185 : vector<16xi1>, vector<16xf32>
      %swap3A_3187 = arith.constant 4 : i32
      %swap3A_3188 = arith.index_cast %swap3A_3187 : i32 to index
      %swap3A_3189 = arith.constant 432 : index
      %swap3A_3190 = tpu.vector_load %arg13[%swap3A_3188, %swap3A_3189] {strides = array<i32>} : memref<77x512xf32, #tpu.memory_space<vmem>>, vector<16xf32>,
      tpu.vector_store %arg13[%swap3A_3188, %swap3A_3189], %select_n3A_3186 {strides = array<i32>} : memref<77x512xf32, #tpu.memory_space<vmem>>, vector<16xf32>,
      %get3A_3191 = arith.constant 0 : i32
      %get3A_3192 = arith.index_cast %get3A_3191 : i32 to index
      %get3A_3193 = arith.constant 448 : index
      %get3A_3194 = tpu.vector_load %arg10[%get3A_3192, %get3A_3193] {strides = array<i32>} : memref<2x512xf32, #tpu.memory_space<vmem>>, vector<16xf32>,
      %get3A_3195 = arith.constant 0 : i32
      %get3A_3196 = arith.index_cast %get3A_3195 : i32 to index
      %get3A_3197 = arith.constant 448 : index
      %get3A_3198 = tpu.vector_load %arg11[%get3A_3196, %get3A_3197] {strides = array<i32>} : memref<4x512xf32, #tpu.memory_space<vmem>>, vector<16xf32>,
      %select_n3A_3199 = arith.select %eq3A_1734, %get3A_3194, %get3A_3198 : vector<16xi1>, vector<16xf32>
      %swap3A_3200 = arith.constant 1 : i32
      %swap3A_3201 = arith.index_cast %swap3A_3200 : i32 to index
      %swap3A_3202 = arith.constant 448 : index
      %swap3A_3203 = tpu.vector_load %arg13[%swap3A_3201, %swap3A_3202] {strides = array<i32>} : memref<77x512xf32, #tpu.memory_space<vmem>>, vector<16xf32>,
      tpu.vector_store %arg13[%swap3A_3201, %swap3A_3202], %select_n3A_3199 {strides = array<i32>} : memref<77x512xf32, #tpu.memory_space<vmem>>, vector<16xf32>,
      %get3A_3204 = arith.constant 1 : i32
      %get3A_3205 = arith.index_cast %get3A_3204 : i32 to index
      %get3A_3206 = arith.constant 448 : index
      %get3A_3207 = tpu.vector_load %arg10[%get3A_3205, %get3A_3206] {strides = array<i32>} : memref<2x512xf32, #tpu.memory_space<vmem>>, vector<16xf32>,
      %get3A_3208 = arith.constant 1 : i32
      %get3A_3209 = arith.index_cast %get3A_3208 : i32 to index
      %get3A_3210 = arith.constant 448 : index
      %get3A_3211 = tpu.vector_load %arg11[%get3A_3209, %get3A_3210] {strides = array<i32>} : memref<4x512xf32, #tpu.memory_space<vmem>>, vector<16xf32>,
      %select_n3A_3212 = arith.select %eq3A_1734, %get3A_3207, %get3A_3211 : vector<16xi1>, vector<16xf32>
      %swap3A_3213 = arith.constant 2 : i32
      %swap3A_3214 = arith.index_cast %swap3A_3213 : i32 to index
      %swap3A_3215 = arith.constant 448 : index
      %swap3A_3216 = tpu.vector_load %arg13[%swap3A_3214, %swap3A_3215] {strides = array<i32>} : memref<77x512xf32, #tpu.memory_space<vmem>>, vector<16xf32>,
      tpu.vector_store %arg13[%swap3A_3214, %swap3A_3215], %select_n3A_3212 {strides = array<i32>} : memref<77x512xf32, #tpu.memory_space<vmem>>, vector<16xf32>,
      %get3A_3217 = arith.constant 3 : i32
      %get3A_3218 = arith.index_cast %get3A_3217 : i32 to index
      %get3A_3219 = arith.constant 448 : index
      %get3A_3220 = tpu.vector_load %arg13[%get3A_3218, %get3A_3219] {strides = array<i32>} : memref<77x512xf32, #tpu.memory_space<vmem>>, vector<16xf32>,
      %get3A_3221 = arith.constant 2 : i32
      %get3A_3222 = arith.index_cast %get3A_3221 : i32 to index
      %get3A_3223 = arith.constant 448 : index
      %get3A_3224 = tpu.vector_load %arg11[%get3A_3222, %get3A_3223] {strides = array<i32>} : memref<4x512xf32, #tpu.memory_space<vmem>>, vector<16xf32>,
      %select_n3A_3225 = arith.select %eq3A_1734, %get3A_3220, %get3A_3224 : vector<16xi1>, vector<16xf32>
      %swap3A_3226 = arith.constant 3 : i32
      %swap3A_3227 = arith.index_cast %swap3A_3226 : i32 to index
      %swap3A_3228 = arith.constant 448 : index
      %swap3A_3229 = tpu.vector_load %arg13[%swap3A_3227, %swap3A_3228] {strides = array<i32>} : memref<77x512xf32, #tpu.memory_space<vmem>>, vector<16xf32>,
      tpu.vector_store %arg13[%swap3A_3227, %swap3A_3228], %select_n3A_3225 {strides = array<i32>} : memref<77x512xf32, #tpu.memory_space<vmem>>, vector<16xf32>,
      %get3A_3230 = arith.constant 4 : i32
      %get3A_3231 = arith.index_cast %get3A_3230 : i32 to index
      %get3A_3232 = arith.constant 448 : index
      %get3A_3233 = tpu.vector_load %arg13[%get3A_3231, %get3A_3232] {strides = array<i32>} : memref<77x512xf32, #tpu.memory_space<vmem>>, vector<16xf32>,
      %get3A_3234 = arith.constant 3 : i32
      %get3A_3235 = arith.index_cast %get3A_3234 : i32 to index
      %get3A_3236 = arith.constant 448 : index
      %get3A_3237 = tpu.vector_load %arg11[%get3A_3235, %get3A_3236] {strides = array<i32>} : memref<4x512xf32, #tpu.memory_space<vmem>>, vector<16xf32>,
      %select_n3A_3238 = arith.select %eq3A_1734, %get3A_3233, %get3A_3237 : vector<16xi1>, vector<16xf32>
      %swap3A_3239 = arith.constant 4 : i32
      %swap3A_3240 = arith.index_cast %swap3A_3239 : i32 to index
      %swap3A_3241 = arith.constant 448 : index
      %swap3A_3242 = tpu.vector_load %arg13[%swap3A_3240, %swap3A_3241] {strides = array<i32>} : memref<77x512xf32, #tpu.memory_space<vmem>>, vector<16xf32>,
      tpu.vector_store %arg13[%swap3A_3240, %swap3A_3241], %select_n3A_3238 {strides = array<i32>} : memref<77x512xf32, #tpu.memory_space<vmem>>, vector<16xf32>,
      %get3A_3243 = arith.constant 0 : i32
      %get3A_3244 = arith.index_cast %get3A_3243 : i32 to index
      %get3A_3245 = arith.constant 464 : index
      %get3A_3246 = tpu.vector_load %arg10[%get3A_3244, %get3A_3245] {strides = array<i32>} : memref<2x512xf32, #tpu.memory_space<vmem>>, vector<16xf32>,
      %get3A_3247 = arith.constant 0 : i32
      %get3A_3248 = arith.index_cast %get3A_3247 : i32 to index
      %get3A_3249 = arith.constant 464 : index
      %get3A_3250 = tpu.vector_load %arg11[%get3A_3248, %get3A_3249] {strides = array<i32>} : memref<4x512xf32, #tpu.memory_space<vmem>>, vector<16xf32>,
      %select_n3A_3251 = arith.select %eq3A_1734, %get3A_3246, %get3A_3250 : vector<16xi1>, vector<16xf32>
      %swap3A_3252 = arith.constant 1 : i32
      %swap3A_3253 = arith.index_cast %swap3A_3252 : i32 to index
      %swap3A_3254 = arith.constant 464 : index
      %swap3A_3255 = tpu.vector_load %arg13[%swap3A_3253, %swap3A_3254] {strides = array<i32>} : memref<77x512xf32, #tpu.memory_space<vmem>>, vector<16xf32>,
      tpu.vector_store %arg13[%swap3A_3253, %swap3A_3254], %select_n3A_3251 {strides = array<i32>} : memref<77x512xf32, #tpu.memory_space<vmem>>, vector<16xf32>,
      %get3A_3256 = arith.constant 1 : i32
      %get3A_3257 = arith.index_cast %get3A_3256 : i32 to index
      %get3A_3258 = arith.constant 464 : index
      %get3A_3259 = tpu.vector_load %arg10[%get3A_3257, %get3A_3258] {strides = array<i32>} : memref<2x512xf32, #tpu.memory_space<vmem>>, vector<16xf32>,
      %get3A_3260 = arith.constant 1 : i32
      %get3A_3261 = arith.index_cast %get3A_3260 : i32 to index
      %get3A_3262 = arith.constant 464 : index
      %get3A_3263 = tpu.vector_load %arg11[%get3A_3261, %get3A_3262] {strides = array<i32>} : memref<4x512xf32, #tpu.memory_space<vmem>>, vector<16xf32>,
      %select_n3A_3264 = arith.select %eq3A_1734, %get3A_3259, %get3A_3263 : vector<16xi1>, vector<16xf32>
      %swap3A_3265 = arith.constant 2 : i32
      %swap3A_3266 = arith.index_cast %swap3A_3265 : i32 to index
      %swap3A_3267 = arith.constant 464 : index
      %swap3A_3268 = tpu.vector_load %arg13[%swap3A_3266, %swap3A_3267] {strides = array<i32>} : memref<77x512xf32, #tpu.memory_space<vmem>>, vector<16xf32>,
      tpu.vector_store %arg13[%swap3A_3266, %swap3A_3267], %select_n3A_3264 {strides = array<i32>} : memref<77x512xf32, #tpu.memory_space<vmem>>, vector<16xf32>,
      %get3A_3269 = arith.constant 3 : i32
      %get3A_3270 = arith.index_cast %get3A_3269 : i32 to index
      %get3A_3271 = arith.constant 464 : index
      %get3A_3272 = tpu.vector_load %arg13[%get3A_3270, %get3A_3271] {strides = array<i32>} : memref<77x512xf32, #tpu.memory_space<vmem>>, vector<16xf32>,
      %get3A_3273 = arith.constant 2 : i32
      %get3A_3274 = arith.index_cast %get3A_3273 : i32 to index
      %get3A_3275 = arith.constant 464 : index
      %get3A_3276 = tpu.vector_load %arg11[%get3A_3274, %get3A_3275] {strides = array<i32>} : memref<4x512xf32, #tpu.memory_space<vmem>>, vector<16xf32>,
      %select_n3A_3277 = arith.select %eq3A_1734, %get3A_3272, %get3A_3276 : vector<16xi1>, vector<16xf32>
      %swap3A_3278 = arith.constant 3 : i32
      %swap3A_3279 = arith.index_cast %swap3A_3278 : i32 to index
      %swap3A_3280 = arith.constant 464 : index
      %swap3A_3281 = tpu.vector_load %arg13[%swap3A_3279, %swap3A_3280] {strides = array<i32>} : memref<77x512xf32, #tpu.memory_space<vmem>>, vector<16xf32>,
      tpu.vector_store %arg13[%swap3A_3279, %swap3A_3280], %select_n3A_3277 {strides = array<i32>} : memref<77x512xf32, #tpu.memory_space<vmem>>, vector<16xf32>,
      %get3A_3282 = arith.constant 4 : i32
      %get3A_3283 = arith.index_cast %get3A_3282 : i32 to index
      %get3A_3284 = arith.constant 464 : index
      %get3A_3285 = tpu.vector_load %arg13[%get3A_3283, %get3A_3284] {strides = array<i32>} : memref<77x512xf32, #tpu.memory_space<vmem>>, vector<16xf32>,
      %get3A_3286 = arith.constant 3 : i32
      %get3A_3287 = arith.index_cast %get3A_3286 : i32 to index
      %get3A_3288 = arith.constant 464 : index
      %get3A_3289 = tpu.vector_load %arg11[%get3A_3287, %get3A_3288] {strides = array<i32>} : memref<4x512xf32, #tpu.memory_space<vmem>>, vector<16xf32>,
      %select_n3A_3290 = arith.select %eq3A_1734, %get3A_3285, %get3A_3289 : vector<16xi1>, vector<16xf32>
      %swap3A_3291 = arith.constant 4 : i32
      %swap3A_3292 = arith.index_cast %swap3A_3291 : i32 to index
      %swap3A_3293 = arith.constant 464 : index
      %swap3A_3294 = tpu.vector_load %arg13[%swap3A_3292, %swap3A_3293] {strides = array<i32>} : memref<77x512xf32, #tpu.memory_space<vmem>>, vector<16xf32>,
      tpu.vector_store %arg13[%swap3A_3292, %swap3A_3293], %select_n3A_3290 {strides = array<i32>} : memref<77x512xf32, #tpu.memory_space<vmem>>, vector<16xf32>,
      %get3A_3295 = arith.constant 0 : i32
      %get3A_3296 = arith.index_cast %get3A_3295 : i32 to index
      %get3A_3297 = arith.constant 480 : index
      %get3A_3298 = tpu.vector_load %arg10[%get3A_3296, %get3A_3297] {strides = array<i32>} : memref<2x512xf32, #tpu.memory_space<vmem>>, vector<16xf32>,
      %get3A_3299 = arith.constant 0 : i32
      %get3A_3300 = arith.index_cast %get3A_3299 : i32 to index
      %get3A_3301 = arith.constant 480 : index
      %get3A_3302 = tpu.vector_load %arg11[%get3A_3300, %get3A_3301] {strides = array<i32>} : memref<4x512xf32, #tpu.memory_space<vmem>>, vector<16xf32>,
      %select_n3A_3303 = arith.select %eq3A_1734, %get3A_3298, %get3A_3302 : vector<16xi1>, vector<16xf32>
      %swap3A_3304 = arith.constant 1 : i32
      %swap3A_3305 = arith.index_cast %swap3A_3304 : i32 to index
      %swap3A_3306 = arith.constant 480 : index
      %swap3A_3307 = tpu.vector_load %arg13[%swap3A_3305, %swap3A_3306] {strides = array<i32>} : memref<77x512xf32, #tpu.memory_space<vmem>>, vector<16xf32>,
      tpu.vector_store %arg13[%swap3A_3305, %swap3A_3306], %select_n3A_3303 {strides = array<i32>} : memref<77x512xf32, #tpu.memory_space<vmem>>, vector<16xf32>,
      %get3A_3308 = arith.constant 1 : i32
      %get3A_3309 = arith.index_cast %get3A_3308 : i32 to index
      %get3A_3310 = arith.constant 480 : index
      %get3A_3311 = tpu.vector_load %arg10[%get3A_3309, %get3A_3310] {strides = array<i32>} : memref<2x512xf32, #tpu.memory_space<vmem>>, vector<16xf32>,
      %get3A_3312 = arith.constant 1 : i32
      %get3A_3313 = arith.index_cast %get3A_3312 : i32 to index
      %get3A_3314 = arith.constant 480 : index
      %get3A_3315 = tpu.vector_load %arg11[%get3A_3313, %get3A_3314] {strides = array<i32>} : memref<4x512xf32, #tpu.memory_space<vmem>>, vector<16xf32>,
      %select_n3A_3316 = arith.select %eq3A_1734, %get3A_3311, %get3A_3315 : vector<16xi1>, vector<16xf32>
      %swap3A_3317 = arith.constant 2 : i32
      %swap3A_3318 = arith.index_cast %swap3A_3317 : i32 to index
      %swap3A_3319 = arith.constant 480 : index
      %swap3A_3320 = tpu.vector_load %arg13[%swap3A_3318, %swap3A_3319] {strides = array<i32>} : memref<77x512xf32, #tpu.memory_space<vmem>>, vector<16xf32>,
      tpu.vector_store %arg13[%swap3A_3318, %swap3A_3319], %select_n3A_3316 {strides = array<i32>} : memref<77x512xf32, #tpu.memory_space<vmem>>, vector<16xf32>,
      %get3A_3321 = arith.constant 3 : i32
      %get3A_3322 = arith.index_cast %get3A_3321 : i32 to index
      %get3A_3323 = arith.constant 480 : index
      %get3A_3324 = tpu.vector_load %arg13[%get3A_3322, %get3A_3323] {strides = array<i32>} : memref<77x512xf32, #tpu.memory_space<vmem>>, vector<16xf32>,
      %get3A_3325 = arith.constant 2 : i32
      %get3A_3326 = arith.index_cast %get3A_3325 : i32 to index
      %get3A_3327 = arith.constant 480 : index
      %get3A_3328 = tpu.vector_load %arg11[%get3A_3326, %get3A_3327] {strides = array<i32>} : memref<4x512xf32, #tpu.memory_space<vmem>>, vector<16xf32>,
      %select_n3A_3329 = arith.select %eq3A_1734, %get3A_3324, %get3A_3328 : vector<16xi1>, vector<16xf32>
      %swap3A_3330 = arith.constant 3 : i32
      %swap3A_3331 = arith.index_cast %swap3A_3330 : i32 to index
      %swap3A_3332 = arith.constant 480 : index
      %swap3A_3333 = tpu.vector_load %arg13[%swap3A_3331, %swap3A_3332] {strides = array<i32>} : memref<77x512xf32, #tpu.memory_space<vmem>>, vector<16xf32>,
      tpu.vector_store %arg13[%swap3A_3331, %swap3A_3332], %select_n3A_3329 {strides = array<i32>} : memref<77x512xf32, #tpu.memory_space<vmem>>, vector<16xf32>,
      %get3A_3334 = arith.constant 4 : i32
      %get3A_3335 = arith.index_cast %get3A_3334 : i32 to index
      %get3A_3336 = arith.constant 480 : index
      %get3A_3337 = tpu.vector_load %arg13[%get3A_3335, %get3A_3336] {strides = array<i32>} : memref<77x512xf32, #tpu.memory_space<vmem>>, vector<16xf32>,
      %get3A_3338 = arith.constant 3 : i32
      %get3A_3339 = arith.index_cast %get3A_3338 : i32 to index
      %get3A_3340 = arith.constant 480 : index
      %get3A_3341 = tpu.vector_load %arg11[%get3A_3339, %get3A_3340] {strides = array<i32>} : memref<4x512xf32, #tpu.memory_space<vmem>>, vector<16xf32>,
      %select_n3A_3342 = arith.select %eq3A_1734, %get3A_3337, %get3A_3341 : vector<16xi1>, vector<16xf32>
      %swap3A_3343 = arith.constant 4 : i32
      %swap3A_3344 = arith.index_cast %swap3A_3343 : i32 to index
      %swap3A_3345 = arith.constant 480 : index
      %swap3A_3346 = tpu.vector_load %arg13[%swap3A_3344, %swap3A_3345] {strides = array<i32>} : memref<77x512xf32, #tpu.memory_space<vmem>>, vector<16xf32>,
      tpu.vector_store %arg13[%swap3A_3344, %swap3A_3345], %select_n3A_3342 {strides = array<i32>} : memref<77x512xf32, #tpu.memory_space<vmem>>, vector<16xf32>,
      %get3A_3347 = arith.constant 0 : i32
      %get3A_3348 = arith.index_cast %get3A_3347 : i32 to index
      %get3A_3349 = arith.constant 496 : index
      %get3A_3350 = tpu.vector_load %arg10[%get3A_3348, %get3A_3349] {strides = array<i32>} : memref<2x512xf32, #tpu.memory_space<vmem>>, vector<16xf32>,
      %get3A_3351 = arith.constant 0 : i32
      %get3A_3352 = arith.index_cast %get3A_3351 : i32 to index
      %get3A_3353 = arith.constant 496 : index
      %get3A_3354 = tpu.vector_load %arg11[%get3A_3352, %get3A_3353] {strides = array<i32>} : memref<4x512xf32, #tpu.memory_space<vmem>>, vector<16xf32>,
      %select_n3A_3355 = arith.select %eq3A_1734, %get3A_3350, %get3A_3354 : vector<16xi1>, vector<16xf32>
      %swap3A_3356 = arith.constant 1 : i32
      %swap3A_3357 = arith.index_cast %swap3A_3356 : i32 to index
      %swap3A_3358 = arith.constant 496 : index
      %swap3A_3359 = tpu.vector_load %arg13[%swap3A_3357, %swap3A_3358] {strides = array<i32>} : memref<77x512xf32, #tpu.memory_space<vmem>>, vector<16xf32>,
      tpu.vector_store %arg13[%swap3A_3357, %swap3A_3358], %select_n3A_3355 {strides = array<i32>} : memref<77x512xf32, #tpu.memory_space<vmem>>, vector<16xf32>,
      %get3A_3360 = arith.constant 1 : i32
      %get3A_3361 = arith.index_cast %get3A_3360 : i32 to index
      %get3A_3362 = arith.constant 496 : index
      %get3A_3363 = tpu.vector_load %arg10[%get3A_3361, %get3A_3362] {strides = array<i32>} : memref<2x512xf32, #tpu.memory_space<vmem>>, vector<16xf32>,
      %get3A_3364 = arith.constant 1 : i32
      %get3A_3365 = arith.index_cast %get3A_3364 : i32 to index
      %get3A_3366 = arith.constant 496 : index
      %get3A_3367 = tpu.vector_load %arg11[%get3A_3365, %get3A_3366] {strides = array<i32>} : memref<4x512xf32, #tpu.memory_space<vmem>>, vector<16xf32>,
      %select_n3A_3368 = arith.select %eq3A_1734, %get3A_3363, %get3A_3367 : vector<16xi1>, vector<16xf32>
      %swap3A_3369 = arith.constant 2 : i32
      %swap3A_3370 = arith.index_cast %swap3A_3369 : i32 to index
      %swap3A_3371 = arith.constant 496 : index
      %swap3A_3372 = tpu.vector_load %arg13[%swap3A_3370, %swap3A_3371] {strides = array<i32>} : memref<77x512xf32, #tpu.memory_space<vmem>>, vector<16xf32>,
      tpu.vector_store %arg13[%swap3A_3370, %swap3A_3371], %select_n3A_3368 {strides = array<i32>} : memref<77x512xf32, #tpu.memory_space<vmem>>, vector<16xf32>,
      %get3A_3373 = arith.constant 3 : i32
      %get3A_3374 = arith.index_cast %get3A_3373 : i32 to index
      %get3A_3375 = arith.constant 496 : index
      %get3A_3376 = tpu.vector_load %arg13[%get3A_3374, %get3A_3375] {strides = array<i32>} : memref<77x512xf32, #tpu.memory_space<vmem>>, vector<16xf32>,
      %get3A_3377 = arith.constant 2 : i32
      %get3A_3378 = arith.index_cast %get3A_3377 : i32 to index
      %get3A_3379 = arith.constant 496 : index
      %get3A_3380 = tpu.vector_load %arg11[%get3A_3378, %get3A_3379] {strides = array<i32>} : memref<4x512xf32, #tpu.memory_space<vmem>>, vector<16xf32>,
      %select_n3A_3381 = arith.select %eq3A_1734, %get3A_3376, %get3A_3380 : vector<16xi1>, vector<16xf32>
      %swap3A_3382 = arith.constant 3 : i32
      %swap3A_3383 = arith.index_cast %swap3A_3382 : i32 to index
      %swap3A_3384 = arith.constant 496 : index
      %swap3A_3385 = tpu.vector_load %arg13[%swap3A_3383, %swap3A_3384] {strides = array<i32>} : memref<77x512xf32, #tpu.memory_space<vmem>>, vector<16xf32>,
      tpu.vector_store %arg13[%swap3A_3383, %swap3A_3384], %select_n3A_3381 {strides = array<i32>} : memref<77x512xf32, #tpu.memory_space<vmem>>, vector<16xf32>,
      %get3A_3386 = arith.constant 4 : i32
      %get3A_3387 = arith.index_cast %get3A_3386 : i32 to index
      %get3A_3388 = arith.constant 496 : index
      %get3A_3389 = tpu.vector_load %arg13[%get3A_3387, %get3A_3388] {strides = array<i32>} : memref<77x512xf32, #tpu.memory_space<vmem>>, vector<16xf32>,
      %get3A_3390 = arith.constant 3 : i32
      %get3A_3391 = arith.index_cast %get3A_3390 : i32 to index
      %get3A_3392 = arith.constant 496 : index
      %get3A_3393 = tpu.vector_load %arg11[%get3A_3391, %get3A_3392] {strides = array<i32>} : memref<4x512xf32, #tpu.memory_space<vmem>>, vector<16xf32>,
      %select_n3A_3394 = arith.select %eq3A_1734, %get3A_3389, %get3A_3393 : vector<16xi1>, vector<16xf32>
      %swap3A_3395 = arith.constant 4 : i32
      %swap3A_3396 = arith.index_cast %swap3A_3395 : i32 to index
      %swap3A_3397 = arith.constant 496 : index
      %swap3A_3398 = tpu.vector_load %arg13[%swap3A_3396, %swap3A_3397] {strides = array<i32>} : memref<77x512xf32, #tpu.memory_space<vmem>>, vector<16xf32>,
      tpu.vector_store %arg13[%swap3A_3396, %swap3A_3397], %select_n3A_3394 {strides = array<i32>} : memref<77x512xf32, #tpu.memory_space<vmem>>, vector<16xf32>,
      %add3A_3399 = arith.addi %mul3A_2, %add3A_1723 : i32
      %dma_start3A_3400 = arith.constant 0 : i32
      %dma_start3A_3401 = arith.constant 0 : i32
      %dma_start3A_3402 = tpu.memref_slice %arg7[%add3A_3399, %dma_start3A_3400, %dma_start3A_3401] : memref<1024x77x512xf32, #tpu.memory_space<hbm>> -> memref<1x77x512xf32, #tpu.memory_space<hbm>>
      %dma_start3A_3403 = tpu.memref_squeeze %dma_start3A_3402 : memref<1x77x512xf32, #tpu.memory_space<hbm>> -> memref<77x512xf32, #tpu.memory_space<hbm>>
      %dma_start3A_3404 = arith.constant 0 : i32
      %dma_start3A_3405 = arith.constant 0 : i32
      %dma_start3A_3406 = tpu.memref_slice %arg7[%add3A_3399, %dma_start3A_3404, %dma_start3A_3405] : memref<1024x77x512xf32, #tpu.memory_space<hbm>> -> memref<1x77x512xf32, #tpu.memory_space<hbm>>
      %dma_start3A_3407 = tpu.memref_squeeze %dma_start3A_3406 : memref<1x77x512xf32, #tpu.memory_space<hbm>> -> memref<77x512xf32, #tpu.memory_space<hbm>>
      tpu.enqueue_dma source(%arg13 : memref<77x512xf32, #tpu.memory_space<vmem>>) target(%dma_start3A_3407 : memref<77x512xf32, #tpu.memory_space<hbm>>) target_semaphore(%arg17 : memref<!tpu.dma_semaphore, #tpu.memory_space<semaphore_mem>>)
      %add3A_3408 = arith.constant 2 : i32
      %add3A_3409 = arith.addi %add3A_41, %add3A_3408 : i32
      %add3A_3410 = arith.constant 0 : i32
      %add3A_3411 = arith.addi %add3A_3409, %add3A_3410 : i32
      %lt3A = arith.constant 32 : i32
      %lt3A_3412 = arith.cmpi slt, %add3A_3411, %lt3A : i32
      %convert_element_type3A = arith.extui %lt3A_3412 : i1 to i32
      %cond3A = arith.constant 0 : i32
      %cond3A_3413 = arith.cmpi ne, %convert_element_type3A, %cond3A : i32
      scf.if %cond3A_3413 {
        %dma_wait3A_3423 = arith.constant 0 : i32
        %dma_wait3A_3424 = arith.constant 0 : i32
        %dma_wait3A_3425 = arith.constant 0 : i32
        %dma_wait3A_3426 = tpu.memref_slice %arg7[%dma_wait3A_3423, %dma_wait3A_3424, %dma_wait3A_3425] : memref<1024x77x512xf32, #tpu.memory_space<hbm>> -> memref<1x77x512xf32, #tpu.memory_space<hbm>>
        %dma_wait3A_3427 = tpu.memref_squeeze %dma_wait3A_3426 : memref<1x77x512xf32, #tpu.memory_space<hbm>> -> memref<77x512xf32, #tpu.memory_space<hbm>>
        %dma_wait3A_3428 = arith.constant 0 : i32
        %dma_wait3A_3429 = arith.constant 0 : i32
        %dma_wait3A_3430 = tpu.memref_slice %arg7[%dma_wait3A_3423, %dma_wait3A_3428, %dma_wait3A_3429] : memref<1024x77x512xf32, #tpu.memory_space<hbm>> -> memref<1x77x512xf32, #tpu.memory_space<hbm>>
        %dma_wait3A_3431 = tpu.memref_squeeze %dma_wait3A_3430 : memref<1x77x512xf32, #tpu.memory_space<hbm>> -> memref<77x512xf32, #tpu.memory_space<hbm>>
        tpu.wait_dma2 semaphore(%arg16 : memref<!tpu.dma_semaphore, #tpu.memory_space<semaphore_mem>>) src(%arg12 : memref<77x512xf32, #tpu.memory_space<vmem>>) dst(%dma_wait3A_3431 : memref<77x512xf32, #tpu.memory_space<hbm>>)
        %dma_start3A_3432 = arith.constant 0 : i32
        %dma_start3A_3433 = tpu.memref_slice %arg8[%add3A_3411, %dma_start3A_3432] : memref<32x77xi32, #tpu.memory_space<vmem>> -> memref<1x77xi32, #tpu.memory_space<vmem>>
        %dma_start3A_3434 = tpu.memref_squeeze %dma_start3A_3433 : memref<1x77xi32, #tpu.memory_space<vmem>> -> memref<77xi32, #tpu.memory_space<vmem>>
        %dma_start3A_3435 = arith.constant 0 : i32
        %dma_start3A_3436 = arith.constant 0 : i32
        %dma_start3A_3437 = tpu.memref_slice %arg4[%dma_start3A_3435, %dma_start3A_3436] : memref<49408x512xf32, #tpu.memory_space<hbm>> -> memref<49408x512xf32, #tpu.memory_space<hbm>>
        tpu.enqueue_indirect_dma source(%dma_start3A_3437 : memref<49408x512xf32, #tpu.memory_space<hbm>>) target(%arg12 : memref<77x512xf32, #tpu.memory_space<vmem>>) offsets(%dma_start3A_3434 : memref<77xi32, #tpu.memory_space<vmem>>) semaphore(%arg14 : memref<!tpu.dma_semaphore, #tpu.memory_space<semaphore_mem>>)
      } else {
      }
      %add3A_3414 = arith.constant 2 : i32
      %add3A_3415 = arith.addi %add3A_41, %add3A_3414 : i32
      %add3A_3416 = arith.constant 1 : i32
      %add3A_3417 = arith.addi %add3A_3415, %add3A_3416 : i32
      %lt3A_3418 = arith.constant 32 : i32
      %lt3A_3419 = arith.cmpi slt, %add3A_3417, %lt3A_3418 : i32
      %convert_element_type3A_3420 = arith.extui %lt3A_3419 : i1 to i32
      %cond3A_3421 = arith.constant 0 : i32
      %cond3A_3422 = arith.cmpi ne, %convert_element_type3A_3420, %cond3A_3421 : i32
      scf.if %cond3A_3422 {
        %dma_wait3A_3423 = arith.constant 0 : i32
        %dma_wait3A_3424 = arith.constant 0 : i32
        %dma_wait3A_3425 = arith.constant 0 : i32
        %dma_wait3A_3426 = tpu.memref_slice %arg7[%dma_wait3A_3423, %dma_wait3A_3424, %dma_wait3A_3425] : memref<1024x77x512xf32, #tpu.memory_space<hbm>> -> memref<1x77x512xf32, #tpu.memory_space<hbm>>
        %dma_wait3A_3427 = tpu.memref_squeeze %dma_wait3A_3426 : memref<1x77x512xf32, #tpu.memory_space<hbm>> -> memref<77x512xf32, #tpu.memory_space<hbm>>
        %dma_wait3A_3428 = arith.constant 0 : i32
        %dma_wait3A_3429 = arith.constant 0 : i32
        %dma_wait3A_3430 = tpu.memref_slice %arg7[%dma_wait3A_3423, %dma_wait3A_3428, %dma_wait3A_3429] : memref<1024x77x512xf32, #tpu.memory_space<hbm>> -> memref<1x77x512xf32, #tpu.memory_space<hbm>>
        %dma_wait3A_3431 = tpu.memref_squeeze %dma_wait3A_3430 : memref<1x77x512xf32, #tpu.memory_space<hbm>> -> memref<77x512xf32, #tpu.memory_space<hbm>>
        tpu.wait_dma2 semaphore(%arg17 : memref<!tpu.dma_semaphore, #tpu.memory_space<semaphore_mem>>) src(%arg13 : memref<77x512xf32, #tpu.memory_space<vmem>>) dst(%dma_wait3A_3431 : memref<77x512xf32, #tpu.memory_space<hbm>>)
        %dma_start3A_3432 = arith.constant 0 : i32
        %dma_start3A_3433 = tpu.memref_slice %arg8[%add3A_3417, %dma_start3A_3432] : memref<32x77xi32, #tpu.memory_space<vmem>> -> memref<1x77xi32, #tpu.memory_space<vmem>>
        %dma_start3A_3434 = tpu.memref_squeeze %dma_start3A_3433 : memref<1x77xi32, #tpu.memory_space<vmem>> -> memref<77xi32, #tpu.memory_space<vmem>>
        %dma_start3A_3435 = arith.constant 0 : i32
        %dma_start3A_3436 = arith.constant 0 : i32
        %dma_start3A_3437 = tpu.memref_slice %arg4[%dma_start3A_3435, %dma_start3A_3436] : memref<49408x512xf32, #tpu.memory_space<hbm>> -> memref<49408x512xf32, #tpu.memory_space<hbm>>
        tpu.enqueue_indirect_dma source(%dma_start3A_3437 : memref<49408x512xf32, #tpu.memory_space<hbm>>) target(%arg13 : memref<77x512xf32, #tpu.memory_space<vmem>>) offsets(%dma_start3A_3434 : memref<77xi32, #tpu.memory_space<vmem>>) semaphore(%arg15 : memref<!tpu.dma_semaphore, #tpu.memory_space<semaphore_mem>>)
      } else {
      }
    }
    %scan3A_19 = arith.constant 16 : i32
    %dma_wait3A = arith.constant 0 : i32
    %dma_wait3A_20 = arith.constant 0 : i32
    %dma_wait3A_21 = arith.constant 0 : i32
    %dma_wait3A_22 = tpu.memref_slice %arg7[%dma_wait3A, %dma_wait3A_20, %dma_wait3A_21] : memref<1024x77x512xf32, #tpu.memory_space<hbm>> -> memref<1x77x512xf32, #tpu.memory_space<hbm>>
    %dma_wait3A_23 = tpu.memref_squeeze %dma_wait3A_22 : memref<1x77x512xf32, #tpu.memory_space<hbm>> -> memref<77x512xf32, #tpu.memory_space<hbm>>
    %dma_wait3A_24 = arith.constant 0 : i32
    %dma_wait3A_25 = arith.constant 0 : i32
    %dma_wait3A_26 = tpu.memref_slice %arg7[%dma_wait3A, %dma_wait3A_24, %dma_wait3A_25] : memref<1024x77x512xf32, #tpu.memory_space<hbm>> -> memref<1x77x512xf32, #tpu.memory_space<hbm>>
    %dma_wait3A_27 = tpu.memref_squeeze %dma_wait3A_26 : memref<1x77x512xf32, #tpu.memory_space<hbm>> -> memref<77x512xf32, #tpu.memory_space<hbm>>
    tpu.wait_dma2 semaphore(%arg16 : memref<!tpu.dma_semaphore, #tpu.memory_space<semaphore_mem>>) src(%arg12 : memref<77x512xf32, #tpu.memory_space<vmem>>) dst(%dma_wait3A_27 : memref<77x512xf32, #tpu.memory_space<hbm>>)
    %dma_wait3A_28 = arith.constant 0 : i32
    %dma_wait3A_29 = arith.constant 0 : i32
    %dma_wait3A_30 = arith.constant 0 : i32
    %dma_wait3A_31 = tpu.memref_slice %arg7[%dma_wait3A_28, %dma_wait3A_29, %dma_wait3A_30] : memref<1024x77x512xf32, #tpu.memory_space<hbm>> -> memref<1x77x512xf32, #tpu.memory_space<hbm>>
    %dma_wait3A_32 = tpu.memref_squeeze %dma_wait3A_31 : memref<1x77x512xf32, #tpu.memory_space<hbm>> -> memref<77x512xf32, #tpu.memory_space<hbm>>
    %dma_wait3A_33 = arith.constant 0 : i32
    %dma_wait3A_34 = arith.constant 0 : i32
    %dma_wait3A_35 = tpu.memref_slice %arg7[%dma_wait3A_28, %dma_wait3A_33, %dma_wait3A_34] : memref<1024x77x512xf32, #tpu.memory_space<hbm>> -> memref<1x77x512xf32, #tpu.memory_space<hbm>>
    %dma_wait3A_36 = tpu.memref_squeeze %dma_wait3A_35 : memref<1x77x512xf32, #tpu.memory_space<hbm>> -> memref<77x512xf32, #tpu.memory_space<hbm>>
    tpu.wait_dma2 semaphore(%arg17 : memref<!tpu.dma_semaphore, #tpu.memory_space<semaphore_mem>>) src(%arg13 : memref<77x512xf32, #tpu.memory_space<vmem>>) dst(%dma_wait3A_36 : memref<77x512xf32, #tpu.memory_space<hbm>>)
    return
  }
}

</mosaic_0001>

<sc_bundles>
// kernel: kernel.3.cloned.1.call-start
scs
__scs_entry_jumppad:
0x0: {  	(pc) =	sbr.rel $0x88, $3  }
0x1: {  	(tag) =	ssettag $0x0;
	lr =	simm.s32 $0x1  }
0x2: {  	[smem:$0x3F9C] =	sst lr;
	_ =	strace $0xD0000000  }
0x3: {  	_ = 	snop  }
0x4: {  	_ = 	snop  }
0x5: {  	_ = 	snop  }
0x6: {  	_ = 	snop  }
0x7: {  	_ = 	snop  }
__scs_overlays_trampoline_lowered:
0x8: {  	[smem:$0x3FAB] =	sst s0  }
0x9: {  	[smem:$0x3FAC] =	sst s1  }
0xa: {  	[smem:$0x3FAD] =	sst s2  }
0xb: {  	[smem:$0x3FAE] =	sst s3  }
0xc: {  	[smem:$0x3FAF] =	sst s4  }
0xd: {  	[smem:$0x3FB0] =	sst s5  }
0xe: {  	[smem:$0x3FB1] =	sst s6  }
0xf: {  	[smem:$0x3FB2] =	sst s7  }
0x10: {  	[smem:$0x3FB3] =	sst s8  }
0x11: {  	[smem:$0x3FB4] =	sst s9;
	s0 =	simm.s32 @!p0 $0x0  }
0x12: {  	s1 =	sld [smem:$0x3F9A];
	s0 =	simm.s32 @p0 $0x1  }
0x13: {  	[smem:$0x3FB5] =	sst s0;
	s0 =	simm.s32 @!p1 $0x0  }
0x14: {  	s2 =	sld [smem:$0x3F99];
	s0 =	simm.s32 @p1 $0x1  }
0x15: {  	[smem:$0x3FB6] =	sst s0;
	s0 =	simm.s32 @!p2 $0x0  }
0x16: {  	s3 =	sld [smem:$0x3FDB];
	s0 =	simm.s32 @p2 $0x1  }
0x17: {  	s4 =	simm.s32 $0x1BF5;
	[smem:$0x3FB8] =	sst s0  }
0x18: {  	s0 =	sld [smem:$0x3F9B];
	_ =	swait.ge [sflag:s4], $0x0  }
0x19: {  	s7 =	sld [smem:$0x3F9C]  }
0x1a: {  	s8 =	sadd.s32 $0xFFFFE003, lr  }
0x1b: {  	s9 =	sadd.s32 $0xFFFFFEF7, lr;
	s5 =	simm.s32 $0xFFFFFFFF;
	p2 =	slt.u32 s8, $0xFFFFF086  }
0x1c: {  	p1 =	slt.u32 s9, $0xF7A;
	s5 =	simm.s32 @!p2 $0x0  }
0x1d: {  	s5 =	simm.s32 @p1 $0x1;
	p0 =	seq.s32 s7, s2  }
0x1e: {  	s7 =	smul.u32 @!p0 $0xF7A, s2;
	p2 =	seq.s32 @!p0 s5, $0x0  }
0x1f: {  	s9 =	smul.u32 $0xF7A, s1;
	s8 =	simm.s32 @!p0 $0x1BF5;
	p2 =	por !p2, p0  }
0x20: {  	[sflag:s8] =	ssyncset.s32 @!p0 $0xFFFFF086;
	s6 =	sadd.s32 @!p0 s3, s7;
	s7 =	simm.s32 @!p0 $0x108  }
0x21: {  	s3 =	sadd.s32 s3, s9;
	s6 =	sadd.s32 @!p0 $0x88, s6;
	s7 =	simm.s32 @p2 $0x1082  }
0x22: {  	[simem:s7], [sflag:s8] =	dma.local @!p0 [hbm:s6], $0xF7A  }
0x23: {  	s9 =	sor.u32 $0xD0000000, s2;
	s6 =	simm.s32 $0x108;
	_ =	swait.ge @!p0 [sflag:s8], $0x0  }
0x24: {  	s3 =	sadd.s32 $0x88, s3;
	s6 =	simm.s32 @!p1 $0x1082;
	[sflag:s4] =	ssyncset.s32 $0xFFFFF086  }
0x25: {  	[simem:s6], [sflag:s4] =	dma.local [hbm:s3], $0xF7A  }
0x26: {  	[smem:$0x3F9C] =	sst s1;
	(tag) =	ssettag s2;
	_ =	strace s9  }
0x27: {  	s1 =	sld [smem:$0x3FAC]  }
0x28: {  	s2 =	sld [smem:$0x3FAD]  }
0x29: {  	s4 =	sld [smem:$0x3FAF]  }
0x2a: {  	p0 =	seq.s32 s5, $0x0;
	s5 =	sld [smem:$0x3FB0]  }
0x2b: {  	s6 =	sld [smem:$0x3FB1]  }
0x2c: {  	s7 =	sld [smem:$0x3FB2]  }
0x2d: {  	s3 =	simm.s32 $0x108;
	s8 =	sld [smem:$0x3FB3]  }
0x2e: {  	s3 =	simm.s32 @!p0 $0x1082;
	s9 =	sld [smem:$0x3FB4]  }
0x2f: {  	lr =	sadd.s32 s0, s3;
	s0 =	sld [smem:$0x3FAB]  }
0x30: {  	s3 =	sld [smem:$0x3FAE]  }
0x31: {  	[smem:$0x3FB7] =	sst s10  }
0x32: {  	s10 =	sld [smem:$0x3FB5];
	_ =	sdelay $0x3  }
0x33: {  	p0 =	seq.s32 s10, $0x1;
	s10 =	sld [smem:$0x3FB7];
	_ =	sdelay $0x3  }
0x34: {  	[smem:$0x3FB7] =	sst s10  }
0x35: {  	s10 =	sld [smem:$0x3FB6];
	_ =	sdelay $0x3  }
0x36: {  	p1 =	seq.s32 s10, $0x1;
	s10 =	sld [smem:$0x3FB7];
	_ =	sdelay $0x3  }
0x37: {  	[smem:$0x3FB7] =	sst s10  }
0x38: {  	s10 =	sld [smem:$0x3FB8]  }
0x39: {  	_ = 	snop;
	(pc) =	sbr.ind lr, $3  }
0x3a: {  	_ = 	snop  }
0x3b: {  	_ = 	snop  }
0x3c: {  	p2 =	seq.s32 s10, $0x1;
	s10 =	sld [smem:$0x3FB7]  }
0x3d: {  	_ =	shalt  }
0x3e: {  	_ =	shalt  }
0x3f: {  	_ =	shalt  }
0x40: {  	_ =	shalt  }
0x41: {  	_ =	shalt  }
0x42: {  	_ =	shalt  }
0x43: {  	_ =	shalt  }
0x44: {  	_ =	shalt  }
0x45: {  	_ =	shalt  }
0x46: {  	_ =	shalt  }
0x47: {  	_ =	shalt  }
0x48: {  	_ =	shalt  }
0x49: {  	_ =	shalt  }
0x4a: {  	_ =	shalt  }
0x4b: {  	_ =	shalt  }
0x4c: {  	_ =	shalt  }
0x4d: {  	_ =	shalt  }
0x4e: {  	_ =	shalt  }
0x4f: {  	_ =	shalt  }
0x50: {  	_ =	shalt  }
0x51: {  	_ =	shalt  }
0x52: {  	_ =	shalt  }
0x53: {  	_ =	shalt  }
0x54: {  	_ =	shalt  }
0x55: {  	_ =	shalt  }
0x56: {  	_ =	shalt  }
0x57: {  	_ =	shalt  }
0x58: {  	_ =	shalt  }
0x59: {  	_ =	shalt  }
0x5a: {  	_ =	shalt  }
0x5b: {  	_ =	shalt  }
0x5c: {  	_ =	shalt  }
0x5d: {  	_ =	shalt  }
0x5e: {  	_ =	shalt  }
0x5f: {  	_ =	shalt  }
0x60: {  	_ =	shalt  }
0x61: {  	_ =	shalt  }
0x62: {  	_ =	shalt  }
0x63: {  	_ =	shalt  }
0x64: {  	_ =	shalt  }
0x65: {  	_ =	shalt  }
0x66: {  	_ =	shalt  }
0x67: {  	_ =	shalt  }
0x68: {  	_ =	shalt  }
0x69: {  	_ =	shalt  }
0x6a: {  	_ =	shalt  }
0x6b: {  	_ =	shalt  }
0x6c: {  	_ =	shalt  }
0x6d: {  	_ =	shalt  }
0x6e: {  	_ =	shalt  }
0x6f: {  	_ =	shalt  }
0x70: {  	_ =	shalt  }
0x71: {  	_ =	shalt  }
0x72: {  	_ =	shalt  }
0x73: {  	_ =	shalt  }
0x74: {  	_ =	shalt  }
0x75: {  	_ =	shalt  }
0x76: {  	_ =	shalt  }
0x77: {  	_ =	shalt  }
0x78: {  	_ =	shalt  }
0x79: {  	_ =	shalt  }
0x7a: {  	_ =	shalt  }
0x7b: {  	_ =	shalt  }
0x7c: {  	_ =	shalt  }
0x7d: {  	_ =	shalt  }
0x7e: {  	_ =	shalt  }
0x7f: {  	_ =	shalt  }
0x80: {  	_ =	shalt  }
0x81: {  	_ =	shalt  }
0x82: {  	_ =	shalt  }
0x83: {  	_ =	shalt  }
0x84: {  	_ =	shalt  }
0x85: {  	_ =	shalt  }
0x86: {  	_ =	shalt  }
0x87: {  	_ =	shalt  }
.Lfunc_end0:
.L_simem_size_0:
called_computation.2_lowered:
.L_overlay_start_0:
0x88: {  	s2 =	sld [smem:$0x3FD9]  }
0x89: {  	s3 =	sld [smem:$0x3FFE];
	_ =	sdelay $0x1  }
0x8a: {  	s1 =	srdreg.scid  }
0x8b: {  	s0 =	sand.u32 $0x1, s1  }
0x8c: {  	s17 =	sshll.u32 s0, $0xA;
	s2 =	sadd.s32 s3, s2  }
0x8d: {  	s2 =	sadd.s32 s2, s17  }
0x8e: {  	[smem:$0x3FC3] =	sst s2  }
0x8f: {  	_ = 	snop  }
0x90: {  	s2 =	sld [smem:$0x3FC8]  }
0x91: {  	s18 =	sld [smem:$0x3FD0];
	(tm) =	ssettm $0x1  }
0x92: {  	s4 =	sld [smem:$0x3FFB];
	_ =	sdelay $0x3  }
0x93: {  	_ =	strace s4  }
0x94: {  	s4 =	sld [smem:$0x3FFC];
	_ =	sdelay $0x3  }
0x95: {  	_ =	strace s4  }
0x96: {  	s4 =	sld [smem:$0x3FFD];
	_ =	sdelay $0x3  }
0x97: {  	_ =	strace s4  }
0x98: {  	_ =	strace $0x8FFFFFFF  }
0x99: {  	s19 =	sld [smem:$0x3FDB];
	_ =	sdelay $0x1  }
0x9a: {  	s5 =	simm.s32 $_scs_section_size  }
0x9b: {  	s6 =	simm.s32 $_size__tile_overlayer_lowered;
	s7 =	simm.s32 $_tile_overlayer_lowered  }
0x9c: {  	s22 =	simm.s32 $0x1BFF;
	s21 =	sshll.u32 s7, $0x1;
	s4 =	sadd.s32 s5, s19  }
0x9d: {  	s8 =	simm.s32 $0x0;
	s20 =	sshll.u32 s6, $0x1;
	s6 =	sadd.s32 s21, s4  }
0x9e: {  	[timem:s8], [sflag:s22] =	dma.local [hbm:s6], s20  }
0x9f: {  	_ =	swait.ge [sflag:s22], s20  }
0xa0: {  	s5 =	ssub.s32 $0x0, s20;
	[sflag:s22] =	ssyncset.done $0x0  }
0xa1: {  	[sflag:s22] =	ssyncadd.s32 s5;
	_ =	sdelay $0x1  }
0xa2: {  	s23 =	simm.s32 $0x1B8B  }
0xa3: {  	_ =	swait.ge [sflag:s23], $0x1  }
0xa4: {  	[sflag:s23] =	ssyncset.done $0x0  }
0xa5: {  	s25 =	simm.s32 $0x1B8E;
	s24 =	sld [smem:$0x3FFE];
	[sflag:s23] =	ssyncadd.s32 $0xFFFFFFFF  }
0xa6: {  	s26 =	simm.s32 $execute0_lowered;
	[smem:$0x3FD2] =	sst s25  }
0xa7: {  	s6 =	sshll.u32 s26, $0x1;
	_ =	strace $0x80000049;
	[dreg:$0x1] =	wrdreg $0xFFFFFFFF  }
0xa8: {  	s28 =	simm.s32 $_size_execute0_lowered;
	s4 =	sadd.s32 s4, s6;
	[dreg:$0x0] =	wrdreg $0x0  }
0xa9: {  	s6 =	sshll.u32 s28, $0x1;
	[dreg:$0x2] =	wrdreg s4  }
0xaa: {  	[dreg:$0x3] =	wrdreg s6  }
0xab: {  	[dreg:$0x4] =	wrdreg $0xC0  }
0xac: {  	_ =	task [dreg:s8], $0x5FFFF  }
0xad: {  	[dreg:$0x1] =	wrdreg $0xFFFFFFFF  }
0xae: {  	[dreg:$0x0] =	wrdreg $0x60  }
0xaf: {  	[dreg:$0x2] =	wrdreg s24  }
0xb0: {  	[dreg:$0x3] =	wrdreg s2  }
0xb1: {  	[dreg:$0x4] =	wrdreg s18  }
0xb2: {  	[dreg:$0x5] =	wrdreg $0x9  }
0xb3: {  	_ =	task.clear_ibuf [dreg:s8], $0x6FFFF;
	_ =	strace $0x90000049  }
0xb4: {  	s29 =	simm.s32 $0x9;
	_ =	strace $0x8000004B  }
0xb5: {  	_ =	swait.ge [sflag:s29], $0x1  }
0xb6: {  	[sflag:s29] =	ssyncadd.s32 $0xFFFFFFFF  }
0xb7: {  	_ =	strace $0x9000004B  }
0xb8: {  	_ =	sfence  }
0xb9: {  	s30 =	sld [smem:$0x0];
	_ =	sdelay $0x2  }
0xba: {  	s31 =	sshll.u32 s1, $0xD;
	s1 =	sshrl.u32 s1, $0x2  }
0xbb: {  	s3 =	sand.u32 $0x4000, s31;
	s1 =	sadd.s32 s1, s30  }
0xbc: {  	s0 =	sor.u32 s3, s0;
	s1 =	sshll.u32 s1, $0x11  }
0xbd: {  	s0 =	sor.u32 s1, s0  }
0xbe: {  	s0 =	sadd.s32 $0x8F2B, s0  }
0xbf: {  	[sflag:s0] =	ssyncadd.remote.s32 $0x1  }
0xc0: {  	_ =	sfence.sel $0xFFFF  }
0xc1: {  	[dreg:$0x0] =	wrdreg $0xFFFFFFFF;
	(pc) =	sbr.abs _section_cstart, $3  }
0xc2: {  	[dreg:$0x1] =	wrdreg $0xFFFFFFFF  }
0xc3: {  	_ =	task.clear_ibuf [dreg:s8], $0x2FFFF;
	_ =	strace $0x9FFFFFFF  }
0xc4: {  	(tm) =	ssettm $0x7FFFFFFF  }
0xc5: {  	_ =	shalt  }
tec
execute0_lowered:
.L_overlay_start_1:
0x0: {  	(tag) =	ssettag $0x1  }
0x1: {  	s1 =	srdreg.scid;
	s5 =	rddreg [dreg:$0x0]  }
0x2: {  	s0 =	stileid.u32;
	s7 =	rddreg [dreg:$0x1]  }
0x3: {  	s8 =	rddreg [dreg:$0x2];
	s14 =	simm.s32 $0x4D;
	s15 =	simm.s32 $0x1620  }
0x4: {  	s16 =	simm.s32 $0x50;
	s17 =	simm.s32 $0xB020;
	s18 =	simm.s32 $0x1  }
0x5: {  	s19 =	simm.s32 $0x2;
	s20 =	simm.s32 $0x3;
	s21 =	simm.s32 $0x4  }
0x6: {  	s22 =	simm.s32 $0x0;
	s6 =	sand.u32 $0x1, s1;
	s29 =	sshll.u32 s0, $0x6  }
0x7: {  	s1 =	rddreg [dreg:$0x3];
	s4 =	sadd.s32 $0x305200, s5;
	s13 =	smul.u32 $0x4D000, s0  }
0x8: {  	s2 =	sshll.u32 s6, $0x5;
	s11 =	ssub.s32 $0x2, s6;
	s30 =	smul.u32 $0x26800, s6  }
0x9: {  	s9 =	sor.u32 s2, s29;
	s2 =	simm.s32 $0x0;
	s12 =	sshrl.u32 s11, $0x1  }
0xa: {  	s31 =	sadd.s32 s13, s8;
	s13 =	simm.s32 $0xE20;
	s3 =	smul.u32 $0xA, s9  }
.Ltmp0:
0xb: {  	[smem:$0x7FF] =	sst s2;
	s11 =	ssub.s32 s11, s12;
	(pc) =	sbr.rel .LBB2_1-.Ltmp0, $4  }
0xc: {  	s9 =	sshrl.u32 s9, $0x3;
	s12 =	simm.s32 $0xA20;
	_ =	strace $0x8000004A  }
0xd: {  	s7 =	sadd.s32 s7, s9;
	s8 =	smax.u32 s11, $0x1;
	s9 =	sadd.s32 s30, s31  }
0xe: {  	s11 =	simm.s32 $0xA00;
	s10 =	sadd.s32 s3, s5;
	s3 =	sadd.s32 $0x1200, s5  }
0xf: {  	s5 =	sadd.s32 $0x305400, s5;
	s6 =	sadd.s32 $0x305600, s10;
	s10 =	simm.s32 $0x5  }
.LBB2_4:
0x10: {  	s22 =	sadd.s32 $0x1, s22  }
0x11: {  	p0 =	sne.s32 s22, s8  }
.Ltmp1:
0x12: {  	_ = 	snop;
	(pc) =	sbr.rel @!p0 .LBB2_5-.Ltmp1, $4  }
0x13: {  	_ = 	snop  }
0x14: {  	_ =	swait.ge [sflag:s21], $0x9A00  }
0x15: {  	[sflag:s21] =	ssyncset.done $0x0  }
0x16: {  	[sflag:s21] =	ssyncadd.s32 $0xFFFF6600  }
.LBB2_1:
0x17: {  	[tilespmem:s2], [sflag:$0x5] =	stream.linear.gather [hbm4b:s6+s2], $0xA00, $0x38;
	[tilespmem:$0x14A20] =	vst v63  }
0x18: {  	_ =	swait.ge [sflag:s10], $0xA00  }
0x19: {  	[sflag:s10] =	ssyncset.done $0x0  }
0x1a: {  	[sflag:s10] =	ssyncadd.s32 $0xFFFFF600  }
0x1b: {  	[tilespmem:s11], [sflag:$0x5] =	stream.linear.gather [hbm4b:s7+s2], $0x20, $0x38;
	[tilespmem:$0x14A20] =	vst v63  }
0x1c: {  	_ =	swait.ge [sflag:s10], $0x20  }
0x1d: {  	[sflag:s10] =	ssyncset.done $0x0  }
0x1e: {  	[sflag:s10] =	ssyncadd.s32 $0xFFFFFFE0  }
0x1f: {  	[tilespmem:s12], [sflag:$0x5] =	stream.linear.gather [hbm4b:s4+s2], $0x400, $0x38;
	[tilespmem:$0x14A20] =	vst v63  }
0x20: {  	_ =	swait.ge [sflag:s10], $0x400  }
0x21: {  	[sflag:s10] =	ssyncset.done $0x0  }
0x22: {  	[sflag:s10] =	ssyncadd.s32 $0xFFFFFC00  }
0x23: {  	[tilespmem:s13], [sflag:$0x5] =	stream.linear.gather [hbm4b:s5+s2], $0x800, $0x38;
	[tilespmem:$0x14A20] =	vst v63  }
0x24: {  	_ =	swait.ge [sflag:s10], $0x800  }
0x25: {  	[sflag:s10] =	ssyncset.done $0x0  }
0x26: {  	[sflag:s10] =	ssyncadd.s32 $0xFFFFF800  }
0x27: {  	[tilespmem:s15], [sflag:$0x1] =	stream.indirect.gather [hbm4b:s3+s14], $0x200, s2, s14, $0xb8;
	[tilespmem:$0x14A20] =	vst v63  }
0x28: {  	s23 =	simm.s32 $0xF0;
	s24 =	simm.s32 $0x1;
	s25 =	smov.u32 s9  }
0x29: {  	[tilespmem:s17], [sflag:$0x2] =	stream.indirect.gather [hbm4b:s3+s14], $0x200, s16, s14, $0xb8;
	[tilespmem:$0x14A20] =	vst v63  }
.LBB2_2:
0x2a: {  	_ =	swait.ge [sflag:s18], $0x9A00  }
0x2b: {  	[sflag:s18] =	ssyncset.done $0x0  }
0x2c: {  	[sflag:s18] =	ssyncadd.s32 $0xFFFF6600  }
0x2d: {  	s26 =	sadd.s32 $0xFFFFFFFF, s24;
	v6 =	vld [tilespmem:$0xA20]  }
0x2e: {  	v0 =	vmov s26;
	v7 =	vld [tilespmem:$0xE20]  }
0x2f: {  	v0 =	vand.u32 $0xFFFFFFFE, v0;
	v14 =	vld [tilespmem:$0xC20]  }
0x30: {  	v0 =	vbroadcast v0, $0x0;
	v15 =	vld [tilespmem:$0x1020]  }
0x31: {  	v22 =	vld [tilespmem:$0x1C20]  }
0x32: {  	v23 =	vld [tilespmem:$0x1220]  }
0x33: {  	v30 =	vld [tilespmem:$0x1E20]  }
0x34: {  	v31 =	vld [tilespmem:$0x1420]  }
0x35: {  	v38 =	vld [tilespmem:$0xA30]  }
0x36: {  	v1 =	vld.idx.msk [tilespmem:v0+s11+$0x0], $0xffff  }
0x37: {  	v39 =	vld [tilespmem:$0xE30]  }
0x38: {  	v42 =	vld [tilespmem:$0x1E90];
	_ =	sdelay $0x4  }
0x39: {  	[tilespmem:$0x1F8C0] =	vst v42;
	v42 =	vld [tilespmem:$0xAA0];
	_ =	sdelay $0x4  }
0x3a: {  	[tilespmem:$0x1F8D0] =	vst v42;
	v42 =	vld [tilespmem:$0xEA0];
	_ =	sdelay $0x2  }
0x3b: {  	v44 =	vld [tilespmem:$0xC30]  }
0x3c: {  	v45 =	vld [tilespmem:$0x1030]  }
0x3d: {  	[tilespmem:$0x1F8E0] =	vst v42;
	v42 =	vld [tilespmem:$0xCA0]  }
0x3e: {  	v46 =	vld [tilespmem:$0x1C30]  }
0x3f: {  	v47 =	vld [tilespmem:$0x1230]  }
0x40: {  	v48 =	vld [tilespmem:$0x1E30]  }
0x41: {  	v49 =	vld [tilespmem:$0x1430]  }
0x42: {  	[tilespmem:$0x1F8F0] =	vst v42;
	v42 =	vld [tilespmem:$0x10A0]  }
0x43: {  	v50 =	vld [tilespmem:$0xA40]  }
0x44: {  	v51 =	vld [tilespmem:$0xE40]  }
0x45: {  	v52 =	vld [tilespmem:$0xC40]  }
0x46: {  	v53 =	vld [tilespmem:$0x1040]  }
0x47: {  	[tilespmem:$0x1F900] =	vst v42;
	v42 =	vld [tilespmem:$0x1CA0]  }
0x48: {  	v54 =	vld [tilespmem:$0x1C40]  }
0x49: {  	v55 =	vld [tilespmem:$0x1240]  }
0x4a: {  	v56 =	vld [tilespmem:$0x1E40]  }
0x4b: {  	v57 =	vld [tilespmem:$0x1440]  }
0x4c: {  	[tilespmem:$0x1F910] =	vst v42;
	v42 =	vld [tilespmem:$0x12A0]  }
0x4d: {  	v58 =	vld [tilespmem:$0xA50]  }
0x4e: {  	v59 =	vld [tilespmem:$0xE50]  }
0x4f: {  	v60 =	vld [tilespmem:$0xC50]  }
0x50: {  	v61 =	vld [tilespmem:$0x1050]  }
0x51: {  	[tilespmem:$0x1F920] =	vst v42;
	v42 =	vld [tilespmem:$0x1EA0]  }
0x52: {  	v62 =	vld [tilespmem:$0x1C50]  }
0x53: {  	v63 =	vld [tilespmem:$0x1250]  }
0x54: {  	v2 =	vld [tilespmem:$0x1E50]  }
0x55: {  	v0 =	vld [tilespmem:$0x1450]  }
0x56: {  	[tilespmem:$0x1F930] =	vst v42;
	v42 =	vld [tilespmem:$0x14A0]  }
0x57: {  	v4 =	vld [tilespmem:$0xA60]  }
0x58: {  	v3 =	vld [tilespmem:$0xE60]  }
0x59: {  	v8 =	vld [tilespmem:$0xC60]  }
0x5a: {  	v5 =	vld [tilespmem:$0x1060]  }
0x5b: {  	[tilespmem:$0x1F940] =	vst v42;
	v42 =	vld [tilespmem:$0xAB0]  }
0x5c: {  	v10 =	vld [tilespmem:$0x1C60]  }
0x5d: {  	v9 =	vld [tilespmem:$0x1260]  }
0x5e: {  	v12 =	vld [tilespmem:$0x1E60]  }
0x5f: {  	v11 =	vld [tilespmem:$0x1460]  }
0x60: {  	[tilespmem:$0x1F950] =	vst v42;
	v42 =	vld [tilespmem:$0xEB0]  }
0x61: {  	v16 =	vld [tilespmem:$0xA70]  }
0x62: {  	v13 =	vld [tilespmem:$0xE70]  }
0x63: {  	v18 =	vld [tilespmem:$0xC70]  }
0x64: {  	v17 =	vld [tilespmem:$0x1070]  }
0x65: {  	[tilespmem:$0x1F960] =	vst v42;
	v42 =	vld [tilespmem:$0xCB0]  }
0x66: {  	v20 =	vld [tilespmem:$0x1C70]  }
0x67: {  	v19 =	vld [tilespmem:$0x1270]  }
0x68: {  	v24 =	vld [tilespmem:$0x1E70]  }
0x69: {  	v21 =	vld [tilespmem:$0x1470]  }
0x6a: {  	[tilespmem:$0x1F970] =	vst v42;
	v42 =	vld [tilespmem:$0x10B0]  }
0x6b: {  	v26 =	vld [tilespmem:$0xA80]  }
0x6c: {  	v25 =	vld [tilespmem:$0xE80]  }
0x6d: {  	v28 =	vld [tilespmem:$0xC80]  }
0x6e: {  	v27 =	vld [tilespmem:$0x1080]  }
0x6f: {  	[tilespmem:$0x1F980] =	vst v42;
	v42 =	vld [tilespmem:$0x1CB0]  }
0x70: {  	v32 =	vld [tilespmem:$0x1C80]  }
0x71: {  	v29 =	vld [tilespmem:$0x1280]  }
0x72: {  	v34 =	vld [tilespmem:$0x1E80]  }
0x73: {  	v33 =	vld [tilespmem:$0x1480]  }
0x74: {  	[tilespmem:$0x1F990] =	vst v42;
	v42 =	vld [tilespmem:$0x12B0]  }
0x75: {  	v36 =	vld [tilespmem:$0xA90]  }
0x76: {  	v35 =	vld [tilespmem:$0xE90]  }
0x77: {  	v41 =	vld [tilespmem:$0x1C90]  }
0x78: {  	v40 =	vld [tilespmem:$0xC90]  }
0x79: {  	[tilespmem:$0x1F9A0] =	vst v42;
	v42 =	vld [tilespmem:$0x1EB0]  }
0x7a: {  	v37 =	vld [tilespmem:$0x1090]  }
0x7b: {  	v43 =	vld [tilespmem:$0x1490]  }
0x7c: {  	[tilespmem:$0x1F8B0] =	vst v41;
	v41 =	vld [tilespmem:$0x1290]  }
0x7d: {  	vm0 =	veq.s32 v1, $0x0;
	v1 =	vld [tilespmem:$0xAE0]  }
0x7e: {  	[tilespmem:$0x1F9B0] =	vst v42;
	v42 =	vld [tilespmem:$0x14B0]  }
0x7f: {  	v7 =	vsel vm0, v6, v7;
	v6 =	vld [tilespmem:$0xEE0]  }
0x80: {  	v14 =	vsel vm0, v14, v15;
	v15 =	vld [tilespmem:$0x1CE0]  }
0x81: {  	v23 =	vsel vm0, v22, v23;
	v22 =	vld [tilespmem:$0x12E0]  }
0x82: {  	v31 =	vsel vm0, v30, v31;
	v30 =	vld [tilespmem:$0x14E0]  }
0x83: {  	[tilespmem:$0x1F9C0] =	vst v42;
	v42 =	vld [tilespmem:$0xAC0]  }
0x84: {  	v47 =	vsel vm0, v46, v47;
	v46 =	vld [tilespmem:$0x1CF0]  }
0x85: {  	v49 =	vsel vm0, v48, v49;
	v48 =	vld [tilespmem:$0x1EF0]  }
0x86: {  	v0 =	vsel vm0, v2, v0;
	v2 =	vld [tilespmem:$0xB00]  }
0x87: {  	v62 =	vsel vm0, v62, v63;
	v63 =	vsel vm0, v4, v3;
	v3 =	vld [tilespmem:$0xF00]  }
0x88: {  	[tilespmem:$0x1F9D0] =	vst v42;
	v42 =	vld [tilespmem:$0xEC0]  }
0x89: {  	v4 =	vld [tilespmem:$0xD00]  }
0x8a: {  	v45 =	vsel vm0, v44, v45;
	v44 =	vsel vm0, v10, v9;
	v9 =	vld [tilespmem:$0x1300]  }
0x8b: {  	v10 =	vld [tilespmem:$0x1F00]  }
0x8c: {  	v51 =	vsel vm0, v50, v51;
	v50 =	vsel vm0, v12, v11;
	v11 =	vld [tilespmem:$0x1500]  }
0x8d: {  	[tilespmem:$0x1F9E0] =	vst v42;
	v42 =	vld [tilespmem:$0xCC0]  }
0x8e: {  	v12 =	vld [tilespmem:$0xB10]  }
0x8f: {  	v53 =	vsel vm0, v52, v53;
	v52 =	vsel vm0, v18, v17;
	v17 =	vld [tilespmem:$0x1110]  }
0x90: {  	v18 =	vld [tilespmem:$0x1D10]  }
0x91: {  	v55 =	vsel vm0, v54, v55;
	v54 =	vsel vm0, v24, v21;
	v21 =	vld [tilespmem:$0x1510]  }
0x92: {  	[tilespmem:$0x1F9F0] =	vst v42;
	v42 =	vld [tilespmem:$0x10C0]  }
0x93: {  	v24 =	vld [tilespmem:$0xB20]  }
0x94: {  	v57 =	vsel vm0, v56, v57;
	v56 =	vsel vm0, v28, v27;
	v27 =	vld [tilespmem:$0x1120]  }
0x95: {  	[tilespmem:$0x1820] =	vst v7;
	v7 =	vld [tilespmem:$0xCE0]  }
0x96: {  	[tilespmem:$0x1A20] =	vst v14;
	v14 =	vld [tilespmem:$0x10E0]  }
0x97: {  	[tilespmem:$0x1FA00] =	vst v42;
	v42 =	vld [tilespmem:$0x1CC0]  }
0x98: {  	[tilespmem:$0x1C20] =	vst v23;
	v23 =	vld [tilespmem:$0x1EE0]  }
0x99: {  	[tilespmem:$0x1E20] =	vst v31;
	v31 =	vld [tilespmem:$0xAF0]  }
0x9a: {  	[tilespmem:$0x1A30] =	vst v45;
	v45 =	vld [tilespmem:$0x10F0]  }
0x9b: {  	[tilespmem:$0x1C30] =	vst v47;
	v47 =	vld [tilespmem:$0x12F0]  }
0x9c: {  	[tilespmem:$0x1FA10] =	vst v42;
	v42 =	vld [tilespmem:$0x12C0]  }
0x9d: {  	[tilespmem:$0x1E30] =	vst v49;
	v49 =	vld [tilespmem:$0x14F0]  }
0x9e: {  	[tilespmem:$0x1840] =	vst v51;
	v51 =	vsel vm0, v16, v13;
	v13 =	vld [tilespmem:$0xF10]  }
0x9f: {  	v16 =	vld [tilespmem:$0xD10]  }
0xa0: {  	[tilespmem:$0x1A40] =	vst v53;
	v53 =	vsel vm0, v20, v19;
	v19 =	vld [tilespmem:$0x1310]  }
0xa1: {  	[tilespmem:$0x1FA20] =	vst v42;
	v42 =	vld [tilespmem:$0x1EC0]  }
0xa2: {  	v61 =	vsel vm0, v60, v61;
	v20 =	vld [tilespmem:$0x1F10]  }
0xa3: {  	[tilespmem:$0x1A50] =	vst v61;
	v61 =	vld [tilespmem:$0x1F8B0]  }
0xa4: {  	[tilespmem:$0x1C50] =	vst v62;
	v62 =	vld [tilespmem:$0x1F8C0]  }
0xa5: {  	[tilespmem:$0x1C40] =	vst v55;
	v55 =	vsel vm0, v26, v25;
	v25 =	vld [tilespmem:$0xF20]  }
0xa6: {  	[tilespmem:$0x1FA30] =	vst v42;
	v42 =	vld [tilespmem:$0x14C0]  }
0xa7: {  	[tilespmem:$0x1860] =	vst v63;
	v63 =	vld [tilespmem:$0x1F8D0]  }
0xa8: {  	v28 =	vld [tilespmem:$0x1F8E0]  }
0xa9: {  	[tilespmem:$0x1E40] =	vst v57;
	v26 =	vld [tilespmem:$0xD20]  }
0xaa: {  	[tilespmem:$0x1E50] =	vst v0;
	v57 =	vsel vm0, v32, v29;
	v29 =	vld [tilespmem:$0x1F8F0]  }
0xab: {  	v0 =	vsel vm0, v61, v41;
	[tilespmem:$0x1FA40] =	vst v42;
	v42 =	vld [tilespmem:$0xAD0]  }
0xac: {  	[tilespmem:$0x1C90] =	vst v0;
	v0 =	vsel vm0, v62, v43;
	v32 =	vld [tilespmem:$0x1F900]  }
0xad: {  	[tilespmem:$0x1E90] =	vst v0;
	v0 =	vsel vm0, v63, v28;
	v28 =	vld [tilespmem:$0x1D20]  }
0xae: {  	v59 =	vsel vm0, v58, v59;
	v58 =	vsel vm0, v34, v33;
	v33 =	vld [tilespmem:$0x1F910]  }
0xaf: {  	v34 =	vld [tilespmem:$0x1F920]  }
0xb0: {  	[tilespmem:$0x1FA50] =	vst v42;
	v42 =	vld [tilespmem:$0xED0]  }
0xb1: {  	[tilespmem:$0x18A0] =	vst v0;
	v0 =	vsel vm0, v29, v32;
	v29 =	vld [tilespmem:$0x1320]  }
0xb2: {  	v32 =	vld [tilespmem:$0x1F20]  }
0xb3: {  	[tilespmem:$0x1850] =	vst v59;
	v59 =	vsel vm0, v36, v35;
	v35 =	vld [tilespmem:$0x1F930]  }
0xb4: {  	[tilespmem:$0x1AA0] =	vst v0;
	v0 =	vsel vm0, v33, v34;
	v33 =	vld [tilespmem:$0x1520]  }
0xb5: {  	[tilespmem:$0x1FA60] =	vst v42;
	v42 =	vld [tilespmem:$0xCD0]  }
0xb6: {  	v36 =	vld [tilespmem:$0x1F940]  }
0xb7: {  	v34 =	vld [tilespmem:$0xB30]  }
0xb8: {  	v60 =	vsel vm0, v40, v37;
	v37 =	vld [tilespmem:$0x1F950]  }
0xb9: {  	v40 =	vld [tilespmem:$0x1F960]  }
0xba: {  	[tilespmem:$0x1FA70] =	vst v42;
	v42 =	vld [tilespmem:$0x10D0]  }
0xbb: {  	[tilespmem:$0x1CA0] =	vst v0;
	v0 =	vsel vm0, v35, v36;
	v35 =	vld [tilespmem:$0xF30]  }
0xbc: {  	v36 =	vld [tilespmem:$0xD30]  }
0xbd: {  	v41 =	vld [tilespmem:$0x1F970]  }
0xbe: {  	[tilespmem:$0x1EA0] =	vst v0;
	v0 =	vsel vm0, v37, v40;
	v37 =	vld [tilespmem:$0x1130]  }
0xbf: {  	[tilespmem:$0x1FA80] =	vst v42;
	v42 =	vld [tilespmem:$0x1CD0]  }
0xc0: {  	v40 =	vld [tilespmem:$0x1D30]  }
0xc1: {  	v43 =	vld [tilespmem:$0x1F990]  }
0xc2: {  	[tilespmem:$0x1C60] =	vst v44;
	v44 =	vld [tilespmem:$0x1F9A0]  }
0xc3: {  	[tilespmem:$0x1E60] =	vst v50;
	v50 =	vld [tilespmem:$0x1F9B0]  }
0xc4: {  	[tilespmem:$0x1FA90] =	vst v42;
	v42 =	vld [tilespmem:$0x12D0]  }
0xc5: {  	[tilespmem:$0x1870] =	vst v51;
	v51 =	vld [tilespmem:$0x1F9C0]  }
0xc6: {  	[tilespmem:$0x1A70] =	vst v52;
	v52 =	vld [tilespmem:$0x1F9D0]  }
0xc7: {  	[tilespmem:$0x1C70] =	vst v53;
	v53 =	vld [tilespmem:$0x1F9E0]  }
0xc8: {  	[tilespmem:$0x1E70] =	vst v54;
	v54 =	vld [tilespmem:$0x1F9F0]  }
0xc9: {  	[tilespmem:$0x1FAA0] =	vst v42;
	v42 =	vld [tilespmem:$0x1ED0]  }
0xca: {  	[tilespmem:$0x1880] =	vst v55;
	v55 =	vld [tilespmem:$0x1FA00]  }
0xcb: {  	[tilespmem:$0x1A80] =	vst v56;
	v56 =	vld [tilespmem:$0x1FA10]  }
0xcc: {  	[tilespmem:$0x1C80] =	vst v57;
	v57 =	vld [tilespmem:$0x1FA20]  }
0xcd: {  	[tilespmem:$0x1E80] =	vst v58;
	v58 =	vld [tilespmem:$0x1FA30]  }
0xce: {  	[tilespmem:$0x1FAB0] =	vst v42;
	v42 =	vld [tilespmem:$0x14D0]  }
0xcf: {  	[tilespmem:$0x1890] =	vst v59;
	v59 =	vld [tilespmem:$0x1FA40]  }
0xd0: {  	[tilespmem:$0x1A90] =	vst v60;
	v60 =	vld [tilespmem:$0x1FA50]  }
0xd1: {  	v61 =	vld [tilespmem:$0x1FA60]  }
0xd2: {  	v62 =	vld [tilespmem:$0x1FA70]  }
0xd3: {  	v63 =	vld [tilespmem:$0x1FA80];
	[tilespmem:$0x1FAC0] =	vst v42;
	v42 =	vsel vm0, v38, v39  }
0xd4: {  	[tilespmem:$0x1830] =	vst v42;
	v42 =	vsel vm0, v8, v5;
	v8 =	vld [tilespmem:$0x1D00]  }
0xd5: {  	[tilespmem:$0x1A60] =	vst v42;
	v42 =	vld [tilespmem:$0x1F980]  }
0xd6: {  	v38 =	vld [tilespmem:$0xEF0]  }
0xd7: {  	v39 =	vld [tilespmem:$0xCF0]  }
0xd8: {  	v5 =	vld [tilespmem:$0x1100]  }
0xd9: {  	v9 =	vsel vm0, v8, v9;
	v8 =	vld [tilespmem:$0x1350]  }
0xda: {  	[tilespmem:$0x18B0] =	vst v0;
	v0 =	vsel vm0, v41, v42;
	v41 =	vld [tilespmem:$0x1330]  }
0xdb: {  	v42 =	vld [tilespmem:$0x1F30]  }
0xdc: {  	[tilespmem:$0x1AB0] =	vst v0;
	v0 =	vsel vm0, v43, v44;
	v43 =	vld [tilespmem:$0x1530]  }
0xdd: {  	v44 =	vld [tilespmem:$0xB40]  }
0xde: {  	[tilespmem:$0x1CB0] =	vst v0;
	v0 =	vsel vm0, v50, v51;
	v50 =	vld [tilespmem:$0x1FA90]  }
0xdf: {  	v51 =	vld [tilespmem:$0x1FAA0]  }
0xe0: {  	[tilespmem:$0x1EB0] =	vst v0;
	v0 =	vsel vm0, v52, v53;
	v52 =	vld [tilespmem:$0x1FAB0]  }
0xe1: {  	v53 =	vld [tilespmem:$0x1FAC0]  }
0xe2: {  	[tilespmem:$0x18C0] =	vst v0;
	v0 =	vsel vm0, v54, v55;
	v54 =	vsel vm0, v1, v6;
	v1 =	vld [tilespmem:$0xF40]  }
0xe3: {  	v6 =	vld [tilespmem:$0xD40]  }
0xe4: {  	v55 =	vsel vm0, v7, v14;
	v7 =	vld [tilespmem:$0x1140]  }
0xe5: {  	v14 =	vld [tilespmem:$0x1D40]  }
0xe6: {  	[tilespmem:$0x1AC0] =	vst v0;
	v0 =	vsel vm0, v56, v57;
	v56 =	vsel vm0, v15, v22;
	v15 =	vld [tilespmem:$0x1340]  }
0xe7: {  	v22 =	vld [tilespmem:$0x1F40]  }
0xe8: {  	v57 =	vsel vm0, v23, v30;
	v23 =	vld [tilespmem:$0x1540]  }
0xe9: {  	v30 =	vld [tilespmem:$0xB50]  }
0xea: {  	[tilespmem:$0x1AE0] =	vst v55;
	v55 =	vld [tilespmem:$0x1160]  }
0xeb: {  	[tilespmem:$0x18E0] =	vst v54;
	v54 =	vsel vm0, v28, v29;
	v29 =	vld [tilespmem:$0xD70]  }
0xec: {  	[tilespmem:$0x1CC0] =	vst v0;
	v0 =	vsel vm0, v58, v59;
	v59 =	vsel vm0, v39, v45;
	v45 =	vld [tilespmem:$0x1F50]  }
0xed: {  	[tilespmem:$0x1EE0] =	vst v57;
	v57 =	vld [tilespmem:$0x1D60]  }
0xee: {  	[tilespmem:$0x1CE0] =	vst v56;
	v56 =	vsel vm0, v32, v33;
	v32 =	vld [tilespmem:$0x1170]  }
0xef: {  	[tilespmem:$0x1D20] =	vst v54;
	v54 =	vld [tilespmem:$0x1F80]  }
0xf0: {  	[tilespmem:$0x1EC0] =	vst v0;
	v0 =	vsel vm0, v60, v61;
	v60 =	vsel vm0, v46, v47;
	v47 =	vld [tilespmem:$0x1550]  }
0xf1: {  	v61 =	vsel vm0, v48, v49;
	v49 =	vld [tilespmem:$0xB60]  }
0xf2: {  	v58 =	vsel vm0, v31, v38;
	[tilespmem:$0x1AF0] =	vst v59;
	v59 =	vld [tilespmem:$0x1360]  }
0xf3: {  	v38 =	vsel vm0, v12, v13;
	[tilespmem:$0x18F0] =	vst v58;
	v58 =	vsel vm0, v34, v35;
	v34 =	vld [tilespmem:$0x1D70]  }
0xf4: {  	[tilespmem:$0x1910] =	vst v38;
	v38 =	vld [tilespmem:$0x1F70]  }
0xf5: {  	[tilespmem:$0x1F20] =	vst v56;
	v56 =	vld [tilespmem:$0x1580]  }
0xf6: {  	[tilespmem:$0x18D0] =	vst v0;
	v0 =	vsel vm0, v62, v63;
	v62 =	vsel vm0, v2, v3;
	v2 =	vld [tilespmem:$0xF50]  }
0xf7: {  	v3 =	vld [tilespmem:$0xD50]  }
0xf8: {  	v63 =	vsel vm0, v4, v5;
	v4 =	vld [tilespmem:$0x1150]  }
0xf9: {  	v5 =	vld [tilespmem:$0x1D50]  }
0xfa: {  	[tilespmem:$0x1EF0] =	vst v61;
	v61 =	vld [tilespmem:$0x1F60]  }
0xfb: {  	v46 =	vsel vm0, v18, v19;
	[tilespmem:$0x1CF0] =	vst v60;
	v60 =	vsel vm0, v36, v37;
	v36 =	vld [tilespmem:$0x1370]  }
0xfc: {  	v48 =	vsel vm0, v20, v21;
	[tilespmem:$0x1D10] =	vst v46;
	v46 =	vld [tilespmem:$0xD80]  }
0xfd: {  	[tilespmem:$0x1F10] =	vst v48;
	v48 =	vld [tilespmem:$0x1180]  }
0xfe: {  	[tilespmem:$0x1AD0] =	vst v0;
	v0 =	vsel vm0, v50, v51;
	v51 =	vld [tilespmem:$0xF60]  }
0xff: {  	[tilespmem:$0x1B00] =	vst v63;
	v63 =	vld [tilespmem:$0x1560]  }
0x100: {  	v50 =	vsel vm0, v24, v25;
	v25 =	vld [tilespmem:$0xB70]  }
0x101: {  	[tilespmem:$0x1900] =	vst v62;
	v62 =	vsel vm0, v40, v41;
	v40 =	vld [tilespmem:$0x1570]  }
0x102: {  	v24 =	vsel vm0, v42, v43;
	v42 =	vld [tilespmem:$0xB80]  }
0x103: {  	v28 =	vsel vm0, v6, v7;
	v6 =	vld [tilespmem:$0x1F90]  }
0x104: {  	v7 =	vld [tilespmem:$0x1590]  }
0x105: {  	[tilespmem:$0x1CD0] =	vst v0;
	v0 =	vsel vm0, v52, v53;
	v53 =	vld [tilespmem:$0xD60]  }
0x106: {  	v52 =	vsel vm0, v26, v27;
	v27 =	vld [tilespmem:$0xF70]  }
0x107: {  	v26 =	vsel vm0, v44, v1;
	v44 =	vld [tilespmem:$0xF80]  }
0x108: {  	v31 =	vsel vm0, v10, v11;
	[tilespmem:$0x1920] =	vst v50;
	v50 =	vld [tilespmem:$0x1D80]  }
0x109: {  	[tilespmem:$0x1F00] =	vst v31;
	v1 =	vld [tilespmem:$0xF90]  }
0x10a: {  	[tilespmem:$0x1D30] =	vst v62;
	v62 =	vld [tilespmem:$0x1190]  }
0x10b: {  	[tilespmem:$0x1B40] =	vst v28;
	v28 =	vld [tilespmem:$0x1DC0]  }
0x10c: {  	[tilespmem:$0x1B20] =	vst v52;
	v52 =	vld [tilespmem:$0x1380]  }
0x10d: {  	[tilespmem:$0x1ED0] =	vst v0;
	v0 =	vld [tilespmem:$0xB90]  }
0x10e: {  	v31 =	vsel vm0, v14, v15;
	[tilespmem:$0x1940] =	vst v26;
	v26 =	vld [tilespmem:$0xDC0]  }
0x10f: {  	v33 =	vsel vm0, v22, v23;
	[tilespmem:$0x1D40] =	vst v31;
	v31 =	vld [tilespmem:$0x15C0]  }
0x110: {  	[tilespmem:$0x1F40] =	vst v33;
	v33 =	vld [tilespmem:$0xFD0]  }
0x111: {  	v35 =	vsel vm0, v30, v2;
	v2 =	vld [tilespmem:$0xD90]  }
0x112: {  	v37 =	vsel vm0, v3, v4;
	v4 =	vld [tilespmem:$0x1D90]  }
0x113: {  	v41 =	vsel vm0, v45, v47;
	v47 =	vsel vm0, v57, v59;
	v59 =	vsel vm0, v46, v48;
	v46 =	vld [tilespmem:$0xDA0]  }
0x114: {  	[tilespmem:$0x1D60] =	vst v47;
	v47 =	vld [tilespmem:$0x11A0]  }
0x115: {  	v48 =	vld [tilespmem:$0x1DA0]  }
0x116: {  	v30 =	vld [tilespmem:$0x1FC0]  }
0x117: {  	[tilespmem:$0x1F50] =	vst v41;
	v41 =	vld [tilespmem:$0x11E0]  }
0x118: {  	v43 =	vsel vm0, v49, v51;
	v49 =	vsel vm0, v61, v63;
	v63 =	vld [tilespmem:$0x1390]  }
0x119: {  	v61 =	vsel vm0, v54, v56;
	v54 =	vld [tilespmem:$0xDB0]  }
0x11a: {  	v56 =	vld [tilespmem:$0x1DB0]  }
0x11b: {  	[tilespmem:$0x1B80] =	vst v59;
	v59 =	vld [tilespmem:$0x15B0]  }
0x11c: {  	[tilespmem:$0x1950] =	vst v35;
	v35 =	vld [tilespmem:$0x11D0]  }
0x11d: {  	v39 =	vsel vm0, v16, v17;
	[tilespmem:$0x1B50] =	vst v37;
	v37 =	vld [tilespmem:$0x13D0]  }
0x11e: {  	[tilespmem:$0x1B10] =	vst v39;
	v39 =	vsel vm0, v5, v8;
	v57 =	vsel vm0, v38, v40;
	v38 =	vld [tilespmem:$0x1FD0]  }
0x11f: {  	[tilespmem:$0x1D50] =	vst v39;
	v39 =	vld [tilespmem:$0x15D0]  }
0x120: {  	v40 =	vld [tilespmem:$0xBE0]  }
0x121: {  	[tilespmem:$0x1930] =	vst v58;
	v58 =	vsel vm0, v42, v44;
	v44 =	vld [tilespmem:$0xBA0]  }
0x122: {  	[tilespmem:$0x1F60] =	vst v49;
	v49 =	vld [tilespmem:$0x13A0]  }
0x123: {  	[tilespmem:$0x1F70] =	vst v57;
	v57 =	vld [tilespmem:$0x13B0]  }
0x124: {  	[tilespmem:$0x1F80] =	vst v61;
	v61 =	vld [tilespmem:$0xFC0]  }
0x125: {  	v51 =	vsel vm0, v25, v27;
	v27 =	vld [tilespmem:$0x11C0]  }
0x126: {  	v45 =	vsel vm0, v53, v55;
	v53 =	vsel vm0, v29, v32;
	v29 =	vld [tilespmem:$0x13C0]  }
0x127: {  	v32 =	vld [tilespmem:$0xBD0]  }
0x128: {  	[tilespmem:$0x1D00] =	vst v9;
	v55 =	vsel vm0, v34, v36;
	v34 =	vld [tilespmem:$0xDD0]  }
0x129: {  	[tilespmem:$0x1B30] =	vst v60;
	v36 =	vld [tilespmem:$0x1DD0]  }
0x12a: {  	[tilespmem:$0x1960] =	vst v43;
	v43 =	vld [tilespmem:$0x1DE0]  }
0x12b: {  	[tilespmem:$0x1F30] =	vst v24;
	v25 =	vld [tilespmem:$0x15F0]  }
0x12c: {  	[tilespmem:$0x1B60] =	vst v45;
	v45 =	vld [tilespmem:$0xFA0]  }
0x12d: {  	[tilespmem:$0x1970] =	vst v51;
	v60 =	vsel vm0, v50, v52;
	v50 =	vld [tilespmem:$0x1FA0]  }
0x12e: {  	[tilespmem:$0x1B70] =	vst v53;
	v51 =	vld [tilespmem:$0x15A0]  }
0x12f: {  	[tilespmem:$0x1D70] =	vst v55;
	v52 =	vld [tilespmem:$0xBB0]  }
0x130: {  	v42 =	vsel vm0, v6, v7;
	[tilespmem:$0x1980] =	vst v58;
	v53 =	vld [tilespmem:$0xFB0]  }
0x131: {  	v55 =	vld [tilespmem:$0x11B0];
	[tilespmem:$0x1F90] =	vst v42  }
0x132: {  	v58 =	vld [tilespmem:$0x1FB0];
	v0 =	vsel vm0, v0, v1;
	[tilespmem:$0x1D80] =	vst v60  }
0x133: {  	v1 =	vld [tilespmem:$0xFE0];
	[tilespmem:$0x1990] =	vst v0;
	v62 =	vsel vm0, v2, v62  }
0x134: {  	v60 =	vld [tilespmem:$0xBC0];
	v46 =	vsel vm0, v46, v47;
	[tilespmem:$0x1B90] =	vst v62  }
0x135: {  	v2 =	vld [tilespmem:$0xDE0];
	v63 =	vsel vm0, v4, v63;
	[tilespmem:$0x1BA0] =	vst v46  }
0x136: {  	v47 =	vld [tilespmem:$0x1FE0];
	[tilespmem:$0x1D90] =	vst v63;
	v48 =	vsel vm0, v48, v49  }
0x137: {  	v49 =	vld [tilespmem:$0x15E0];
	v56 =	vsel vm0, v56, v57;
	[tilespmem:$0x1DA0] =	vst v48  }
0x138: {  	v57 =	vld [tilespmem:$0x11F0];
	v62 =	vsel vm0, v26, v27;
	[tilespmem:$0x1DB0] =	vst v56  }
0x139: {  	v63 =	vld [tilespmem:$0x1FF0];
	v24 =	vsel vm0, v28, v29;
	[tilespmem:$0x1BC0] =	vst v62  }
0x13a: {  	v26 =	vsel vm0, v30, v31;
	v27 =	vld [tilespmem:$0xC00];
	[tilespmem:$0x1DC0] =	vst v24  }
0x13b: {  	v28 =	vsel vm0, v32, v33;
	v29 =	vld [tilespmem:$0x1000];
	[tilespmem:$0x1FC0] =	vst v26  }
0x13c: {  	v30 =	vsel vm0, v34, v35;
	v31 =	vld [tilespmem:$0xE00];
	[tilespmem:$0x19D0] =	vst v28  }
0x13d: {  	v32 =	vsel vm0, v36, v37;
	v33 =	vld [tilespmem:$0x1200];
	[tilespmem:$0x1BD0] =	vst v30  }
0x13e: {  	v34 =	vsel vm0, v38, v39;
	v35 =	vld [tilespmem:$0x1E00];
	[tilespmem:$0x1DD0] =	vst v32  }
0x13f: {  	v37 =	vld [tilespmem:$0x1400];
	v44 =	vsel vm0, v44, v45;
	[tilespmem:$0x1FD0] =	vst v34  }
0x140: {  	v39 =	vld [tilespmem:$0x2000];
	v50 =	vsel vm0, v50, v51;
	[tilespmem:$0x19A0] =	vst v44  }
0x141: {  	v45 =	vld [tilespmem:$0x13E0];
	v52 =	vsel vm0, v52, v53;
	[tilespmem:$0x1FA0] =	vst v50  }
0x142: {  	v51 =	vld [tilespmem:$0xBF0];
	v54 =	vsel vm0, v54, v55;
	[tilespmem:$0x19B0] =	vst v52  }
0x143: {  	v53 =	vld [tilespmem:$0xFF0];
	v58 =	vsel vm0, v58, v59;
	[tilespmem:$0x1BB0] =	vst v54  }
0x144: {  	v55 =	vld [tilespmem:$0xDF0];
	v36 =	vsel vm0, v40, v1;
	[tilespmem:$0x1FB0] =	vst v58  }
0x145: {  	v59 =	vld [tilespmem:$0x1DF0];
	v60 =	vsel vm0, v60, v61;
	[tilespmem:$0x19E0] =	vst v36  }
0x146: {  	v61 =	vld [tilespmem:$0x13F0];
	[tilespmem:$0x19C0] =	vst v60;
	v38 =	vsel vm0, v2, v41  }
0x147: {  	v41 =	vld [tilespmem:$0x1600];
	[tilespmem:$0x1BE0] =	vst v38;
	v42 =	vsel vm0, v47, v49  }
0x148: {  	v47 =	vld [tilespmem:$0xE10];
	v50 =	vsel vm0, v63, v25;
	[tilespmem:$0x1FE0] =	vst v42  }
0x149: {  	v49 =	vld [tilespmem:$0x1210];
	v52 =	vsel vm0, v27, v29;
	[tilespmem:$0x1FF0] =	vst v50  }
0x14a: {  	v54 =	vsel vm0, v31, v33;
	v40 =	vsel vm0, v43, v45;
	v43 =	vld [tilespmem:$0xC10];
	[tilespmem:$0x1A00] =	vst v52  }
0x14b: {  	v56 =	vsel vm0, v35, v37;
	v45 =	vld [tilespmem:$0x1010];
	[tilespmem:$0x1C00] =	vst v54  }
0x14c: {  	v44 =	vsel vm0, v51, v53;
	v51 =	vld [tilespmem:$0x1E10];
	[tilespmem:$0x1E00] =	vst v56  }
0x14d: {  	v53 =	vld [tilespmem:$0x1410];
	[tilespmem:$0x1DE0] =	vst v40  }
0x14e: {  	v46 =	vsel vm0, v55, v57;
	v55 =	vld [tilespmem:$0x2010];
	[tilespmem:$0x19F0] =	vst v44  }
0x14f: {  	v57 =	vld [tilespmem:$0x1610];
	[tilespmem:$0x1BF0] =	vst v46;
	v48 =	vsel vm0, v59, v61  }
0x150: {  	[tilespmem:$0x1DF0] =	vst v48;
	v58 =	vsel vm0, v39, v41  }
0x151: {  	[tilespmem:$0x2000] =	vst v58;
	v60 =	vsel vm0, v47, v49  }
0x152: {  	v59 =	vsel vm0, v43, v45;
	[tilespmem:$0x1C10] =	vst v60  }
0x153: {  	v61 =	vsel vm0, v51, v53;
	[tilespmem:$0x1A10] =	vst v59  }
0x154: {  	v62 =	vsel vm0, v55, v57;
	[tilespmem:$0x1E10] =	vst v61  }
0x155: {  	v63 =	vmov s24;
	[tilespmem:$0x2010] =	vst v62  }
0x156: {  	[hbm4b:s25+s2] =	stream.linear.scatter [tilespmem:s15], [sflag:$0x3], $0x9A00, $0x38;
	[tilespmem:$0x14A20] =	vst v63  }
0x157: {  	_ =	swait.ge [sflag:s19], $0x9A00  }
0x158: {  	[sflag:s19] =	ssyncset.done $0x0  }
0x159: {  	[sflag:s19] =	ssyncadd.s32 $0xFFFF6600  }
0x15a: {  	v0 =	vld.idx.msk [tilespmem:v63+s11+$0x0], $0xffff  }
0x15b: {  	v2 =	vld [tilespmem:$0xA20]  }
0x15c: {  	v1 =	vld [tilespmem:$0xE20]  }
0x15d: {  	v4 =	vld [tilespmem:$0xC20]  }
0x15e: {  	v3 =	vld [tilespmem:$0x1020]  }
0x15f: {  	v6 =	vld [tilespmem:$0xB620]  }
0x160: {  	v5 =	vld [tilespmem:$0x1220]  }
0x161: {  	v8 =	vld [tilespmem:$0xB820]  }
0x162: {  	v7 =	vld [tilespmem:$0x1420]  }
0x163: {  	v10 =	vld [tilespmem:$0xA30]  }
0x164: {  	v9 =	vld [tilespmem:$0xE30]  }
0x165: {  	v12 =	vld [tilespmem:$0xC30]  }
0x166: {  	v11 =	vld [tilespmem:$0x1030]  }
0x167: {  	v14 =	vld [tilespmem:$0xB630]  }
0x168: {  	v13 =	vld [tilespmem:$0x1230]  }
0x169: {  	v16 =	vld [tilespmem:$0xB830]  }
0x16a: {  	v15 =	vld [tilespmem:$0x1430]  }
0x16b: {  	v18 =	vld [tilespmem:$0xA40]  }
0x16c: {  	v17 =	vld [tilespmem:$0xE40]  }
0x16d: {  	v20 =	vld [tilespmem:$0xC40]  }
0x16e: {  	v19 =	vld [tilespmem:$0x1040]  }
0x16f: {  	v22 =	vld [tilespmem:$0xB640]  }
0x170: {  	v21 =	vld [tilespmem:$0x1240]  }
0x171: {  	v24 =	vld [tilespmem:$0xB840]  }
0x172: {  	v23 =	vld [tilespmem:$0x1440]  }
0x173: {  	v26 =	vld [tilespmem:$0xA50]  }
0x174: {  	v25 =	vld [tilespmem:$0xE50]  }
0x175: {  	v55 =	vld [tilespmem:$0xC50]  }
0x176: {  	v27 =	vld [tilespmem:$0x1050]  }
0x177: {  	v62 =	vld [tilespmem:$0xB650]  }
0x178: {  	v28 =	vld [tilespmem:$0x1250]  }
0x179: {  	v63 =	vld [tilespmem:$0xB850]  }
0x17a: {  	v29 =	vld [tilespmem:$0x1450]  }
0x17b: {  	v46 =	vld [tilespmem:$0xA60]  }
0x17c: {  	v30 =	vld [tilespmem:$0xE60]  }
0x17d: {  	v43 =	vld [tilespmem:$0xC60]  }
0x17e: {  	v31 =	vld [tilespmem:$0x1060]  }
0x17f: {  	v34 =	vld [tilespmem:$0xB660]  }
0x180: {  	v32 =	vld [tilespmem:$0x1260]  }
0x181: {  	v35 =	vld [tilespmem:$0xB860]  }
0x182: {  	v33 =	vld [tilespmem:$0x1460]  }
0x183: {  	v38 =	vld [tilespmem:$0xA70]  }
0x184: {  	v36 =	vld [tilespmem:$0xE70]  }
0x185: {  	v40 =	vld [tilespmem:$0xC70]  }
0x186: {  	v37 =	vld [tilespmem:$0x1070]  }
0x187: {  	v42 =	vld [tilespmem:$0xB670]  }
0x188: {  	v39 =	vld [tilespmem:$0x1270]  }
0x189: {  	v44 =	vld [tilespmem:$0xB870]  }
0x18a: {  	v41 =	vld [tilespmem:$0x1470]  }
0x18b: {  	v48 =	vld [tilespmem:$0xA80]  }
0x18c: {  	v45 =	vld [tilespmem:$0xE80]  }
0x18d: {  	v50 =	vld [tilespmem:$0xC80]  }
0x18e: {  	v47 =	vld [tilespmem:$0x1080]  }
0x18f: {  	v52 =	vld [tilespmem:$0xB680]  }
0x190: {  	v49 =	vld [tilespmem:$0x1280]  }
0x191: {  	v60 =	vld [tilespmem:$0xB890];
	_ =	sdelay $0x4  }
0x192: {  	[tilespmem:$0x1FAD0] =	vst v60;
	v60 =	vld [tilespmem:$0x1490];
	_ =	sdelay $0x4  }
0x193: {  	[tilespmem:$0x1FAE0] =	vst v60;
	v60 =	vld [tilespmem:$0xAA0];
	_ =	sdelay $0x4  }
0x194: {  	[tilespmem:$0x1FAF0] =	vst v60;
	v60 =	vld [tilespmem:$0xEA0];
	_ =	sdelay $0x4  }
0x195: {  	[tilespmem:$0x1FB00] =	vst v60;
	v60 =	vld [tilespmem:$0xCA0];
	_ =	sdelay $0x4  }
0x196: {  	[tilespmem:$0x1FB10] =	vst v60;
	v60 =	vld [tilespmem:$0x10A0];
	_ =	sdelay $0x4  }
0x197: {  	[tilespmem:$0x1FB20] =	vst v60;
	v60 =	vld [tilespmem:$0xB6A0];
	_ =	sdelay $0x4  }
0x198: {  	[tilespmem:$0x1FB30] =	vst v60;
	v60 =	vld [tilespmem:$0x12A0];
	_ =	sdelay $0x4  }
0x199: {  	[tilespmem:$0x1FB40] =	vst v60;
	v60 =	vld [tilespmem:$0xB8A0];
	_ =	sdelay $0x4  }
0x19a: {  	[tilespmem:$0x1FB50] =	vst v60;
	v60 =	vld [tilespmem:$0x14A0];
	_ =	sdelay $0x4  }
0x19b: {  	[tilespmem:$0x1FB60] =	vst v60;
	v60 =	vld [tilespmem:$0xAB0];
	_ =	sdelay $0x4  }
0x19c: {  	[tilespmem:$0x1FB70] =	vst v60;
	v60 =	vld [tilespmem:$0xEB0];
	_ =	sdelay $0x4  }
0x19d: {  	[tilespmem:$0x1FB80] =	vst v60;
	v60 =	vld [tilespmem:$0xCB0];
	_ =	sdelay $0x4  }
0x19e: {  	[tilespmem:$0x1FB90] =	vst v60;
	v60 =	vld [tilespmem:$0x10B0];
	_ =	sdelay $0x4  }
0x19f: {  	[tilespmem:$0x1FBA0] =	vst v60;
	v60 =	vld [tilespmem:$0xB6B0];
	_ =	sdelay $0x4  }
0x1a0: {  	[tilespmem:$0x1FBB0] =	vst v60;
	v60 =	vld [tilespmem:$0x12B0];
	_ =	sdelay $0x4  }
0x1a1: {  	[tilespmem:$0x1FBC0] =	vst v60;
	v60 =	vld [tilespmem:$0xB8B0];
	_ =	sdelay $0x4  }
0x1a2: {  	[tilespmem:$0x1FBD0] =	vst v60;
	v60 =	vld [tilespmem:$0x14B0];
	_ =	sdelay $0x4  }
0x1a3: {  	[tilespmem:$0x1FBE0] =	vst v60;
	v60 =	vld [tilespmem:$0xAC0];
	_ =	sdelay $0x4  }
0x1a4: {  	[tilespmem:$0x1FBF0] =	vst v60;
	v60 =	vld [tilespmem:$0xEC0];
	_ =	sdelay $0x4  }
0x1a5: {  	[tilespmem:$0x1FC00] =	vst v60;
	v60 =	vld [tilespmem:$0xCC0];
	_ =	sdelay $0x4  }
0x1a6: {  	[tilespmem:$0x1FC10] =	vst v60;
	v60 =	vld [tilespmem:$0x10C0];
	_ =	sdelay $0x4  }
0x1a7: {  	[tilespmem:$0x1FC20] =	vst v60;
	v60 =	vld [tilespmem:$0xB6C0];
	_ =	sdelay $0x4  }
0x1a8: {  	[tilespmem:$0x1FC30] =	vst v60;
	v60 =	vld [tilespmem:$0x12C0];
	_ =	sdelay $0x4  }
0x1a9: {  	[tilespmem:$0x1FC40] =	vst v60;
	v60 =	vld [tilespmem:$0xB8C0];
	_ =	sdelay $0x4  }
0x1aa: {  	[tilespmem:$0x1FC50] =	vst v60;
	v60 =	vld [tilespmem:$0x14C0];
	_ =	sdelay $0x4  }
0x1ab: {  	[tilespmem:$0x1FC60] =	vst v60;
	v60 =	vld [tilespmem:$0xAD0];
	_ =	sdelay $0x4  }
0x1ac: {  	[tilespmem:$0x1FC70] =	vst v60;
	v60 =	vld [tilespmem:$0xED0];
	_ =	sdelay $0x4  }
0x1ad: {  	[tilespmem:$0x1FC80] =	vst v60;
	v60 =	vld [tilespmem:$0xCD0];
	_ =	sdelay $0x4  }
0x1ae: {  	[tilespmem:$0x1FC90] =	vst v60;
	v60 =	vld [tilespmem:$0x10D0];
	_ =	sdelay $0x1  }
0x1af: {  	v53 =	vld [tilespmem:$0xB880]  }
0x1b0: {  	v51 =	vld [tilespmem:$0x1480]  }
0x1b1: {  	v57 =	vld [tilespmem:$0xA90]  }
0x1b2: {  	[tilespmem:$0x1FCA0] =	vst v60;
	v60 =	vld [tilespmem:$0xB6D0]  }
0x1b3: {  	v54 =	vld [tilespmem:$0xE90]  }
0x1b4: {  	v59 =	vld [tilespmem:$0xC90]  }
0x1b5: {  	v56 =	vld [tilespmem:$0x1090]  }
0x1b6: {  	v61 =	vld [tilespmem:$0xB690]  }
0x1b7: {  	[tilespmem:$0x1FCB0] =	vst v60;
	v60 =	vld [tilespmem:$0x12D0]  }
0x1b8: {  	v58 =	vld [tilespmem:$0x1290];
	vm15 =	veq.s32 v0, $0x0  }
0x1b9: {  	v0 =	vsel vm15, v2, v1;
	v1 =	vld [tilespmem:$0x1320]  }
0x1ba: {  	v6 =	vsel vm15, v6, v5;
	v5 =	vsel vm15, v8, v7;
	v8 =	vld [tilespmem:$0xF30]  }
0x1bb: {  	v7 =	vsel vm15, v10, v9;
	v10 =	vld [tilespmem:$0xD30]  }
0x1bc: {  	[tilespmem:$0x1FCC0] =	vst v60;
	v60 =	vld [tilespmem:$0xB8D0]  }
0x1bd: {  	v9 =	vsel vm15, v12, v11;
	v12 =	vld [tilespmem:$0x1130]  }
0x1be: {  	v11 =	vsel vm15, v14, v13;
	v14 =	vld [tilespmem:$0xB730]  }
0x1bf: {  	v13 =	vsel vm15, v16, v15;
	v16 =	vld [tilespmem:$0x1330]  }
0x1c0: {  	v15 =	vsel vm15, v18, v17;
	v18 =	vld [tilespmem:$0xB930]  }
0x1c1: {  	[tilespmem:$0x1FCD0] =	vst v60;
	v60 =	vld [tilespmem:$0x14D0]  }
0x1c2: {  	v17 =	vsel vm15, v20, v19;
	v20 =	vld [tilespmem:$0x1530]  }
0x1c3: {  	v19 =	vsel vm15, v22, v21;
	v22 =	vld [tilespmem:$0xB40]  }
0x1c4: {  	v21 =	vsel vm15, v24, v23;
	v24 =	vld [tilespmem:$0xF40]  }
0x1c5: {  	v23 =	vsel vm15, v26, v25;
	v25 =	vsel vm15, v55, v27;
	v55 =	vld [tilespmem:$0xD40]  }
0x1c6: {  	[tilespmem:$0x1FCE0] =	vst v60;
	v60 =	vld [tilespmem:$0xAE0]  }
0x1c7: {  	v26 =	vsel vm15, v62, v28;
	v62 =	vld [tilespmem:$0x1140]  }
0x1c8: {  	v27 =	vsel vm15, v63, v29;
	v63 =	vld [tilespmem:$0xB740]  }
0x1c9: {  	v28 =	vsel vm15, v46, v30;
	v46 =	vld [tilespmem:$0x1340]  }
0x1ca: {  	v29 =	vsel vm15, v43, v31;
	v43 =	vld [tilespmem:$0xB940]  }
0x1cb: {  	[tilespmem:$0x1FCF0] =	vst v60;
	v60 =	vld [tilespmem:$0xEE0]  }
0x1cc: {  	v30 =	vsel vm15, v34, v32;
	v34 =	vld [tilespmem:$0x1540];
	[tilespmem:$0xB220] =	vst v0  }
0x1cd: {  	v31 =	vsel vm15, v35, v33;
	v35 =	vld [tilespmem:$0xB50];
	[tilespmem:$0xB620] =	vst v6  }
0x1ce: {  	v2 =	vld [tilespmem:$0xF60];
	[tilespmem:$0xB820] =	vst v5  }
0x1cf: {  	v0 =	vsel vm15, v4, v3;
	v4 =	vld [tilespmem:$0xB920];
	[tilespmem:$0xB230] =	vst v7  }
0x1d0: {  	[tilespmem:$0x1FD00] =	vst v60;
	v60 =	vld [tilespmem:$0xCE0]  }
0x1d1: {  	v6 =	vld [tilespmem:$0xB30];
	[tilespmem:$0xB430] =	vst v9  }
0x1d2: {  	[tilespmem:$0xB650] =	vst v26;
	v26 =	vld [tilespmem:$0xF50]  }
0x1d3: {  	[tilespmem:$0xB250] =	vst v23;
	v23 =	vld [tilespmem:$0xD50]  }
0x1d4: {  	[tilespmem:$0xB240] =	vst v15;
	v15 =	vld [tilespmem:$0xB750]  }
0x1d5: {  	[tilespmem:$0x1FD10] =	vst v60;
	v60 =	vld [tilespmem:$0x10E0]  }
0x1d6: {  	[tilespmem:$0xB630] =	vst v11;
	v3 =	vld [tilespmem:$0xB950]  }
0x1d7: {  	[tilespmem:$0xB440] =	vst v17;
	v5 =	vld [tilespmem:$0x1160]  }
0x1d8: {  	[tilespmem:$0xB640] =	vst v19;
	v17 =	vld [tilespmem:$0x1FAD0]  }
0x1d9: {  	[tilespmem:$0xB840] =	vst v21;
	v7 =	vld [tilespmem:$0xB760]  }
0x1da: {  	[tilespmem:$0x1FD20] =	vst v60;
	v60 =	vld [tilespmem:$0xB6E0]  }
0x1db: {  	[tilespmem:$0xB420] =	vst v0;
	v0 =	vld [tilespmem:$0x1550]  }
0x1dc: {  	[tilespmem:$0x1FFA0] =	vst v14;
	v14 =	vld [tilespmem:$0x1150]  }
0x1dd: {  	[tilespmem:$0x1FF30] =	vst v1;
	v1 =	vld [tilespmem:$0xB60]  }
0x1de: {  	[tilespmem:$0x1FFC0] =	vst v18;
	v18 =	vld [tilespmem:$0x1FAE0]  }
0x1df: {  	[tilespmem:$0x1FD30] =	vst v60;
	v60 =	vld [tilespmem:$0x12E0]  }
0x1e0: {  	[tilespmem:$0x1FF40] =	vst v4;
	v4 =	vld [tilespmem:$0x1520]  }
0x1e1: {  	[tilespmem:$0x1FF60] =	vst v6;
	v6 =	vld [tilespmem:$0x1350]  }
0x1e2: {  	[tilespmem:$0xB450] =	vst v25;
	v0 =	vsel vm15, v3, v0;
	v3 =	vld [tilespmem:$0xB7C0]  }
0x1e3: {  	[tilespmem:$0xB850] =	vst v27;
	v19 =	vld [tilespmem:$0x1FAF0]  }
0x1e4: {  	[tilespmem:$0x1FD40] =	vst v60;
	v60 =	vld [tilespmem:$0xB8E0]  }
0x1e5: {  	[tilespmem:$0x1FF50] =	vst v4;
	v4 =	vld [tilespmem:$0xD60]  }
0x1e6: {  	[tilespmem:$0x1FF70] =	vst v8;
	v8 =	vsel vm15, v17, v18;
	v14 =	vsel vm15, v23, v14;
	v23 =	vld [tilespmem:$0xC00]  }
0x1e7: {  	[tilespmem:$0xB890] =	vst v8;
	v8 =	vld [tilespmem:$0x1360]  }
0x1e8: {  	[tilespmem:$0x1FFD0] =	vst v20;
	v20 =	vld [tilespmem:$0x1FB00]  }
0x1e9: {  	v6 =	vsel vm15, v15, v6;
	[tilespmem:$0x1FD50] =	vst v60;
	v60 =	vld [tilespmem:$0x14E0]  }
0x1ea: {  	v9 =	vsel vm15, v50, v47;
	[tilespmem:$0xB750] =	vst v6;
	v6 =	vsel vm15, v4, v5;
	v4 =	vld [tilespmem:$0x15C0]  }
0x1eb: {  	[tilespmem:$0xB480] =	vst v9;
	v5 =	vld [tilespmem:$0xBD0]  }
0x1ec: {  	[tilespmem:$0x1FF80] =	vst v10;
	v8 =	vsel vm15, v7, v8;
	v7 =	vld [tilespmem:$0xDD0]  }
0x1ed: {  	[tilespmem:$0x1FFE0] =	vst v22;
	v21 =	vld [tilespmem:$0x1FB10]  }
0x1ee: {  	[tilespmem:$0x1FD60] =	vst v60;
	v60 =	vld [tilespmem:$0xAF0]  }
0x1ef: {  	[tilespmem:$0x1FFF0] =	vst v24;
	v22 =	vld [tilespmem:$0x1FB20]  }
0x1f0: {  	[tilespmem:$0xB560] =	vst v6;
	v6 =	vld [tilespmem:$0xFD0]  }
0x1f1: {  	[tilespmem:$0xB760] =	vst v8;
	v8 =	vld [tilespmem:$0x11D0];
	v9 =	vsel vm15, v19, v20  }
0x1f2: {  	[tilespmem:$0xB2A0] =	vst v9;
	v9 =	vld [tilespmem:$0xB960]  }
0x1f3: {  	v10 =	vsel vm15, v52, v49;
	[tilespmem:$0x1FD70] =	vst v60;
	v60 =	vld [tilespmem:$0xEF0]  }
0x1f4: {  	[tilespmem:$0xB680] =	vst v10;
	v10 =	vsel vm15, v21, v22;
	v24 =	vld [tilespmem:$0x1FB30]  }
0x1f5: {  	[tilespmem:$0xB4A0] =	vst v10;
	v10 =	vld [tilespmem:$0x1560]  }
0x1f6: {  	[tilespmem:$0xB260] =	vst v28;
	v25 =	vld [tilespmem:$0x1FB40]  }
0x1f7: {  	[tilespmem:$0xB460] =	vst v29;
	v27 =	vld [tilespmem:$0x1FB50]  }
0x1f8: {  	v11 =	vsel vm15, v53, v51;
	[tilespmem:$0x1FD80] =	vst v60;
	v60 =	vld [tilespmem:$0xCF0]  }
0x1f9: {  	[tilespmem:$0xB880] =	vst v11;
	v28 =	vld [tilespmem:$0x1FB60]  }
0x1fa: {  	[tilespmem:$0x1FF90] =	vst v12;
	v10 =	vsel vm15, v9, v10;
	v9 =	vld [tilespmem:$0xB7D0]  }
0x1fb: {  	[tilespmem:$0xB960] =	vst v10;
	v10 =	vld [tilespmem:$0x13D0];
	v11 =	vsel vm15, v24, v25  }
0x1fc: {  	[tilespmem:$0xB6A0] =	vst v11;
	v11 =	vld [tilespmem:$0xB70]  }
0x1fd: {  	v12 =	vsel vm15, v57, v54;
	[tilespmem:$0x1FD90] =	vst v60;
	v60 =	vld [tilespmem:$0x10F0]  }
0x1fe: {  	[tilespmem:$0xB290] =	vst v12;
	v12 =	vsel vm15, v27, v28;
	v29 =	vld [tilespmem:$0x1FB70]  }
0x1ff: {  	[tilespmem:$0xB8A0] =	vst v12;
	v12 =	vld [tilespmem:$0xF70]  }
0x200: {  	v27 =	vld [tilespmem:$0x1180]  }
0x201: {  	v28 =	vld [tilespmem:$0xB780]  }
0x202: {  	[tilespmem:$0x1FDA0] =	vst v60;
	v60 =	vld [tilespmem:$0xB6F0]  }
0x203: {  	[tilespmem:$0xB660] =	vst v30;
	v30 =	vld [tilespmem:$0x1FB80]  }
0x204: {  	v15 =	vsel vm15, v11, v12;
	v11 =	vld [tilespmem:$0xB9D0]  }
0x205: {  	[tilespmem:$0xB830] =	vst v13;
	v12 =	vld [tilespmem:$0x15D0]  }
0x206: {  	[tilespmem:$0xB370] =	vst v15;
	v15 =	vld [tilespmem:$0xFE0]  }
0x207: {  	[tilespmem:$0x1FDB0] =	vst v60;
	v60 =	vld [tilespmem:$0x12F0]  }
0x208: {  	[tilespmem:$0xB860] =	vst v31;
	v13 =	vsel vm15, v59, v56;
	v31 =	vld [tilespmem:$0x1FB90]  }
0x209: {  	[tilespmem:$0xB490] =	vst v13;
	v13 =	vsel vm15, v29, v30;
	v29 =	vld [tilespmem:$0x1380]  }
0x20a: {  	v32 =	vld [tilespmem:$0x1FBA0]  }
0x20b: {  	v30 =	vld [tilespmem:$0xB980]  }
0x20c: {  	[tilespmem:$0x1FDC0] =	vst v60;
	v60 =	vld [tilespmem:$0xB8F0]  }
0x20d: {  	[tilespmem:$0xB2B0] =	vst v13;
	v13 =	vld [tilespmem:$0xD70]  }
0x20e: {  	[tilespmem:$0x1FFB0] =	vst v16;
	v16 =	vsel vm15, v61, v58;
	v33 =	vld [tilespmem:$0x1FBB0]  }
0x20f: {  	[tilespmem:$0xB690] =	vst v16;
	v16 =	vsel vm15, v31, v32;
	v31 =	vld [tilespmem:$0x1580]  }
0x210: {  	v32 =	vld [tilespmem:$0xB90]  }
0x211: {  	[tilespmem:$0x1FDD0] =	vst v60;
	v60 =	vld [tilespmem:$0x14F0]  }
0x212: {  	[tilespmem:$0xB4B0] =	vst v16;
	v16 =	vld [tilespmem:$0x1170]  }
0x213: {  	v38 =	vsel vm15, v38, v36;
	v36 =	vld [tilespmem:$0x1FBC0]  }
0x214: {  	v31 =	vsel vm15, v30, v31;
	v30 =	vld [tilespmem:$0x1000]  }
0x215: {  	v40 =	vsel vm15, v40, v37;
	v37 =	vld [tilespmem:$0x1FBD0]  }
0x216: {  	[tilespmem:$0x1FDE0] =	vst v60;
	v60 =	vld [tilespmem:$0xB00]  }
0x217: {  	[tilespmem:$0xB270] =	vst v38;
	v38 =	vld [tilespmem:$0x1FBE0]  }
0x218: {  	v16 =	vsel vm15, v13, v16;
	v13 =	vld [tilespmem:$0xBE0]  }
0x219: {  	[tilespmem:$0xB570] =	vst v16;
	v16 =	vld [tilespmem:$0xDE0];
	v17 =	vsel vm15, v33, v36  }
0x21a: {  	[tilespmem:$0xB6B0] =	vst v17;
	v17 =	vld [tilespmem:$0xB770]  }
0x21b: {  	[tilespmem:$0x1FDF0] =	vst v60;
	v60 =	vld [tilespmem:$0xF00]  }
0x21c: {  	v42 =	vsel vm15, v42, v39;
	v18 =	vsel vm15, v37, v38;
	v39 =	vld [tilespmem:$0x1FBF0]  }
0x21d: {  	[tilespmem:$0xB8B0] =	vst v18;
	v18 =	vld [tilespmem:$0x1370]  }
0x21e: {  	[tilespmem:$0xB470] =	vst v40;
	v40 =	vld [tilespmem:$0x1FC00]  }
0x21f: {  	v44 =	vsel vm15, v44, v41;
	v41 =	vld [tilespmem:$0x1FC10]  }
0x220: {  	[tilespmem:$0x1FE00] =	vst v60;
	v60 =	vld [tilespmem:$0xD00]  }
0x221: {  	[tilespmem:$0xB670] =	vst v42;
	v42 =	vld [tilespmem:$0x1FC20]  }
0x222: {  	v18 =	vsel vm15, v17, v18;
	v17 =	vld [tilespmem:$0x11E0]  }
0x223: {  	[tilespmem:$0xB770] =	vst v18;
	v18 =	vld [tilespmem:$0xB7E0];
	v19 =	vsel vm15, v39, v40  }
0x224: {  	[tilespmem:$0xB2C0] =	vst v19;
	v19 =	vld [tilespmem:$0xB970]  }
0x225: {  	[tilespmem:$0x1FE10] =	vst v60;
	v60 =	vld [tilespmem:$0x1100]  }
0x226: {  	[tilespmem:$0xB870] =	vst v44;
	v20 =	vsel vm15, v41, v42;
	v44 =	vld [tilespmem:$0x1FC30]  }
0x227: {  	[tilespmem:$0xB4C0] =	vst v20;
	v20 =	vld [tilespmem:$0x1570]  }
0x228: {  	v48 =	vsel vm15, v48, v45;
	v45 =	vld [tilespmem:$0x1FC40]  }
0x229: {  	v47 =	vld [tilespmem:$0x1FC50]  }
0x22a: {  	[tilespmem:$0x1FE20] =	vst v60;
	v60 =	vld [tilespmem:$0xB700]  }
0x22b: {  	[tilespmem:$0xB280] =	vst v48;
	v48 =	vld [tilespmem:$0x1FC60]  }
0x22c: {  	v49 =	vld [tilespmem:$0x1FC70]  }
0x22d: {  	v50 =	vld [tilespmem:$0x1FC80]  }
0x22e: {  	v51 =	vld [tilespmem:$0x1FC90]  }
0x22f: {  	[tilespmem:$0x1FE30] =	vst v60;
	v60 =	vld [tilespmem:$0x1300]  }
0x230: {  	v52 =	vld [tilespmem:$0x1FCA0]  }
0x231: {  	v53 =	vld [tilespmem:$0x1FCB0]  }
0x232: {  	v54 =	vld [tilespmem:$0x1FCC0]  }
0x233: {  	v56 =	vld [tilespmem:$0x1FCD0]  }
0x234: {  	[tilespmem:$0x1FE40] =	vst v60;
	v60 =	vld [tilespmem:$0xB900]  }
0x235: {  	v57 =	vld [tilespmem:$0x1FCE0]  }
0x236: {  	v58 =	vld [tilespmem:$0x1FCF0]  }
0x237: {  	v21 =	vsel vm15, v44, v45;
	v59 =	vld [tilespmem:$0x1FD00]  }
0x238: {  	[tilespmem:$0xB6C0] =	vst v21;
	v61 =	vld [tilespmem:$0x1FD10]  }
0x239: {  	v22 =	vsel vm15, v47, v48;
	[tilespmem:$0x1FE50] =	vst v60;
	v60 =	vld [tilespmem:$0x1500]  }
0x23a: {  	[tilespmem:$0xB8C0] =	vst v22;
	v24 =	vsel vm15, v49, v50;
	v33 =	vld [tilespmem:$0x1FD20]  }
0x23b: {  	[tilespmem:$0xB2D0] =	vst v24;
	v25 =	vsel vm15, v51, v52;
	v36 =	vld [tilespmem:$0x1FD30]  }
0x23c: {  	[tilespmem:$0xB4D0] =	vst v25;
	v25 =	vsel vm15, v53, v54;
	v37 =	vld [tilespmem:$0x1FD40]  }
0x23d: {  	v21 =	vld [tilespmem:$0xB80];
	[tilespmem:$0xB6D0] =	vst v25  }
0x23e: {  	v25 =	vsel vm15, v56, v57;
	[tilespmem:$0x1FE60] =	vst v60;
	v60 =	vld [tilespmem:$0xB10]  }
0x23f: {  	v22 =	vld [tilespmem:$0xF80];
	[tilespmem:$0xB8D0] =	vst v25;
	v25 =	vsel vm15, v58, v59  }
0x240: {  	v24 =	vld [tilespmem:$0xD80];
	[tilespmem:$0xB2E0] =	vst v25;
	v25 =	vsel vm15, v61, v33  }
0x241: {  	[tilespmem:$0xB4E0] =	vst v25;
	v25 =	vsel vm15, v36, v37;
	v36 =	vld [tilespmem:$0xD90]  }
0x242: {  	v37 =	vld [tilespmem:$0x1190]  }
0x243: {  	[tilespmem:$0x1FE70] =	vst v60;
	v60 =	vld [tilespmem:$0xF10]  }
0x244: {  	v38 =	vld [tilespmem:$0x1FD50]  }
0x245: {  	v39 =	vld [tilespmem:$0x1FD60]  }
0x246: {  	v33 =	vld [tilespmem:$0xF90]  }
0x247: {  	v37 =	vsel vm15, v36, v37;
	v36 =	vld [tilespmem:$0xB800]  }
0x248: {  	[tilespmem:$0x1FE80] =	vst v60;
	v60 =	vld [tilespmem:$0xD10]  }
0x249: {  	v40 =	vld [tilespmem:$0x1FD70]  }
0x24a: {  	[tilespmem:$0xB6E0] =	vst v25;
	v25 =	vsel vm15, v38, v39;
	v38 =	vld [tilespmem:$0xB790]  }
0x24b: {  	v41 =	vld [tilespmem:$0x1FD80]  }
0x24c: {  	v42 =	vld [tilespmem:$0x1FD90]  }
0x24d: {  	[tilespmem:$0x1FE90] =	vst v60;
	v60 =	vld [tilespmem:$0x1110]  }
0x24e: {  	v44 =	vld [tilespmem:$0x1FDA0]  }
0x24f: {  	v39 =	vld [tilespmem:$0x1390]  }
0x250: {  	[tilespmem:$0xB8E0] =	vst v25;
	v25 =	vsel vm15, v40, v41;
	v40 =	vld [tilespmem:$0xB990]  }
0x251: {  	v41 =	vld [tilespmem:$0x1590]  }
0x252: {  	[tilespmem:$0x1FEA0] =	vst v60;
	v60 =	vld [tilespmem:$0xB710]  }
0x253: {  	[tilespmem:$0xB2F0] =	vst v25;
	v25 =	vsel vm15, v42, v44;
	v42 =	vld [tilespmem:$0xBA0]  }
0x254: {  	v38 =	vsel vm15, v38, v39;
	v44 =	vld [tilespmem:$0xFA0]  }
0x255: {  	[tilespmem:$0xB790] =	vst v38;
	v38 =	vld [tilespmem:$0x1400]  }
0x256: {  	v45 =	vld [tilespmem:$0x1FDB0]  }
0x257: {  	[tilespmem:$0x1FEB0] =	vst v60;
	v60 =	vld [tilespmem:$0x1310]  }
0x258: {  	v47 =	vld [tilespmem:$0x1FDC0]  }
0x259: {  	v39 =	vsel vm15, v40, v41;
	v41 =	vld [tilespmem:$0x13E0];
	v40 =	vsel vm15, v42, v44  }
0x25a: {  	[tilespmem:$0xB3A0] =	vst v40;
	v40 =	vld [tilespmem:$0xBA00]  }
0x25b: {  	v48 =	vld [tilespmem:$0x1FDD0]  }
0x25c: {  	[tilespmem:$0x1FEC0] =	vst v60;
	v60 =	vld [tilespmem:$0xB910]  }
0x25d: {  	[tilespmem:$0xB4F0] =	vst v25;
	v25 =	vsel vm15, v45, v47;
	v45 =	vld [tilespmem:$0xDA0]  }
0x25e: {  	v47 =	vld [tilespmem:$0x11A0]  }
0x25f: {  	v49 =	vld [tilespmem:$0x1FDE0]  }
0x260: {  	v50 =	vld [tilespmem:$0x1FDF0]  }
0x261: {  	[tilespmem:$0x1FED0] =	vst v60;
	v60 =	vld [tilespmem:$0x1510]  }
0x262: {  	v51 =	vld [tilespmem:$0x1FE00]  }
0x263: {  	v52 =	vld [tilespmem:$0x1FE10]  }
0x264: {  	v53 =	vld [tilespmem:$0x1FE20]  }
0x265: {  	v54 =	vld [tilespmem:$0x1FE30]  }
0x266: {  	[tilespmem:$0x1FEE0] =	vst v60;
	v60 =	vld [tilespmem:$0xB20]  }
0x267: {  	v56 =	vld [tilespmem:$0x1FE40]  }
0x268: {  	v57 =	vld [tilespmem:$0x1FE50]  }
0x269: {  	[tilespmem:$0xB6F0] =	vst v25;
	v42 =	vsel vm15, v45, v47;
	v58 =	vld [tilespmem:$0x1FE60]  }
0x26a: {  	[tilespmem:$0xB5A0] =	vst v42;
	v59 =	vld [tilespmem:$0x1FE70]  }
0x26b: {  	v25 =	vsel vm15, v48, v49;
	[tilespmem:$0x1FEF0] =	vst v60;
	v60 =	vld [tilespmem:$0xF20]  }
0x26c: {  	[tilespmem:$0xB8F0] =	vst v25;
	v25 =	vsel vm15, v50, v51;
	v61 =	vld [tilespmem:$0x1FE80]  }
0x26d: {  	v45 =	vld [tilespmem:$0x15E0];
	[tilespmem:$0xB300] =	vst v25;
	v25 =	vsel vm15, v52, v53  }
0x26e: {  	v42 =	vld [tilespmem:$0x1600];
	[tilespmem:$0xB500] =	vst v25;
	v25 =	vsel vm15, v54, v56  }
0x26f: {  	[tilespmem:$0xB700] =	vst v25;
	v48 =	vld [tilespmem:$0x1FE90]  }
0x270: {  	v25 =	vsel vm15, v57, v58;
	[tilespmem:$0x1FF00] =	vst v60;
	v60 =	vld [tilespmem:$0xD20]  }
0x271: {  	[tilespmem:$0xB900] =	vst v25;
	v25 =	vsel vm15, v59, v61;
	v59 =	vld [tilespmem:$0x1FF30]  }
0x272: {  	v49 =	vld [tilespmem:$0x1FEA0]  }
0x273: {  	v50 =	vld [tilespmem:$0x1FEB0]  }
0x274: {  	v51 =	vld [tilespmem:$0x1FEC0]  }
0x275: {  	[tilespmem:$0x1FF10] =	vst v60;
	v60 =	vld [tilespmem:$0x1120]  }
0x276: {  	v52 =	vld [tilespmem:$0x1FED0]  }
0x277: {  	v53 =	vld [tilespmem:$0x1FEE0]  }
0x278: {  	v54 =	vld [tilespmem:$0x1FEF0]  }
0x279: {  	[tilespmem:$0xB950] =	vst v0;
	v56 =	vld [tilespmem:$0x1FF00]  }
0x27a: {  	v57 =	vld [tilespmem:$0x1FF10];
	[tilespmem:$0x1FF20] =	vst v60  }
0x27b: {  	[tilespmem:$0xB550] =	vst v14;
	v58 =	vld [tilespmem:$0x1FF20]  }
0x27c: {  	v61 =	vld [tilespmem:$0x1FF40];
	[tilespmem:$0xB310] =	vst v25;
	v25 =	vsel vm15, v48, v49  }
0x27d: {  	[tilespmem:$0xB510] =	vst v25;
	v25 =	vsel vm15, v50, v51;
	v60 =	vld [tilespmem:$0xB720]  }
0x27e: {  	v48 =	vld [tilespmem:$0xB7A0];
	[tilespmem:$0xB710] =	vst v25;
	v25 =	vsel vm15, v52, v53  }
0x27f: {  	[tilespmem:$0xB910] =	vst v25;
	v25 =	vsel vm15, v54, v56;
	v56 =	vld [tilespmem:$0x1FF50]  }
0x280: {  	v29 =	vsel vm15, v28, v29;
	[tilespmem:$0xB320] =	vst v25;
	v25 =	vsel vm15, v57, v58;
	v57 =	vld [tilespmem:$0x1FF60]  }
0x281: {  	[tilespmem:$0xB780] =	vst v29;
	v58 =	vld [tilespmem:$0x1FF70]  }
0x282: {  	v29 =	vsel vm15, v5, v6;
	[tilespmem:$0xB520] =	vst v25;
	v25 =	vsel vm15, v60, v59;
	v59 =	vld [tilespmem:$0x1FF80]  }
0x283: {  	[tilespmem:$0xB3D0] =	vst v29;
	v60 =	vld [tilespmem:$0x1FF90]  }
0x284: {  	[tilespmem:$0xB980] =	vst v31;
	v31 =	vsel vm15, v7, v8;
	v49 =	vld [tilespmem:$0x13A0]  }
0x285: {  	[tilespmem:$0xB5D0] =	vst v31;
	v50 =	vld [tilespmem:$0xB9A0]  }
0x286: {  	v51 =	vld [tilespmem:$0x15A0];
	[tilespmem:$0xB720] =	vst v25;
	v25 =	vsel vm15, v61, v56  }
0x287: {  	v61 =	vld [tilespmem:$0x1FFA0];
	[tilespmem:$0xB920] =	vst v25;
	v25 =	vsel vm15, v57, v58  }
0x288: {  	v20 =	vsel vm15, v19, v20;
	[tilespmem:$0xB330] =	vst v25;
	v25 =	vsel vm15, v59, v60;
	v60 =	vld [tilespmem:$0x1FFB0]  }
0x289: {  	[tilespmem:$0xB970] =	vst v20;
	v27 =	vsel vm15, v24, v27;
	v52 =	vld [tilespmem:$0xBB0]  }
0x28a: {  	[tilespmem:$0xB580] =	vst v27;
	v53 =	vld [tilespmem:$0xFB0]  }
0x28b: {  	[tilespmem:$0xB590] =	vst v37;
	v37 =	vsel vm15, v13, v15;
	v54 =	vld [tilespmem:$0xDB0]  }
0x28c: {  	[tilespmem:$0xB3E0] =	vst v37;
	v56 =	vld [tilespmem:$0x11B0]  }
0x28d: {  	[tilespmem:$0xB530] =	vst v25;
	v25 =	vsel vm15, v61, v60;
	v61 =	vld [tilespmem:$0x1FFC0]  }
0x28e: {  	[tilespmem:$0xB990] =	vst v39;
	v39 =	vsel vm15, v16, v17;
	v60 =	vld [tilespmem:$0x1FFD0]  }
0x28f: {  	[tilespmem:$0xB5E0] =	vst v39;
	v41 =	vsel vm15, v18, v41;
	v57 =	vld [tilespmem:$0xB7B0]  }
0x290: {  	[tilespmem:$0xB7E0] =	vst v41;
	v44 =	vsel vm15, v48, v49;
	v58 =	vld [tilespmem:$0x13B0]  }
0x291: {  	[tilespmem:$0xB7A0] =	vst v44;
	v47 =	vsel vm15, v50, v51;
	v49 =	vsel vm15, v52, v53;
	v52 =	vld [tilespmem:$0xDF0]  }
0x292: {  	[tilespmem:$0xB9A0] =	vst v47;
	v51 =	vsel vm15, v54, v56;
	v54 =	vld [tilespmem:$0x11F0]  }
0x293: {  	[tilespmem:$0xB730] =	vst v25;
	v25 =	vsel vm15, v61, v60;
	v61 =	vld [tilespmem:$0x1FFE0]  }
0x294: {  	[tilespmem:$0xB3B0] =	vst v49;
	v60 =	vld [tilespmem:$0x1FFF0]  }
0x295: {  	v48 =	vld [tilespmem:$0xBF0];
	[tilespmem:$0xB5B0] =	vst v51;
	v53 =	vsel vm15, v57, v58  }
0x296: {  	v44 =	vld [tilespmem:$0xC10];
	[tilespmem:$0xB7B0] =	vst v53;
	v53 =	vsel vm15, v23, v30  }
0x297: {  	v50 =	vld [tilespmem:$0xFF0];
	v47 =	vsel vm15, v52, v54;
	[tilespmem:$0xB400] =	vst v53  }
0x298: {  	v59 =	vld [tilespmem:$0xFC0];
	[tilespmem:$0xB5F0] =	vst v47  }
0x299: {  	v57 =	vld [tilespmem:$0xB7F0];
	[tilespmem:$0xB930] =	vst v25;
	v25 =	vsel vm15, v61, v60  }
0x29a: {  	v52 =	vld [tilespmem:$0xB810];
	v61 =	vsel vm15, v55, v62;
	[tilespmem:$0xB340] =	vst v25  }
0x29b: {  	v54 =	vld [tilespmem:$0x1410];
	v62 =	vsel vm15, v63, v46;
	[tilespmem:$0xB540] =	vst v61  }
0x29c: {  	v55 =	vld [tilespmem:$0xB9B0];
	v63 =	vsel vm15, v43, v34;
	[tilespmem:$0xB740] =	vst v62  }
0x29d: {  	v46 =	vld [tilespmem:$0x15B0];
	v43 =	vsel vm15, v35, v26;
	[tilespmem:$0xB940] =	vst v63  }
0x29e: {  	v34 =	vld [tilespmem:$0xBC0];
	v35 =	vsel vm15, v32, v33;
	[tilespmem:$0xB350] =	vst v43  }
0x29f: {  	v60 =	vld [tilespmem:$0xDC0];
	v33 =	vsel vm15, v9, v10;
	[tilespmem:$0xB390] =	vst v35  }
0x2a0: {  	v61 =	vld [tilespmem:$0x11C0];
	v62 =	vsel vm15, v1, v2;
	[tilespmem:$0xB7D0] =	vst v33  }
0x2a1: {  	v63 =	vld [tilespmem:$0x13C0];
	v25 =	vsel vm15, v21, v22;
	[tilespmem:$0xB360] =	vst v62  }
0x2a2: {  	v2 =	vld [tilespmem:$0xB9C0];
	v35 =	vsel vm15, v11, v12;
	[tilespmem:$0xB380] =	vst v25  }
0x2a3: {  	v43 =	vld [tilespmem:$0xB9E0];
	[tilespmem:$0xB9D0] =	vst v35;
	v56 =	vsel vm15, v55, v46  }
0x2a4: {  	v32 =	vld [tilespmem:$0xE00];
	v58 =	vsel vm15, v34, v59;
	[tilespmem:$0xB9B0] =	vst v56  }
0x2a5: {  	v59 =	vld [tilespmem:$0x13F0];
	[tilespmem:$0xB3C0] =	vst v58;
	v60 =	vsel vm15, v60, v61  }
0x2a6: {  	v34 =	vld [tilespmem:$0x1200];
	v62 =	vsel vm15, v3, v63;
	[tilespmem:$0xB5C0] =	vst v60  }
0x2a7: {  	v46 =	vld [tilespmem:$0x1010];
	v4 =	vsel vm15, v2, v4;
	[tilespmem:$0xB7C0] =	vst v62  }
0x2a8: {  	v61 =	vld [tilespmem:$0xB9F0];
	v43 =	vsel vm15, v43, v45;
	[tilespmem:$0xB9C0] =	vst v4  }
0x2a9: {  	v63 =	vld [tilespmem:$0x15F0];
	v45 =	vsel vm15, v48, v50;
	[tilespmem:$0xB9E0] =	vst v43  }
0x2aa: {  	v48 =	vld [tilespmem:$0xE10];
	[tilespmem:$0xB3F0] =	vst v45;
	v62 =	vsel vm15, v52, v54  }
0x2ab: {  	v50 =	vld [tilespmem:$0x1210];
	[tilespmem:$0xB810] =	vst v62;
	v49 =	vsel vm15, v57, v59  }
0x2ac: {  	v56 =	vld [tilespmem:$0xBA10];
	v55 =	vsel vm15, v32, v34;
	[tilespmem:$0xB7F0] =	vst v49  }
0x2ad: {  	v58 =	vld [tilespmem:$0x1610];
	v57 =	vsel vm15, v36, v38;
	[tilespmem:$0xB600] =	vst v55  }
0x2ae: {  	v59 =	vsel vm15, v40, v42;
	[tilespmem:$0xB800] =	vst v57  }
0x2af: {  	v60 =	vsel vm15, v44, v46;
	[tilespmem:$0xBA00] =	vst v59  }
0x2b0: {  	v51 =	vsel vm15, v61, v63;
	[tilespmem:$0xB410] =	vst v60  }
0x2b1: {  	v61 =	vsel vm15, v48, v50;
	[tilespmem:$0xB9F0] =	vst v51  }
0x2b2: {  	p0 =	seq.s32 s24, $0x1F;
	v63 =	vsel vm15, v56, v58;
	[tilespmem:$0xB610] =	vst v61  }
.Ltmp2:
0x2b3: {  	s31 =	sadd.s32 $0x1340, s25;
	[tilespmem:$0xBA10] =	vst v63;
	(pc) =	sbr.rel @p0 .LBB2_4-.Ltmp2, $4  }
0x2b4: {  	[hbm4b:s31+s2] =	stream.linear.scatter [tilespmem:s17], [sflag:$0x4], $0x9A00, $0x38;
	[tilespmem:$0x14A20] =	vst v63  }
0x2b5: {  	_ =	swait.ge [sflag:s20], $0x9A00  }
0x2b6: {  	[sflag:s20] =	ssyncset.done $0x0  }
0x2b7: {  	[sflag:s20] =	ssyncadd.s32 $0xFFFF6600  }
0x2b8: {  	s26 =	sadd.s32 $0xFFFFFFB0, s23  }
0x2b9: {  	[tilespmem:s15], [sflag:$0x1] =	stream.indirect.gather [hbm4b:s3+s14], $0x200, s26, s14, $0xb8;
	[tilespmem:$0x14A20] =	vst v63  }
.Ltmp3:
0x2ba: {  	_ =	swait.ge [sflag:s21], $0x9A00;
	(pc) =	sbr.rel .LBB2_2-.Ltmp3, $4  }
0x2bb: {  	[sflag:s21] =	ssyncset.done $0x0  }
0x2bc: {  	[sflag:s21] =	ssyncadd.s32 $0xFFFF6600  }
0x2bd: {  	[tilespmem:s17], [sflag:$0x2] =	stream.indirect.gather [hbm4b:s3+s14], $0x200, s23, s14, $0xb8;
	[tilespmem:$0x14A20] =	vst v63  }
0x2be: {  	s25 =	sadd.s32 $0x2680, s25;
	s24 =	sadd.s32 $0x2, s24;
	s23 =	sadd.s32 $0xA0, s23  }
.LBB2_5:
0x2bf: {  	_ =	sfence.sel $0x180000  }
0x2c0: {  	[bflag:$0x0] =	sbarrier.arrive $0xFFFF  }
0x2c1: {  	p0 =	sne.s32 s0, $0x0;
	_ =	strace $0x9000004A  }
0x2c2: {  	s0 =	sadd.s32 @!p0 $0x100000, s1;
	[bflag:$0x2] =	sbarrier.arrive $0xFFFF  }
0x2c3: {  	[sflag:s0] =	ssyncadd.tile.s32 @!p0 $0x1;
	_ =	shalt  }
.Lfunc_end2:
_tile_overlayer_lowered:
.L_overlay_start_2:
0x2c4: {  	(tag) =	ssettag $0x2  }
0x2c5: {  	s0 =	rddreg [dreg:$0x0];
	s2 =	stileid.u32  }
0x2c6: {  	s1 =	rddreg [dreg:$0x1];
	p0 =	sne.s32 s2, $0x0  }
0x2c7: {  	s3 =	rddreg [dreg:$0x2];
	[bflag:$0x3] =	sbarrier.arrive $0xFFFF;
	s2 =	simm.s32 @!p0 $0x1C05  }
0x2c8: {  	[timem:s3], [sflag:s2] =	dma.local @!p0 [hbm:s0], s1  }
0x2c9: {  	s0 =	simm.s32 @!p0 $0x5  }
0x2ca: {  	_ =	swait.ge @!p0 [sflag:s0], s1  }
0x2cb: {  	s1 =	ssub.s32 @!p0 $0x0, s1;
	[sflag:s0] =	ssyncset.done @!p0 $0x0  }
0x2cc: {  	[sflag:s0] =	ssyncadd.s32 @!p0 s1  }
0x2cd: {  	[bflag:$0x3] =	sbarrier.arrive $0xFFFF  }
0x2ce: {  	_ =	shalt  }

// kernel: sparse-core-data-format-call.1.cloned.1.call-start
scs
called_computation.1_lowered:
.L_overlay_start_0:
0x0: {  	s2 =	sld [smem:$0x3FD9]  }
0x1: {  	s3 =	sld [smem:$0x3FFE];
	_ =	sdelay $0x1  }
0x2: {  	s1 =	srdreg.scid  }
0x3: {  	s0 =	sand.u32 $0x1, s1  }
0x4: {  	s18 =	sshll.u32 s0, $0xA;
	s2 =	sadd.s32 s3, s2  }
0x5: {  	s2 =	sadd.s32 s2, s18  }
0x6: {  	[smem:$0x3FC3] =	sst s2  }
0x7: {  	_ = 	snop  }
0x8: {  	s2 =	sld [smem:$0x3FC7];
	(tm) =	ssettm $0x1  }
0x9: {  	s19 =	sld [smem:$0x3FFB];
	_ =	sdelay $0x3  }
0xa: {  	_ =	strace s19  }
0xb: {  	s3 =	sld [smem:$0x3FFC];
	_ =	sdelay $0x3  }
0xc: {  	_ =	strace s3  }
0xd: {  	s3 =	sld [smem:$0x3FFD];
	_ =	sdelay $0x3  }
0xe: {  	_ =	strace s3  }
0xf: {  	_ =	strace $0x8FFFFFFF  }
0x10: {  	s20 =	sld [smem:$0x3FDB];
	_ =	sdelay $0x1  }
0x11: {  	s4 =	simm.s32 $_scs_section_size  }
0x12: {  	s5 =	simm.s32 $_size__tile_overlayer_lowered;
	s6 =	simm.s32 $_tile_overlayer_lowered  }
0x13: {  	s23 =	simm.s32 $0x1BFF;
	s22 =	sshll.u32 s6, $0x1;
	s3 =	sadd.s32 s4, s20  }
0x14: {  	s7 =	simm.s32 $0x0;
	s21 =	sshll.u32 s5, $0x1;
	s5 =	sadd.s32 s22, s3  }
0x15: {  	[timem:s7], [sflag:s23] =	dma.local [hbm:s5], s21  }
0x16: {  	_ =	swait.ge [sflag:s23], s21  }
0x17: {  	s4 =	ssub.s32 $0x0, s21;
	[sflag:s23] =	ssyncset.done $0x0  }
0x18: {  	[sflag:s23] =	ssyncadd.s32 s4;
	_ =	sdelay $0x1  }
0x19: {  	s24 =	simm.s32 $0x1B8B  }
0x1a: {  	_ =	swait.ge [sflag:s24], $0x1  }
0x1b: {  	[sflag:s24] =	ssyncset.done $0x0  }
0x1c: {  	s26 =	simm.s32 $0x1B8E;
	s25 =	sld [smem:$0x3FFE];
	[sflag:s24] =	ssyncadd.s32 $0xFFFFFFFF  }
0x1d: {  	s27 =	simm.s32 $execute0_lowered;
	[smem:$0x3FD2] =	sst s26  }
0x1e: {  	s5 =	sshll.u32 s27, $0x1;
	_ =	strace $0x80000046;
	[dreg:$0x1] =	wrdreg $0xFFFFFFFF  }
0x1f: {  	s28 =	simm.s32 $_size_execute0_lowered;
	s3 =	sadd.s32 s3, s5;
	[dreg:$0x0] =	wrdreg $0x0  }
0x20: {  	s5 =	sshll.u32 s28, $0x1;
	[dreg:$0x2] =	wrdreg s3  }
0x21: {  	[dreg:$0x3] =	wrdreg s5  }
0x22: {  	[dreg:$0x4] =	wrdreg $0xC0  }
0x23: {  	_ =	task [dreg:s7], $0x5FFFF  }
0x24: {  	[dreg:$0x1] =	wrdreg $0xFFFFFFFF  }
0x25: {  	[dreg:$0x0] =	wrdreg $0x60  }
0x26: {  	[dreg:$0x2] =	wrdreg s2  }
0x27: {  	[dreg:$0x3] =	wrdreg s25  }
0x28: {  	[dreg:$0x4] =	wrdreg $0x9  }
0x29: {  	_ =	task.clear_ibuf [dreg:s7], $0x5FFFF;
	_ =	strace $0x90000046  }
0x2a: {  	s29 =	simm.s32 $0x9;
	_ =	strace $0x80000048  }
0x2b: {  	_ =	swait.ge [sflag:s29], $0x1  }
0x2c: {  	[sflag:s29] =	ssyncadd.s32 $0xFFFFFFFF  }
0x2d: {  	_ =	strace $0x90000048  }
0x2e: {  	_ =	sfence  }
0x2f: {  	s30 =	sld [smem:$0x0];
	_ =	sdelay $0x2  }
0x30: {  	s31 =	sshll.u32 s1, $0xD;
	s1 =	sshrl.u32 s1, $0x2  }
0x31: {  	s3 =	sand.u32 $0x4000, s31;
	s1 =	sadd.s32 s1, s30  }
0x32: {  	s0 =	sor.u32 s3, s0;
	s1 =	sshll.u32 s1, $0x11  }
0x33: {  	s0 =	sor.u32 s1, s0  }
0x34: {  	s0 =	sadd.s32 $0x8F2B, s0  }
0x35: {  	[sflag:s0] =	ssyncadd.remote.s32 $0x1  }
0x36: {  	_ =	sfence.sel $0xFFFF  }
0x37: {  	[dreg:$0x0] =	wrdreg $0xFFFFFFFF;
	(pc) =	sbr.abs _section_cstart, $3  }
0x38: {  	[dreg:$0x1] =	wrdreg $0xFFFFFFFF  }
0x39: {  	_ =	task.clear_ibuf [dreg:s7], $0x2FFFF;
	_ =	strace $0x9FFFFFFF  }
0x3a: {  	(tm) =	ssettm $0x7FFFFFFF  }
0x3b: {  	_ =	shalt  }
tec
execute0_lowered:
.L_overlay_start_1:
0x0: {  	(tag) =	ssettag $0x1  }
0x1: {  	s0 =	srdreg.scid  }
0x2: {  	s1 =	sshll.u32 s0, $0x4  }
0x3: {  	s2 =	rddreg [dreg:$0x0];
	s0 =	stileid.u32;
	s1 =	sand.u32 $0x10, s1  }
0x4: {  	s4 =	rddreg [dreg:$0x1];
	s7 =	simm.s32 $0x1;
	s1 =	sor.u32 s0, s1  }
0x5: {  	s8 =	simm.s32 $0x2;
	s9 =	simm.s32 $0x0;
	s3 =	sshll.u32 s1, $0x2  }
0x6: {  	s12 =	simm.s32 $0x0;
	s11 =	simm.s32 $0x0;
	s6 =	ssub.s32 $0x1820, s3  }
.Ltmp0:
0x7: {  	s4 =	sadd.s32 $0x1200, s4;
	s5 =	sand.u32 $0x7C, s6;
	(pc) =	sbr.rel .LBB1_1-.Ltmp0, $4  }
0x8: {  	s1 =	rddreg [dreg:$0x2];
	_ =	strace $0x80000047;
	p0 =	sne.s32 s5, $0x0  }
0x9: {  	s6 =	sshrl.u32 s6, $0x7;
	s5 =	simm.s32 $0x1;
	s7 =	simm.s32 @!p0 $0x0  }
0xa: {  	s10 =	smov.u32 s3;
	[sflag:s5] =	ssyncpa.u1 $0x0;
	s6 =	sadd.s32 s7, s6  }
0xb: {  	[sflag:s8] =	ssyncpa.u1 $0x0;
	s8 =	simm.s32 $0x0;
	s7 =	sadd.s32 $0x1, s6  }
.LBB1_9:
0xc: {  	s14 =	sadd.s32 $0x80, s10  }
0xd: {  	p1 =	sgt.s32 s14, $0x181F  }
0xe: {  	s14 =	smov.u32 @p1 s3;
	p1 =	sne.s32 s11, s7  }
.Ltmp1:
0xf: {  	p0 =	slt.u32 s11, $0x2;
	(pc) =	sbr.rel @!p1 .LBB1_10-.Ltmp1, $4  }
0x10: {  	s13 =	simm.s32 @!p0 $0x2  }
0x11: {  	s15 =	sadd.s32 $0x1, s11;
	_ =	swait.ge @!p0 [sflag:s13], $0x4000  }
0x12: {  	s12 =	smov.u32 s10;
	s9 =	sadd.s32 $0x4000, s9;
	[sflag:s13] =	ssyncset.done @!p0 $0x0  }
0x13: {  	s11 =	smov.u32 s15;
	s10 =	smov.u32 s14;
	[sflag:s13] =	ssyncadd.s32 @!p0 $0xFFFFC000  }
.LBB1_1:
0x14: {  	p0 =	sge.u32 s11, s6  }
0x15: {  	s13 =	sxor.u32 @!p0 $0xFFFFFFFF, s11  }
0x16: {  	s31 =	sadd.s32 $0xFFFFFFFF, s11;
	s14 =	sshll.u32 @!p0 s10, $0x9;
	s13 =	sshll.u32 @!p0 s13, $0xE  }
0x17: {  	s15 =	simm.s32 @!p0 $0x0;
	s14 =	sadd.s32 @!p0 s2, s14;
	s13 =	sand.u32 @!p0 $0x4000, s13  }
0x18: {  	[tilespmem:s13], [sflag:$0x1] =	stream.linear.gather @!p0 [hbm4b:s14+s15], $0x4000, $0x38;
	[tilespmem:$0x10000] =	vst v63  }
0x19: {  	p0 =	sge.u32 s31, s6  }
.Ltmp2:
0x1a: {  	_ = 	snop;
	(pc) =	sbr.rel @p0 .LBB1_9-.Ltmp2, $1  }
0x1b: {  	_ =	sdelay $0x3  }
0x1c: {  	s14 =	sand.u32 $0x4000, s9  }
0x1d: {  	_ =	swait.ge [sflag:s5], $0x4000;
	s15 =	sshll.u32 s11, $0xE;
	s16 =	simm.s32 $0x0  }
0x1e: {  	s13 =	sor.u32 $0x40, s14;
	[sflag:s5] =	ssyncset.done $0x0;
	s15 =	sand.u32 $0x4000, s15  }
0x1f: {  	s14 =	sor.u32 $0x8040, s14;
	[sflag:s5] =	ssyncadd.s32 $0xFFFFC000;
	s15 =	sor.u32 $0x8000, s15  }
.LBB1_3:
0x20: {  	s17 =	smov.u32 s14;
	s18 =	smov.u32 s13;
	s19 =	simm.s32 $0x0  }
.LBB1_4:
0x21: {  	v0 =	vmov s17;
	v2 =	vld [tilespmem:s18+$0x30]  }
0x22: {  	v4 =	vld [tilespmem:s18+$0xFFFFFFD0]  }
0x23: {  	v6 =	vld [tilespmem:s18+$0xFFFFFFE0]  }
0x24: {  	v7 =	vld [tilespmem:s18+$0xFFFFFFF0]  }
0x25: {  	s20 =	simm.s32 $0x0;
	v1 =	vld [tilespmem:s18+$0x0]  }
0x26: {  	v3 =	vld [tilespmem:s18+$0x10];
	[tilespmem:v0+s20+$0x30 ss:$0x1] =	vst.idx.msk $0xffff, v2  }
0x27: {  	v5 =	vld [tilespmem:s18+$0x20];
	[tilespmem:v0+s20+$0xFFFFFFD0 ss:$0x1] =	vst.idx.msk $0xffff, v4  }
0x28: {  	s21 =	sadd.s32 $0x80, s18;
	v2 =	vld [tilespmem:s18+$0xFFFFFFC0];
	[tilespmem:v0+s20+$0xFFFFFFE0 ss:$0x1] =	vst.idx.msk $0xffff, v6  }
0x29: {  	s22 =	simm.s32 $0x800;
	s23 =	simm.s32 $0x1000;
	v4 =	vld [tilespmem:s21+$0x30];
	[tilespmem:v0+s20+$0xFFFFFFF0 ss:$0x1] =	vst.idx.msk $0xffff, v7  }
.LBB1_5:
0x2a: {  	p0 =	sne.s32 s23, $0x3800;
	v6 =	vld [tilespmem:s21+$0xFFFFFFD0];
	[tilespmem:v0+s20+$0x0 ss:$0x1] =	vst.idx.msk $0xffff, v1  }
0x2b: {  	v7 =	vld [tilespmem:s21+$0xFFFFFFE0];
	[tilespmem:v0+s20+$0x10 ss:$0x1] =	vst.idx.msk $0xffff, v3  }
0x2c: {  	v8 =	vld [tilespmem:s21+$0xFFFFFFF0];
	[tilespmem:v0+s20+$0x20 ss:$0x1] =	vst.idx.msk $0xffff, v5  }
.Ltmp3:
0x2d: {  	v1 =	vld [tilespmem:s21+$0x0];
	[tilespmem:v0+s20+$0xFFFFFFC0 ss:$0x1] =	vst.idx.msk $0xffff, v2;
	s20 =	sshra.s32 s22, $0x2;
	s22 =	smov.u32 s23;
	(pc) =	sbr.rel @p0 .LBB1_5-.Ltmp3, $4  }
0x2e: {  	v3 =	vld [tilespmem:s21+$0x10];
	[tilespmem:v0+s20+$0x30 ss:$0x1] =	vst.idx.msk $0xffff, v4  }
0x2f: {  	[tilespmem:v0+s20+$0xFFFFFFD0 ss:$0x1] =	vst.idx.msk $0xffff, v6;
	v5 =	vld [tilespmem:s21+$0x20]  }
0x30: {  	v2 =	vld [tilespmem:s21+$0xFFFFFFC0];
	[tilespmem:v0+s20+$0xFFFFFFE0 ss:$0x1] =	vst.idx.msk $0xffff, v7;
	s21 =	sadd.s32 $0x80, s21  }
0x31: {  	s23 =	sadd.s32 $0x800, s23;
	v4 =	vld [tilespmem:s21+$0x30];
	[tilespmem:v0+s20+$0xFFFFFFF0 ss:$0x1] =	vst.idx.msk $0xffff, v8  }
0x32: {  	_ =	sdelay $0x3  }
0x33: {  	v6 =	vld [tilespmem:s21+$0xFFFFFFD0];
	[tilespmem:v0+s20+$0x0 ss:$0x1] =	vst.idx.msk $0xffff, v1  }
0x34: {  	v58 =	vld [tilespmem:s21+$0xFFFFFFE0];
	[tilespmem:v0+s20+$0x10 ss:$0x1] =	vst.idx.msk $0xffff, v3  }
0x35: {  	v59 =	vld [tilespmem:s21+$0xFFFFFFF0];
	[tilespmem:v0+s20+$0x20 ss:$0x1] =	vst.idx.msk $0xffff, v5  }
0x36: {  	s22 =	sshra.s32 s22, $0x2;
	v60 =	vld [tilespmem:s21+$0x0];
	[tilespmem:v0+s20+$0xFFFFFFC0 ss:$0x1] =	vst.idx.msk $0xffff, v2  }
0x37: {  	v61 =	vld [tilespmem:s21+$0x10];
	[tilespmem:v0+s22+$0x30 ss:$0x1] =	vst.idx.msk $0xffff, v4  }
0x38: {  	v62 =	vld [tilespmem:s21+$0x20];
	s19 =	sadd.s32 $0x1, s19;
	[tilespmem:v0+s22+$0xFFFFFFD0 ss:$0x1] =	vst.idx.msk $0xffff, v6  }
0x39: {  	v63 =	vld [tilespmem:s21+$0xFFFFFFC0];
	p0 =	sne.s32 s19, $0x4;
	[tilespmem:v0+s22+$0xFFFFFFE0 ss:$0x1] =	vst.idx.msk $0xffff, v58  }
.Ltmp4:
0x3a: {  	[tilespmem:v0+s22+$0xFFFFFFF0 ss:$0x1] =	vst.idx.msk $0xffff, v59;
	(pc) =	sbr.rel @p0 .LBB1_4-.Ltmp4, $4  }
0x3b: {  	[tilespmem:v0+s22+$0x0 ss:$0x1] =	vst.idx.msk $0xffff, v60  }
0x3c: {  	[tilespmem:v0+s22+$0x10 ss:$0x1] =	vst.idx.msk $0xffff, v61  }
0x3d: {  	[tilespmem:v0+s22+$0x20 ss:$0x1] =	vst.idx.msk $0xffff, v62  }
0x3e: {  	s18 =	sadd.s32 $0x400, s18;
	s17 =	sadd.s32 $0x80, s17;
	[tilespmem:v0+s22+$0xFFFFFFC0 ss:$0x1] =	vst.idx.msk $0xffff, v63  }
0x3f: {  	s16 =	sadd.s32 $0x1, s16  }
0x40: {  	p0 =	sne.s32 s16, $0x4  }
.Ltmp5:
0x41: {  	_ = 	snop;
	(pc) =	sbr.rel @p0 .LBB1_3-.Ltmp5, $2  }
0x42: {  	_ =	sdelay $0x2  }
0x43: {  	s13 =	sadd.s32 $0x1000, s13;
	s14 =	sadd.s32 $0x1000, s14  }
.Ltmp6:
0x44: {  	(pc) =	sbr.rel .LBB1_9-.Ltmp6, $4  }
0x45: {  	_ = 	snop  }
0x46: {  	s12 =	sshll.u32 s12, $0x9  }
0x47: {  	s12 =	sadd.s32 s4, s12  }
0x48: {  	[hbm4b:s12+s8] =	stream.linear.scatter [tilespmem:s15], [sflag:$0x2], $0x4000, $0x38;
	[tilespmem:$0x10000] =	vst v63  }
.LBB1_10:
0x49: {  	_ =	sfence.sel $0x180000  }
0x4a: {  	s2 =	simm.s32 $0x1;
	[bflag:$0x0] =	sbarrier.arrive $0xFFFF  }
0x4b: {  	s31 =	simm.s32 $0x2;
	[sflag:s2] =	ssyncpa.u1 $0x1  }
0x4c: {  	[sflag:s31] =	ssyncpa.u1 $0x1  }
0x4d: {  	p0 =	sne.s32 s0, $0x0;
	_ =	strace $0x90000047  }
0x4e: {  	s0 =	sadd.s32 @!p0 $0x100000, s1;
	[bflag:$0x2] =	sbarrier.arrive $0xFFFF  }
0x4f: {  	[sflag:s0] =	ssyncadd.tile.s32 @!p0 $0x1;
	_ =	shalt  }
.Lfunc_end1:
_tile_overlayer_lowered:
.L_overlay_start_2:
0x50: {  	(tag) =	ssettag $0x2  }
0x51: {  	s0 =	rddreg [dreg:$0x0];
	s2 =	stileid.u32  }
0x52: {  	s1 =	rddreg [dreg:$0x1];
	p0 =	sne.s32 s2, $0x0  }
0x53: {  	s3 =	rddreg [dreg:$0x2];
	[bflag:$0x3] =	sbarrier.arrive $0xFFFF;
	s2 =	simm.s32 @!p0 $0x1C01  }
0x54: {  	[timem:s3], [sflag:s2] =	dma.local @!p0 [hbm:s0], s1  }
0x55: {  	s0 =	simm.s32 @!p0 $0x1  }
0x56: {  	_ =	swait.ge @!p0 [sflag:s0], s1  }
0x57: {  	s1 =	ssub.s32 @!p0 $0x0, s1;
	[sflag:s0] =	ssyncset.done @!p0 $0x0  }
0x58: {  	[sflag:s0] =	ssyncadd.s32 @!p0 s1  }
0x59: {  	[bflag:$0x3] =	sbarrier.arrive $0xFFFF  }
0x5a: {  	_ =	shalt  }

// kernel: sparse-core-data-format-call.cloned.1.call-start
scs
called_computation_lowered:
.L_overlay_start_0:
0x0: {  	s2 =	sld [smem:$0x3FD9]  }
0x1: {  	s3 =	sld [smem:$0x3FFE];
	_ =	sdelay $0x1  }
0x2: {  	s1 =	srdreg.scid  }
0x3: {  	s0 =	sand.u32 $0x1, s1  }
0x4: {  	s18 =	sshll.u32 s0, $0xA;
	s2 =	sadd.s32 s3, s2  }
0x5: {  	s2 =	sadd.s32 s2, s18  }
0x6: {  	[smem:$0x3FC3] =	sst s2  }
0x7: {  	_ = 	snop  }
0x8: {  	s2 =	sld [smem:$0x3FD0];
	(tm) =	ssettm $0x1  }
0x9: {  	s19 =	sld [smem:$0x3FFB];
	_ =	sdelay $0x3  }
0xa: {  	_ =	strace s19  }
0xb: {  	s3 =	sld [smem:$0x3FFC];
	_ =	sdelay $0x3  }
0xc: {  	_ =	strace s3  }
0xd: {  	s3 =	sld [smem:$0x3FFD];
	_ =	sdelay $0x3  }
0xe: {  	_ =	strace s3  }
0xf: {  	_ =	strace $0x8FFFFFFF  }
0x10: {  	s20 =	sld [smem:$0x3FDB];
	_ =	sdelay $0x1  }
0x11: {  	s4 =	simm.s32 $_scs_section_size  }
0x12: {  	s5 =	simm.s32 $_size__tile_overlayer_lowered;
	s6 =	simm.s32 $_tile_overlayer_lowered  }
0x13: {  	s23 =	simm.s32 $0x1BFF;
	s22 =	sshll.u32 s6, $0x1;
	s3 =	sadd.s32 s4, s20  }
0x14: {  	s7 =	simm.s32 $0x0;
	s21 =	sshll.u32 s5, $0x1;
	s5 =	sadd.s32 s22, s3  }
0x15: {  	[timem:s7], [sflag:s23] =	dma.local [hbm:s5], s21  }
0x16: {  	_ =	swait.ge [sflag:s23], s21  }
0x17: {  	s4 =	ssub.s32 $0x0, s21;
	[sflag:s23] =	ssyncset.done $0x0  }
0x18: {  	[sflag:s23] =	ssyncadd.s32 s4;
	_ =	sdelay $0x1  }
0x19: {  	s24 =	simm.s32 $0x1B8B  }
0x1a: {  	_ =	swait.ge [sflag:s24], $0x1  }
0x1b: {  	[sflag:s24] =	ssyncset.done $0x0  }
0x1c: {  	s26 =	simm.s32 $0x1B8E;
	s25 =	sld [smem:$0x3FFE];
	[sflag:s24] =	ssyncadd.s32 $0xFFFFFFFF  }
0x1d: {  	s27 =	simm.s32 $execute0_lowered;
	[smem:$0x3FD2] =	sst s26  }
0x1e: {  	s5 =	sshll.u32 s27, $0x1;
	_ =	strace $0x8000004C;
	[dreg:$0x1] =	wrdreg $0xFFFFFFFF  }
0x1f: {  	s28 =	simm.s32 $_size_execute0_lowered;
	s3 =	sadd.s32 s3, s5;
	[dreg:$0x0] =	wrdreg $0x0  }
0x20: {  	s5 =	sshll.u32 s28, $0x1;
	[dreg:$0x2] =	wrdreg s3  }
0x21: {  	[dreg:$0x3] =	wrdreg s5  }
0x22: {  	[dreg:$0x4] =	wrdreg $0xC0  }
0x23: {  	_ =	task [dreg:s7], $0x5FFFF  }
0x24: {  	[dreg:$0x1] =	wrdreg $0xFFFFFFFF  }
0x25: {  	[dreg:$0x0] =	wrdreg $0x60  }
0x26: {  	[dreg:$0x2] =	wrdreg s25  }
0x27: {  	[dreg:$0x3] =	wrdreg s2  }
0x28: {  	[dreg:$0x4] =	wrdreg $0x9  }
0x29: {  	_ =	task.clear_ibuf [dreg:s7], $0x5FFFF;
	_ =	strace $0x9000004C  }
0x2a: {  	s29 =	simm.s32 $0x9;
	_ =	strace $0x8000004E  }
0x2b: {  	_ =	swait.ge [sflag:s29], $0x1  }
0x2c: {  	[sflag:s29] =	ssyncadd.s32 $0xFFFFFFFF  }
0x2d: {  	_ =	strace $0x9000004E  }
0x2e: {  	_ =	sfence  }
0x2f: {  	s30 =	sld [smem:$0x0];
	_ =	sdelay $0x2  }
0x30: {  	s31 =	sshll.u32 s1, $0xD;
	s1 =	sshrl.u32 s1, $0x2  }
0x31: {  	s3 =	sand.u32 $0x4000, s31;
	s1 =	sadd.s32 s1, s30  }
0x32: {  	s0 =	sor.u32 s3, s0;
	s1 =	sshll.u32 s1, $0x11  }
0x33: {  	s0 =	sor.u32 s1, s0  }
0x34: {  	s0 =	sadd.s32 $0x8F2B, s0  }
0x35: {  	[sflag:s0] =	ssyncadd.remote.s32 $0x1  }
0x36: {  	_ =	sfence.sel $0xFFFF  }
0x37: {  	[dreg:$0x0] =	wrdreg $0xFFFFFFFF;
	(pc) =	sbr.abs _section_cstart, $3  }
0x38: {  	[dreg:$0x1] =	wrdreg $0xFFFFFFFF  }
0x39: {  	_ =	task.clear_ibuf [dreg:s7], $0x2FFFF;
	_ =	strace $0x9FFFFFFF  }
0x3a: {  	(tm) =	ssettm $0x7FFFFFFF  }
0x3b: {  	_ =	shalt  }
tec
execute0_lowered:
.L_overlay_start_1:
0x0: {  	(tag) =	ssettag $0x1  }
0x1: {  	s0 =	srdreg.scid  }
0x2: {  	s1 =	sshll.u32 s0, $0x4  }
0x3: {  	s8 =	rddreg [dreg:$0x0];
	s0 =	stileid.u32;
	s1 =	sand.u32 $0x10, s1  }
0x4: {  	s3 =	rddreg [dreg:$0x1];
	s29 =	sshll.u32 s0, $0x7;
	s7 =	sor.u32 s0, s1  }
0x5: {  	s30 =	simm.s32 $0x2;
	s1 =	sand.u32 $0x380, s29;
	s2 =	sshll.u32 s7, $0x4  }
0x6: {  	s18 =	simm.s32 $0x0;
	s4 =	ssub.s32 $0x400, s1;
	s2 =	sand.u32 $0x180, s2  }
0x7: {  	s11 =	simm.s32 $0x1000;
	s5 =	sand.u32 $0x380, s4;
	s6 =	ssub.s32 $0x200, s2  }
0x8: {  	p0 =	sne.s32 s5, $0x0;
	s5 =	simm.s32 $0x1;
	s9 =	sand.u32 $0x180, s6  }
0x9: {  	s5 =	simm.s32 @!p0 $0x0;
	p0 =	sne.s32 s9, $0x0;
	s9 =	simm.s32 $0x1  }
0xa: {  	s10 =	sshrl.u32 s4, $0xA;
	s6 =	sshrl.u32 s6, $0x9;
	s9 =	simm.s32 @!p0 $0x0  }
0xb: {  	s12 =	simm.s32 $0x0;
	s10 =	sadd.s32 s5, s10;
	s6 =	sadd.s32 s9, s6  }
0xc: {  	s16 =	simm.s32 $0x0;
	s17 =	simm.s32 $0x0;
	s6 =	smul.u32 s6, s10  }
.Ltmp0:
0xd: {  	s13 =	simm.s32 $0x0;
	s15 =	simm.s32 $0x0;
	(pc) =	sbr.rel .LBB1_1-.Ltmp0, $4  }
0xe: {  	s31 =	sshll.u32 s7, $0x7;
	s7 =	sadd.s32 $0x1200, s8;
	s4 =	rddreg [dreg:$0x2]  }
0xf: {  	_ =	strace $0x8000004D;
	s5 =	simm.s32 $0x1;
	s6 =	smul.u32 $0x4D, s6  }
0x10: {  	s14 =	smov.u32 s1;
	s8 =	sand.u32 $0xC00, s31;
	[sflag:s5] =	ssyncpa.u1 $0x0  }
0x11: {  	[sflag:s30] =	ssyncpa.u1 $0x0;
	s10 =	simm.s32 $0x400;
	s9 =	sadd.s32 $0x1, s6  }
.LBB1_4:
0x12: {  	_ =	sdelay $0x3  }
0x13: {  	[tilespmem:v0+s21+$0xFFFFFFD0 ss:$0x1] =	vst.idx.msk $0xffff, v6  }
0x14: {  	v56 =	vld.idx.msk [tilespmem:v1+s20+$0x0 ss:$0x1], $0xffff;
	[tilespmem:v0+s21+$0xFFFFFFE0 ss:$0x1] =	vst.idx.msk $0xffff, v4  }
0x15: {  	v57 =	vld.idx.msk [tilespmem:v1+s20+$0xFFFFFF90 ss:$0x1], $0xffff;
	[tilespmem:v0+s21+$0xFFFFFFF0 ss:$0x1] =	vst.idx.msk $0xffff, v2  }
0x16: {  	v58 =	vld.idx.msk [tilespmem:v1+s20+$0xFFFFFFA0 ss:$0x1], $0xffff;
	[tilespmem:v0+s21+$0x0 ss:$0x1] =	vst.idx.msk $0xffff, v3  }
0x17: {  	v59 =	vld.idx.msk [tilespmem:v1+s20+$0xFFFFFFB0 ss:$0x1], $0xffff;
	[tilespmem:v0+s21+$0x10 ss:$0x1] =	vst.idx.msk $0xffff, v5  }
0x18: {  	v60 =	vld.idx.msk [tilespmem:v1+s20+$0xFFFFFFC0 ss:$0x1], $0xffff;
	[tilespmem:v0+s21+$0x20 ss:$0x1] =	vst.idx.msk $0xffff, v7  }
0x19: {  	v61 =	vld.idx.msk [tilespmem:v1+s20+$0xFFFFFFD0 ss:$0x1], $0xffff;
	[tilespmem:v0+s20+$0x30 ss:$0x1] =	vst.idx.msk $0xffff, v56  }
0x1a: {  	v62 =	vld.idx.msk [tilespmem:v1+s20+$0xFFFFFFE0 ss:$0x1], $0xffff;
	s29 =	sshll.u32 s17, $0x9;
	[tilespmem:v0+s20+$0xFFFFFFC0 ss:$0x1] =	vst.idx.msk $0xffff, v57  }
0x1b: {  	v63 =	vld.idx.msk [tilespmem:v1+s20+$0xFFFFFFF0 ss:$0x1], $0xffff;
	s18 =	sshll.u32 s18, $0x3;
	s22 =	sshll.u32 s17, $0x7;
	s21 =	sand.u32 $0x7F000, s29;
	[tilespmem:v0+s20+$0xFFFFFFD0 ss:$0x1] =	vst.idx.msk $0xffff, v58  }
0x1c: {  	s30 =	sand.u32 $0x200, s22;
	s18 =	sor.u32 s21, s18;
	[tilespmem:v0+s20+$0xFFFFFFE0 ss:$0x1] =	vst.idx.msk $0xffff, v59  }
0x1d: {  	s16 =	sshll.u32 s16, $0x10;
	s31 =	sshll.u32 s17, $0x4;
	s18 =	sor.u32 s30, s18;
	[tilespmem:v0+s20+$0xFFFFFFF0 ss:$0x1] =	vst.idx.msk $0xffff, v60  }
0x1e: {  	s17 =	sand.u32 $0x30, s31;
	s16 =	sadd.s32 s3, s16;
	s18 =	sshrl.u32 s18, $0x3;
	[tilespmem:v0+s20+$0x0 ss:$0x1] =	vst.idx.msk $0xffff, v61  }
0x1f: {  	s16 =	sadd.s32 s17, s16;
	[tilespmem:v0+s20+$0x10 ss:$0x1] =	vst.idx.msk $0xffff, v62;
	s18 =	sand.u32 $0xFFC0, s18  }
0x20: {  	[tilespmem:v0+s20+$0x20 ss:$0x1] =	vst.idx.msk $0xffff, v63;
	s16 =	sadd.s32 s18, s16  }
0x21: {  	[hbm4b:s16+s10] =	stream.strided.scatter [tilespmem:s19], [sflag:$0x2], $0x4000, s11, s10, $0x38;
	[tilespmem:$0x10000] =	vst v63  }
.LBB1_5:
0x22: {  	s19 =	sadd.s32 $0x1, s13  }
0x23: {  	s16 =	sadd.s32 $0x400, s14;
	s20 =	smov.u32 s14;
	p1 =	sgt.s32 s19, $0x4C  }
0x24: {  	s20 =	smov.u32 @p1 s16  }
0x25: {  	s19 =	simm.s32 @p1 $0x0;
	p1 =	sgt.s32 s20, $0x3FF  }
0x26: {  	s20 =	smov.u32 @p1 s1;
	p1 =	sne.s32 s15, s9  }
.Ltmp1:
0x27: {  	p0 =	slt.u32 s15, $0x2;
	(pc) =	sbr.rel @!p1 .LBB1_6-.Ltmp1, $4  }
0x28: {  	s17 =	smov.u32 s14;
	s18 =	simm.s32 @!p0 $0x2  }
0x29: {  	s12 =	sadd.s32 $0x4000, s12;
	_ =	swait.ge @!p0 [sflag:s18], $0x4000;
	s16 =	smov.u32 s13  }
0x2a: {  	[sflag:s18] =	ssyncset.done @!p0 $0x0;
	s13 =	smov.u32 s19;
	s15 =	sadd.s32 $0x1, s15  }
0x2b: {  	[sflag:s18] =	ssyncadd.s32 @!p0 $0xFFFFC000;
	s18 =	smov.u32 s2;
	s14 =	smov.u32 s20  }
.LBB1_1:
0x2c: {  	p0 =	sge.u32 s15, s6  }
0x2d: {  	s19 =	sshll.u32 @!p0 s13, $0x9  }
0x2e: {  	s20 =	sshll.u32 @!p0 s13, $0x7;
	s19 =	sand.u32 @!p0 $0xFFFFF000, s19  }
0x2f: {  	s20 =	sand.u32 @!p0 $0x200, s20;
	s19 =	sor.u32 @!p0 s8, s19  }
0x30: {  	s19 =	sor.u32 @!p0 s20, s19  }
0x31: {  	s19 =	sshrl.u32 @!p0 s19, $0x9  }
0x32: {  	s20 =	smulhi.u32 @!p0 $0x3333334, s19;
	_ =	sdelay $0x1  }
0x33: {  	s20 =	smul.u32 @!p0 $0x50, s20  }
0x34: {  	s31 =	sadd.s32 $0xFFFFFFFF, s15;
	s21 =	smul.u32 @!p0 $0x1400, s14  }
0x35: {  	s22 =	sxor.u32 @!p0 $0xFFFFFFFF, s15;
	s19 =	ssub.s32 @!p0 s19, s20;
	s20 =	sshll.u32 @!p0 s13, $0x4  }
0x36: {  	s22 =	sshll.u32 @!p0 s22, $0xE;
	s21 =	sadd.s32 @!p0 s7, s21;
	s20 =	sand.u32 @!p0 $0x30, s20  }
0x37: {  	s22 =	sand.u32 @!p0 $0x4000, s22;
	s19 =	sshll.u32 @!p0 s19, $0x6;
	s20 =	sadd.s32 @!p0 s20, s21  }
0x38: {  	s21 =	simm.s32 @!p0 $0xA000;
	s19 =	sadd.s32 @!p0 s19, s20;
	s20 =	simm.s32 @!p0 $0x80  }
0x39: {  	[tilespmem:s22], [sflag:$0x1] =	stream.strided.gather @!p0 [hbm4b:s19+s20], $0x4000, s21, s20, $0x38;
	[tilespmem:$0x10000] =	vst v63  }
0x3a: {  	p0 =	sge.u32 s31, s6  }
.Ltmp2:
0x3b: {  	_ = 	snop;
	(pc) =	sbr.rel @p0 .LBB1_5-.Ltmp2, $1  }
0x3c: {  	_ =	sdelay $0x3  }
0x3d: {  	s19 =	sand.u32 $0x4000, s12  }
0x3e: {  	s20 =	sor.u32 $0x70, s19  }
0x3f: {  	v1 =	vmov s20;
	_ =	sdelay $0x1  }
0x40: {  	_ =	swait.ge [sflag:s5], $0x4000  }
0x41: {  	[sflag:s5] =	ssyncset.done $0x0  }
0x42: {  	s21 =	simm.s32 $0x0;
	[sflag:s5] =	ssyncadd.s32 $0xFFFFC000  }
0x43: {  	s19 =	sor.u32 $0x8040, s19;
	v7 =	vld.idx.msk [tilespmem:v1+s21+$0x0 ss:$0x1], $0xffff  }
0x44: {  	v0 =	vmov s19;
	v8 =	vld.idx.msk [tilespmem:v1+s21+$0xFFFFFF90 ss:$0x1], $0xffff  }
0x45: {  	v6 =	vld.idx.msk [tilespmem:v1+s21+$0xFFFFFFA0 ss:$0x1], $0xffff  }
0x46: {  	v4 =	vld.idx.msk [tilespmem:v1+s21+$0xFFFFFFB0 ss:$0x1], $0xffff  }
0x47: {  	v2 =	vld.idx.msk [tilespmem:v1+s21+$0xFFFFFFC0 ss:$0x1], $0xffff  }
0x48: {  	s31 =	sshll.u32 s15, $0xE;
	v3 =	vld.idx.msk [tilespmem:v1+s21+$0xFFFFFFD0 ss:$0x1], $0xffff  }
0x49: {  	s19 =	sand.u32 $0x4000, s31;
	v5 =	vld.idx.msk [tilespmem:v1+s21+$0xFFFFFFE0 ss:$0x1], $0xffff;
	[tilespmem:v0+s21+$0x30 ss:$0x1] =	vst.idx.msk $0xffff, v7  }
0x4a: {  	s22 =	simm.s32 $0x400;
	s20 =	simm.s32 $0x80;
	s19 =	sor.u32 $0x8000, s19;
	[tilespmem:v0+s21+$0xFFFFFFC0 ss:$0x1] =	vst.idx.msk $0xffff, v8;
	v7 =	vld.idx.msk [tilespmem:v1+s21+$0xFFFFFFF0 ss:$0x1], $0xffff  }
.LBB1_3:
0x4b: {  	p0 =	sne.s32 s22, $0xFE00;
	v8 =	vld.idx.msk [tilespmem:v1+s20+$0x0 ss:$0x1], $0xffff;
	[tilespmem:v0+s21+$0xFFFFFFD0 ss:$0x1] =	vst.idx.msk $0xffff, v6  }
0x4c: {  	v9 =	vld.idx.msk [tilespmem:v1+s20+$0xFFFFFF90 ss:$0x1], $0xffff;
	[tilespmem:v0+s21+$0xFFFFFFE0 ss:$0x1] =	vst.idx.msk $0xffff, v4  }
0x4d: {  	v6 =	vld.idx.msk [tilespmem:v1+s20+$0xFFFFFFA0 ss:$0x1], $0xffff;
	[tilespmem:v0+s21+$0xFFFFFFF0 ss:$0x1] =	vst.idx.msk $0xffff, v2  }
.Ltmp3:
0x4e: {  	v4 =	vld.idx.msk [tilespmem:v1+s20+$0xFFFFFFB0 ss:$0x1], $0xffff;
	[tilespmem:v0+s21+$0x0 ss:$0x1] =	vst.idx.msk $0xffff, v3;
	(pc) =	sbr.rel @p0 .LBB1_3-.Ltmp3, $4  }
0x4f: {  	v2 =	vld.idx.msk [tilespmem:v1+s20+$0xFFFFFFC0 ss:$0x1], $0xffff;
	[tilespmem:v0+s21+$0x10 ss:$0x1] =	vst.idx.msk $0xffff, v5  }
0x50: {  	v3 =	vld.idx.msk [tilespmem:v1+s20+$0xFFFFFFD0 ss:$0x1], $0xffff;
	[tilespmem:v0+s21+$0x20 ss:$0x1] =	vst.idx.msk $0xffff, v7;
	s21 =	smov.u32 s20  }
0x51: {  	v5 =	vld.idx.msk [tilespmem:v1+s21+$0xFFFFFFE0 ss:$0x1], $0xffff;
	[tilespmem:v0+s21+$0x30 ss:$0x1] =	vst.idx.msk $0xffff, v8  }
0x52: {  	s20 =	sshra.s32 s22, $0x2;
	s22 =	sadd.s32 $0x200, s22;
	[tilespmem:v0+s21+$0xFFFFFFC0 ss:$0x1] =	vst.idx.msk $0xffff, v9;
	v7 =	vld.idx.msk [tilespmem:v1+s21+$0xFFFFFFF0 ss:$0x1], $0xffff  }
.Ltmp4:
0x53: {  	_ = 	snop;
	(pc) =	sbr.rel .LBB1_4-.Ltmp4, $1  }
0x54: {  	_ =	sdelay $0x3  }
.LBB1_6:
0x55: {  	_ =	sfence.sel $0x180000  }
0x56: {  	s1 =	simm.s32 $0x1;
	[bflag:$0x0] =	sbarrier.arrive $0xFFFF  }
0x57: {  	s31 =	simm.s32 $0x2;
	[sflag:s1] =	ssyncpa.u1 $0x1  }
0x58: {  	[sflag:s31] =	ssyncpa.u1 $0x1  }
0x59: {  	p0 =	sne.s32 s0, $0x0;
	_ =	strace $0x9000004D  }
0x5a: {  	s0 =	sadd.s32 @!p0 $0x100000, s4;
	[bflag:$0x2] =	sbarrier.arrive $0xFFFF  }
0x5b: {  	[sflag:s0] =	ssyncadd.tile.s32 @!p0 $0x1;
	_ =	shalt  }
.Lfunc_end1:
_tile_overlayer_lowered:
.L_overlay_start_2:
0x5c: {  	(tag) =	ssettag $0x2  }
0x5d: {  	s0 =	rddreg [dreg:$0x0];
	s2 =	stileid.u32  }
0x5e: {  	s1 =	rddreg [dreg:$0x1];
	p0 =	sne.s32 s2, $0x0  }
0x5f: {  	s3 =	rddreg [dreg:$0x2];
	[bflag:$0x3] =	sbarrier.arrive $0xFFFF;
	s2 =	simm.s32 @!p0 $0x1C01  }
0x60: {  	[timem:s3], [sflag:s2] =	dma.local @!p0 [hbm:s0], s1  }
0x61: {  	s0 =	simm.s32 @!p0 $0x1  }
0x62: {  	_ =	swait.ge @!p0 [sflag:s0], s1  }
0x63: {  	s1 =	ssub.s32 @!p0 $0x0, s1;
	[sflag:s0] =	ssyncset.done @!p0 $0x0  }
0x64: {  	[sflag:s0] =	ssyncadd.s32 @!p0 s1  }
0x65: {  	[bflag:$0x3] =	sbarrier.arrive $0xFFFF  }
0x66: {  	_ =	shalt  }

</sc_bundles>
